<compile_context>
chip_gen: v7x
topology: tpu7x:2x2x1
jax: 0.10.2.dev20260603
libtpu: 0.0.44.dev20260713+nightly
codegen_flags: <defaults>
</compile_context>

<pallas_src>
import functools

import jax
import jax.numpy as jnp
from jax import lax
from jax.experimental import pallas as pl
from jax.experimental.pallas import tpu as pltpu
from jax.experimental.pallas import tpu_sc as plsc


def _build(B, D, V, dtype):
    info = plsc.get_sparse_core_info()
    NC, NS, L = info.num_cores, info.num_subcores, info.num_lanes
    NW = NC * NS
    PACK = 128 // D
    BLK = 128
    assert B % (NW * BLK) == 0
    n_blocks = B // (NW * BLK)
    assert n_blocks % 2 == 0
    b_per_w = n_blocks * BLK
    n_groups = BLK // L

    mesh = plsc.VectorSubcoreMesh(core_axis_name="c", subcore_axis_name="s")

    @functools.partial(
        pl.kernel,
        mesh=mesh,
        out_type=jax.ShapeDtypeStruct((B // 16384, D, 16384), dtype),
        scratch_types=[
            pltpu.VMEM((b_per_w,), jnp.int32),
            pltpu.VMEM((BLK, 128), dtype),
            pltpu.VMEM((BLK, 128), dtype),
            pltpu.VMEM((D, BLK), dtype),
            pltpu.VMEM((D, BLK), dtype),
            pltpu.SemaphoreType.DMA,
            pltpu.SemaphoreType.DMA,
            pltpu.SemaphoreType.DMA,
            pltpu.SemaphoreType.DMA,
        ],
        compiler_params=pltpu.CompilerParams(
            use_tc_tiling_on_sc=True, needs_layout_passes=False),
    )
    def emb_kernel(x_hbm, table_hbm, out_hbm, idx_v,
                   rows0, rows1, blk0, blk1, sg0, sg1, so0, so1):
        wid = lax.axis_index("s") * NC + lax.axis_index("c")
        g0 = wid * n_blocks
        pltpu.sync_copy(x_hbm.at[pl.ds(g0 * BLK, b_per_w)], idx_v)

        iota = lax.iota(jnp.int32, L)

        def gather(i, rows, sem):
            return pltpu.make_async_copy(
                table_hbm.at[idx_v.at[pl.ds(i * BLK, BLK)]], rows, sem)

        def store(i, blk, sem):
            g = g0 + i
            s = g // (16384 // BLK)
            b0 = (g % (16384 // BLK)) * BLK
            return pltpu.make_async_copy(
                blk, out_hbm.at[s, :, pl.ds(b0, BLK)], sem)

        def extract(i, rows, blk):
            rowvs = [iota + g8 * L for g8 in range(n_groups)]
            for d in range(D):
                dv = jnp.full((L,), d, jnp.int32)
                for g8 in range(n_groups):
                    vals = plsc.load_gather(rows, [rowvs[g8], dv])
                    blk[d, pl.ds(g8 * L, L)] = vals

        gather(0, rows0, sg0).start()

        def step(k, carry):
            for p in range(2):
                i = 2 * k + p
                rows, blk, sgp, sop = (
                    (rows0, blk0, sg0, so0) if p == 0
                    else (rows1, blk1, sg1, so1))
                nrows, sgn, son = (
                    (rows1, sg1, so1) if p == 0 else (rows0, sg0, so0))
                nblk = blk1 if p == 0 else blk0

                @pl.when(i + 1 < n_blocks)
                def _():
                    @pl.when(i >= 1)
                    def _():
                        store(i - 1, nblk, son).wait()

                    gather(i + 1, nrows, sgn).start()

                gather(i, rows, sgp).wait()
                extract(i, rows, blk)
                store(i, blk, sop).start()

            return carry

        lax.fori_loop(0, n_blocks // 2, step, 0)
        store(n_blocks - 2, blk0, so0).wait()
        store(n_blocks - 1, blk1, so1).wait()

    return emb_kernel


def kernel(x, table):
    B0, S = x.shape
    V, D = table.shape
    B = B0 * S
    xf = jnp.transpose(x).reshape(-1).astype(jnp.int32)
    table_p = jnp.pad(table, ((0, 0), (0, 128 - D)))
    out_t = _build(B, D, V, table.dtype)(xf, table_p)
    return jnp.transpose(out_t, (2, 0, 1))

# --- scband reference (transcript-rebuilt; emitter-appended) ---
"""Pipeline reference for scband-my-model-61933428409069 (READ-ONLY COPY).

The authoritative reference and input builder live on the scoring server;
editing this copy changes nothing except your own understanding.
"""

import jax, jax.numpy as jnp
import numpy as np

VOCAB = 1000000
DIM = 32
PAD_IDX = 0

def setup_inputs(seed: int = 0) -> dict:
    key = jax.random.key(seed)
    k1, k2 = jax.random.split(key)
    x = jax.random.randint(k1, (16384, 50), 0, VOCAB, dtype=jnp.int64) if jax.config.jax_enable_x64 else jax.random.randint(k1, (16384, 50), 0, VOCAB, dtype=jnp.int32)
    table = jax.random.normal(k2, (VOCAB, DIM), dtype=jnp.float32)
    # padding_idx row is zero-initialized in torch nn.Embedding
    table = table.at[PAD_IDX].set(0.0)
    return {"x": x, "table": table}

def reference(x, table):
    # nn.Embedding lookup with padding_idx: padding rows produce zeros
    emb = jnp.take(table, x, axis=0)
    mask = (x != PAD_IDX)[..., None].astype(emb.dtype)
    return emb * mask

if __name__ == "__main__":
    import jax
    _d = setup_inputs()
    print(jax.jit(kernel)(*tuple(_d.values())))

</pallas_src>

<mosaic_0001>
#map = affine_map<(d0, d1) -> (0)>
#map1 = affine_map<(d0, d1) -> (0, 0)>
#map2 = affine_map<(d0, d1) -> (0, 0, 0)>
module attributes {stable_mosaic.version = 14 : i64} {
  func.func @emb_kernel(%arg0: i32, %arg1: i32, %arg2: memref<819200xi32, #tpu.memory_space<hbm>>, %arg3: memref<1000000x128xf32, #tpu.memory_space<hbm>>, %arg4: memref<50x32x16384xf32, #tpu.memory_space<hbm>>, %arg5: memref<25600xi32, #tpu.memory_space<vmem>>, %arg6: memref<128x128xf32, #tpu.memory_space<vmem>>, %arg7: memref<128x128xf32, #tpu.memory_space<vmem>>, %arg8: memref<32x128xf32, #tpu.memory_space<vmem>>, %arg9: memref<32x128xf32, #tpu.memory_space<vmem>>, %arg10: memref<!tpu.dma_semaphore, #tpu.memory_space<semaphore_mem>>, %arg11: memref<!tpu.dma_semaphore, #tpu.memory_space<semaphore_mem>>, %arg12: memref<!tpu.dma_semaphore, #tpu.memory_space<semaphore_mem>>, %arg13: memref<!tpu.dma_semaphore, #tpu.memory_space<semaphore_mem>>) attributes {dimension_semantics = [#tpu.dimension_semantics<core_parallel>, #tpu.dimension_semantics<subcore_parallel>], iteration_bounds = array<i64: 2, 16>, scalar_prefetch = 0 : i64, scratch_operands = 9 : i64, tpu.core_type = #tpu.core_type<sc_vector_subcore>, window_params = [{transform_indices = #map}, {transform_indices = #map1}, {transform_indices = #map2}]} {
    %mul3A = arith.constant 2 : i32
    %mul3A_0 = arith.muli %arg1, %mul3A : i32
    %add3A = arith.addi %mul3A_0, %arg0 : i32
    %mul3A_1 = arith.constant 200 : i32
    %mul3A_2 = arith.muli %add3A, %mul3A_1 : i32
    %mul3A_3 = arith.constant 128 : i32
    %mul3A_4 = arith.muli %mul3A_2, %mul3A_3 : i32
    "tpu.region"() ({
      %run_scoped3A = tpu.sem_alloc : memref<!tpu.dma_semaphore, #tpu.memory_space<semaphore_mem>>
      %dma_start3A_103 = tpu.memref_slice %arg2[%mul3A_4] : memref<819200xi32, #tpu.memory_space<hbm>> -> memref<25600xi32, #tpu.memory_space<hbm>>
      %dma_start3A_104 = tpu.memref_slice %arg2[%mul3A_4] : memref<819200xi32, #tpu.memory_space<hbm>> -> memref<25600xi32, #tpu.memory_space<hbm>>
      tpu.enqueue_dma source(%dma_start3A_104 : memref<25600xi32, #tpu.memory_space<hbm>>) target(%arg5 : memref<25600xi32, #tpu.memory_space<vmem>>) target_semaphore(%run_scoped3A : memref<!tpu.dma_semaphore, #tpu.memory_space<semaphore_mem>>)
      %dma_wait3A_105 = tpu.memref_slice %arg2[%mul3A_4] : memref<819200xi32, #tpu.memory_space<hbm>> -> memref<25600xi32, #tpu.memory_space<hbm>>
      %dma_wait3A_106 = tpu.memref_slice %arg2[%mul3A_4] : memref<819200xi32, #tpu.memory_space<hbm>> -> memref<25600xi32, #tpu.memory_space<hbm>>
      tpu.wait_dma2 semaphore(%run_scoped3A : memref<!tpu.dma_semaphore, #tpu.memory_space<semaphore_mem>>) src(%dma_wait3A_106 : memref<25600xi32, #tpu.memory_space<hbm>>) dst(%arg5 : memref<25600xi32, #tpu.memory_space<vmem>>)
      tpu.yield
    }) : () -> ()
    %iota3A = tpu.iota {dimensions = array<i32: 0>} : vector<16xi32>
    %dma_start3A = arith.constant 0 : i32
    %dma_start3A_5 = tpu.memref_slice %arg5[%dma_start3A] : memref<25600xi32, #tpu.memory_space<vmem>> -> memref<128xi32, #tpu.memory_space<vmem>>
    %dma_start3A_6 = arith.constant 0 : i32
    %dma_start3A_7 = arith.constant 0 : i32
    %dma_start3A_8 = tpu.memref_slice %arg3[%dma_start3A_6, %dma_start3A_7] : memref<1000000x128xf32, #tpu.memory_space<hbm>> -> memref<1000000x128xf32, #tpu.memory_space<hbm>>
    tpu.enqueue_indirect_dma source(%dma_start3A_8 : memref<1000000x128xf32, #tpu.memory_space<hbm>>) target(%arg6 : memref<128x128xf32, #tpu.memory_space<vmem>>) offsets(%dma_start3A_5 : memref<128xi32, #tpu.memory_space<vmem>>) semaphore(%arg10 : memref<!tpu.dma_semaphore, #tpu.memory_space<semaphore_mem>>)
    %scan3A = arith.constant 0 : i32
    %scan3A_9 = arith.constant 0 : i32
    %scan3A_10 = arith.constant 100 : i32
    %scan3A_11 = arith.addi %scan3A_9, %scan3A_10 : i32
    %scan3A_12 = arith.constant 1 : i32
    scf.for %scan3A_103 = %scan3A_9 to %scan3A_11 step %scan3A_12  : i32 {
      %mul3A_104 = arith.constant 2 : i32
      %mul3A_105 = arith.muli %mul3A_104, %scan3A_103 : i32
      %add3A_106 = arith.constant 0 : i32
      %add3A_107 = arith.addi %mul3A_105, %add3A_106 : i32
      %add3A_108 = arith.constant 1 : i32
      %add3A_109 = arith.addi %add3A_107, %add3A_108 : i32
      %lt3A_110 = arith.constant 200 : i32
      %lt3A_111 = arith.cmpi slt, %add3A_109, %lt3A_110 : i32
      %convert_element_type3A = arith.extui %lt3A_111 : i1 to i32
      %cond3A = arith.constant 0 : i32
      %cond3A_112 = arith.cmpi ne, %convert_element_type3A, %cond3A : i32
      scf.if %cond3A_112 {
        %ge3A = arith.constant 1 : i32
        %ge3A_2967 = arith.cmpi sge, %add3A_107, %ge3A : i32
        %convert_element_type3A_2968 = arith.extui %ge3A_2967 : i1 to i32
        %cond3A_2969 = arith.constant 0 : i32
        %cond3A_2970 = arith.cmpi ne, %convert_element_type3A_2968, %cond3A_2969 : i32
        scf.if %cond3A_2970 {
          %sub3A_2979 = arith.constant 1 : i32
          %sub3A_2980 = arith.subi %add3A_107, %sub3A_2979 : i32
          %add3A_2981 = arith.addi %mul3A_2, %sub3A_2980 : i32
          %jit3A_2982 = arith.constant 128 : i32
          %div3A_2983 = arith.divsi %add3A_2981, %jit3A_2982 : i32
          %sign3A_2984 = arith.constant 0 : i32
          %sign3A_2985 = arith.cmpi sgt, %add3A_2981, %sign3A_2984 : i32
          %sign3A_2986 = arith.extui %sign3A_2985 : i1 to i32
          %sign3A_2987 = arith.constant 0 : i32
          %sign3A_2988 = arith.cmpi slt, %add3A_2981, %sign3A_2987 : i32
          %sign3A_2989 = arith.extui %sign3A_2988 : i1 to i32
          %sign3A_2990 = arith.subi %sign3A_2986, %sign3A_2989 : i32
          %sign3A_2991 = arith.constant 0 : i32
          %sign3A_2992 = arith.cmpi sgt, %jit3A_2982, %sign3A_2991 : i32
          %sign3A_2993 = arith.extui %sign3A_2992 : i1 to i32
          %sign3A_2994 = arith.constant 0 : i32
          %sign3A_2995 = arith.cmpi slt, %jit3A_2982, %sign3A_2994 : i32
          %sign3A_2996 = arith.extui %sign3A_2995 : i1 to i32
          %sign3A_2997 = arith.subi %sign3A_2993, %sign3A_2996 : i32
          %ne3A_2998 = arith.cmpi ne, %sign3A_2990, %sign3A_2997 : i32
          %rem3A_2999 = arith.remsi %add3A_2981, %jit3A_2982 : i32
          %ne3A_3000 = arith.constant 0 : i32
          %ne3A_3001 = arith.cmpi ne, %rem3A_2999, %ne3A_3000 : i32
          %and3A_3002 = arith.andi %ne3A_2998, %ne3A_3001 : i1
          %sub3A_3003 = arith.constant 1 : i32
          %sub3A_3004 = arith.subi %div3A_2983, %sub3A_3003 : i32
          %select_n3A_3005 = arith.select %and3A_3002, %sub3A_3004, %div3A_2983 : i32
          %jit3A_3006 = arith.constant 128 : i32
          %eq3A_3007 = arith.constant 0 : i32
          %eq3A_3008 = arith.cmpi eq, %jit3A_3006, %eq3A_3007 : i32
          %jit3A_3009 = arith.constant 1 : i32
          %select_n3A_3010 = arith.select %eq3A_3008, %jit3A_3009, %jit3A_3006 : i32
          %rem3A_3011 = arith.remsi %add3A_2981, %select_n3A_3010 : i32
          %ne3A_3012 = arith.constant 0 : i32
          %ne3A_3013 = arith.cmpi ne, %rem3A_3011, %ne3A_3012 : i32
          %lt3A_3014 = arith.constant 0 : i32
          %lt3A_3015 = arith.cmpi slt, %rem3A_3011, %lt3A_3014 : i32
          %lt3A_3016 = arith.constant 0 : i32
          %lt3A_3017 = arith.cmpi slt, %select_n3A_3010, %lt3A_3016 : i32
          %ne3A_3018 = arith.xori %lt3A_3015, %lt3A_3017 : i1
          %and3A_3019 = arith.andi %ne3A_3018, %ne3A_3013 : i1
          %add3A_3020 = arith.addi %rem3A_3011, %select_n3A_3010 : i32
          %select_n3A_3021 = arith.select %and3A_3019, %add3A_3020, %rem3A_3011 : i32
          %mul3A_3022 = arith.constant 128 : i32
          %mul3A_3023 = arith.muli %select_n3A_3021, %mul3A_3022 : i32
          %dma_wait3A_3024 = arith.constant 0 : i32
          %dma_wait3A_3025 = tpu.memref_slice %arg4[%select_n3A_3005, %dma_wait3A_3024, %mul3A_3023] : memref<50x32x16384xf32, #tpu.memory_space<hbm>> -> memref<1x32x128xf32, #tpu.memory_space<hbm>>
          %dma_wait3A_3026 = tpu.memref_squeeze %dma_wait3A_3025 : memref<1x32x128xf32, #tpu.memory_space<hbm>> -> memref<32x128xf32, #tpu.memory_space<hbm>>
          %dma_wait3A_3027 = arith.constant 0 : i32
          %dma_wait3A_3028 = tpu.memref_slice %arg4[%select_n3A_3005, %dma_wait3A_3027, %mul3A_3023] : memref<50x32x16384xf32, #tpu.memory_space<hbm>> -> memref<1x32x128xf32, #tpu.memory_space<hbm>>
          %dma_wait3A_3029 = tpu.memref_squeeze %dma_wait3A_3028 : memref<1x32x128xf32, #tpu.memory_space<hbm>> -> memref<32x128xf32, #tpu.memory_space<hbm>>
          tpu.wait_dma2 semaphore(%arg13 : memref<!tpu.dma_semaphore, #tpu.memory_space<semaphore_mem>>) src(%arg9 : memref<32x128xf32, #tpu.memory_space<vmem>>) dst(%dma_wait3A_3029 : memref<32x128xf32, #tpu.memory_space<hbm>>)
        } else {
        }
        %add3A_2971 = arith.constant 1 : i32
        %add3A_2972 = arith.addi %add3A_107, %add3A_2971 : i32
        %mul3A_2973 = arith.constant 128 : i32
        %mul3A_2974 = arith.muli %add3A_2972, %mul3A_2973 : i32
        %dma_start3A_2975 = tpu.memref_slice %arg5[%mul3A_2974] : memref<25600xi32, #tpu.memory_space<vmem>> -> memref<128xi32, #tpu.memory_space<vmem>>
        %dma_start3A_2976 = arith.constant 0 : i32
        %dma_start3A_2977 = arith.constant 0 : i32
        %dma_start3A_2978 = tpu.memref_slice %arg3[%dma_start3A_2976, %dma_start3A_2977] : memref<1000000x128xf32, #tpu.memory_space<hbm>> -> memref<1000000x128xf32, #tpu.memory_space<hbm>>
        tpu.enqueue_indirect_dma source(%dma_start3A_2978 : memref<1000000x128xf32, #tpu.memory_space<hbm>>) target(%arg7 : memref<128x128xf32, #tpu.memory_space<vmem>>) offsets(%dma_start3A_2975 : memref<128xi32, #tpu.memory_space<vmem>>) semaphore(%arg11 : memref<!tpu.dma_semaphore, #tpu.memory_space<semaphore_mem>>)
      } else {
      }
      %mul3A_113 = arith.constant 128 : i32
      %mul3A_114 = arith.muli %add3A_107, %mul3A_113 : i32
      %dma_wait3A_115 = tpu.memref_slice %arg5[%mul3A_114] : memref<25600xi32, #tpu.memory_space<vmem>> -> memref<128xi32, #tpu.memory_space<vmem>>
      %dma_wait3A_116 = arith.constant 0 : i32
      %dma_wait3A_117 = arith.constant 0 : i32
      %dma_wait3A_118 = tpu.memref_slice %arg3[%dma_wait3A_116, %dma_wait3A_117] : memref<1000000x128xf32, #tpu.memory_space<hbm>> -> memref<1000000x128xf32, #tpu.memory_space<hbm>>
      tpu.wait_indirect_dma semaphore(%arg10 : memref<!tpu.dma_semaphore, #tpu.memory_space<semaphore_mem>>) src(%dma_wait3A_118 : memref<1000000x128xf32, #tpu.memory_space<hbm>>) dst(%arg6 : memref<128x128xf32, #tpu.memory_space<vmem>>)
      %add3A_119 = arith.constant 0 : i32
      %add3A_120 = vector.broadcast %add3A_119 : i32 to vector<16xi32>
      %add3A_121 = arith.addi %iota3A, %add3A_120 : vector<16xi32>
      %add3A_122 = arith.constant 16 : i32
      %add3A_123 = vector.broadcast %add3A_122 : i32 to vector<16xi32>
      %add3A_124 = arith.addi %iota3A, %add3A_123 : vector<16xi32>
      %add3A_125 = arith.constant 32 : i32
      %add3A_126 = vector.broadcast %add3A_125 : i32 to vector<16xi32>
      %add3A_127 = arith.addi %iota3A, %add3A_126 : vector<16xi32>
      %add3A_128 = arith.constant 48 : i32
      %add3A_129 = vector.broadcast %add3A_128 : i32 to vector<16xi32>
      %add3A_130 = arith.addi %iota3A, %add3A_129 : vector<16xi32>
      %add3A_131 = arith.constant 64 : i32
      %add3A_132 = vector.broadcast %add3A_131 : i32 to vector<16xi32>
      %add3A_133 = arith.addi %iota3A, %add3A_132 : vector<16xi32>
      %add3A_134 = arith.constant 80 : i32
      %add3A_135 = vector.broadcast %add3A_134 : i32 to vector<16xi32>
      %add3A_136 = arith.addi %iota3A, %add3A_135 : vector<16xi32>
      %add3A_137 = arith.constant 96 : i32
      %add3A_138 = vector.broadcast %add3A_137 : i32 to vector<16xi32>
      %add3A_139 = arith.addi %iota3A, %add3A_138 : vector<16xi32>
      %add3A_140 = arith.constant 112 : i32
      %add3A_141 = vector.broadcast %add3A_140 : i32 to vector<16xi32>
      %add3A_142 = arith.addi %iota3A, %add3A_141 : vector<16xi32>
      %broadcast_in_dim3A = arith.constant 0 : i32
      %broadcast_in_dim3A_143 = vector.broadcast %broadcast_in_dim3A : i32 to vector<16xi32>
      %gather3A = tpu.vector_load_idx %arg6[%add3A_121, %broadcast_in_dim3A_143] : memref<128x128xf32, #tpu.memory_space<vmem>>[vector<16xi32>, vector<16xi32>], vector<16xf32>,
      %swap3A = arith.constant 0 : i32
      %swap3A_144 = arith.index_cast %swap3A : i32 to index
      %swap3A_145 = arith.constant 0 : index
      %swap3A_146 = tpu.vector_load %arg8[%swap3A_144, %swap3A_145] {strides = array<i32>} : memref<32x128xf32, #tpu.memory_space<vmem>>, vector<16xf32>,
      tpu.vector_store %arg8[%swap3A_144, %swap3A_145], %gather3A {strides = array<i32>} : memref<32x128xf32, #tpu.memory_space<vmem>>, vector<16xf32>,
      %gather3A_147 = tpu.vector_load_idx %arg6[%add3A_124, %broadcast_in_dim3A_143] : memref<128x128xf32, #tpu.memory_space<vmem>>[vector<16xi32>, vector<16xi32>], vector<16xf32>,
      %swap3A_148 = arith.constant 0 : i32
      %swap3A_149 = arith.index_cast %swap3A_148 : i32 to index
      %swap3A_150 = arith.constant 16 : index
      %swap3A_151 = tpu.vector_load %arg8[%swap3A_149, %swap3A_150] {strides = array<i32>} : memref<32x128xf32, #tpu.memory_space<vmem>>, vector<16xf32>,
      tpu.vector_store %arg8[%swap3A_149, %swap3A_150], %gather3A_147 {strides = array<i32>} : memref<32x128xf32, #tpu.memory_space<vmem>>, vector<16xf32>,
      %gather3A_152 = tpu.vector_load_idx %arg6[%add3A_127, %broadcast_in_dim3A_143] : memref<128x128xf32, #tpu.memory_space<vmem>>[vector<16xi32>, vector<16xi32>], vector<16xf32>,
      %swap3A_153 = arith.constant 0 : i32
      %swap3A_154 = arith.index_cast %swap3A_153 : i32 to index
      %swap3A_155 = arith.constant 32 : index
      %swap3A_156 = tpu.vector_load %arg8[%swap3A_154, %swap3A_155] {strides = array<i32>} : memref<32x128xf32, #tpu.memory_space<vmem>>, vector<16xf32>,
      tpu.vector_store %arg8[%swap3A_154, %swap3A_155], %gather3A_152 {strides = array<i32>} : memref<32x128xf32, #tpu.memory_space<vmem>>, vector<16xf32>,
      %gather3A_157 = tpu.vector_load_idx %arg6[%add3A_130, %broadcast_in_dim3A_143] : memref<128x128xf32, #tpu.memory_space<vmem>>[vector<16xi32>, vector<16xi32>], vector<16xf32>,
      %swap3A_158 = arith.constant 0 : i32
      %swap3A_159 = arith.index_cast %swap3A_158 : i32 to index
      %swap3A_160 = arith.constant 48 : index
      %swap3A_161 = tpu.vector_load %arg8[%swap3A_159, %swap3A_160] {strides = array<i32>} : memref<32x128xf32, #tpu.memory_space<vmem>>, vector<16xf32>,
      tpu.vector_store %arg8[%swap3A_159, %swap3A_160], %gather3A_157 {strides = array<i32>} : memref<32x128xf32, #tpu.memory_space<vmem>>, vector<16xf32>,
      %gather3A_162 = tpu.vector_load_idx %arg6[%add3A_133, %broadcast_in_dim3A_143] : memref<128x128xf32, #tpu.memory_space<vmem>>[vector<16xi32>, vector<16xi32>], vector<16xf32>,
      %swap3A_163 = arith.constant 0 : i32
      %swap3A_164 = arith.index_cast %swap3A_163 : i32 to index
      %swap3A_165 = arith.constant 64 : index
      %swap3A_166 = tpu.vector_load %arg8[%swap3A_164, %swap3A_165] {strides = array<i32>} : memref<32x128xf32, #tpu.memory_space<vmem>>, vector<16xf32>,
      tpu.vector_store %arg8[%swap3A_164, %swap3A_165], %gather3A_162 {strides = array<i32>} : memref<32x128xf32, #tpu.memory_space<vmem>>, vector<16xf32>,
      %gather3A_167 = tpu.vector_load_idx %arg6[%add3A_136, %broadcast_in_dim3A_143] : memref<128x128xf32, #tpu.memory_space<vmem>>[vector<16xi32>, vector<16xi32>], vector<16xf32>,
      %swap3A_168 = arith.constant 0 : i32
      %swap3A_169 = arith.index_cast %swap3A_168 : i32 to index
      %swap3A_170 = arith.constant 80 : index
      %swap3A_171 = tpu.vector_load %arg8[%swap3A_169, %swap3A_170] {strides = array<i32>} : memref<32x128xf32, #tpu.memory_space<vmem>>, vector<16xf32>,
      tpu.vector_store %arg8[%swap3A_169, %swap3A_170], %gather3A_167 {strides = array<i32>} : memref<32x128xf32, #tpu.memory_space<vmem>>, vector<16xf32>,
      %gather3A_172 = tpu.vector_load_idx %arg6[%add3A_139, %broadcast_in_dim3A_143] : memref<128x128xf32, #tpu.memory_space<vmem>>[vector<16xi32>, vector<16xi32>], vector<16xf32>,
      %swap3A_173 = arith.constant 0 : i32
      %swap3A_174 = arith.index_cast %swap3A_173 : i32 to index
      %swap3A_175 = arith.constant 96 : index
      %swap3A_176 = tpu.vector_load %arg8[%swap3A_174, %swap3A_175] {strides = array<i32>} : memref<32x128xf32, #tpu.memory_space<vmem>>, vector<16xf32>,
      tpu.vector_store %arg8[%swap3A_174, %swap3A_175], %gather3A_172 {strides = array<i32>} : memref<32x128xf32, #tpu.memory_space<vmem>>, vector<16xf32>,
      %gather3A_177 = tpu.vector_load_idx %arg6[%add3A_142, %broadcast_in_dim3A_143] : memref<128x128xf32, #tpu.memory_space<vmem>>[vector<16xi32>, vector<16xi32>], vector<16xf32>,
      %swap3A_178 = arith.constant 0 : i32
      %swap3A_179 = arith.index_cast %swap3A_178 : i32 to index
      %swap3A_180 = arith.constant 112 : index
      %swap3A_181 = tpu.vector_load %arg8[%swap3A_179, %swap3A_180] {strides = array<i32>} : memref<32x128xf32, #tpu.memory_space<vmem>>, vector<16xf32>,
      tpu.vector_store %arg8[%swap3A_179, %swap3A_180], %gather3A_177 {strides = array<i32>} : memref<32x128xf32, #tpu.memory_space<vmem>>, vector<16xf32>,
      %broadcast_in_dim3A_182 = arith.constant 1 : i32
      %broadcast_in_dim3A_183 = vector.broadcast %broadcast_in_dim3A_182 : i32 to vector<16xi32>
      %gather3A_184 = tpu.vector_load_idx %arg6[%add3A_121, %broadcast_in_dim3A_183] : memref<128x128xf32, #tpu.memory_space<vmem>>[vector<16xi32>, vector<16xi32>], vector<16xf32>,
      %swap3A_185 = arith.constant 1 : i32
      %swap3A_186 = arith.index_cast %swap3A_185 : i32 to index
      %swap3A_187 = arith.constant 0 : index
      %swap3A_188 = tpu.vector_load %arg8[%swap3A_186, %swap3A_187] {strides = array<i32>} : memref<32x128xf32, #tpu.memory_space<vmem>>, vector<16xf32>,
      tpu.vector_store %arg8[%swap3A_186, %swap3A_187], %gather3A_184 {strides = array<i32>} : memref<32x128xf32, #tpu.memory_space<vmem>>, vector<16xf32>,
      %gather3A_189 = tpu.vector_load_idx %arg6[%add3A_124, %broadcast_in_dim3A_183] : memref<128x128xf32, #tpu.memory_space<vmem>>[vector<16xi32>, vector<16xi32>], vector<16xf32>,
      %swap3A_190 = arith.constant 1 : i32
      %swap3A_191 = arith.index_cast %swap3A_190 : i32 to index
      %swap3A_192 = arith.constant 16 : index
      %swap3A_193 = tpu.vector_load %arg8[%swap3A_191, %swap3A_192] {strides = array<i32>} : memref<32x128xf32, #tpu.memory_space<vmem>>, vector<16xf32>,
      tpu.vector_store %arg8[%swap3A_191, %swap3A_192], %gather3A_189 {strides = array<i32>} : memref<32x128xf32, #tpu.memory_space<vmem>>, vector<16xf32>,
      %gather3A_194 = tpu.vector_load_idx %arg6[%add3A_127, %broadcast_in_dim3A_183] : memref<128x128xf32, #tpu.memory_space<vmem>>[vector<16xi32>, vector<16xi32>], vector<16xf32>,
      %swap3A_195 = arith.constant 1 : i32
      %swap3A_196 = arith.index_cast %swap3A_195 : i32 to index
      %swap3A_197 = arith.constant 32 : index
      %swap3A_198 = tpu.vector_load %arg8[%swap3A_196, %swap3A_197] {strides = array<i32>} : memref<32x128xf32, #tpu.memory_space<vmem>>, vector<16xf32>,
      tpu.vector_store %arg8[%swap3A_196, %swap3A_197], %gather3A_194 {strides = array<i32>} : memref<32x128xf32, #tpu.memory_space<vmem>>, vector<16xf32>,
      %gather3A_199 = tpu.vector_load_idx %arg6[%add3A_130, %broadcast_in_dim3A_183] : memref<128x128xf32, #tpu.memory_space<vmem>>[vector<16xi32>, vector<16xi32>], vector<16xf32>,
      %swap3A_200 = arith.constant 1 : i32
      %swap3A_201 = arith.index_cast %swap3A_200 : i32 to index
      %swap3A_202 = arith.constant 48 : index
      %swap3A_203 = tpu.vector_load %arg8[%swap3A_201, %swap3A_202] {strides = array<i32>} : memref<32x128xf32, #tpu.memory_space<vmem>>, vector<16xf32>,
      tpu.vector_store %arg8[%swap3A_201, %swap3A_202], %gather3A_199 {strides = array<i32>} : memref<32x128xf32, #tpu.memory_space<vmem>>, vector<16xf32>,
      %gather3A_204 = tpu.vector_load_idx %arg6[%add3A_133, %broadcast_in_dim3A_183] : memref<128x128xf32, #tpu.memory_space<vmem>>[vector<16xi32>, vector<16xi32>], vector<16xf32>,
      %swap3A_205 = arith.constant 1 : i32
      %swap3A_206 = arith.index_cast %swap3A_205 : i32 to index
      %swap3A_207 = arith.constant 64 : index
      %swap3A_208 = tpu.vector_load %arg8[%swap3A_206, %swap3A_207] {strides = array<i32>} : memref<32x128xf32, #tpu.memory_space<vmem>>, vector<16xf32>,
      tpu.vector_store %arg8[%swap3A_206, %swap3A_207], %gather3A_204 {strides = array<i32>} : memref<32x128xf32, #tpu.memory_space<vmem>>, vector<16xf32>,
      %gather3A_209 = tpu.vector_load_idx %arg6[%add3A_136, %broadcast_in_dim3A_183] : memref<128x128xf32, #tpu.memory_space<vmem>>[vector<16xi32>, vector<16xi32>], vector<16xf32>,
      %swap3A_210 = arith.constant 1 : i32
      %swap3A_211 = arith.index_cast %swap3A_210 : i32 to index
      %swap3A_212 = arith.constant 80 : index
      %swap3A_213 = tpu.vector_load %arg8[%swap3A_211, %swap3A_212] {strides = array<i32>} : memref<32x128xf32, #tpu.memory_space<vmem>>, vector<16xf32>,
      tpu.vector_store %arg8[%swap3A_211, %swap3A_212], %gather3A_209 {strides = array<i32>} : memref<32x128xf32, #tpu.memory_space<vmem>>, vector<16xf32>,
      %gather3A_214 = tpu.vector_load_idx %arg6[%add3A_139, %broadcast_in_dim3A_183] : memref<128x128xf32, #tpu.memory_space<vmem>>[vector<16xi32>, vector<16xi32>], vector<16xf32>,
      %swap3A_215 = arith.constant 1 : i32
      %swap3A_216 = arith.index_cast %swap3A_215 : i32 to index
      %swap3A_217 = arith.constant 96 : index
      %swap3A_218 = tpu.vector_load %arg8[%swap3A_216, %swap3A_217] {strides = array<i32>} : memref<32x128xf32, #tpu.memory_space<vmem>>, vector<16xf32>,
      tpu.vector_store %arg8[%swap3A_216, %swap3A_217], %gather3A_214 {strides = array<i32>} : memref<32x128xf32, #tpu.memory_space<vmem>>, vector<16xf32>,
      %gather3A_219 = tpu.vector_load_idx %arg6[%add3A_142, %broadcast_in_dim3A_183] : memref<128x128xf32, #tpu.memory_space<vmem>>[vector<16xi32>, vector<16xi32>], vector<16xf32>,
      %swap3A_220 = arith.constant 1 : i32
      %swap3A_221 = arith.index_cast %swap3A_220 : i32 to index
      %swap3A_222 = arith.constant 112 : index
      %swap3A_223 = tpu.vector_load %arg8[%swap3A_221, %swap3A_222] {strides = array<i32>} : memref<32x128xf32, #tpu.memory_space<vmem>>, vector<16xf32>,
      tpu.vector_store %arg8[%swap3A_221, %swap3A_222], %gather3A_219 {strides = array<i32>} : memref<32x128xf32, #tpu.memory_space<vmem>>, vector<16xf32>,
      %broadcast_in_dim3A_224 = arith.constant 2 : i32
      %broadcast_in_dim3A_225 = vector.broadcast %broadcast_in_dim3A_224 : i32 to vector<16xi32>
      %gather3A_226 = tpu.vector_load_idx %arg6[%add3A_121, %broadcast_in_dim3A_225] : memref<128x128xf32, #tpu.memory_space<vmem>>[vector<16xi32>, vector<16xi32>], vector<16xf32>,
      %swap3A_227 = arith.constant 2 : i32
      %swap3A_228 = arith.index_cast %swap3A_227 : i32 to index
      %swap3A_229 = arith.constant 0 : index
      %swap3A_230 = tpu.vector_load %arg8[%swap3A_228, %swap3A_229] {strides = array<i32>} : memref<32x128xf32, #tpu.memory_space<vmem>>, vector<16xf32>,
      tpu.vector_store %arg8[%swap3A_228, %swap3A_229], %gather3A_226 {strides = array<i32>} : memref<32x128xf32, #tpu.memory_space<vmem>>, vector<16xf32>,
      %gather3A_231 = tpu.vector_load_idx %arg6[%add3A_124, %broadcast_in_dim3A_225] : memref<128x128xf32, #tpu.memory_space<vmem>>[vector<16xi32>, vector<16xi32>], vector<16xf32>,
      %swap3A_232 = arith.constant 2 : i32
      %swap3A_233 = arith.index_cast %swap3A_232 : i32 to index
      %swap3A_234 = arith.constant 16 : index
      %swap3A_235 = tpu.vector_load %arg8[%swap3A_233, %swap3A_234] {strides = array<i32>} : memref<32x128xf32, #tpu.memory_space<vmem>>, vector<16xf32>,
      tpu.vector_store %arg8[%swap3A_233, %swap3A_234], %gather3A_231 {strides = array<i32>} : memref<32x128xf32, #tpu.memory_space<vmem>>, vector<16xf32>,
      %gather3A_236 = tpu.vector_load_idx %arg6[%add3A_127, %broadcast_in_dim3A_225] : memref<128x128xf32, #tpu.memory_space<vmem>>[vector<16xi32>, vector<16xi32>], vector<16xf32>,
      %swap3A_237 = arith.constant 2 : i32
      %swap3A_238 = arith.index_cast %swap3A_237 : i32 to index
      %swap3A_239 = arith.constant 32 : index
      %swap3A_240 = tpu.vector_load %arg8[%swap3A_238, %swap3A_239] {strides = array<i32>} : memref<32x128xf32, #tpu.memory_space<vmem>>, vector<16xf32>,
      tpu.vector_store %arg8[%swap3A_238, %swap3A_239], %gather3A_236 {strides = array<i32>} : memref<32x128xf32, #tpu.memory_space<vmem>>, vector<16xf32>,
      %gather3A_241 = tpu.vector_load_idx %arg6[%add3A_130, %broadcast_in_dim3A_225] : memref<128x128xf32, #tpu.memory_space<vmem>>[vector<16xi32>, vector<16xi32>], vector<16xf32>,
      %swap3A_242 = arith.constant 2 : i32
      %swap3A_243 = arith.index_cast %swap3A_242 : i32 to index
      %swap3A_244 = arith.constant 48 : index
      %swap3A_245 = tpu.vector_load %arg8[%swap3A_243, %swap3A_244] {strides = array<i32>} : memref<32x128xf32, #tpu.memory_space<vmem>>, vector<16xf32>,
      tpu.vector_store %arg8[%swap3A_243, %swap3A_244], %gather3A_241 {strides = array<i32>} : memref<32x128xf32, #tpu.memory_space<vmem>>, vector<16xf32>,
      %gather3A_246 = tpu.vector_load_idx %arg6[%add3A_133, %broadcast_in_dim3A_225] : memref<128x128xf32, #tpu.memory_space<vmem>>[vector<16xi32>, vector<16xi32>], vector<16xf32>,
      %swap3A_247 = arith.constant 2 : i32
      %swap3A_248 = arith.index_cast %swap3A_247 : i32 to index
      %swap3A_249 = arith.constant 64 : index
      %swap3A_250 = tpu.vector_load %arg8[%swap3A_248, %swap3A_249] {strides = array<i32>} : memref<32x128xf32, #tpu.memory_space<vmem>>, vector<16xf32>,
      tpu.vector_store %arg8[%swap3A_248, %swap3A_249], %gather3A_246 {strides = array<i32>} : memref<32x128xf32, #tpu.memory_space<vmem>>, vector<16xf32>,
      %gather3A_251 = tpu.vector_load_idx %arg6[%add3A_136, %broadcast_in_dim3A_225] : memref<128x128xf32, #tpu.memory_space<vmem>>[vector<16xi32>, vector<16xi32>], vector<16xf32>,
      %swap3A_252 = arith.constant 2 : i32
      %swap3A_253 = arith.index_cast %swap3A_252 : i32 to index
      %swap3A_254 = arith.constant 80 : index
      %swap3A_255 = tpu.vector_load %arg8[%swap3A_253, %swap3A_254] {strides = array<i32>} : memref<32x128xf32, #tpu.memory_space<vmem>>, vector<16xf32>,
      tpu.vector_store %arg8[%swap3A_253, %swap3A_254], %gather3A_251 {strides = array<i32>} : memref<32x128xf32, #tpu.memory_space<vmem>>, vector<16xf32>,
      %gather3A_256 = tpu.vector_load_idx %arg6[%add3A_139, %broadcast_in_dim3A_225] : memref<128x128xf32, #tpu.memory_space<vmem>>[vector<16xi32>, vector<16xi32>], vector<16xf32>,
      %swap3A_257 = arith.constant 2 : i32
      %swap3A_258 = arith.index_cast %swap3A_257 : i32 to index
      %swap3A_259 = arith.constant 96 : index
      %swap3A_260 = tpu.vector_load %arg8[%swap3A_258, %swap3A_259] {strides = array<i32>} : memref<32x128xf32, #tpu.memory_space<vmem>>, vector<16xf32>,
      tpu.vector_store %arg8[%swap3A_258, %swap3A_259], %gather3A_256 {strides = array<i32>} : memref<32x128xf32, #tpu.memory_space<vmem>>, vector<16xf32>,
      %gather3A_261 = tpu.vector_load_idx %arg6[%add3A_142, %broadcast_in_dim3A_225] : memref<128x128xf32, #tpu.memory_space<vmem>>[vector<16xi32>, vector<16xi32>], vector<16xf32>,
      %swap3A_262 = arith.constant 2 : i32
      %swap3A_263 = arith.index_cast %swap3A_262 : i32 to index
      %swap3A_264 = arith.constant 112 : index
      %swap3A_265 = tpu.vector_load %arg8[%swap3A_263, %swap3A_264] {strides = array<i32>} : memref<32x128xf32, #tpu.memory_space<vmem>>, vector<16xf32>,
      tpu.vector_store %arg8[%swap3A_263, %swap3A_264], %gather3A_261 {strides = array<i32>} : memref<32x128xf32, #tpu.memory_space<vmem>>, vector<16xf32>,
      %broadcast_in_dim3A_266 = arith.constant 3 : i32
      %broadcast_in_dim3A_267 = vector.broadcast %broadcast_in_dim3A_266 : i32 to vector<16xi32>
      %gather3A_268 = tpu.vector_load_idx %arg6[%add3A_121, %broadcast_in_dim3A_267] : memref<128x128xf32, #tpu.memory_space<vmem>>[vector<16xi32>, vector<16xi32>], vector<16xf32>,
      %swap3A_269 = arith.constant 3 : i32
      %swap3A_270 = arith.index_cast %swap3A_269 : i32 to index
      %swap3A_271 = arith.constant 0 : index
      %swap3A_272 = tpu.vector_load %arg8[%swap3A_270, %swap3A_271] {strides = array<i32>} : memref<32x128xf32, #tpu.memory_space<vmem>>, vector<16xf32>,
      tpu.vector_store %arg8[%swap3A_270, %swap3A_271], %gather3A_268 {strides = array<i32>} : memref<32x128xf32, #tpu.memory_space<vmem>>, vector<16xf32>,
      %gather3A_273 = tpu.vector_load_idx %arg6[%add3A_124, %broadcast_in_dim3A_267] : memref<128x128xf32, #tpu.memory_space<vmem>>[vector<16xi32>, vector<16xi32>], vector<16xf32>,
      %swap3A_274 = arith.constant 3 : i32
      %swap3A_275 = arith.index_cast %swap3A_274 : i32 to index
      %swap3A_276 = arith.constant 16 : index
      %swap3A_277 = tpu.vector_load %arg8[%swap3A_275, %swap3A_276] {strides = array<i32>} : memref<32x128xf32, #tpu.memory_space<vmem>>, vector<16xf32>,
      tpu.vector_store %arg8[%swap3A_275, %swap3A_276], %gather3A_273 {strides = array<i32>} : memref<32x128xf32, #tpu.memory_space<vmem>>, vector<16xf32>,
      %gather3A_278 = tpu.vector_load_idx %arg6[%add3A_127, %broadcast_in_dim3A_267] : memref<128x128xf32, #tpu.memory_space<vmem>>[vector<16xi32>, vector<16xi32>], vector<16xf32>,
      %swap3A_279 = arith.constant 3 : i32
      %swap3A_280 = arith.index_cast %swap3A_279 : i32 to index
      %swap3A_281 = arith.constant 32 : index
      %swap3A_282 = tpu.vector_load %arg8[%swap3A_280, %swap3A_281] {strides = array<i32>} : memref<32x128xf32, #tpu.memory_space<vmem>>, vector<16xf32>,
      tpu.vector_store %arg8[%swap3A_280, %swap3A_281], %gather3A_278 {strides = array<i32>} : memref<32x128xf32, #tpu.memory_space<vmem>>, vector<16xf32>,
      %gather3A_283 = tpu.vector_load_idx %arg6[%add3A_130, %broadcast_in_dim3A_267] : memref<128x128xf32, #tpu.memory_space<vmem>>[vector<16xi32>, vector<16xi32>], vector<16xf32>,
      %swap3A_284 = arith.constant 3 : i32
      %swap3A_285 = arith.index_cast %swap3A_284 : i32 to index
      %swap3A_286 = arith.constant 48 : index
      %swap3A_287 = tpu.vector_load %arg8[%swap3A_285, %swap3A_286] {strides = array<i32>} : memref<32x128xf32, #tpu.memory_space<vmem>>, vector<16xf32>,
      tpu.vector_store %arg8[%swap3A_285, %swap3A_286], %gather3A_283 {strides = array<i32>} : memref<32x128xf32, #tpu.memory_space<vmem>>, vector<16xf32>,
      %gather3A_288 = tpu.vector_load_idx %arg6[%add3A_133, %broadcast_in_dim3A_267] : memref<128x128xf32, #tpu.memory_space<vmem>>[vector<16xi32>, vector<16xi32>], vector<16xf32>,
      %swap3A_289 = arith.constant 3 : i32
      %swap3A_290 = arith.index_cast %swap3A_289 : i32 to index
      %swap3A_291 = arith.constant 64 : index
      %swap3A_292 = tpu.vector_load %arg8[%swap3A_290, %swap3A_291] {strides = array<i32>} : memref<32x128xf32, #tpu.memory_space<vmem>>, vector<16xf32>,
      tpu.vector_store %arg8[%swap3A_290, %swap3A_291], %gather3A_288 {strides = array<i32>} : memref<32x128xf32, #tpu.memory_space<vmem>>, vector<16xf32>,
      %gather3A_293 = tpu.vector_load_idx %arg6[%add3A_136, %broadcast_in_dim3A_267] : memref<128x128xf32, #tpu.memory_space<vmem>>[vector<16xi32>, vector<16xi32>], vector<16xf32>,
      %swap3A_294 = arith.constant 3 : i32
      %swap3A_295 = arith.index_cast %swap3A_294 : i32 to index
      %swap3A_296 = arith.constant 80 : index
      %swap3A_297 = tpu.vector_load %arg8[%swap3A_295, %swap3A_296] {strides = array<i32>} : memref<32x128xf32, #tpu.memory_space<vmem>>, vector<16xf32>,
      tpu.vector_store %arg8[%swap3A_295, %swap3A_296], %gather3A_293 {strides = array<i32>} : memref<32x128xf32, #tpu.memory_space<vmem>>, vector<16xf32>,
      %gather3A_298 = tpu.vector_load_idx %arg6[%add3A_139, %broadcast_in_dim3A_267] : memref<128x128xf32, #tpu.memory_space<vmem>>[vector<16xi32>, vector<16xi32>], vector<16xf32>,
      %swap3A_299 = arith.constant 3 : i32
      %swap3A_300 = arith.index_cast %swap3A_299 : i32 to index
      %swap3A_301 = arith.constant 96 : index
      %swap3A_302 = tpu.vector_load %arg8[%swap3A_300, %swap3A_301] {strides = array<i32>} : memref<32x128xf32, #tpu.memory_space<vmem>>, vector<16xf32>,
      tpu.vector_store %arg8[%swap3A_300, %swap3A_301], %gather3A_298 {strides = array<i32>} : memref<32x128xf32, #tpu.memory_space<vmem>>, vector<16xf32>,
      %gather3A_303 = tpu.vector_load_idx %arg6[%add3A_142, %broadcast_in_dim3A_267] : memref<128x128xf32, #tpu.memory_space<vmem>>[vector<16xi32>, vector<16xi32>], vector<16xf32>,
      %swap3A_304 = arith.constant 3 : i32
      %swap3A_305 = arith.index_cast %swap3A_304 : i32 to index
      %swap3A_306 = arith.constant 112 : index
      %swap3A_307 = tpu.vector_load %arg8[%swap3A_305, %swap3A_306] {strides = array<i32>} : memref<32x128xf32, #tpu.memory_space<vmem>>, vector<16xf32>,
      tpu.vector_store %arg8[%swap3A_305, %swap3A_306], %gather3A_303 {strides = array<i32>} : memref<32x128xf32, #tpu.memory_space<vmem>>, vector<16xf32>,
      %broadcast_in_dim3A_308 = arith.constant 4 : i32
      %broadcast_in_dim3A_309 = vector.broadcast %broadcast_in_dim3A_308 : i32 to vector<16xi32>
      %gather3A_310 = tpu.vector_load_idx %arg6[%add3A_121, %broadcast_in_dim3A_309] : memref<128x128xf32, #tpu.memory_space<vmem>>[vector<16xi32>, vector<16xi32>], vector<16xf32>,
      %swap3A_311 = arith.constant 4 : i32
      %swap3A_312 = arith.index_cast %swap3A_311 : i32 to index
      %swap3A_313 = arith.constant 0 : index
      %swap3A_314 = tpu.vector_load %arg8[%swap3A_312, %swap3A_313] {strides = array<i32>} : memref<32x128xf32, #tpu.memory_space<vmem>>, vector<16xf32>,
      tpu.vector_store %arg8[%swap3A_312, %swap3A_313], %gather3A_310 {strides = array<i32>} : memref<32x128xf32, #tpu.memory_space<vmem>>, vector<16xf32>,
      %gather3A_315 = tpu.vector_load_idx %arg6[%add3A_124, %broadcast_in_dim3A_309] : memref<128x128xf32, #tpu.memory_space<vmem>>[vector<16xi32>, vector<16xi32>], vector<16xf32>,
      %swap3A_316 = arith.constant 4 : i32
      %swap3A_317 = arith.index_cast %swap3A_316 : i32 to index
      %swap3A_318 = arith.constant 16 : index
      %swap3A_319 = tpu.vector_load %arg8[%swap3A_317, %swap3A_318] {strides = array<i32>} : memref<32x128xf32, #tpu.memory_space<vmem>>, vector<16xf32>,
      tpu.vector_store %arg8[%swap3A_317, %swap3A_318], %gather3A_315 {strides = array<i32>} : memref<32x128xf32, #tpu.memory_space<vmem>>, vector<16xf32>,
      %gather3A_320 = tpu.vector_load_idx %arg6[%add3A_127, %broadcast_in_dim3A_309] : memref<128x128xf32, #tpu.memory_space<vmem>>[vector<16xi32>, vector<16xi32>], vector<16xf32>,
      %swap3A_321 = arith.constant 4 : i32
      %swap3A_322 = arith.index_cast %swap3A_321 : i32 to index
      %swap3A_323 = arith.constant 32 : index
      %swap3A_324 = tpu.vector_load %arg8[%swap3A_322, %swap3A_323] {strides = array<i32>} : memref<32x128xf32, #tpu.memory_space<vmem>>, vector<16xf32>,
      tpu.vector_store %arg8[%swap3A_322, %swap3A_323], %gather3A_320 {strides = array<i32>} : memref<32x128xf32, #tpu.memory_space<vmem>>, vector<16xf32>,
      %gather3A_325 = tpu.vector_load_idx %arg6[%add3A_130, %broadcast_in_dim3A_309] : memref<128x128xf32, #tpu.memory_space<vmem>>[vector<16xi32>, vector<16xi32>], vector<16xf32>,
      %swap3A_326 = arith.constant 4 : i32
      %swap3A_327 = arith.index_cast %swap3A_326 : i32 to index
      %swap3A_328 = arith.constant 48 : index
      %swap3A_329 = tpu.vector_load %arg8[%swap3A_327, %swap3A_328] {strides = array<i32>} : memref<32x128xf32, #tpu.memory_space<vmem>>, vector<16xf32>,
      tpu.vector_store %arg8[%swap3A_327, %swap3A_328], %gather3A_325 {strides = array<i32>} : memref<32x128xf32, #tpu.memory_space<vmem>>, vector<16xf32>,
      %gather3A_330 = tpu.vector_load_idx %arg6[%add3A_133, %broadcast_in_dim3A_309] : memref<128x128xf32, #tpu.memory_space<vmem>>[vector<16xi32>, vector<16xi32>], vector<16xf32>,
      %swap3A_331 = arith.constant 4 : i32
      %swap3A_332 = arith.index_cast %swap3A_331 : i32 to index
      %swap3A_333 = arith.constant 64 : index
      %swap3A_334 = tpu.vector_load %arg8[%swap3A_332, %swap3A_333] {strides = array<i32>} : memref<32x128xf32, #tpu.memory_space<vmem>>, vector<16xf32>,
      tpu.vector_store %arg8[%swap3A_332, %swap3A_333], %gather3A_330 {strides = array<i32>} : memref<32x128xf32, #tpu.memory_space<vmem>>, vector<16xf32>,
      %gather3A_335 = tpu.vector_load_idx %arg6[%add3A_136, %broadcast_in_dim3A_309] : memref<128x128xf32, #tpu.memory_space<vmem>>[vector<16xi32>, vector<16xi32>], vector<16xf32>,
      %swap3A_336 = arith.constant 4 : i32
      %swap3A_337 = arith.index_cast %swap3A_336 : i32 to index
      %swap3A_338 = arith.constant 80 : index
      %swap3A_339 = tpu.vector_load %arg8[%swap3A_337, %swap3A_338] {strides = array<i32>} : memref<32x128xf32, #tpu.memory_space<vmem>>, vector<16xf32>,
      tpu.vector_store %arg8[%swap3A_337, %swap3A_338], %gather3A_335 {strides = array<i32>} : memref<32x128xf32, #tpu.memory_space<vmem>>, vector<16xf32>,
      %gather3A_340 = tpu.vector_load_idx %arg6[%add3A_139, %broadcast_in_dim3A_309] : memref<128x128xf32, #tpu.memory_space<vmem>>[vector<16xi32>, vector<16xi32>], vector<16xf32>,
      %swap3A_341 = arith.constant 4 : i32
      %swap3A_342 = arith.index_cast %swap3A_341 : i32 to index
      %swap3A_343 = arith.constant 96 : index
      %swap3A_344 = tpu.vector_load %arg8[%swap3A_342, %swap3A_343] {strides = array<i32>} : memref<32x128xf32, #tpu.memory_space<vmem>>, vector<16xf32>,
      tpu.vector_store %arg8[%swap3A_342, %swap3A_343], %gather3A_340 {strides = array<i32>} : memref<32x128xf32, #tpu.memory_space<vmem>>, vector<16xf32>,
      %gather3A_345 = tpu.vector_load_idx %arg6[%add3A_142, %broadcast_in_dim3A_309] : memref<128x128xf32, #tpu.memory_space<vmem>>[vector<16xi32>, vector<16xi32>], vector<16xf32>,
      %swap3A_346 = arith.constant 4 : i32
      %swap3A_347 = arith.index_cast %swap3A_346 : i32 to index
      %swap3A_348 = arith.constant 112 : index
      %swap3A_349 = tpu.vector_load %arg8[%swap3A_347, %swap3A_348] {strides = array<i32>} : memref<32x128xf32, #tpu.memory_space<vmem>>, vector<16xf32>,
      tpu.vector_store %arg8[%swap3A_347, %swap3A_348], %gather3A_345 {strides = array<i32>} : memref<32x128xf32, #tpu.memory_space<vmem>>, vector<16xf32>,
      %broadcast_in_dim3A_350 = arith.constant 5 : i32
      %broadcast_in_dim3A_351 = vector.broadcast %broadcast_in_dim3A_350 : i32 to vector<16xi32>
      %gather3A_352 = tpu.vector_load_idx %arg6[%add3A_121, %broadcast_in_dim3A_351] : memref<128x128xf32, #tpu.memory_space<vmem>>[vector<16xi32>, vector<16xi32>], vector<16xf32>,
      %swap3A_353 = arith.constant 5 : i32
      %swap3A_354 = arith.index_cast %swap3A_353 : i32 to index
      %swap3A_355 = arith.constant 0 : index
      %swap3A_356 = tpu.vector_load %arg8[%swap3A_354, %swap3A_355] {strides = array<i32>} : memref<32x128xf32, #tpu.memory_space<vmem>>, vector<16xf32>,
      tpu.vector_store %arg8[%swap3A_354, %swap3A_355], %gather3A_352 {strides = array<i32>} : memref<32x128xf32, #tpu.memory_space<vmem>>, vector<16xf32>,
      %gather3A_357 = tpu.vector_load_idx %arg6[%add3A_124, %broadcast_in_dim3A_351] : memref<128x128xf32, #tpu.memory_space<vmem>>[vector<16xi32>, vector<16xi32>], vector<16xf32>,
      %swap3A_358 = arith.constant 5 : i32
      %swap3A_359 = arith.index_cast %swap3A_358 : i32 to index
      %swap3A_360 = arith.constant 16 : index
      %swap3A_361 = tpu.vector_load %arg8[%swap3A_359, %swap3A_360] {strides = array<i32>} : memref<32x128xf32, #tpu.memory_space<vmem>>, vector<16xf32>,
      tpu.vector_store %arg8[%swap3A_359, %swap3A_360], %gather3A_357 {strides = array<i32>} : memref<32x128xf32, #tpu.memory_space<vmem>>, vector<16xf32>,
      %gather3A_362 = tpu.vector_load_idx %arg6[%add3A_127, %broadcast_in_dim3A_351] : memref<128x128xf32, #tpu.memory_space<vmem>>[vector<16xi32>, vector<16xi32>], vector<16xf32>,
      %swap3A_363 = arith.constant 5 : i32
      %swap3A_364 = arith.index_cast %swap3A_363 : i32 to index
      %swap3A_365 = arith.constant 32 : index
      %swap3A_366 = tpu.vector_load %arg8[%swap3A_364, %swap3A_365] {strides = array<i32>} : memref<32x128xf32, #tpu.memory_space<vmem>>, vector<16xf32>,
      tpu.vector_store %arg8[%swap3A_364, %swap3A_365], %gather3A_362 {strides = array<i32>} : memref<32x128xf32, #tpu.memory_space<vmem>>, vector<16xf32>,
      %gather3A_367 = tpu.vector_load_idx %arg6[%add3A_130, %broadcast_in_dim3A_351] : memref<128x128xf32, #tpu.memory_space<vmem>>[vector<16xi32>, vector<16xi32>], vector<16xf32>,
      %swap3A_368 = arith.constant 5 : i32
      %swap3A_369 = arith.index_cast %swap3A_368 : i32 to index
      %swap3A_370 = arith.constant 48 : index
      %swap3A_371 = tpu.vector_load %arg8[%swap3A_369, %swap3A_370] {strides = array<i32>} : memref<32x128xf32, #tpu.memory_space<vmem>>, vector<16xf32>,
      tpu.vector_store %arg8[%swap3A_369, %swap3A_370], %gather3A_367 {strides = array<i32>} : memref<32x128xf32, #tpu.memory_space<vmem>>, vector<16xf32>,
      %gather3A_372 = tpu.vector_load_idx %arg6[%add3A_133, %broadcast_in_dim3A_351] : memref<128x128xf32, #tpu.memory_space<vmem>>[vector<16xi32>, vector<16xi32>], vector<16xf32>,
      %swap3A_373 = arith.constant 5 : i32
      %swap3A_374 = arith.index_cast %swap3A_373 : i32 to index
      %swap3A_375 = arith.constant 64 : index
      %swap3A_376 = tpu.vector_load %arg8[%swap3A_374, %swap3A_375] {strides = array<i32>} : memref<32x128xf32, #tpu.memory_space<vmem>>, vector<16xf32>,
      tpu.vector_store %arg8[%swap3A_374, %swap3A_375], %gather3A_372 {strides = array<i32>} : memref<32x128xf32, #tpu.memory_space<vmem>>, vector<16xf32>,
      %gather3A_377 = tpu.vector_load_idx %arg6[%add3A_136, %broadcast_in_dim3A_351] : memref<128x128xf32, #tpu.memory_space<vmem>>[vector<16xi32>, vector<16xi32>], vector<16xf32>,
      %swap3A_378 = arith.constant 5 : i32
      %swap3A_379 = arith.index_cast %swap3A_378 : i32 to index
      %swap3A_380 = arith.constant 80 : index
      %swap3A_381 = tpu.vector_load %arg8[%swap3A_379, %swap3A_380] {strides = array<i32>} : memref<32x128xf32, #tpu.memory_space<vmem>>, vector<16xf32>,
      tpu.vector_store %arg8[%swap3A_379, %swap3A_380], %gather3A_377 {strides = array<i32>} : memref<32x128xf32, #tpu.memory_space<vmem>>, vector<16xf32>,
      %gather3A_382 = tpu.vector_load_idx %arg6[%add3A_139, %broadcast_in_dim3A_351] : memref<128x128xf32, #tpu.memory_space<vmem>>[vector<16xi32>, vector<16xi32>], vector<16xf32>,
      %swap3A_383 = arith.constant 5 : i32
      %swap3A_384 = arith.index_cast %swap3A_383 : i32 to index
      %swap3A_385 = arith.constant 96 : index
      %swap3A_386 = tpu.vector_load %arg8[%swap3A_384, %swap3A_385] {strides = array<i32>} : memref<32x128xf32, #tpu.memory_space<vmem>>, vector<16xf32>,
      tpu.vector_store %arg8[%swap3A_384, %swap3A_385], %gather3A_382 {strides = array<i32>} : memref<32x128xf32, #tpu.memory_space<vmem>>, vector<16xf32>,
      %gather3A_387 = tpu.vector_load_idx %arg6[%add3A_142, %broadcast_in_dim3A_351] : memref<128x128xf32, #tpu.memory_space<vmem>>[vector<16xi32>, vector<16xi32>], vector<16xf32>,
      %swap3A_388 = arith.constant 5 : i32
      %swap3A_389 = arith.index_cast %swap3A_388 : i32 to index
      %swap3A_390 = arith.constant 112 : index
      %swap3A_391 = tpu.vector_load %arg8[%swap3A_389, %swap3A_390] {strides = array<i32>} : memref<32x128xf32, #tpu.memory_space<vmem>>, vector<16xf32>,
      tpu.vector_store %arg8[%swap3A_389, %swap3A_390], %gather3A_387 {strides = array<i32>} : memref<32x128xf32, #tpu.memory_space<vmem>>, vector<16xf32>,
      %broadcast_in_dim3A_392 = arith.constant 6 : i32
      %broadcast_in_dim3A_393 = vector.broadcast %broadcast_in_dim3A_392 : i32 to vector<16xi32>
      %gather3A_394 = tpu.vector_load_idx %arg6[%add3A_121, %broadcast_in_dim3A_393] : memref<128x128xf32, #tpu.memory_space<vmem>>[vector<16xi32>, vector<16xi32>], vector<16xf32>,
      %swap3A_395 = arith.constant 6 : i32
      %swap3A_396 = arith.index_cast %swap3A_395 : i32 to index
      %swap3A_397 = arith.constant 0 : index
      %swap3A_398 = tpu.vector_load %arg8[%swap3A_396, %swap3A_397] {strides = array<i32>} : memref<32x128xf32, #tpu.memory_space<vmem>>, vector<16xf32>,
      tpu.vector_store %arg8[%swap3A_396, %swap3A_397], %gather3A_394 {strides = array<i32>} : memref<32x128xf32, #tpu.memory_space<vmem>>, vector<16xf32>,
      %gather3A_399 = tpu.vector_load_idx %arg6[%add3A_124, %broadcast_in_dim3A_393] : memref<128x128xf32, #tpu.memory_space<vmem>>[vector<16xi32>, vector<16xi32>], vector<16xf32>,
      %swap3A_400 = arith.constant 6 : i32
      %swap3A_401 = arith.index_cast %swap3A_400 : i32 to index
      %swap3A_402 = arith.constant 16 : index
      %swap3A_403 = tpu.vector_load %arg8[%swap3A_401, %swap3A_402] {strides = array<i32>} : memref<32x128xf32, #tpu.memory_space<vmem>>, vector<16xf32>,
      tpu.vector_store %arg8[%swap3A_401, %swap3A_402], %gather3A_399 {strides = array<i32>} : memref<32x128xf32, #tpu.memory_space<vmem>>, vector<16xf32>,
      %gather3A_404 = tpu.vector_load_idx %arg6[%add3A_127, %broadcast_in_dim3A_393] : memref<128x128xf32, #tpu.memory_space<vmem>>[vector<16xi32>, vector<16xi32>], vector<16xf32>,
      %swap3A_405 = arith.constant 6 : i32
      %swap3A_406 = arith.index_cast %swap3A_405 : i32 to index
      %swap3A_407 = arith.constant 32 : index
      %swap3A_408 = tpu.vector_load %arg8[%swap3A_406, %swap3A_407] {strides = array<i32>} : memref<32x128xf32, #tpu.memory_space<vmem>>, vector<16xf32>,
      tpu.vector_store %arg8[%swap3A_406, %swap3A_407], %gather3A_404 {strides = array<i32>} : memref<32x128xf32, #tpu.memory_space<vmem>>, vector<16xf32>,
      %gather3A_409 = tpu.vector_load_idx %arg6[%add3A_130, %broadcast_in_dim3A_393] : memref<128x128xf32, #tpu.memory_space<vmem>>[vector<16xi32>, vector<16xi32>], vector<16xf32>,
      %swap3A_410 = arith.constant 6 : i32
      %swap3A_411 = arith.index_cast %swap3A_410 : i32 to index
      %swap3A_412 = arith.constant 48 : index
      %swap3A_413 = tpu.vector_load %arg8[%swap3A_411, %swap3A_412] {strides = array<i32>} : memref<32x128xf32, #tpu.memory_space<vmem>>, vector<16xf32>,
      tpu.vector_store %arg8[%swap3A_411, %swap3A_412], %gather3A_409 {strides = array<i32>} : memref<32x128xf32, #tpu.memory_space<vmem>>, vector<16xf32>,
      %gather3A_414 = tpu.vector_load_idx %arg6[%add3A_133, %broadcast_in_dim3A_393] : memref<128x128xf32, #tpu.memory_space<vmem>>[vector<16xi32>, vector<16xi32>], vector<16xf32>,
      %swap3A_415 = arith.constant 6 : i32
      %swap3A_416 = arith.index_cast %swap3A_415 : i32 to index
      %swap3A_417 = arith.constant 64 : index
      %swap3A_418 = tpu.vector_load %arg8[%swap3A_416, %swap3A_417] {strides = array<i32>} : memref<32x128xf32, #tpu.memory_space<vmem>>, vector<16xf32>,
      tpu.vector_store %arg8[%swap3A_416, %swap3A_417], %gather3A_414 {strides = array<i32>} : memref<32x128xf32, #tpu.memory_space<vmem>>, vector<16xf32>,
      %gather3A_419 = tpu.vector_load_idx %arg6[%add3A_136, %broadcast_in_dim3A_393] : memref<128x128xf32, #tpu.memory_space<vmem>>[vector<16xi32>, vector<16xi32>], vector<16xf32>,
      %swap3A_420 = arith.constant 6 : i32
      %swap3A_421 = arith.index_cast %swap3A_420 : i32 to index
      %swap3A_422 = arith.constant 80 : index
      %swap3A_423 = tpu.vector_load %arg8[%swap3A_421, %swap3A_422] {strides = array<i32>} : memref<32x128xf32, #tpu.memory_space<vmem>>, vector<16xf32>,
      tpu.vector_store %arg8[%swap3A_421, %swap3A_422], %gather3A_419 {strides = array<i32>} : memref<32x128xf32, #tpu.memory_space<vmem>>, vector<16xf32>,
      %gather3A_424 = tpu.vector_load_idx %arg6[%add3A_139, %broadcast_in_dim3A_393] : memref<128x128xf32, #tpu.memory_space<vmem>>[vector<16xi32>, vector<16xi32>], vector<16xf32>,
      %swap3A_425 = arith.constant 6 : i32
      %swap3A_426 = arith.index_cast %swap3A_425 : i32 to index
      %swap3A_427 = arith.constant 96 : index
      %swap3A_428 = tpu.vector_load %arg8[%swap3A_426, %swap3A_427] {strides = array<i32>} : memref<32x128xf32, #tpu.memory_space<vmem>>, vector<16xf32>,
      tpu.vector_store %arg8[%swap3A_426, %swap3A_427], %gather3A_424 {strides = array<i32>} : memref<32x128xf32, #tpu.memory_space<vmem>>, vector<16xf32>,
      %gather3A_429 = tpu.vector_load_idx %arg6[%add3A_142, %broadcast_in_dim3A_393] : memref<128x128xf32, #tpu.memory_space<vmem>>[vector<16xi32>, vector<16xi32>], vector<16xf32>,
      %swap3A_430 = arith.constant 6 : i32
      %swap3A_431 = arith.index_cast %swap3A_430 : i32 to index
      %swap3A_432 = arith.constant 112 : index
      %swap3A_433 = tpu.vector_load %arg8[%swap3A_431, %swap3A_432] {strides = array<i32>} : memref<32x128xf32, #tpu.memory_space<vmem>>, vector<16xf32>,
      tpu.vector_store %arg8[%swap3A_431, %swap3A_432], %gather3A_429 {strides = array<i32>} : memref<32x128xf32, #tpu.memory_space<vmem>>, vector<16xf32>,
      %broadcast_in_dim3A_434 = arith.constant 7 : i32
      %broadcast_in_dim3A_435 = vector.broadcast %broadcast_in_dim3A_434 : i32 to vector<16xi32>
      %gather3A_436 = tpu.vector_load_idx %arg6[%add3A_121, %broadcast_in_dim3A_435] : memref<128x128xf32, #tpu.memory_space<vmem>>[vector<16xi32>, vector<16xi32>], vector<16xf32>,
      %swap3A_437 = arith.constant 7 : i32
      %swap3A_438 = arith.index_cast %swap3A_437 : i32 to index
      %swap3A_439 = arith.constant 0 : index
      %swap3A_440 = tpu.vector_load %arg8[%swap3A_438, %swap3A_439] {strides = array<i32>} : memref<32x128xf32, #tpu.memory_space<vmem>>, vector<16xf32>,
      tpu.vector_store %arg8[%swap3A_438, %swap3A_439], %gather3A_436 {strides = array<i32>} : memref<32x128xf32, #tpu.memory_space<vmem>>, vector<16xf32>,
      %gather3A_441 = tpu.vector_load_idx %arg6[%add3A_124, %broadcast_in_dim3A_435] : memref<128x128xf32, #tpu.memory_space<vmem>>[vector<16xi32>, vector<16xi32>], vector<16xf32>,
      %swap3A_442 = arith.constant 7 : i32
      %swap3A_443 = arith.index_cast %swap3A_442 : i32 to index
      %swap3A_444 = arith.constant 16 : index
      %swap3A_445 = tpu.vector_load %arg8[%swap3A_443, %swap3A_444] {strides = array<i32>} : memref<32x128xf32, #tpu.memory_space<vmem>>, vector<16xf32>,
      tpu.vector_store %arg8[%swap3A_443, %swap3A_444], %gather3A_441 {strides = array<i32>} : memref<32x128xf32, #tpu.memory_space<vmem>>, vector<16xf32>,
      %gather3A_446 = tpu.vector_load_idx %arg6[%add3A_127, %broadcast_in_dim3A_435] : memref<128x128xf32, #tpu.memory_space<vmem>>[vector<16xi32>, vector<16xi32>], vector<16xf32>,
      %swap3A_447 = arith.constant 7 : i32
      %swap3A_448 = arith.index_cast %swap3A_447 : i32 to index
      %swap3A_449 = arith.constant 32 : index
      %swap3A_450 = tpu.vector_load %arg8[%swap3A_448, %swap3A_449] {strides = array<i32>} : memref<32x128xf32, #tpu.memory_space<vmem>>, vector<16xf32>,
      tpu.vector_store %arg8[%swap3A_448, %swap3A_449], %gather3A_446 {strides = array<i32>} : memref<32x128xf32, #tpu.memory_space<vmem>>, vector<16xf32>,
      %gather3A_451 = tpu.vector_load_idx %arg6[%add3A_130, %broadcast_in_dim3A_435] : memref<128x128xf32, #tpu.memory_space<vmem>>[vector<16xi32>, vector<16xi32>], vector<16xf32>,
      %swap3A_452 = arith.constant 7 : i32
      %swap3A_453 = arith.index_cast %swap3A_452 : i32 to index
      %swap3A_454 = arith.constant 48 : index
      %swap3A_455 = tpu.vector_load %arg8[%swap3A_453, %swap3A_454] {strides = array<i32>} : memref<32x128xf32, #tpu.memory_space<vmem>>, vector<16xf32>,
      tpu.vector_store %arg8[%swap3A_453, %swap3A_454], %gather3A_451 {strides = array<i32>} : memref<32x128xf32, #tpu.memory_space<vmem>>, vector<16xf32>,
      %gather3A_456 = tpu.vector_load_idx %arg6[%add3A_133, %broadcast_in_dim3A_435] : memref<128x128xf32, #tpu.memory_space<vmem>>[vector<16xi32>, vector<16xi32>], vector<16xf32>,
      %swap3A_457 = arith.constant 7 : i32
      %swap3A_458 = arith.index_cast %swap3A_457 : i32 to index
      %swap3A_459 = arith.constant 64 : index
      %swap3A_460 = tpu.vector_load %arg8[%swap3A_458, %swap3A_459] {strides = array<i32>} : memref<32x128xf32, #tpu.memory_space<vmem>>, vector<16xf32>,
      tpu.vector_store %arg8[%swap3A_458, %swap3A_459], %gather3A_456 {strides = array<i32>} : memref<32x128xf32, #tpu.memory_space<vmem>>, vector<16xf32>,
      %gather3A_461 = tpu.vector_load_idx %arg6[%add3A_136, %broadcast_in_dim3A_435] : memref<128x128xf32, #tpu.memory_space<vmem>>[vector<16xi32>, vector<16xi32>], vector<16xf32>,
      %swap3A_462 = arith.constant 7 : i32
      %swap3A_463 = arith.index_cast %swap3A_462 : i32 to index
      %swap3A_464 = arith.constant 80 : index
      %swap3A_465 = tpu.vector_load %arg8[%swap3A_463, %swap3A_464] {strides = array<i32>} : memref<32x128xf32, #tpu.memory_space<vmem>>, vector<16xf32>,
      tpu.vector_store %arg8[%swap3A_463, %swap3A_464], %gather3A_461 {strides = array<i32>} : memref<32x128xf32, #tpu.memory_space<vmem>>, vector<16xf32>,
      %gather3A_466 = tpu.vector_load_idx %arg6[%add3A_139, %broadcast_in_dim3A_435] : memref<128x128xf32, #tpu.memory_space<vmem>>[vector<16xi32>, vector<16xi32>], vector<16xf32>,
      %swap3A_467 = arith.constant 7 : i32
      %swap3A_468 = arith.index_cast %swap3A_467 : i32 to index
      %swap3A_469 = arith.constant 96 : index
      %swap3A_470 = tpu.vector_load %arg8[%swap3A_468, %swap3A_469] {strides = array<i32>} : memref<32x128xf32, #tpu.memory_space<vmem>>, vector<16xf32>,
      tpu.vector_store %arg8[%swap3A_468, %swap3A_469], %gather3A_466 {strides = array<i32>} : memref<32x128xf32, #tpu.memory_space<vmem>>, vector<16xf32>,
      %gather3A_471 = tpu.vector_load_idx %arg6[%add3A_142, %broadcast_in_dim3A_435] : memref<128x128xf32, #tpu.memory_space<vmem>>[vector<16xi32>, vector<16xi32>], vector<16xf32>,
      %swap3A_472 = arith.constant 7 : i32
      %swap3A_473 = arith.index_cast %swap3A_472 : i32 to index
      %swap3A_474 = arith.constant 112 : index
      %swap3A_475 = tpu.vector_load %arg8[%swap3A_473, %swap3A_474] {strides = array<i32>} : memref<32x128xf32, #tpu.memory_space<vmem>>, vector<16xf32>,
      tpu.vector_store %arg8[%swap3A_473, %swap3A_474], %gather3A_471 {strides = array<i32>} : memref<32x128xf32, #tpu.memory_space<vmem>>, vector<16xf32>,
      %broadcast_in_dim3A_476 = arith.constant 8 : i32
      %broadcast_in_dim3A_477 = vector.broadcast %broadcast_in_dim3A_476 : i32 to vector<16xi32>
      %gather3A_478 = tpu.vector_load_idx %arg6[%add3A_121, %broadcast_in_dim3A_477] : memref<128x128xf32, #tpu.memory_space<vmem>>[vector<16xi32>, vector<16xi32>], vector<16xf32>,
      %swap3A_479 = arith.constant 8 : i32
      %swap3A_480 = arith.index_cast %swap3A_479 : i32 to index
      %swap3A_481 = arith.constant 0 : index
      %swap3A_482 = tpu.vector_load %arg8[%swap3A_480, %swap3A_481] {strides = array<i32>} : memref<32x128xf32, #tpu.memory_space<vmem>>, vector<16xf32>,
      tpu.vector_store %arg8[%swap3A_480, %swap3A_481], %gather3A_478 {strides = array<i32>} : memref<32x128xf32, #tpu.memory_space<vmem>>, vector<16xf32>,
      %gather3A_483 = tpu.vector_load_idx %arg6[%add3A_124, %broadcast_in_dim3A_477] : memref<128x128xf32, #tpu.memory_space<vmem>>[vector<16xi32>, vector<16xi32>], vector<16xf32>,
      %swap3A_484 = arith.constant 8 : i32
      %swap3A_485 = arith.index_cast %swap3A_484 : i32 to index
      %swap3A_486 = arith.constant 16 : index
      %swap3A_487 = tpu.vector_load %arg8[%swap3A_485, %swap3A_486] {strides = array<i32>} : memref<32x128xf32, #tpu.memory_space<vmem>>, vector<16xf32>,
      tpu.vector_store %arg8[%swap3A_485, %swap3A_486], %gather3A_483 {strides = array<i32>} : memref<32x128xf32, #tpu.memory_space<vmem>>, vector<16xf32>,
      %gather3A_488 = tpu.vector_load_idx %arg6[%add3A_127, %broadcast_in_dim3A_477] : memref<128x128xf32, #tpu.memory_space<vmem>>[vector<16xi32>, vector<16xi32>], vector<16xf32>,
      %swap3A_489 = arith.constant 8 : i32
      %swap3A_490 = arith.index_cast %swap3A_489 : i32 to index
      %swap3A_491 = arith.constant 32 : index
      %swap3A_492 = tpu.vector_load %arg8[%swap3A_490, %swap3A_491] {strides = array<i32>} : memref<32x128xf32, #tpu.memory_space<vmem>>, vector<16xf32>,
      tpu.vector_store %arg8[%swap3A_490, %swap3A_491], %gather3A_488 {strides = array<i32>} : memref<32x128xf32, #tpu.memory_space<vmem>>, vector<16xf32>,
      %gather3A_493 = tpu.vector_load_idx %arg6[%add3A_130, %broadcast_in_dim3A_477] : memref<128x128xf32, #tpu.memory_space<vmem>>[vector<16xi32>, vector<16xi32>], vector<16xf32>,
      %swap3A_494 = arith.constant 8 : i32
      %swap3A_495 = arith.index_cast %swap3A_494 : i32 to index
      %swap3A_496 = arith.constant 48 : index
      %swap3A_497 = tpu.vector_load %arg8[%swap3A_495, %swap3A_496] {strides = array<i32>} : memref<32x128xf32, #tpu.memory_space<vmem>>, vector<16xf32>,
      tpu.vector_store %arg8[%swap3A_495, %swap3A_496], %gather3A_493 {strides = array<i32>} : memref<32x128xf32, #tpu.memory_space<vmem>>, vector<16xf32>,
      %gather3A_498 = tpu.vector_load_idx %arg6[%add3A_133, %broadcast_in_dim3A_477] : memref<128x128xf32, #tpu.memory_space<vmem>>[vector<16xi32>, vector<16xi32>], vector<16xf32>,
      %swap3A_499 = arith.constant 8 : i32
      %swap3A_500 = arith.index_cast %swap3A_499 : i32 to index
      %swap3A_501 = arith.constant 64 : index
      %swap3A_502 = tpu.vector_load %arg8[%swap3A_500, %swap3A_501] {strides = array<i32>} : memref<32x128xf32, #tpu.memory_space<vmem>>, vector<16xf32>,
      tpu.vector_store %arg8[%swap3A_500, %swap3A_501], %gather3A_498 {strides = array<i32>} : memref<32x128xf32, #tpu.memory_space<vmem>>, vector<16xf32>,
      %gather3A_503 = tpu.vector_load_idx %arg6[%add3A_136, %broadcast_in_dim3A_477] : memref<128x128xf32, #tpu.memory_space<vmem>>[vector<16xi32>, vector<16xi32>], vector<16xf32>,
      %swap3A_504 = arith.constant 8 : i32
      %swap3A_505 = arith.index_cast %swap3A_504 : i32 to index
      %swap3A_506 = arith.constant 80 : index
      %swap3A_507 = tpu.vector_load %arg8[%swap3A_505, %swap3A_506] {strides = array<i32>} : memref<32x128xf32, #tpu.memory_space<vmem>>, vector<16xf32>,
      tpu.vector_store %arg8[%swap3A_505, %swap3A_506], %gather3A_503 {strides = array<i32>} : memref<32x128xf32, #tpu.memory_space<vmem>>, vector<16xf32>,
      %gather3A_508 = tpu.vector_load_idx %arg6[%add3A_139, %broadcast_in_dim3A_477] : memref<128x128xf32, #tpu.memory_space<vmem>>[vector<16xi32>, vector<16xi32>], vector<16xf32>,
      %swap3A_509 = arith.constant 8 : i32
      %swap3A_510 = arith.index_cast %swap3A_509 : i32 to index
      %swap3A_511 = arith.constant 96 : index
      %swap3A_512 = tpu.vector_load %arg8[%swap3A_510, %swap3A_511] {strides = array<i32>} : memref<32x128xf32, #tpu.memory_space<vmem>>, vector<16xf32>,
      tpu.vector_store %arg8[%swap3A_510, %swap3A_511], %gather3A_508 {strides = array<i32>} : memref<32x128xf32, #tpu.memory_space<vmem>>, vector<16xf32>,
      %gather3A_513 = tpu.vector_load_idx %arg6[%add3A_142, %broadcast_in_dim3A_477] : memref<128x128xf32, #tpu.memory_space<vmem>>[vector<16xi32>, vector<16xi32>], vector<16xf32>,
      %swap3A_514 = arith.constant 8 : i32
      %swap3A_515 = arith.index_cast %swap3A_514 : i32 to index
      %swap3A_516 = arith.constant 112 : index
      %swap3A_517 = tpu.vector_load %arg8[%swap3A_515, %swap3A_516] {strides = array<i32>} : memref<32x128xf32, #tpu.memory_space<vmem>>, vector<16xf32>,
      tpu.vector_store %arg8[%swap3A_515, %swap3A_516], %gather3A_513 {strides = array<i32>} : memref<32x128xf32, #tpu.memory_space<vmem>>, vector<16xf32>,
      %broadcast_in_dim3A_518 = arith.constant 9 : i32
      %broadcast_in_dim3A_519 = vector.broadcast %broadcast_in_dim3A_518 : i32 to vector<16xi32>
      %gather3A_520 = tpu.vector_load_idx %arg6[%add3A_121, %broadcast_in_dim3A_519] : memref<128x128xf32, #tpu.memory_space<vmem>>[vector<16xi32>, vector<16xi32>], vector<16xf32>,
      %swap3A_521 = arith.constant 9 : i32
      %swap3A_522 = arith.index_cast %swap3A_521 : i32 to index
      %swap3A_523 = arith.constant 0 : index
      %swap3A_524 = tpu.vector_load %arg8[%swap3A_522, %swap3A_523] {strides = array<i32>} : memref<32x128xf32, #tpu.memory_space<vmem>>, vector<16xf32>,
      tpu.vector_store %arg8[%swap3A_522, %swap3A_523], %gather3A_520 {strides = array<i32>} : memref<32x128xf32, #tpu.memory_space<vmem>>, vector<16xf32>,
      %gather3A_525 = tpu.vector_load_idx %arg6[%add3A_124, %broadcast_in_dim3A_519] : memref<128x128xf32, #tpu.memory_space<vmem>>[vector<16xi32>, vector<16xi32>], vector<16xf32>,
      %swap3A_526 = arith.constant 9 : i32
      %swap3A_527 = arith.index_cast %swap3A_526 : i32 to index
      %swap3A_528 = arith.constant 16 : index
      %swap3A_529 = tpu.vector_load %arg8[%swap3A_527, %swap3A_528] {strides = array<i32>} : memref<32x128xf32, #tpu.memory_space<vmem>>, vector<16xf32>,
      tpu.vector_store %arg8[%swap3A_527, %swap3A_528], %gather3A_525 {strides = array<i32>} : memref<32x128xf32, #tpu.memory_space<vmem>>, vector<16xf32>,
      %gather3A_530 = tpu.vector_load_idx %arg6[%add3A_127, %broadcast_in_dim3A_519] : memref<128x128xf32, #tpu.memory_space<vmem>>[vector<16xi32>, vector<16xi32>], vector<16xf32>,
      %swap3A_531 = arith.constant 9 : i32
      %swap3A_532 = arith.index_cast %swap3A_531 : i32 to index
      %swap3A_533 = arith.constant 32 : index
      %swap3A_534 = tpu.vector_load %arg8[%swap3A_532, %swap3A_533] {strides = array<i32>} : memref<32x128xf32, #tpu.memory_space<vmem>>, vector<16xf32>,
      tpu.vector_store %arg8[%swap3A_532, %swap3A_533], %gather3A_530 {strides = array<i32>} : memref<32x128xf32, #tpu.memory_space<vmem>>, vector<16xf32>,
      %gather3A_535 = tpu.vector_load_idx %arg6[%add3A_130, %broadcast_in_dim3A_519] : memref<128x128xf32, #tpu.memory_space<vmem>>[vector<16xi32>, vector<16xi32>], vector<16xf32>,
      %swap3A_536 = arith.constant 9 : i32
      %swap3A_537 = arith.index_cast %swap3A_536 : i32 to index
      %swap3A_538 = arith.constant 48 : index
      %swap3A_539 = tpu.vector_load %arg8[%swap3A_537, %swap3A_538] {strides = array<i32>} : memref<32x128xf32, #tpu.memory_space<vmem>>, vector<16xf32>,
      tpu.vector_store %arg8[%swap3A_537, %swap3A_538], %gather3A_535 {strides = array<i32>} : memref<32x128xf32, #tpu.memory_space<vmem>>, vector<16xf32>,
      %gather3A_540 = tpu.vector_load_idx %arg6[%add3A_133, %broadcast_in_dim3A_519] : memref<128x128xf32, #tpu.memory_space<vmem>>[vector<16xi32>, vector<16xi32>], vector<16xf32>,
      %swap3A_541 = arith.constant 9 : i32
      %swap3A_542 = arith.index_cast %swap3A_541 : i32 to index
      %swap3A_543 = arith.constant 64 : index
      %swap3A_544 = tpu.vector_load %arg8[%swap3A_542, %swap3A_543] {strides = array<i32>} : memref<32x128xf32, #tpu.memory_space<vmem>>, vector<16xf32>,
      tpu.vector_store %arg8[%swap3A_542, %swap3A_543], %gather3A_540 {strides = array<i32>} : memref<32x128xf32, #tpu.memory_space<vmem>>, vector<16xf32>,
      %gather3A_545 = tpu.vector_load_idx %arg6[%add3A_136, %broadcast_in_dim3A_519] : memref<128x128xf32, #tpu.memory_space<vmem>>[vector<16xi32>, vector<16xi32>], vector<16xf32>,
      %swap3A_546 = arith.constant 9 : i32
      %swap3A_547 = arith.index_cast %swap3A_546 : i32 to index
      %swap3A_548 = arith.constant 80 : index
      %swap3A_549 = tpu.vector_load %arg8[%swap3A_547, %swap3A_548] {strides = array<i32>} : memref<32x128xf32, #tpu.memory_space<vmem>>, vector<16xf32>,
      tpu.vector_store %arg8[%swap3A_547, %swap3A_548], %gather3A_545 {strides = array<i32>} : memref<32x128xf32, #tpu.memory_space<vmem>>, vector<16xf32>,
      %gather3A_550 = tpu.vector_load_idx %arg6[%add3A_139, %broadcast_in_dim3A_519] : memref<128x128xf32, #tpu.memory_space<vmem>>[vector<16xi32>, vector<16xi32>], vector<16xf32>,
      %swap3A_551 = arith.constant 9 : i32
      %swap3A_552 = arith.index_cast %swap3A_551 : i32 to index
      %swap3A_553 = arith.constant 96 : index
      %swap3A_554 = tpu.vector_load %arg8[%swap3A_552, %swap3A_553] {strides = array<i32>} : memref<32x128xf32, #tpu.memory_space<vmem>>, vector<16xf32>,
      tpu.vector_store %arg8[%swap3A_552, %swap3A_553], %gather3A_550 {strides = array<i32>} : memref<32x128xf32, #tpu.memory_space<vmem>>, vector<16xf32>,
      %gather3A_555 = tpu.vector_load_idx %arg6[%add3A_142, %broadcast_in_dim3A_519] : memref<128x128xf32, #tpu.memory_space<vmem>>[vector<16xi32>, vector<16xi32>], vector<16xf32>,
      %swap3A_556 = arith.constant 9 : i32
      %swap3A_557 = arith.index_cast %swap3A_556 : i32 to index
      %swap3A_558 = arith.constant 112 : index
      %swap3A_559 = tpu.vector_load %arg8[%swap3A_557, %swap3A_558] {strides = array<i32>} : memref<32x128xf32, #tpu.memory_space<vmem>>, vector<16xf32>,
      tpu.vector_store %arg8[%swap3A_557, %swap3A_558], %gather3A_555 {strides = array<i32>} : memref<32x128xf32, #tpu.memory_space<vmem>>, vector<16xf32>,
      %broadcast_in_dim3A_560 = arith.constant 10 : i32
      %broadcast_in_dim3A_561 = vector.broadcast %broadcast_in_dim3A_560 : i32 to vector<16xi32>
      %gather3A_562 = tpu.vector_load_idx %arg6[%add3A_121, %broadcast_in_dim3A_561] : memref<128x128xf32, #tpu.memory_space<vmem>>[vector<16xi32>, vector<16xi32>], vector<16xf32>,
      %swap3A_563 = arith.constant 10 : i32
      %swap3A_564 = arith.index_cast %swap3A_563 : i32 to index
      %swap3A_565 = arith.constant 0 : index
      %swap3A_566 = tpu.vector_load %arg8[%swap3A_564, %swap3A_565] {strides = array<i32>} : memref<32x128xf32, #tpu.memory_space<vmem>>, vector<16xf32>,
      tpu.vector_store %arg8[%swap3A_564, %swap3A_565], %gather3A_562 {strides = array<i32>} : memref<32x128xf32, #tpu.memory_space<vmem>>, vector<16xf32>,
      %gather3A_567 = tpu.vector_load_idx %arg6[%add3A_124, %broadcast_in_dim3A_561] : memref<128x128xf32, #tpu.memory_space<vmem>>[vector<16xi32>, vector<16xi32>], vector<16xf32>,
      %swap3A_568 = arith.constant 10 : i32
      %swap3A_569 = arith.index_cast %swap3A_568 : i32 to index
      %swap3A_570 = arith.constant 16 : index
      %swap3A_571 = tpu.vector_load %arg8[%swap3A_569, %swap3A_570] {strides = array<i32>} : memref<32x128xf32, #tpu.memory_space<vmem>>, vector<16xf32>,
      tpu.vector_store %arg8[%swap3A_569, %swap3A_570], %gather3A_567 {strides = array<i32>} : memref<32x128xf32, #tpu.memory_space<vmem>>, vector<16xf32>,
      %gather3A_572 = tpu.vector_load_idx %arg6[%add3A_127, %broadcast_in_dim3A_561] : memref<128x128xf32, #tpu.memory_space<vmem>>[vector<16xi32>, vector<16xi32>], vector<16xf32>,
      %swap3A_573 = arith.constant 10 : i32
      %swap3A_574 = arith.index_cast %swap3A_573 : i32 to index
      %swap3A_575 = arith.constant 32 : index
      %swap3A_576 = tpu.vector_load %arg8[%swap3A_574, %swap3A_575] {strides = array<i32>} : memref<32x128xf32, #tpu.memory_space<vmem>>, vector<16xf32>,
      tpu.vector_store %arg8[%swap3A_574, %swap3A_575], %gather3A_572 {strides = array<i32>} : memref<32x128xf32, #tpu.memory_space<vmem>>, vector<16xf32>,
      %gather3A_577 = tpu.vector_load_idx %arg6[%add3A_130, %broadcast_in_dim3A_561] : memref<128x128xf32, #tpu.memory_space<vmem>>[vector<16xi32>, vector<16xi32>], vector<16xf32>,
      %swap3A_578 = arith.constant 10 : i32
      %swap3A_579 = arith.index_cast %swap3A_578 : i32 to index
      %swap3A_580 = arith.constant 48 : index
      %swap3A_581 = tpu.vector_load %arg8[%swap3A_579, %swap3A_580] {strides = array<i32>} : memref<32x128xf32, #tpu.memory_space<vmem>>, vector<16xf32>,
      tpu.vector_store %arg8[%swap3A_579, %swap3A_580], %gather3A_577 {strides = array<i32>} : memref<32x128xf32, #tpu.memory_space<vmem>>, vector<16xf32>,
      %gather3A_582 = tpu.vector_load_idx %arg6[%add3A_133, %broadcast_in_dim3A_561] : memref<128x128xf32, #tpu.memory_space<vmem>>[vector<16xi32>, vector<16xi32>], vector<16xf32>,
      %swap3A_583 = arith.constant 10 : i32
      %swap3A_584 = arith.index_cast %swap3A_583 : i32 to index
      %swap3A_585 = arith.constant 64 : index
      %swap3A_586 = tpu.vector_load %arg8[%swap3A_584, %swap3A_585] {strides = array<i32>} : memref<32x128xf32, #tpu.memory_space<vmem>>, vector<16xf32>,
      tpu.vector_store %arg8[%swap3A_584, %swap3A_585], %gather3A_582 {strides = array<i32>} : memref<32x128xf32, #tpu.memory_space<vmem>>, vector<16xf32>,
      %gather3A_587 = tpu.vector_load_idx %arg6[%add3A_136, %broadcast_in_dim3A_561] : memref<128x128xf32, #tpu.memory_space<vmem>>[vector<16xi32>, vector<16xi32>], vector<16xf32>,
      %swap3A_588 = arith.constant 10 : i32
      %swap3A_589 = arith.index_cast %swap3A_588 : i32 to index
      %swap3A_590 = arith.constant 80 : index
      %swap3A_591 = tpu.vector_load %arg8[%swap3A_589, %swap3A_590] {strides = array<i32>} : memref<32x128xf32, #tpu.memory_space<vmem>>, vector<16xf32>,
      tpu.vector_store %arg8[%swap3A_589, %swap3A_590], %gather3A_587 {strides = array<i32>} : memref<32x128xf32, #tpu.memory_space<vmem>>, vector<16xf32>,
      %gather3A_592 = tpu.vector_load_idx %arg6[%add3A_139, %broadcast_in_dim3A_561] : memref<128x128xf32, #tpu.memory_space<vmem>>[vector<16xi32>, vector<16xi32>], vector<16xf32>,
      %swap3A_593 = arith.constant 10 : i32
      %swap3A_594 = arith.index_cast %swap3A_593 : i32 to index
      %swap3A_595 = arith.constant 96 : index
      %swap3A_596 = tpu.vector_load %arg8[%swap3A_594, %swap3A_595] {strides = array<i32>} : memref<32x128xf32, #tpu.memory_space<vmem>>, vector<16xf32>,
      tpu.vector_store %arg8[%swap3A_594, %swap3A_595], %gather3A_592 {strides = array<i32>} : memref<32x128xf32, #tpu.memory_space<vmem>>, vector<16xf32>,
      %gather3A_597 = tpu.vector_load_idx %arg6[%add3A_142, %broadcast_in_dim3A_561] : memref<128x128xf32, #tpu.memory_space<vmem>>[vector<16xi32>, vector<16xi32>], vector<16xf32>,
      %swap3A_598 = arith.constant 10 : i32
      %swap3A_599 = arith.index_cast %swap3A_598 : i32 to index
      %swap3A_600 = arith.constant 112 : index
      %swap3A_601 = tpu.vector_load %arg8[%swap3A_599, %swap3A_600] {strides = array<i32>} : memref<32x128xf32, #tpu.memory_space<vmem>>, vector<16xf32>,
      tpu.vector_store %arg8[%swap3A_599, %swap3A_600], %gather3A_597 {strides = array<i32>} : memref<32x128xf32, #tpu.memory_space<vmem>>, vector<16xf32>,
      %broadcast_in_dim3A_602 = arith.constant 11 : i32
      %broadcast_in_dim3A_603 = vector.broadcast %broadcast_in_dim3A_602 : i32 to vector<16xi32>
      %gather3A_604 = tpu.vector_load_idx %arg6[%add3A_121, %broadcast_in_dim3A_603] : memref<128x128xf32, #tpu.memory_space<vmem>>[vector<16xi32>, vector<16xi32>], vector<16xf32>,
      %swap3A_605 = arith.constant 11 : i32
      %swap3A_606 = arith.index_cast %swap3A_605 : i32 to index
      %swap3A_607 = arith.constant 0 : index
      %swap3A_608 = tpu.vector_load %arg8[%swap3A_606, %swap3A_607] {strides = array<i32>} : memref<32x128xf32, #tpu.memory_space<vmem>>, vector<16xf32>,
      tpu.vector_store %arg8[%swap3A_606, %swap3A_607], %gather3A_604 {strides = array<i32>} : memref<32x128xf32, #tpu.memory_space<vmem>>, vector<16xf32>,
      %gather3A_609 = tpu.vector_load_idx %arg6[%add3A_124, %broadcast_in_dim3A_603] : memref<128x128xf32, #tpu.memory_space<vmem>>[vector<16xi32>, vector<16xi32>], vector<16xf32>,
      %swap3A_610 = arith.constant 11 : i32
      %swap3A_611 = arith.index_cast %swap3A_610 : i32 to index
      %swap3A_612 = arith.constant 16 : index
      %swap3A_613 = tpu.vector_load %arg8[%swap3A_611, %swap3A_612] {strides = array<i32>} : memref<32x128xf32, #tpu.memory_space<vmem>>, vector<16xf32>,
      tpu.vector_store %arg8[%swap3A_611, %swap3A_612], %gather3A_609 {strides = array<i32>} : memref<32x128xf32, #tpu.memory_space<vmem>>, vector<16xf32>,
      %gather3A_614 = tpu.vector_load_idx %arg6[%add3A_127, %broadcast_in_dim3A_603] : memref<128x128xf32, #tpu.memory_space<vmem>>[vector<16xi32>, vector<16xi32>], vector<16xf32>,
      %swap3A_615 = arith.constant 11 : i32
      %swap3A_616 = arith.index_cast %swap3A_615 : i32 to index
      %swap3A_617 = arith.constant 32 : index
      %swap3A_618 = tpu.vector_load %arg8[%swap3A_616, %swap3A_617] {strides = array<i32>} : memref<32x128xf32, #tpu.memory_space<vmem>>, vector<16xf32>,
      tpu.vector_store %arg8[%swap3A_616, %swap3A_617], %gather3A_614 {strides = array<i32>} : memref<32x128xf32, #tpu.memory_space<vmem>>, vector<16xf32>,
      %gather3A_619 = tpu.vector_load_idx %arg6[%add3A_130, %broadcast_in_dim3A_603] : memref<128x128xf32, #tpu.memory_space<vmem>>[vector<16xi32>, vector<16xi32>], vector<16xf32>,
      %swap3A_620 = arith.constant 11 : i32
      %swap3A_621 = arith.index_cast %swap3A_620 : i32 to index
      %swap3A_622 = arith.constant 48 : index
      %swap3A_623 = tpu.vector_load %arg8[%swap3A_621, %swap3A_622] {strides = array<i32>} : memref<32x128xf32, #tpu.memory_space<vmem>>, vector<16xf32>,
      tpu.vector_store %arg8[%swap3A_621, %swap3A_622], %gather3A_619 {strides = array<i32>} : memref<32x128xf32, #tpu.memory_space<vmem>>, vector<16xf32>,
      %gather3A_624 = tpu.vector_load_idx %arg6[%add3A_133, %broadcast_in_dim3A_603] : memref<128x128xf32, #tpu.memory_space<vmem>>[vector<16xi32>, vector<16xi32>], vector<16xf32>,
      %swap3A_625 = arith.constant 11 : i32
      %swap3A_626 = arith.index_cast %swap3A_625 : i32 to index
      %swap3A_627 = arith.constant 64 : index
      %swap3A_628 = tpu.vector_load %arg8[%swap3A_626, %swap3A_627] {strides = array<i32>} : memref<32x128xf32, #tpu.memory_space<vmem>>, vector<16xf32>,
      tpu.vector_store %arg8[%swap3A_626, %swap3A_627], %gather3A_624 {strides = array<i32>} : memref<32x128xf32, #tpu.memory_space<vmem>>, vector<16xf32>,
      %gather3A_629 = tpu.vector_load_idx %arg6[%add3A_136, %broadcast_in_dim3A_603] : memref<128x128xf32, #tpu.memory_space<vmem>>[vector<16xi32>, vector<16xi32>], vector<16xf32>,
      %swap3A_630 = arith.constant 11 : i32
      %swap3A_631 = arith.index_cast %swap3A_630 : i32 to index
      %swap3A_632 = arith.constant 80 : index
      %swap3A_633 = tpu.vector_load %arg8[%swap3A_631, %swap3A_632] {strides = array<i32>} : memref<32x128xf32, #tpu.memory_space<vmem>>, vector<16xf32>,
      tpu.vector_store %arg8[%swap3A_631, %swap3A_632], %gather3A_629 {strides = array<i32>} : memref<32x128xf32, #tpu.memory_space<vmem>>, vector<16xf32>,
      %gather3A_634 = tpu.vector_load_idx %arg6[%add3A_139, %broadcast_in_dim3A_603] : memref<128x128xf32, #tpu.memory_space<vmem>>[vector<16xi32>, vector<16xi32>], vector<16xf32>,
      %swap3A_635 = arith.constant 11 : i32
      %swap3A_636 = arith.index_cast %swap3A_635 : i32 to index
      %swap3A_637 = arith.constant 96 : index
      %swap3A_638 = tpu.vector_load %arg8[%swap3A_636, %swap3A_637] {strides = array<i32>} : memref<32x128xf32, #tpu.memory_space<vmem>>, vector<16xf32>,
      tpu.vector_store %arg8[%swap3A_636, %swap3A_637], %gather3A_634 {strides = array<i32>} : memref<32x128xf32, #tpu.memory_space<vmem>>, vector<16xf32>,
      %gather3A_639 = tpu.vector_load_idx %arg6[%add3A_142, %broadcast_in_dim3A_603] : memref<128x128xf32, #tpu.memory_space<vmem>>[vector<16xi32>, vector<16xi32>], vector<16xf32>,
      %swap3A_640 = arith.constant 11 : i32
      %swap3A_641 = arith.index_cast %swap3A_640 : i32 to index
      %swap3A_642 = arith.constant 112 : index
      %swap3A_643 = tpu.vector_load %arg8[%swap3A_641, %swap3A_642] {strides = array<i32>} : memref<32x128xf32, #tpu.memory_space<vmem>>, vector<16xf32>,
      tpu.vector_store %arg8[%swap3A_641, %swap3A_642], %gather3A_639 {strides = array<i32>} : memref<32x128xf32, #tpu.memory_space<vmem>>, vector<16xf32>,
      %broadcast_in_dim3A_644 = arith.constant 12 : i32
      %broadcast_in_dim3A_645 = vector.broadcast %broadcast_in_dim3A_644 : i32 to vector<16xi32>
      %gather3A_646 = tpu.vector_load_idx %arg6[%add3A_121, %broadcast_in_dim3A_645] : memref<128x128xf32, #tpu.memory_space<vmem>>[vector<16xi32>, vector<16xi32>], vector<16xf32>,
      %swap3A_647 = arith.constant 12 : i32
      %swap3A_648 = arith.index_cast %swap3A_647 : i32 to index
      %swap3A_649 = arith.constant 0 : index
      %swap3A_650 = tpu.vector_load %arg8[%swap3A_648, %swap3A_649] {strides = array<i32>} : memref<32x128xf32, #tpu.memory_space<vmem>>, vector<16xf32>,
      tpu.vector_store %arg8[%swap3A_648, %swap3A_649], %gather3A_646 {strides = array<i32>} : memref<32x128xf32, #tpu.memory_space<vmem>>, vector<16xf32>,
      %gather3A_651 = tpu.vector_load_idx %arg6[%add3A_124, %broadcast_in_dim3A_645] : memref<128x128xf32, #tpu.memory_space<vmem>>[vector<16xi32>, vector<16xi32>], vector<16xf32>,
      %swap3A_652 = arith.constant 12 : i32
      %swap3A_653 = arith.index_cast %swap3A_652 : i32 to index
      %swap3A_654 = arith.constant 16 : index
      %swap3A_655 = tpu.vector_load %arg8[%swap3A_653, %swap3A_654] {strides = array<i32>} : memref<32x128xf32, #tpu.memory_space<vmem>>, vector<16xf32>,
      tpu.vector_store %arg8[%swap3A_653, %swap3A_654], %gather3A_651 {strides = array<i32>} : memref<32x128xf32, #tpu.memory_space<vmem>>, vector<16xf32>,
      %gather3A_656 = tpu.vector_load_idx %arg6[%add3A_127, %broadcast_in_dim3A_645] : memref<128x128xf32, #tpu.memory_space<vmem>>[vector<16xi32>, vector<16xi32>], vector<16xf32>,
      %swap3A_657 = arith.constant 12 : i32
      %swap3A_658 = arith.index_cast %swap3A_657 : i32 to index
      %swap3A_659 = arith.constant 32 : index
      %swap3A_660 = tpu.vector_load %arg8[%swap3A_658, %swap3A_659] {strides = array<i32>} : memref<32x128xf32, #tpu.memory_space<vmem>>, vector<16xf32>,
      tpu.vector_store %arg8[%swap3A_658, %swap3A_659], %gather3A_656 {strides = array<i32>} : memref<32x128xf32, #tpu.memory_space<vmem>>, vector<16xf32>,
      %gather3A_661 = tpu.vector_load_idx %arg6[%add3A_130, %broadcast_in_dim3A_645] : memref<128x128xf32, #tpu.memory_space<vmem>>[vector<16xi32>, vector<16xi32>], vector<16xf32>,
      %swap3A_662 = arith.constant 12 : i32
      %swap3A_663 = arith.index_cast %swap3A_662 : i32 to index
      %swap3A_664 = arith.constant 48 : index
      %swap3A_665 = tpu.vector_load %arg8[%swap3A_663, %swap3A_664] {strides = array<i32>} : memref<32x128xf32, #tpu.memory_space<vmem>>, vector<16xf32>,
      tpu.vector_store %arg8[%swap3A_663, %swap3A_664], %gather3A_661 {strides = array<i32>} : memref<32x128xf32, #tpu.memory_space<vmem>>, vector<16xf32>,
      %gather3A_666 = tpu.vector_load_idx %arg6[%add3A_133, %broadcast_in_dim3A_645] : memref<128x128xf32, #tpu.memory_space<vmem>>[vector<16xi32>, vector<16xi32>], vector<16xf32>,
      %swap3A_667 = arith.constant 12 : i32
      %swap3A_668 = arith.index_cast %swap3A_667 : i32 to index
      %swap3A_669 = arith.constant 64 : index
      %swap3A_670 = tpu.vector_load %arg8[%swap3A_668, %swap3A_669] {strides = array<i32>} : memref<32x128xf32, #tpu.memory_space<vmem>>, vector<16xf32>,
      tpu.vector_store %arg8[%swap3A_668, %swap3A_669], %gather3A_666 {strides = array<i32>} : memref<32x128xf32, #tpu.memory_space<vmem>>, vector<16xf32>,
      %gather3A_671 = tpu.vector_load_idx %arg6[%add3A_136, %broadcast_in_dim3A_645] : memref<128x128xf32, #tpu.memory_space<vmem>>[vector<16xi32>, vector<16xi32>], vector<16xf32>,
      %swap3A_672 = arith.constant 12 : i32
      %swap3A_673 = arith.index_cast %swap3A_672 : i32 to index
      %swap3A_674 = arith.constant 80 : index
      %swap3A_675 = tpu.vector_load %arg8[%swap3A_673, %swap3A_674] {strides = array<i32>} : memref<32x128xf32, #tpu.memory_space<vmem>>, vector<16xf32>,
      tpu.vector_store %arg8[%swap3A_673, %swap3A_674], %gather3A_671 {strides = array<i32>} : memref<32x128xf32, #tpu.memory_space<vmem>>, vector<16xf32>,
      %gather3A_676 = tpu.vector_load_idx %arg6[%add3A_139, %broadcast_in_dim3A_645] : memref<128x128xf32, #tpu.memory_space<vmem>>[vector<16xi32>, vector<16xi32>], vector<16xf32>,
      %swap3A_677 = arith.constant 12 : i32
      %swap3A_678 = arith.index_cast %swap3A_677 : i32 to index
      %swap3A_679 = arith.constant 96 : index
      %swap3A_680 = tpu.vector_load %arg8[%swap3A_678, %swap3A_679] {strides = array<i32>} : memref<32x128xf32, #tpu.memory_space<vmem>>, vector<16xf32>,
      tpu.vector_store %arg8[%swap3A_678, %swap3A_679], %gather3A_676 {strides = array<i32>} : memref<32x128xf32, #tpu.memory_space<vmem>>, vector<16xf32>,
      %gather3A_681 = tpu.vector_load_idx %arg6[%add3A_142, %broadcast_in_dim3A_645] : memref<128x128xf32, #tpu.memory_space<vmem>>[vector<16xi32>, vector<16xi32>], vector<16xf32>,
      %swap3A_682 = arith.constant 12 : i32
      %swap3A_683 = arith.index_cast %swap3A_682 : i32 to index
      %swap3A_684 = arith.constant 112 : index
      %swap3A_685 = tpu.vector_load %arg8[%swap3A_683, %swap3A_684] {strides = array<i32>} : memref<32x128xf32, #tpu.memory_space<vmem>>, vector<16xf32>,
      tpu.vector_store %arg8[%swap3A_683, %swap3A_684], %gather3A_681 {strides = array<i32>} : memref<32x128xf32, #tpu.memory_space<vmem>>, vector<16xf32>,
      %broadcast_in_dim3A_686 = arith.constant 13 : i32
      %broadcast_in_dim3A_687 = vector.broadcast %broadcast_in_dim3A_686 : i32 to vector<16xi32>
      %gather3A_688 = tpu.vector_load_idx %arg6[%add3A_121, %broadcast_in_dim3A_687] : memref<128x128xf32, #tpu.memory_space<vmem>>[vector<16xi32>, vector<16xi32>], vector<16xf32>,
      %swap3A_689 = arith.constant 13 : i32
      %swap3A_690 = arith.index_cast %swap3A_689 : i32 to index
      %swap3A_691 = arith.constant 0 : index
      %swap3A_692 = tpu.vector_load %arg8[%swap3A_690, %swap3A_691] {strides = array<i32>} : memref<32x128xf32, #tpu.memory_space<vmem>>, vector<16xf32>,
      tpu.vector_store %arg8[%swap3A_690, %swap3A_691], %gather3A_688 {strides = array<i32>} : memref<32x128xf32, #tpu.memory_space<vmem>>, vector<16xf32>,
      %gather3A_693 = tpu.vector_load_idx %arg6[%add3A_124, %broadcast_in_dim3A_687] : memref<128x128xf32, #tpu.memory_space<vmem>>[vector<16xi32>, vector<16xi32>], vector<16xf32>,
      %swap3A_694 = arith.constant 13 : i32
      %swap3A_695 = arith.index_cast %swap3A_694 : i32 to index
      %swap3A_696 = arith.constant 16 : index
      %swap3A_697 = tpu.vector_load %arg8[%swap3A_695, %swap3A_696] {strides = array<i32>} : memref<32x128xf32, #tpu.memory_space<vmem>>, vector<16xf32>,
      tpu.vector_store %arg8[%swap3A_695, %swap3A_696], %gather3A_693 {strides = array<i32>} : memref<32x128xf32, #tpu.memory_space<vmem>>, vector<16xf32>,
      %gather3A_698 = tpu.vector_load_idx %arg6[%add3A_127, %broadcast_in_dim3A_687] : memref<128x128xf32, #tpu.memory_space<vmem>>[vector<16xi32>, vector<16xi32>], vector<16xf32>,
      %swap3A_699 = arith.constant 13 : i32
      %swap3A_700 = arith.index_cast %swap3A_699 : i32 to index
      %swap3A_701 = arith.constant 32 : index
      %swap3A_702 = tpu.vector_load %arg8[%swap3A_700, %swap3A_701] {strides = array<i32>} : memref<32x128xf32, #tpu.memory_space<vmem>>, vector<16xf32>,
      tpu.vector_store %arg8[%swap3A_700, %swap3A_701], %gather3A_698 {strides = array<i32>} : memref<32x128xf32, #tpu.memory_space<vmem>>, vector<16xf32>,
      %gather3A_703 = tpu.vector_load_idx %arg6[%add3A_130, %broadcast_in_dim3A_687] : memref<128x128xf32, #tpu.memory_space<vmem>>[vector<16xi32>, vector<16xi32>], vector<16xf32>,
      %swap3A_704 = arith.constant 13 : i32
      %swap3A_705 = arith.index_cast %swap3A_704 : i32 to index
      %swap3A_706 = arith.constant 48 : index
      %swap3A_707 = tpu.vector_load %arg8[%swap3A_705, %swap3A_706] {strides = array<i32>} : memref<32x128xf32, #tpu.memory_space<vmem>>, vector<16xf32>,
      tpu.vector_store %arg8[%swap3A_705, %swap3A_706], %gather3A_703 {strides = array<i32>} : memref<32x128xf32, #tpu.memory_space<vmem>>, vector<16xf32>,
      %gather3A_708 = tpu.vector_load_idx %arg6[%add3A_133, %broadcast_in_dim3A_687] : memref<128x128xf32, #tpu.memory_space<vmem>>[vector<16xi32>, vector<16xi32>], vector<16xf32>,
      %swap3A_709 = arith.constant 13 : i32
      %swap3A_710 = arith.index_cast %swap3A_709 : i32 to index
      %swap3A_711 = arith.constant 64 : index
      %swap3A_712 = tpu.vector_load %arg8[%swap3A_710, %swap3A_711] {strides = array<i32>} : memref<32x128xf32, #tpu.memory_space<vmem>>, vector<16xf32>,
      tpu.vector_store %arg8[%swap3A_710, %swap3A_711], %gather3A_708 {strides = array<i32>} : memref<32x128xf32, #tpu.memory_space<vmem>>, vector<16xf32>,
      %gather3A_713 = tpu.vector_load_idx %arg6[%add3A_136, %broadcast_in_dim3A_687] : memref<128x128xf32, #tpu.memory_space<vmem>>[vector<16xi32>, vector<16xi32>], vector<16xf32>,
      %swap3A_714 = arith.constant 13 : i32
      %swap3A_715 = arith.index_cast %swap3A_714 : i32 to index
      %swap3A_716 = arith.constant 80 : index
      %swap3A_717 = tpu.vector_load %arg8[%swap3A_715, %swap3A_716] {strides = array<i32>} : memref<32x128xf32, #tpu.memory_space<vmem>>, vector<16xf32>,
      tpu.vector_store %arg8[%swap3A_715, %swap3A_716], %gather3A_713 {strides = array<i32>} : memref<32x128xf32, #tpu.memory_space<vmem>>, vector<16xf32>,
      %gather3A_718 = tpu.vector_load_idx %arg6[%add3A_139, %broadcast_in_dim3A_687] : memref<128x128xf32, #tpu.memory_space<vmem>>[vector<16xi32>, vector<16xi32>], vector<16xf32>,
      %swap3A_719 = arith.constant 13 : i32
      %swap3A_720 = arith.index_cast %swap3A_719 : i32 to index
      %swap3A_721 = arith.constant 96 : index
      %swap3A_722 = tpu.vector_load %arg8[%swap3A_720, %swap3A_721] {strides = array<i32>} : memref<32x128xf32, #tpu.memory_space<vmem>>, vector<16xf32>,
      tpu.vector_store %arg8[%swap3A_720, %swap3A_721], %gather3A_718 {strides = array<i32>} : memref<32x128xf32, #tpu.memory_space<vmem>>, vector<16xf32>,
      %gather3A_723 = tpu.vector_load_idx %arg6[%add3A_142, %broadcast_in_dim3A_687] : memref<128x128xf32, #tpu.memory_space<vmem>>[vector<16xi32>, vector<16xi32>], vector<16xf32>,
      %swap3A_724 = arith.constant 13 : i32
      %swap3A_725 = arith.index_cast %swap3A_724 : i32 to index
      %swap3A_726 = arith.constant 112 : index
      %swap3A_727 = tpu.vector_load %arg8[%swap3A_725, %swap3A_726] {strides = array<i32>} : memref<32x128xf32, #tpu.memory_space<vmem>>, vector<16xf32>,
      tpu.vector_store %arg8[%swap3A_725, %swap3A_726], %gather3A_723 {strides = array<i32>} : memref<32x128xf32, #tpu.memory_space<vmem>>, vector<16xf32>,
      %broadcast_in_dim3A_728 = arith.constant 14 : i32
      %broadcast_in_dim3A_729 = vector.broadcast %broadcast_in_dim3A_728 : i32 to vector<16xi32>
      %gather3A_730 = tpu.vector_load_idx %arg6[%add3A_121, %broadcast_in_dim3A_729] : memref<128x128xf32, #tpu.memory_space<vmem>>[vector<16xi32>, vector<16xi32>], vector<16xf32>,
      %swap3A_731 = arith.constant 14 : i32
      %swap3A_732 = arith.index_cast %swap3A_731 : i32 to index
      %swap3A_733 = arith.constant 0 : index
      %swap3A_734 = tpu.vector_load %arg8[%swap3A_732, %swap3A_733] {strides = array<i32>} : memref<32x128xf32, #tpu.memory_space<vmem>>, vector<16xf32>,
      tpu.vector_store %arg8[%swap3A_732, %swap3A_733], %gather3A_730 {strides = array<i32>} : memref<32x128xf32, #tpu.memory_space<vmem>>, vector<16xf32>,
      %gather3A_735 = tpu.vector_load_idx %arg6[%add3A_124, %broadcast_in_dim3A_729] : memref<128x128xf32, #tpu.memory_space<vmem>>[vector<16xi32>, vector<16xi32>], vector<16xf32>,
      %swap3A_736 = arith.constant 14 : i32
      %swap3A_737 = arith.index_cast %swap3A_736 : i32 to index
      %swap3A_738 = arith.constant 16 : index
      %swap3A_739 = tpu.vector_load %arg8[%swap3A_737, %swap3A_738] {strides = array<i32>} : memref<32x128xf32, #tpu.memory_space<vmem>>, vector<16xf32>,
      tpu.vector_store %arg8[%swap3A_737, %swap3A_738], %gather3A_735 {strides = array<i32>} : memref<32x128xf32, #tpu.memory_space<vmem>>, vector<16xf32>,
      %gather3A_740 = tpu.vector_load_idx %arg6[%add3A_127, %broadcast_in_dim3A_729] : memref<128x128xf32, #tpu.memory_space<vmem>>[vector<16xi32>, vector<16xi32>], vector<16xf32>,
      %swap3A_741 = arith.constant 14 : i32
      %swap3A_742 = arith.index_cast %swap3A_741 : i32 to index
      %swap3A_743 = arith.constant 32 : index
      %swap3A_744 = tpu.vector_load %arg8[%swap3A_742, %swap3A_743] {strides = array<i32>} : memref<32x128xf32, #tpu.memory_space<vmem>>, vector<16xf32>,
      tpu.vector_store %arg8[%swap3A_742, %swap3A_743], %gather3A_740 {strides = array<i32>} : memref<32x128xf32, #tpu.memory_space<vmem>>, vector<16xf32>,
      %gather3A_745 = tpu.vector_load_idx %arg6[%add3A_130, %broadcast_in_dim3A_729] : memref<128x128xf32, #tpu.memory_space<vmem>>[vector<16xi32>, vector<16xi32>], vector<16xf32>,
      %swap3A_746 = arith.constant 14 : i32
      %swap3A_747 = arith.index_cast %swap3A_746 : i32 to index
      %swap3A_748 = arith.constant 48 : index
      %swap3A_749 = tpu.vector_load %arg8[%swap3A_747, %swap3A_748] {strides = array<i32>} : memref<32x128xf32, #tpu.memory_space<vmem>>, vector<16xf32>,
      tpu.vector_store %arg8[%swap3A_747, %swap3A_748], %gather3A_745 {strides = array<i32>} : memref<32x128xf32, #tpu.memory_space<vmem>>, vector<16xf32>,
      %gather3A_750 = tpu.vector_load_idx %arg6[%add3A_133, %broadcast_in_dim3A_729] : memref<128x128xf32, #tpu.memory_space<vmem>>[vector<16xi32>, vector<16xi32>], vector<16xf32>,
      %swap3A_751 = arith.constant 14 : i32
      %swap3A_752 = arith.index_cast %swap3A_751 : i32 to index
      %swap3A_753 = arith.constant 64 : index
      %swap3A_754 = tpu.vector_load %arg8[%swap3A_752, %swap3A_753] {strides = array<i32>} : memref<32x128xf32, #tpu.memory_space<vmem>>, vector<16xf32>,
      tpu.vector_store %arg8[%swap3A_752, %swap3A_753], %gather3A_750 {strides = array<i32>} : memref<32x128xf32, #tpu.memory_space<vmem>>, vector<16xf32>,
      %gather3A_755 = tpu.vector_load_idx %arg6[%add3A_136, %broadcast_in_dim3A_729] : memref<128x128xf32, #tpu.memory_space<vmem>>[vector<16xi32>, vector<16xi32>], vector<16xf32>,
      %swap3A_756 = arith.constant 14 : i32
      %swap3A_757 = arith.index_cast %swap3A_756 : i32 to index
      %swap3A_758 = arith.constant 80 : index
      %swap3A_759 = tpu.vector_load %arg8[%swap3A_757, %swap3A_758] {strides = array<i32>} : memref<32x128xf32, #tpu.memory_space<vmem>>, vector<16xf32>,
      tpu.vector_store %arg8[%swap3A_757, %swap3A_758], %gather3A_755 {strides = array<i32>} : memref<32x128xf32, #tpu.memory_space<vmem>>, vector<16xf32>,
      %gather3A_760 = tpu.vector_load_idx %arg6[%add3A_139, %broadcast_in_dim3A_729] : memref<128x128xf32, #tpu.memory_space<vmem>>[vector<16xi32>, vector<16xi32>], vector<16xf32>,
      %swap3A_761 = arith.constant 14 : i32
      %swap3A_762 = arith.index_cast %swap3A_761 : i32 to index
      %swap3A_763 = arith.constant 96 : index
      %swap3A_764 = tpu.vector_load %arg8[%swap3A_762, %swap3A_763] {strides = array<i32>} : memref<32x128xf32, #tpu.memory_space<vmem>>, vector<16xf32>,
      tpu.vector_store %arg8[%swap3A_762, %swap3A_763], %gather3A_760 {strides = array<i32>} : memref<32x128xf32, #tpu.memory_space<vmem>>, vector<16xf32>,
      %gather3A_765 = tpu.vector_load_idx %arg6[%add3A_142, %broadcast_in_dim3A_729] : memref<128x128xf32, #tpu.memory_space<vmem>>[vector<16xi32>, vector<16xi32>], vector<16xf32>,
      %swap3A_766 = arith.constant 14 : i32
      %swap3A_767 = arith.index_cast %swap3A_766 : i32 to index
      %swap3A_768 = arith.constant 112 : index
      %swap3A_769 = tpu.vector_load %arg8[%swap3A_767, %swap3A_768] {strides = array<i32>} : memref<32x128xf32, #tpu.memory_space<vmem>>, vector<16xf32>,
      tpu.vector_store %arg8[%swap3A_767, %swap3A_768], %gather3A_765 {strides = array<i32>} : memref<32x128xf32, #tpu.memory_space<vmem>>, vector<16xf32>,
      %broadcast_in_dim3A_770 = arith.constant 15 : i32
      %broadcast_in_dim3A_771 = vector.broadcast %broadcast_in_dim3A_770 : i32 to vector<16xi32>
      %gather3A_772 = tpu.vector_load_idx %arg6[%add3A_121, %broadcast_in_dim3A_771] : memref<128x128xf32, #tpu.memory_space<vmem>>[vector<16xi32>, vector<16xi32>], vector<16xf32>,
      %swap3A_773 = arith.constant 15 : i32
      %swap3A_774 = arith.index_cast %swap3A_773 : i32 to index
      %swap3A_775 = arith.constant 0 : index
      %swap3A_776 = tpu.vector_load %arg8[%swap3A_774, %swap3A_775] {strides = array<i32>} : memref<32x128xf32, #tpu.memory_space<vmem>>, vector<16xf32>,
      tpu.vector_store %arg8[%swap3A_774, %swap3A_775], %gather3A_772 {strides = array<i32>} : memref<32x128xf32, #tpu.memory_space<vmem>>, vector<16xf32>,
      %gather3A_777 = tpu.vector_load_idx %arg6[%add3A_124, %broadcast_in_dim3A_771] : memref<128x128xf32, #tpu.memory_space<vmem>>[vector<16xi32>, vector<16xi32>], vector<16xf32>,
      %swap3A_778 = arith.constant 15 : i32
      %swap3A_779 = arith.index_cast %swap3A_778 : i32 to index
      %swap3A_780 = arith.constant 16 : index
      %swap3A_781 = tpu.vector_load %arg8[%swap3A_779, %swap3A_780] {strides = array<i32>} : memref<32x128xf32, #tpu.memory_space<vmem>>, vector<16xf32>,
      tpu.vector_store %arg8[%swap3A_779, %swap3A_780], %gather3A_777 {strides = array<i32>} : memref<32x128xf32, #tpu.memory_space<vmem>>, vector<16xf32>,
      %gather3A_782 = tpu.vector_load_idx %arg6[%add3A_127, %broadcast_in_dim3A_771] : memref<128x128xf32, #tpu.memory_space<vmem>>[vector<16xi32>, vector<16xi32>], vector<16xf32>,
      %swap3A_783 = arith.constant 15 : i32
      %swap3A_784 = arith.index_cast %swap3A_783 : i32 to index
      %swap3A_785 = arith.constant 32 : index
      %swap3A_786 = tpu.vector_load %arg8[%swap3A_784, %swap3A_785] {strides = array<i32>} : memref<32x128xf32, #tpu.memory_space<vmem>>, vector<16xf32>,
      tpu.vector_store %arg8[%swap3A_784, %swap3A_785], %gather3A_782 {strides = array<i32>} : memref<32x128xf32, #tpu.memory_space<vmem>>, vector<16xf32>,
      %gather3A_787 = tpu.vector_load_idx %arg6[%add3A_130, %broadcast_in_dim3A_771] : memref<128x128xf32, #tpu.memory_space<vmem>>[vector<16xi32>, vector<16xi32>], vector<16xf32>,
      %swap3A_788 = arith.constant 15 : i32
      %swap3A_789 = arith.index_cast %swap3A_788 : i32 to index
      %swap3A_790 = arith.constant 48 : index
      %swap3A_791 = tpu.vector_load %arg8[%swap3A_789, %swap3A_790] {strides = array<i32>} : memref<32x128xf32, #tpu.memory_space<vmem>>, vector<16xf32>,
      tpu.vector_store %arg8[%swap3A_789, %swap3A_790], %gather3A_787 {strides = array<i32>} : memref<32x128xf32, #tpu.memory_space<vmem>>, vector<16xf32>,
      %gather3A_792 = tpu.vector_load_idx %arg6[%add3A_133, %broadcast_in_dim3A_771] : memref<128x128xf32, #tpu.memory_space<vmem>>[vector<16xi32>, vector<16xi32>], vector<16xf32>,
      %swap3A_793 = arith.constant 15 : i32
      %swap3A_794 = arith.index_cast %swap3A_793 : i32 to index
      %swap3A_795 = arith.constant 64 : index
      %swap3A_796 = tpu.vector_load %arg8[%swap3A_794, %swap3A_795] {strides = array<i32>} : memref<32x128xf32, #tpu.memory_space<vmem>>, vector<16xf32>,
      tpu.vector_store %arg8[%swap3A_794, %swap3A_795], %gather3A_792 {strides = array<i32>} : memref<32x128xf32, #tpu.memory_space<vmem>>, vector<16xf32>,
      %gather3A_797 = tpu.vector_load_idx %arg6[%add3A_136, %broadcast_in_dim3A_771] : memref<128x128xf32, #tpu.memory_space<vmem>>[vector<16xi32>, vector<16xi32>], vector<16xf32>,
      %swap3A_798 = arith.constant 15 : i32
      %swap3A_799 = arith.index_cast %swap3A_798 : i32 to index
      %swap3A_800 = arith.constant 80 : index
      %swap3A_801 = tpu.vector_load %arg8[%swap3A_799, %swap3A_800] {strides = array<i32>} : memref<32x128xf32, #tpu.memory_space<vmem>>, vector<16xf32>,
      tpu.vector_store %arg8[%swap3A_799, %swap3A_800], %gather3A_797 {strides = array<i32>} : memref<32x128xf32, #tpu.memory_space<vmem>>, vector<16xf32>,
      %gather3A_802 = tpu.vector_load_idx %arg6[%add3A_139, %broadcast_in_dim3A_771] : memref<128x128xf32, #tpu.memory_space<vmem>>[vector<16xi32>, vector<16xi32>], vector<16xf32>,
      %swap3A_803 = arith.constant 15 : i32
      %swap3A_804 = arith.index_cast %swap3A_803 : i32 to index
      %swap3A_805 = arith.constant 96 : index
      %swap3A_806 = tpu.vector_load %arg8[%swap3A_804, %swap3A_805] {strides = array<i32>} : memref<32x128xf32, #tpu.memory_space<vmem>>, vector<16xf32>,
      tpu.vector_store %arg8[%swap3A_804, %swap3A_805], %gather3A_802 {strides = array<i32>} : memref<32x128xf32, #tpu.memory_space<vmem>>, vector<16xf32>,
      %gather3A_807 = tpu.vector_load_idx %arg6[%add3A_142, %broadcast_in_dim3A_771] : memref<128x128xf32, #tpu.memory_space<vmem>>[vector<16xi32>, vector<16xi32>], vector<16xf32>,
      %swap3A_808 = arith.constant 15 : i32
      %swap3A_809 = arith.index_cast %swap3A_808 : i32 to index
      %swap3A_810 = arith.constant 112 : index
      %swap3A_811 = tpu.vector_load %arg8[%swap3A_809, %swap3A_810] {strides = array<i32>} : memref<32x128xf32, #tpu.memory_space<vmem>>, vector<16xf32>,
      tpu.vector_store %arg8[%swap3A_809, %swap3A_810], %gather3A_807 {strides = array<i32>} : memref<32x128xf32, #tpu.memory_space<vmem>>, vector<16xf32>,
      %broadcast_in_dim3A_812 = arith.constant 16 : i32
      %broadcast_in_dim3A_813 = vector.broadcast %broadcast_in_dim3A_812 : i32 to vector<16xi32>
      %gather3A_814 = tpu.vector_load_idx %arg6[%add3A_121, %broadcast_in_dim3A_813] : memref<128x128xf32, #tpu.memory_space<vmem>>[vector<16xi32>, vector<16xi32>], vector<16xf32>,
      %swap3A_815 = arith.constant 16 : i32
      %swap3A_816 = arith.index_cast %swap3A_815 : i32 to index
      %swap3A_817 = arith.constant 0 : index
      %swap3A_818 = tpu.vector_load %arg8[%swap3A_816, %swap3A_817] {strides = array<i32>} : memref<32x128xf32, #tpu.memory_space<vmem>>, vector<16xf32>,
      tpu.vector_store %arg8[%swap3A_816, %swap3A_817], %gather3A_814 {strides = array<i32>} : memref<32x128xf32, #tpu.memory_space<vmem>>, vector<16xf32>,
      %gather3A_819 = tpu.vector_load_idx %arg6[%add3A_124, %broadcast_in_dim3A_813] : memref<128x128xf32, #tpu.memory_space<vmem>>[vector<16xi32>, vector<16xi32>], vector<16xf32>,
      %swap3A_820 = arith.constant 16 : i32
      %swap3A_821 = arith.index_cast %swap3A_820 : i32 to index
      %swap3A_822 = arith.constant 16 : index
      %swap3A_823 = tpu.vector_load %arg8[%swap3A_821, %swap3A_822] {strides = array<i32>} : memref<32x128xf32, #tpu.memory_space<vmem>>, vector<16xf32>,
      tpu.vector_store %arg8[%swap3A_821, %swap3A_822], %gather3A_819 {strides = array<i32>} : memref<32x128xf32, #tpu.memory_space<vmem>>, vector<16xf32>,
      %gather3A_824 = tpu.vector_load_idx %arg6[%add3A_127, %broadcast_in_dim3A_813] : memref<128x128xf32, #tpu.memory_space<vmem>>[vector<16xi32>, vector<16xi32>], vector<16xf32>,
      %swap3A_825 = arith.constant 16 : i32
      %swap3A_826 = arith.index_cast %swap3A_825 : i32 to index
      %swap3A_827 = arith.constant 32 : index
      %swap3A_828 = tpu.vector_load %arg8[%swap3A_826, %swap3A_827] {strides = array<i32>} : memref<32x128xf32, #tpu.memory_space<vmem>>, vector<16xf32>,
      tpu.vector_store %arg8[%swap3A_826, %swap3A_827], %gather3A_824 {strides = array<i32>} : memref<32x128xf32, #tpu.memory_space<vmem>>, vector<16xf32>,
      %gather3A_829 = tpu.vector_load_idx %arg6[%add3A_130, %broadcast_in_dim3A_813] : memref<128x128xf32, #tpu.memory_space<vmem>>[vector<16xi32>, vector<16xi32>], vector<16xf32>,
      %swap3A_830 = arith.constant 16 : i32
      %swap3A_831 = arith.index_cast %swap3A_830 : i32 to index
      %swap3A_832 = arith.constant 48 : index
      %swap3A_833 = tpu.vector_load %arg8[%swap3A_831, %swap3A_832] {strides = array<i32>} : memref<32x128xf32, #tpu.memory_space<vmem>>, vector<16xf32>,
      tpu.vector_store %arg8[%swap3A_831, %swap3A_832], %gather3A_829 {strides = array<i32>} : memref<32x128xf32, #tpu.memory_space<vmem>>, vector<16xf32>,
      %gather3A_834 = tpu.vector_load_idx %arg6[%add3A_133, %broadcast_in_dim3A_813] : memref<128x128xf32, #tpu.memory_space<vmem>>[vector<16xi32>, vector<16xi32>], vector<16xf32>,
      %swap3A_835 = arith.constant 16 : i32
      %swap3A_836 = arith.index_cast %swap3A_835 : i32 to index
      %swap3A_837 = arith.constant 64 : index
      %swap3A_838 = tpu.vector_load %arg8[%swap3A_836, %swap3A_837] {strides = array<i32>} : memref<32x128xf32, #tpu.memory_space<vmem>>, vector<16xf32>,
      tpu.vector_store %arg8[%swap3A_836, %swap3A_837], %gather3A_834 {strides = array<i32>} : memref<32x128xf32, #tpu.memory_space<vmem>>, vector<16xf32>,
      %gather3A_839 = tpu.vector_load_idx %arg6[%add3A_136, %broadcast_in_dim3A_813] : memref<128x128xf32, #tpu.memory_space<vmem>>[vector<16xi32>, vector<16xi32>], vector<16xf32>,
      %swap3A_840 = arith.constant 16 : i32
      %swap3A_841 = arith.index_cast %swap3A_840 : i32 to index
      %swap3A_842 = arith.constant 80 : index
      %swap3A_843 = tpu.vector_load %arg8[%swap3A_841, %swap3A_842] {strides = array<i32>} : memref<32x128xf32, #tpu.memory_space<vmem>>, vector<16xf32>,
      tpu.vector_store %arg8[%swap3A_841, %swap3A_842], %gather3A_839 {strides = array<i32>} : memref<32x128xf32, #tpu.memory_space<vmem>>, vector<16xf32>,
      %gather3A_844 = tpu.vector_load_idx %arg6[%add3A_139, %broadcast_in_dim3A_813] : memref<128x128xf32, #tpu.memory_space<vmem>>[vector<16xi32>, vector<16xi32>], vector<16xf32>,
      %swap3A_845 = arith.constant 16 : i32
      %swap3A_846 = arith.index_cast %swap3A_845 : i32 to index
      %swap3A_847 = arith.constant 96 : index
      %swap3A_848 = tpu.vector_load %arg8[%swap3A_846, %swap3A_847] {strides = array<i32>} : memref<32x128xf32, #tpu.memory_space<vmem>>, vector<16xf32>,
      tpu.vector_store %arg8[%swap3A_846, %swap3A_847], %gather3A_844 {strides = array<i32>} : memref<32x128xf32, #tpu.memory_space<vmem>>, vector<16xf32>,
      %gather3A_849 = tpu.vector_load_idx %arg6[%add3A_142, %broadcast_in_dim3A_813] : memref<128x128xf32, #tpu.memory_space<vmem>>[vector<16xi32>, vector<16xi32>], vector<16xf32>,
      %swap3A_850 = arith.constant 16 : i32
      %swap3A_851 = arith.index_cast %swap3A_850 : i32 to index
      %swap3A_852 = arith.constant 112 : index
      %swap3A_853 = tpu.vector_load %arg8[%swap3A_851, %swap3A_852] {strides = array<i32>} : memref<32x128xf32, #tpu.memory_space<vmem>>, vector<16xf32>,
      tpu.vector_store %arg8[%swap3A_851, %swap3A_852], %gather3A_849 {strides = array<i32>} : memref<32x128xf32, #tpu.memory_space<vmem>>, vector<16xf32>,
      %broadcast_in_dim3A_854 = arith.constant 17 : i32
      %broadcast_in_dim3A_855 = vector.broadcast %broadcast_in_dim3A_854 : i32 to vector<16xi32>
      %gather3A_856 = tpu.vector_load_idx %arg6[%add3A_121, %broadcast_in_dim3A_855] : memref<128x128xf32, #tpu.memory_space<vmem>>[vector<16xi32>, vector<16xi32>], vector<16xf32>,
      %swap3A_857 = arith.constant 17 : i32
      %swap3A_858 = arith.index_cast %swap3A_857 : i32 to index
      %swap3A_859 = arith.constant 0 : index
      %swap3A_860 = tpu.vector_load %arg8[%swap3A_858, %swap3A_859] {strides = array<i32>} : memref<32x128xf32, #tpu.memory_space<vmem>>, vector<16xf32>,
      tpu.vector_store %arg8[%swap3A_858, %swap3A_859], %gather3A_856 {strides = array<i32>} : memref<32x128xf32, #tpu.memory_space<vmem>>, vector<16xf32>,
      %gather3A_861 = tpu.vector_load_idx %arg6[%add3A_124, %broadcast_in_dim3A_855] : memref<128x128xf32, #tpu.memory_space<vmem>>[vector<16xi32>, vector<16xi32>], vector<16xf32>,
      %swap3A_862 = arith.constant 17 : i32
      %swap3A_863 = arith.index_cast %swap3A_862 : i32 to index
      %swap3A_864 = arith.constant 16 : index
      %swap3A_865 = tpu.vector_load %arg8[%swap3A_863, %swap3A_864] {strides = array<i32>} : memref<32x128xf32, #tpu.memory_space<vmem>>, vector<16xf32>,
      tpu.vector_store %arg8[%swap3A_863, %swap3A_864], %gather3A_861 {strides = array<i32>} : memref<32x128xf32, #tpu.memory_space<vmem>>, vector<16xf32>,
      %gather3A_866 = tpu.vector_load_idx %arg6[%add3A_127, %broadcast_in_dim3A_855] : memref<128x128xf32, #tpu.memory_space<vmem>>[vector<16xi32>, vector<16xi32>], vector<16xf32>,
      %swap3A_867 = arith.constant 17 : i32
      %swap3A_868 = arith.index_cast %swap3A_867 : i32 to index
      %swap3A_869 = arith.constant 32 : index
      %swap3A_870 = tpu.vector_load %arg8[%swap3A_868, %swap3A_869] {strides = array<i32>} : memref<32x128xf32, #tpu.memory_space<vmem>>, vector<16xf32>,
      tpu.vector_store %arg8[%swap3A_868, %swap3A_869], %gather3A_866 {strides = array<i32>} : memref<32x128xf32, #tpu.memory_space<vmem>>, vector<16xf32>,
      %gather3A_871 = tpu.vector_load_idx %arg6[%add3A_130, %broadcast_in_dim3A_855] : memref<128x128xf32, #tpu.memory_space<vmem>>[vector<16xi32>, vector<16xi32>], vector<16xf32>,
      %swap3A_872 = arith.constant 17 : i32
      %swap3A_873 = arith.index_cast %swap3A_872 : i32 to index
      %swap3A_874 = arith.constant 48 : index
      %swap3A_875 = tpu.vector_load %arg8[%swap3A_873, %swap3A_874] {strides = array<i32>} : memref<32x128xf32, #tpu.memory_space<vmem>>, vector<16xf32>,
      tpu.vector_store %arg8[%swap3A_873, %swap3A_874], %gather3A_871 {strides = array<i32>} : memref<32x128xf32, #tpu.memory_space<vmem>>, vector<16xf32>,
      %gather3A_876 = tpu.vector_load_idx %arg6[%add3A_133, %broadcast_in_dim3A_855] : memref<128x128xf32, #tpu.memory_space<vmem>>[vector<16xi32>, vector<16xi32>], vector<16xf32>,
      %swap3A_877 = arith.constant 17 : i32
      %swap3A_878 = arith.index_cast %swap3A_877 : i32 to index
      %swap3A_879 = arith.constant 64 : index
      %swap3A_880 = tpu.vector_load %arg8[%swap3A_878, %swap3A_879] {strides = array<i32>} : memref<32x128xf32, #tpu.memory_space<vmem>>, vector<16xf32>,
      tpu.vector_store %arg8[%swap3A_878, %swap3A_879], %gather3A_876 {strides = array<i32>} : memref<32x128xf32, #tpu.memory_space<vmem>>, vector<16xf32>,
      %gather3A_881 = tpu.vector_load_idx %arg6[%add3A_136, %broadcast_in_dim3A_855] : memref<128x128xf32, #tpu.memory_space<vmem>>[vector<16xi32>, vector<16xi32>], vector<16xf32>,
      %swap3A_882 = arith.constant 17 : i32
      %swap3A_883 = arith.index_cast %swap3A_882 : i32 to index
      %swap3A_884 = arith.constant 80 : index
      %swap3A_885 = tpu.vector_load %arg8[%swap3A_883, %swap3A_884] {strides = array<i32>} : memref<32x128xf32, #tpu.memory_space<vmem>>, vector<16xf32>,
      tpu.vector_store %arg8[%swap3A_883, %swap3A_884], %gather3A_881 {strides = array<i32>} : memref<32x128xf32, #tpu.memory_space<vmem>>, vector<16xf32>,
      %gather3A_886 = tpu.vector_load_idx %arg6[%add3A_139, %broadcast_in_dim3A_855] : memref<128x128xf32, #tpu.memory_space<vmem>>[vector<16xi32>, vector<16xi32>], vector<16xf32>,
      %swap3A_887 = arith.constant 17 : i32
      %swap3A_888 = arith.index_cast %swap3A_887 : i32 to index
      %swap3A_889 = arith.constant 96 : index
      %swap3A_890 = tpu.vector_load %arg8[%swap3A_888, %swap3A_889] {strides = array<i32>} : memref<32x128xf32, #tpu.memory_space<vmem>>, vector<16xf32>,
      tpu.vector_store %arg8[%swap3A_888, %swap3A_889], %gather3A_886 {strides = array<i32>} : memref<32x128xf32, #tpu.memory_space<vmem>>, vector<16xf32>,
      %gather3A_891 = tpu.vector_load_idx %arg6[%add3A_142, %broadcast_in_dim3A_855] : memref<128x128xf32, #tpu.memory_space<vmem>>[vector<16xi32>, vector<16xi32>], vector<16xf32>,
      %swap3A_892 = arith.constant 17 : i32
      %swap3A_893 = arith.index_cast %swap3A_892 : i32 to index
      %swap3A_894 = arith.constant 112 : index
      %swap3A_895 = tpu.vector_load %arg8[%swap3A_893, %swap3A_894] {strides = array<i32>} : memref<32x128xf32, #tpu.memory_space<vmem>>, vector<16xf32>,
      tpu.vector_store %arg8[%swap3A_893, %swap3A_894], %gather3A_891 {strides = array<i32>} : memref<32x128xf32, #tpu.memory_space<vmem>>, vector<16xf32>,
      %broadcast_in_dim3A_896 = arith.constant 18 : i32
      %broadcast_in_dim3A_897 = vector.broadcast %broadcast_in_dim3A_896 : i32 to vector<16xi32>
      %gather3A_898 = tpu.vector_load_idx %arg6[%add3A_121, %broadcast_in_dim3A_897] : memref<128x128xf32, #tpu.memory_space<vmem>>[vector<16xi32>, vector<16xi32>], vector<16xf32>,
      %swap3A_899 = arith.constant 18 : i32
      %swap3A_900 = arith.index_cast %swap3A_899 : i32 to index
      %swap3A_901 = arith.constant 0 : index
      %swap3A_902 = tpu.vector_load %arg8[%swap3A_900, %swap3A_901] {strides = array<i32>} : memref<32x128xf32, #tpu.memory_space<vmem>>, vector<16xf32>,
      tpu.vector_store %arg8[%swap3A_900, %swap3A_901], %gather3A_898 {strides = array<i32>} : memref<32x128xf32, #tpu.memory_space<vmem>>, vector<16xf32>,
      %gather3A_903 = tpu.vector_load_idx %arg6[%add3A_124, %broadcast_in_dim3A_897] : memref<128x128xf32, #tpu.memory_space<vmem>>[vector<16xi32>, vector<16xi32>], vector<16xf32>,
      %swap3A_904 = arith.constant 18 : i32
      %swap3A_905 = arith.index_cast %swap3A_904 : i32 to index
      %swap3A_906 = arith.constant 16 : index
      %swap3A_907 = tpu.vector_load %arg8[%swap3A_905, %swap3A_906] {strides = array<i32>} : memref<32x128xf32, #tpu.memory_space<vmem>>, vector<16xf32>,
      tpu.vector_store %arg8[%swap3A_905, %swap3A_906], %gather3A_903 {strides = array<i32>} : memref<32x128xf32, #tpu.memory_space<vmem>>, vector<16xf32>,
      %gather3A_908 = tpu.vector_load_idx %arg6[%add3A_127, %broadcast_in_dim3A_897] : memref<128x128xf32, #tpu.memory_space<vmem>>[vector<16xi32>, vector<16xi32>], vector<16xf32>,
      %swap3A_909 = arith.constant 18 : i32
      %swap3A_910 = arith.index_cast %swap3A_909 : i32 to index
      %swap3A_911 = arith.constant 32 : index
      %swap3A_912 = tpu.vector_load %arg8[%swap3A_910, %swap3A_911] {strides = array<i32>} : memref<32x128xf32, #tpu.memory_space<vmem>>, vector<16xf32>,
      tpu.vector_store %arg8[%swap3A_910, %swap3A_911], %gather3A_908 {strides = array<i32>} : memref<32x128xf32, #tpu.memory_space<vmem>>, vector<16xf32>,
      %gather3A_913 = tpu.vector_load_idx %arg6[%add3A_130, %broadcast_in_dim3A_897] : memref<128x128xf32, #tpu.memory_space<vmem>>[vector<16xi32>, vector<16xi32>], vector<16xf32>,
      %swap3A_914 = arith.constant 18 : i32
      %swap3A_915 = arith.index_cast %swap3A_914 : i32 to index
      %swap3A_916 = arith.constant 48 : index
      %swap3A_917 = tpu.vector_load %arg8[%swap3A_915, %swap3A_916] {strides = array<i32>} : memref<32x128xf32, #tpu.memory_space<vmem>>, vector<16xf32>,
      tpu.vector_store %arg8[%swap3A_915, %swap3A_916], %gather3A_913 {strides = array<i32>} : memref<32x128xf32, #tpu.memory_space<vmem>>, vector<16xf32>,
      %gather3A_918 = tpu.vector_load_idx %arg6[%add3A_133, %broadcast_in_dim3A_897] : memref<128x128xf32, #tpu.memory_space<vmem>>[vector<16xi32>, vector<16xi32>], vector<16xf32>,
      %swap3A_919 = arith.constant 18 : i32
      %swap3A_920 = arith.index_cast %swap3A_919 : i32 to index
      %swap3A_921 = arith.constant 64 : index
      %swap3A_922 = tpu.vector_load %arg8[%swap3A_920, %swap3A_921] {strides = array<i32>} : memref<32x128xf32, #tpu.memory_space<vmem>>, vector<16xf32>,
      tpu.vector_store %arg8[%swap3A_920, %swap3A_921], %gather3A_918 {strides = array<i32>} : memref<32x128xf32, #tpu.memory_space<vmem>>, vector<16xf32>,
      %gather3A_923 = tpu.vector_load_idx %arg6[%add3A_136, %broadcast_in_dim3A_897] : memref<128x128xf32, #tpu.memory_space<vmem>>[vector<16xi32>, vector<16xi32>], vector<16xf32>,
      %swap3A_924 = arith.constant 18 : i32
      %swap3A_925 = arith.index_cast %swap3A_924 : i32 to index
      %swap3A_926 = arith.constant 80 : index
      %swap3A_927 = tpu.vector_load %arg8[%swap3A_925, %swap3A_926] {strides = array<i32>} : memref<32x128xf32, #tpu.memory_space<vmem>>, vector<16xf32>,
      tpu.vector_store %arg8[%swap3A_925, %swap3A_926], %gather3A_923 {strides = array<i32>} : memref<32x128xf32, #tpu.memory_space<vmem>>, vector<16xf32>,
      %gather3A_928 = tpu.vector_load_idx %arg6[%add3A_139, %broadcast_in_dim3A_897] : memref<128x128xf32, #tpu.memory_space<vmem>>[vector<16xi32>, vector<16xi32>], vector<16xf32>,
      %swap3A_929 = arith.constant 18 : i32
      %swap3A_930 = arith.index_cast %swap3A_929 : i32 to index
      %swap3A_931 = arith.constant 96 : index
      %swap3A_932 = tpu.vector_load %arg8[%swap3A_930, %swap3A_931] {strides = array<i32>} : memref<32x128xf32, #tpu.memory_space<vmem>>, vector<16xf32>,
      tpu.vector_store %arg8[%swap3A_930, %swap3A_931], %gather3A_928 {strides = array<i32>} : memref<32x128xf32, #tpu.memory_space<vmem>>, vector<16xf32>,
      %gather3A_933 = tpu.vector_load_idx %arg6[%add3A_142, %broadcast_in_dim3A_897] : memref<128x128xf32, #tpu.memory_space<vmem>>[vector<16xi32>, vector<16xi32>], vector<16xf32>,
      %swap3A_934 = arith.constant 18 : i32
      %swap3A_935 = arith.index_cast %swap3A_934 : i32 to index
      %swap3A_936 = arith.constant 112 : index
      %swap3A_937 = tpu.vector_load %arg8[%swap3A_935, %swap3A_936] {strides = array<i32>} : memref<32x128xf32, #tpu.memory_space<vmem>>, vector<16xf32>,
      tpu.vector_store %arg8[%swap3A_935, %swap3A_936], %gather3A_933 {strides = array<i32>} : memref<32x128xf32, #tpu.memory_space<vmem>>, vector<16xf32>,
      %broadcast_in_dim3A_938 = arith.constant 19 : i32
      %broadcast_in_dim3A_939 = vector.broadcast %broadcast_in_dim3A_938 : i32 to vector<16xi32>
      %gather3A_940 = tpu.vector_load_idx %arg6[%add3A_121, %broadcast_in_dim3A_939] : memref<128x128xf32, #tpu.memory_space<vmem>>[vector<16xi32>, vector<16xi32>], vector<16xf32>,
      %swap3A_941 = arith.constant 19 : i32
      %swap3A_942 = arith.index_cast %swap3A_941 : i32 to index
      %swap3A_943 = arith.constant 0 : index
      %swap3A_944 = tpu.vector_load %arg8[%swap3A_942, %swap3A_943] {strides = array<i32>} : memref<32x128xf32, #tpu.memory_space<vmem>>, vector<16xf32>,
      tpu.vector_store %arg8[%swap3A_942, %swap3A_943], %gather3A_940 {strides = array<i32>} : memref<32x128xf32, #tpu.memory_space<vmem>>, vector<16xf32>,
      %gather3A_945 = tpu.vector_load_idx %arg6[%add3A_124, %broadcast_in_dim3A_939] : memref<128x128xf32, #tpu.memory_space<vmem>>[vector<16xi32>, vector<16xi32>], vector<16xf32>,
      %swap3A_946 = arith.constant 19 : i32
      %swap3A_947 = arith.index_cast %swap3A_946 : i32 to index
      %swap3A_948 = arith.constant 16 : index
      %swap3A_949 = tpu.vector_load %arg8[%swap3A_947, %swap3A_948] {strides = array<i32>} : memref<32x128xf32, #tpu.memory_space<vmem>>, vector<16xf32>,
      tpu.vector_store %arg8[%swap3A_947, %swap3A_948], %gather3A_945 {strides = array<i32>} : memref<32x128xf32, #tpu.memory_space<vmem>>, vector<16xf32>,
      %gather3A_950 = tpu.vector_load_idx %arg6[%add3A_127, %broadcast_in_dim3A_939] : memref<128x128xf32, #tpu.memory_space<vmem>>[vector<16xi32>, vector<16xi32>], vector<16xf32>,
      %swap3A_951 = arith.constant 19 : i32
      %swap3A_952 = arith.index_cast %swap3A_951 : i32 to index
      %swap3A_953 = arith.constant 32 : index
      %swap3A_954 = tpu.vector_load %arg8[%swap3A_952, %swap3A_953] {strides = array<i32>} : memref<32x128xf32, #tpu.memory_space<vmem>>, vector<16xf32>,
      tpu.vector_store %arg8[%swap3A_952, %swap3A_953], %gather3A_950 {strides = array<i32>} : memref<32x128xf32, #tpu.memory_space<vmem>>, vector<16xf32>,
      %gather3A_955 = tpu.vector_load_idx %arg6[%add3A_130, %broadcast_in_dim3A_939] : memref<128x128xf32, #tpu.memory_space<vmem>>[vector<16xi32>, vector<16xi32>], vector<16xf32>,
      %swap3A_956 = arith.constant 19 : i32
      %swap3A_957 = arith.index_cast %swap3A_956 : i32 to index
      %swap3A_958 = arith.constant 48 : index
      %swap3A_959 = tpu.vector_load %arg8[%swap3A_957, %swap3A_958] {strides = array<i32>} : memref<32x128xf32, #tpu.memory_space<vmem>>, vector<16xf32>,
      tpu.vector_store %arg8[%swap3A_957, %swap3A_958], %gather3A_955 {strides = array<i32>} : memref<32x128xf32, #tpu.memory_space<vmem>>, vector<16xf32>,
      %gather3A_960 = tpu.vector_load_idx %arg6[%add3A_133, %broadcast_in_dim3A_939] : memref<128x128xf32, #tpu.memory_space<vmem>>[vector<16xi32>, vector<16xi32>], vector<16xf32>,
      %swap3A_961 = arith.constant 19 : i32
      %swap3A_962 = arith.index_cast %swap3A_961 : i32 to index
      %swap3A_963 = arith.constant 64 : index
      %swap3A_964 = tpu.vector_load %arg8[%swap3A_962, %swap3A_963] {strides = array<i32>} : memref<32x128xf32, #tpu.memory_space<vmem>>, vector<16xf32>,
      tpu.vector_store %arg8[%swap3A_962, %swap3A_963], %gather3A_960 {strides = array<i32>} : memref<32x128xf32, #tpu.memory_space<vmem>>, vector<16xf32>,
      %gather3A_965 = tpu.vector_load_idx %arg6[%add3A_136, %broadcast_in_dim3A_939] : memref<128x128xf32, #tpu.memory_space<vmem>>[vector<16xi32>, vector<16xi32>], vector<16xf32>,
      %swap3A_966 = arith.constant 19 : i32
      %swap3A_967 = arith.index_cast %swap3A_966 : i32 to index
      %swap3A_968 = arith.constant 80 : index
      %swap3A_969 = tpu.vector_load %arg8[%swap3A_967, %swap3A_968] {strides = array<i32>} : memref<32x128xf32, #tpu.memory_space<vmem>>, vector<16xf32>,
      tpu.vector_store %arg8[%swap3A_967, %swap3A_968], %gather3A_965 {strides = array<i32>} : memref<32x128xf32, #tpu.memory_space<vmem>>, vector<16xf32>,
      %gather3A_970 = tpu.vector_load_idx %arg6[%add3A_139, %broadcast_in_dim3A_939] : memref<128x128xf32, #tpu.memory_space<vmem>>[vector<16xi32>, vector<16xi32>], vector<16xf32>,
      %swap3A_971 = arith.constant 19 : i32
      %swap3A_972 = arith.index_cast %swap3A_971 : i32 to index
      %swap3A_973 = arith.constant 96 : index
      %swap3A_974 = tpu.vector_load %arg8[%swap3A_972, %swap3A_973] {strides = array<i32>} : memref<32x128xf32, #tpu.memory_space<vmem>>, vector<16xf32>,
      tpu.vector_store %arg8[%swap3A_972, %swap3A_973], %gather3A_970 {strides = array<i32>} : memref<32x128xf32, #tpu.memory_space<vmem>>, vector<16xf32>,
      %gather3A_975 = tpu.vector_load_idx %arg6[%add3A_142, %broadcast_in_dim3A_939] : memref<128x128xf32, #tpu.memory_space<vmem>>[vector<16xi32>, vector<16xi32>], vector<16xf32>,
      %swap3A_976 = arith.constant 19 : i32
      %swap3A_977 = arith.index_cast %swap3A_976 : i32 to index
      %swap3A_978 = arith.constant 112 : index
      %swap3A_979 = tpu.vector_load %arg8[%swap3A_977, %swap3A_978] {strides = array<i32>} : memref<32x128xf32, #tpu.memory_space<vmem>>, vector<16xf32>,
      tpu.vector_store %arg8[%swap3A_977, %swap3A_978], %gather3A_975 {strides = array<i32>} : memref<32x128xf32, #tpu.memory_space<vmem>>, vector<16xf32>,
      %broadcast_in_dim3A_980 = arith.constant 20 : i32
      %broadcast_in_dim3A_981 = vector.broadcast %broadcast_in_dim3A_980 : i32 to vector<16xi32>
      %gather3A_982 = tpu.vector_load_idx %arg6[%add3A_121, %broadcast_in_dim3A_981] : memref<128x128xf32, #tpu.memory_space<vmem>>[vector<16xi32>, vector<16xi32>], vector<16xf32>,
      %swap3A_983 = arith.constant 20 : i32
      %swap3A_984 = arith.index_cast %swap3A_983 : i32 to index
      %swap3A_985 = arith.constant 0 : index
      %swap3A_986 = tpu.vector_load %arg8[%swap3A_984, %swap3A_985] {strides = array<i32>} : memref<32x128xf32, #tpu.memory_space<vmem>>, vector<16xf32>,
      tpu.vector_store %arg8[%swap3A_984, %swap3A_985], %gather3A_982 {strides = array<i32>} : memref<32x128xf32, #tpu.memory_space<vmem>>, vector<16xf32>,
      %gather3A_987 = tpu.vector_load_idx %arg6[%add3A_124, %broadcast_in_dim3A_981] : memref<128x128xf32, #tpu.memory_space<vmem>>[vector<16xi32>, vector<16xi32>], vector<16xf32>,
      %swap3A_988 = arith.constant 20 : i32
      %swap3A_989 = arith.index_cast %swap3A_988 : i32 to index
      %swap3A_990 = arith.constant 16 : index
      %swap3A_991 = tpu.vector_load %arg8[%swap3A_989, %swap3A_990] {strides = array<i32>} : memref<32x128xf32, #tpu.memory_space<vmem>>, vector<16xf32>,
      tpu.vector_store %arg8[%swap3A_989, %swap3A_990], %gather3A_987 {strides = array<i32>} : memref<32x128xf32, #tpu.memory_space<vmem>>, vector<16xf32>,
      %gather3A_992 = tpu.vector_load_idx %arg6[%add3A_127, %broadcast_in_dim3A_981] : memref<128x128xf32, #tpu.memory_space<vmem>>[vector<16xi32>, vector<16xi32>], vector<16xf32>,
      %swap3A_993 = arith.constant 20 : i32
      %swap3A_994 = arith.index_cast %swap3A_993 : i32 to index
      %swap3A_995 = arith.constant 32 : index
      %swap3A_996 = tpu.vector_load %arg8[%swap3A_994, %swap3A_995] {strides = array<i32>} : memref<32x128xf32, #tpu.memory_space<vmem>>, vector<16xf32>,
      tpu.vector_store %arg8[%swap3A_994, %swap3A_995], %gather3A_992 {strides = array<i32>} : memref<32x128xf32, #tpu.memory_space<vmem>>, vector<16xf32>,
      %gather3A_997 = tpu.vector_load_idx %arg6[%add3A_130, %broadcast_in_dim3A_981] : memref<128x128xf32, #tpu.memory_space<vmem>>[vector<16xi32>, vector<16xi32>], vector<16xf32>,
      %swap3A_998 = arith.constant 20 : i32
      %swap3A_999 = arith.index_cast %swap3A_998 : i32 to index
      %swap3A_1000 = arith.constant 48 : index
      %swap3A_1001 = tpu.vector_load %arg8[%swap3A_999, %swap3A_1000] {strides = array<i32>} : memref<32x128xf32, #tpu.memory_space<vmem>>, vector<16xf32>,
      tpu.vector_store %arg8[%swap3A_999, %swap3A_1000], %gather3A_997 {strides = array<i32>} : memref<32x128xf32, #tpu.memory_space<vmem>>, vector<16xf32>,
      %gather3A_1002 = tpu.vector_load_idx %arg6[%add3A_133, %broadcast_in_dim3A_981] : memref<128x128xf32, #tpu.memory_space<vmem>>[vector<16xi32>, vector<16xi32>], vector<16xf32>,
      %swap3A_1003 = arith.constant 20 : i32
      %swap3A_1004 = arith.index_cast %swap3A_1003 : i32 to index
      %swap3A_1005 = arith.constant 64 : index
      %swap3A_1006 = tpu.vector_load %arg8[%swap3A_1004, %swap3A_1005] {strides = array<i32>} : memref<32x128xf32, #tpu.memory_space<vmem>>, vector<16xf32>,
      tpu.vector_store %arg8[%swap3A_1004, %swap3A_1005], %gather3A_1002 {strides = array<i32>} : memref<32x128xf32, #tpu.memory_space<vmem>>, vector<16xf32>,
      %gather3A_1007 = tpu.vector_load_idx %arg6[%add3A_136, %broadcast_in_dim3A_981] : memref<128x128xf32, #tpu.memory_space<vmem>>[vector<16xi32>, vector<16xi32>], vector<16xf32>,
      %swap3A_1008 = arith.constant 20 : i32
      %swap3A_1009 = arith.index_cast %swap3A_1008 : i32 to index
      %swap3A_1010 = arith.constant 80 : index
      %swap3A_1011 = tpu.vector_load %arg8[%swap3A_1009, %swap3A_1010] {strides = array<i32>} : memref<32x128xf32, #tpu.memory_space<vmem>>, vector<16xf32>,
      tpu.vector_store %arg8[%swap3A_1009, %swap3A_1010], %gather3A_1007 {strides = array<i32>} : memref<32x128xf32, #tpu.memory_space<vmem>>, vector<16xf32>,
      %gather3A_1012 = tpu.vector_load_idx %arg6[%add3A_139, %broadcast_in_dim3A_981] : memref<128x128xf32, #tpu.memory_space<vmem>>[vector<16xi32>, vector<16xi32>], vector<16xf32>,
      %swap3A_1013 = arith.constant 20 : i32
      %swap3A_1014 = arith.index_cast %swap3A_1013 : i32 to index
      %swap3A_1015 = arith.constant 96 : index
      %swap3A_1016 = tpu.vector_load %arg8[%swap3A_1014, %swap3A_1015] {strides = array<i32>} : memref<32x128xf32, #tpu.memory_space<vmem>>, vector<16xf32>,
      tpu.vector_store %arg8[%swap3A_1014, %swap3A_1015], %gather3A_1012 {strides = array<i32>} : memref<32x128xf32, #tpu.memory_space<vmem>>, vector<16xf32>,
      %gather3A_1017 = tpu.vector_load_idx %arg6[%add3A_142, %broadcast_in_dim3A_981] : memref<128x128xf32, #tpu.memory_space<vmem>>[vector<16xi32>, vector<16xi32>], vector<16xf32>,
      %swap3A_1018 = arith.constant 20 : i32
      %swap3A_1019 = arith.index_cast %swap3A_1018 : i32 to index
      %swap3A_1020 = arith.constant 112 : index
      %swap3A_1021 = tpu.vector_load %arg8[%swap3A_1019, %swap3A_1020] {strides = array<i32>} : memref<32x128xf32, #tpu.memory_space<vmem>>, vector<16xf32>,
      tpu.vector_store %arg8[%swap3A_1019, %swap3A_1020], %gather3A_1017 {strides = array<i32>} : memref<32x128xf32, #tpu.memory_space<vmem>>, vector<16xf32>,
      %broadcast_in_dim3A_1022 = arith.constant 21 : i32
      %broadcast_in_dim3A_1023 = vector.broadcast %broadcast_in_dim3A_1022 : i32 to vector<16xi32>
      %gather3A_1024 = tpu.vector_load_idx %arg6[%add3A_121, %broadcast_in_dim3A_1023] : memref<128x128xf32, #tpu.memory_space<vmem>>[vector<16xi32>, vector<16xi32>], vector<16xf32>,
      %swap3A_1025 = arith.constant 21 : i32
      %swap3A_1026 = arith.index_cast %swap3A_1025 : i32 to index
      %swap3A_1027 = arith.constant 0 : index
      %swap3A_1028 = tpu.vector_load %arg8[%swap3A_1026, %swap3A_1027] {strides = array<i32>} : memref<32x128xf32, #tpu.memory_space<vmem>>, vector<16xf32>,
      tpu.vector_store %arg8[%swap3A_1026, %swap3A_1027], %gather3A_1024 {strides = array<i32>} : memref<32x128xf32, #tpu.memory_space<vmem>>, vector<16xf32>,
      %gather3A_1029 = tpu.vector_load_idx %arg6[%add3A_124, %broadcast_in_dim3A_1023] : memref<128x128xf32, #tpu.memory_space<vmem>>[vector<16xi32>, vector<16xi32>], vector<16xf32>,
      %swap3A_1030 = arith.constant 21 : i32
      %swap3A_1031 = arith.index_cast %swap3A_1030 : i32 to index
      %swap3A_1032 = arith.constant 16 : index
      %swap3A_1033 = tpu.vector_load %arg8[%swap3A_1031, %swap3A_1032] {strides = array<i32>} : memref<32x128xf32, #tpu.memory_space<vmem>>, vector<16xf32>,
      tpu.vector_store %arg8[%swap3A_1031, %swap3A_1032], %gather3A_1029 {strides = array<i32>} : memref<32x128xf32, #tpu.memory_space<vmem>>, vector<16xf32>,
      %gather3A_1034 = tpu.vector_load_idx %arg6[%add3A_127, %broadcast_in_dim3A_1023] : memref<128x128xf32, #tpu.memory_space<vmem>>[vector<16xi32>, vector<16xi32>], vector<16xf32>,
      %swap3A_1035 = arith.constant 21 : i32
      %swap3A_1036 = arith.index_cast %swap3A_1035 : i32 to index
      %swap3A_1037 = arith.constant 32 : index
      %swap3A_1038 = tpu.vector_load %arg8[%swap3A_1036, %swap3A_1037] {strides = array<i32>} : memref<32x128xf32, #tpu.memory_space<vmem>>, vector<16xf32>,
      tpu.vector_store %arg8[%swap3A_1036, %swap3A_1037], %gather3A_1034 {strides = array<i32>} : memref<32x128xf32, #tpu.memory_space<vmem>>, vector<16xf32>,
      %gather3A_1039 = tpu.vector_load_idx %arg6[%add3A_130, %broadcast_in_dim3A_1023] : memref<128x128xf32, #tpu.memory_space<vmem>>[vector<16xi32>, vector<16xi32>], vector<16xf32>,
      %swap3A_1040 = arith.constant 21 : i32
      %swap3A_1041 = arith.index_cast %swap3A_1040 : i32 to index
      %swap3A_1042 = arith.constant 48 : index
      %swap3A_1043 = tpu.vector_load %arg8[%swap3A_1041, %swap3A_1042] {strides = array<i32>} : memref<32x128xf32, #tpu.memory_space<vmem>>, vector<16xf32>,
      tpu.vector_store %arg8[%swap3A_1041, %swap3A_1042], %gather3A_1039 {strides = array<i32>} : memref<32x128xf32, #tpu.memory_space<vmem>>, vector<16xf32>,
      %gather3A_1044 = tpu.vector_load_idx %arg6[%add3A_133, %broadcast_in_dim3A_1023] : memref<128x128xf32, #tpu.memory_space<vmem>>[vector<16xi32>, vector<16xi32>], vector<16xf32>,
      %swap3A_1045 = arith.constant 21 : i32
      %swap3A_1046 = arith.index_cast %swap3A_1045 : i32 to index
      %swap3A_1047 = arith.constant 64 : index
      %swap3A_1048 = tpu.vector_load %arg8[%swap3A_1046, %swap3A_1047] {strides = array<i32>} : memref<32x128xf32, #tpu.memory_space<vmem>>, vector<16xf32>,
      tpu.vector_store %arg8[%swap3A_1046, %swap3A_1047], %gather3A_1044 {strides = array<i32>} : memref<32x128xf32, #tpu.memory_space<vmem>>, vector<16xf32>,
      %gather3A_1049 = tpu.vector_load_idx %arg6[%add3A_136, %broadcast_in_dim3A_1023] : memref<128x128xf32, #tpu.memory_space<vmem>>[vector<16xi32>, vector<16xi32>], vector<16xf32>,
      %swap3A_1050 = arith.constant 21 : i32
      %swap3A_1051 = arith.index_cast %swap3A_1050 : i32 to index
      %swap3A_1052 = arith.constant 80 : index
      %swap3A_1053 = tpu.vector_load %arg8[%swap3A_1051, %swap3A_1052] {strides = array<i32>} : memref<32x128xf32, #tpu.memory_space<vmem>>, vector<16xf32>,
      tpu.vector_store %arg8[%swap3A_1051, %swap3A_1052], %gather3A_1049 {strides = array<i32>} : memref<32x128xf32, #tpu.memory_space<vmem>>, vector<16xf32>,
      %gather3A_1054 = tpu.vector_load_idx %arg6[%add3A_139, %broadcast_in_dim3A_1023] : memref<128x128xf32, #tpu.memory_space<vmem>>[vector<16xi32>, vector<16xi32>], vector<16xf32>,
      %swap3A_1055 = arith.constant 21 : i32
      %swap3A_1056 = arith.index_cast %swap3A_1055 : i32 to index
      %swap3A_1057 = arith.constant 96 : index
      %swap3A_1058 = tpu.vector_load %arg8[%swap3A_1056, %swap3A_1057] {strides = array<i32>} : memref<32x128xf32, #tpu.memory_space<vmem>>, vector<16xf32>,
      tpu.vector_store %arg8[%swap3A_1056, %swap3A_1057], %gather3A_1054 {strides = array<i32>} : memref<32x128xf32, #tpu.memory_space<vmem>>, vector<16xf32>,
      %gather3A_1059 = tpu.vector_load_idx %arg6[%add3A_142, %broadcast_in_dim3A_1023] : memref<128x128xf32, #tpu.memory_space<vmem>>[vector<16xi32>, vector<16xi32>], vector<16xf32>,
      %swap3A_1060 = arith.constant 21 : i32
      %swap3A_1061 = arith.index_cast %swap3A_1060 : i32 to index
      %swap3A_1062 = arith.constant 112 : index
      %swap3A_1063 = tpu.vector_load %arg8[%swap3A_1061, %swap3A_1062] {strides = array<i32>} : memref<32x128xf32, #tpu.memory_space<vmem>>, vector<16xf32>,
      tpu.vector_store %arg8[%swap3A_1061, %swap3A_1062], %gather3A_1059 {strides = array<i32>} : memref<32x128xf32, #tpu.memory_space<vmem>>, vector<16xf32>,
      %broadcast_in_dim3A_1064 = arith.constant 22 : i32
      %broadcast_in_dim3A_1065 = vector.broadcast %broadcast_in_dim3A_1064 : i32 to vector<16xi32>
      %gather3A_1066 = tpu.vector_load_idx %arg6[%add3A_121, %broadcast_in_dim3A_1065] : memref<128x128xf32, #tpu.memory_space<vmem>>[vector<16xi32>, vector<16xi32>], vector<16xf32>,
      %swap3A_1067 = arith.constant 22 : i32
      %swap3A_1068 = arith.index_cast %swap3A_1067 : i32 to index
      %swap3A_1069 = arith.constant 0 : index
      %swap3A_1070 = tpu.vector_load %arg8[%swap3A_1068, %swap3A_1069] {strides = array<i32>} : memref<32x128xf32, #tpu.memory_space<vmem>>, vector<16xf32>,
      tpu.vector_store %arg8[%swap3A_1068, %swap3A_1069], %gather3A_1066 {strides = array<i32>} : memref<32x128xf32, #tpu.memory_space<vmem>>, vector<16xf32>,
      %gather3A_1071 = tpu.vector_load_idx %arg6[%add3A_124, %broadcast_in_dim3A_1065] : memref<128x128xf32, #tpu.memory_space<vmem>>[vector<16xi32>, vector<16xi32>], vector<16xf32>,
      %swap3A_1072 = arith.constant 22 : i32
      %swap3A_1073 = arith.index_cast %swap3A_1072 : i32 to index
      %swap3A_1074 = arith.constant 16 : index
      %swap3A_1075 = tpu.vector_load %arg8[%swap3A_1073, %swap3A_1074] {strides = array<i32>} : memref<32x128xf32, #tpu.memory_space<vmem>>, vector<16xf32>,
      tpu.vector_store %arg8[%swap3A_1073, %swap3A_1074], %gather3A_1071 {strides = array<i32>} : memref<32x128xf32, #tpu.memory_space<vmem>>, vector<16xf32>,
      %gather3A_1076 = tpu.vector_load_idx %arg6[%add3A_127, %broadcast_in_dim3A_1065] : memref<128x128xf32, #tpu.memory_space<vmem>>[vector<16xi32>, vector<16xi32>], vector<16xf32>,
      %swap3A_1077 = arith.constant 22 : i32
      %swap3A_1078 = arith.index_cast %swap3A_1077 : i32 to index
      %swap3A_1079 = arith.constant 32 : index
      %swap3A_1080 = tpu.vector_load %arg8[%swap3A_1078, %swap3A_1079] {strides = array<i32>} : memref<32x128xf32, #tpu.memory_space<vmem>>, vector<16xf32>,
      tpu.vector_store %arg8[%swap3A_1078, %swap3A_1079], %gather3A_1076 {strides = array<i32>} : memref<32x128xf32, #tpu.memory_space<vmem>>, vector<16xf32>,
      %gather3A_1081 = tpu.vector_load_idx %arg6[%add3A_130, %broadcast_in_dim3A_1065] : memref<128x128xf32, #tpu.memory_space<vmem>>[vector<16xi32>, vector<16xi32>], vector<16xf32>,
      %swap3A_1082 = arith.constant 22 : i32
      %swap3A_1083 = arith.index_cast %swap3A_1082 : i32 to index
      %swap3A_1084 = arith.constant 48 : index
      %swap3A_1085 = tpu.vector_load %arg8[%swap3A_1083, %swap3A_1084] {strides = array<i32>} : memref<32x128xf32, #tpu.memory_space<vmem>>, vector<16xf32>,
      tpu.vector_store %arg8[%swap3A_1083, %swap3A_1084], %gather3A_1081 {strides = array<i32>} : memref<32x128xf32, #tpu.memory_space<vmem>>, vector<16xf32>,
      %gather3A_1086 = tpu.vector_load_idx %arg6[%add3A_133, %broadcast_in_dim3A_1065] : memref<128x128xf32, #tpu.memory_space<vmem>>[vector<16xi32>, vector<16xi32>], vector<16xf32>,
      %swap3A_1087 = arith.constant 22 : i32
      %swap3A_1088 = arith.index_cast %swap3A_1087 : i32 to index
      %swap3A_1089 = arith.constant 64 : index
      %swap3A_1090 = tpu.vector_load %arg8[%swap3A_1088, %swap3A_1089] {strides = array<i32>} : memref<32x128xf32, #tpu.memory_space<vmem>>, vector<16xf32>,
      tpu.vector_store %arg8[%swap3A_1088, %swap3A_1089], %gather3A_1086 {strides = array<i32>} : memref<32x128xf32, #tpu.memory_space<vmem>>, vector<16xf32>,
      %gather3A_1091 = tpu.vector_load_idx %arg6[%add3A_136, %broadcast_in_dim3A_1065] : memref<128x128xf32, #tpu.memory_space<vmem>>[vector<16xi32>, vector<16xi32>], vector<16xf32>,
      %swap3A_1092 = arith.constant 22 : i32
      %swap3A_1093 = arith.index_cast %swap3A_1092 : i32 to index
      %swap3A_1094 = arith.constant 80 : index
      %swap3A_1095 = tpu.vector_load %arg8[%swap3A_1093, %swap3A_1094] {strides = array<i32>} : memref<32x128xf32, #tpu.memory_space<vmem>>, vector<16xf32>,
      tpu.vector_store %arg8[%swap3A_1093, %swap3A_1094], %gather3A_1091 {strides = array<i32>} : memref<32x128xf32, #tpu.memory_space<vmem>>, vector<16xf32>,
      %gather3A_1096 = tpu.vector_load_idx %arg6[%add3A_139, %broadcast_in_dim3A_1065] : memref<128x128xf32, #tpu.memory_space<vmem>>[vector<16xi32>, vector<16xi32>], vector<16xf32>,
      %swap3A_1097 = arith.constant 22 : i32
      %swap3A_1098 = arith.index_cast %swap3A_1097 : i32 to index
      %swap3A_1099 = arith.constant 96 : index
      %swap3A_1100 = tpu.vector_load %arg8[%swap3A_1098, %swap3A_1099] {strides = array<i32>} : memref<32x128xf32, #tpu.memory_space<vmem>>, vector<16xf32>,
      tpu.vector_store %arg8[%swap3A_1098, %swap3A_1099], %gather3A_1096 {strides = array<i32>} : memref<32x128xf32, #tpu.memory_space<vmem>>, vector<16xf32>,
      %gather3A_1101 = tpu.vector_load_idx %arg6[%add3A_142, %broadcast_in_dim3A_1065] : memref<128x128xf32, #tpu.memory_space<vmem>>[vector<16xi32>, vector<16xi32>], vector<16xf32>,
      %swap3A_1102 = arith.constant 22 : i32
      %swap3A_1103 = arith.index_cast %swap3A_1102 : i32 to index
      %swap3A_1104 = arith.constant 112 : index
      %swap3A_1105 = tpu.vector_load %arg8[%swap3A_1103, %swap3A_1104] {strides = array<i32>} : memref<32x128xf32, #tpu.memory_space<vmem>>, vector<16xf32>,
      tpu.vector_store %arg8[%swap3A_1103, %swap3A_1104], %gather3A_1101 {strides = array<i32>} : memref<32x128xf32, #tpu.memory_space<vmem>>, vector<16xf32>,
      %broadcast_in_dim3A_1106 = arith.constant 23 : i32
      %broadcast_in_dim3A_1107 = vector.broadcast %broadcast_in_dim3A_1106 : i32 to vector<16xi32>
      %gather3A_1108 = tpu.vector_load_idx %arg6[%add3A_121, %broadcast_in_dim3A_1107] : memref<128x128xf32, #tpu.memory_space<vmem>>[vector<16xi32>, vector<16xi32>], vector<16xf32>,
      %swap3A_1109 = arith.constant 23 : i32
      %swap3A_1110 = arith.index_cast %swap3A_1109 : i32 to index
      %swap3A_1111 = arith.constant 0 : index
      %swap3A_1112 = tpu.vector_load %arg8[%swap3A_1110, %swap3A_1111] {strides = array<i32>} : memref<32x128xf32, #tpu.memory_space<vmem>>, vector<16xf32>,
      tpu.vector_store %arg8[%swap3A_1110, %swap3A_1111], %gather3A_1108 {strides = array<i32>} : memref<32x128xf32, #tpu.memory_space<vmem>>, vector<16xf32>,
      %gather3A_1113 = tpu.vector_load_idx %arg6[%add3A_124, %broadcast_in_dim3A_1107] : memref<128x128xf32, #tpu.memory_space<vmem>>[vector<16xi32>, vector<16xi32>], vector<16xf32>,
      %swap3A_1114 = arith.constant 23 : i32
      %swap3A_1115 = arith.index_cast %swap3A_1114 : i32 to index
      %swap3A_1116 = arith.constant 16 : index
      %swap3A_1117 = tpu.vector_load %arg8[%swap3A_1115, %swap3A_1116] {strides = array<i32>} : memref<32x128xf32, #tpu.memory_space<vmem>>, vector<16xf32>,
      tpu.vector_store %arg8[%swap3A_1115, %swap3A_1116], %gather3A_1113 {strides = array<i32>} : memref<32x128xf32, #tpu.memory_space<vmem>>, vector<16xf32>,
      %gather3A_1118 = tpu.vector_load_idx %arg6[%add3A_127, %broadcast_in_dim3A_1107] : memref<128x128xf32, #tpu.memory_space<vmem>>[vector<16xi32>, vector<16xi32>], vector<16xf32>,
      %swap3A_1119 = arith.constant 23 : i32
      %swap3A_1120 = arith.index_cast %swap3A_1119 : i32 to index
      %swap3A_1121 = arith.constant 32 : index
      %swap3A_1122 = tpu.vector_load %arg8[%swap3A_1120, %swap3A_1121] {strides = array<i32>} : memref<32x128xf32, #tpu.memory_space<vmem>>, vector<16xf32>,
      tpu.vector_store %arg8[%swap3A_1120, %swap3A_1121], %gather3A_1118 {strides = array<i32>} : memref<32x128xf32, #tpu.memory_space<vmem>>, vector<16xf32>,
      %gather3A_1123 = tpu.vector_load_idx %arg6[%add3A_130, %broadcast_in_dim3A_1107] : memref<128x128xf32, #tpu.memory_space<vmem>>[vector<16xi32>, vector<16xi32>], vector<16xf32>,
      %swap3A_1124 = arith.constant 23 : i32
      %swap3A_1125 = arith.index_cast %swap3A_1124 : i32 to index
      %swap3A_1126 = arith.constant 48 : index
      %swap3A_1127 = tpu.vector_load %arg8[%swap3A_1125, %swap3A_1126] {strides = array<i32>} : memref<32x128xf32, #tpu.memory_space<vmem>>, vector<16xf32>,
      tpu.vector_store %arg8[%swap3A_1125, %swap3A_1126], %gather3A_1123 {strides = array<i32>} : memref<32x128xf32, #tpu.memory_space<vmem>>, vector<16xf32>,
      %gather3A_1128 = tpu.vector_load_idx %arg6[%add3A_133, %broadcast_in_dim3A_1107] : memref<128x128xf32, #tpu.memory_space<vmem>>[vector<16xi32>, vector<16xi32>], vector<16xf32>,
      %swap3A_1129 = arith.constant 23 : i32
      %swap3A_1130 = arith.index_cast %swap3A_1129 : i32 to index
      %swap3A_1131 = arith.constant 64 : index
      %swap3A_1132 = tpu.vector_load %arg8[%swap3A_1130, %swap3A_1131] {strides = array<i32>} : memref<32x128xf32, #tpu.memory_space<vmem>>, vector<16xf32>,
      tpu.vector_store %arg8[%swap3A_1130, %swap3A_1131], %gather3A_1128 {strides = array<i32>} : memref<32x128xf32, #tpu.memory_space<vmem>>, vector<16xf32>,
      %gather3A_1133 = tpu.vector_load_idx %arg6[%add3A_136, %broadcast_in_dim3A_1107] : memref<128x128xf32, #tpu.memory_space<vmem>>[vector<16xi32>, vector<16xi32>], vector<16xf32>,
      %swap3A_1134 = arith.constant 23 : i32
      %swap3A_1135 = arith.index_cast %swap3A_1134 : i32 to index
      %swap3A_1136 = arith.constant 80 : index
      %swap3A_1137 = tpu.vector_load %arg8[%swap3A_1135, %swap3A_1136] {strides = array<i32>} : memref<32x128xf32, #tpu.memory_space<vmem>>, vector<16xf32>,
      tpu.vector_store %arg8[%swap3A_1135, %swap3A_1136], %gather3A_1133 {strides = array<i32>} : memref<32x128xf32, #tpu.memory_space<vmem>>, vector<16xf32>,
      %gather3A_1138 = tpu.vector_load_idx %arg6[%add3A_139, %broadcast_in_dim3A_1107] : memref<128x128xf32, #tpu.memory_space<vmem>>[vector<16xi32>, vector<16xi32>], vector<16xf32>,
      %swap3A_1139 = arith.constant 23 : i32
      %swap3A_1140 = arith.index_cast %swap3A_1139 : i32 to index
      %swap3A_1141 = arith.constant 96 : index
      %swap3A_1142 = tpu.vector_load %arg8[%swap3A_1140, %swap3A_1141] {strides = array<i32>} : memref<32x128xf32, #tpu.memory_space<vmem>>, vector<16xf32>,
      tpu.vector_store %arg8[%swap3A_1140, %swap3A_1141], %gather3A_1138 {strides = array<i32>} : memref<32x128xf32, #tpu.memory_space<vmem>>, vector<16xf32>,
      %gather3A_1143 = tpu.vector_load_idx %arg6[%add3A_142, %broadcast_in_dim3A_1107] : memref<128x128xf32, #tpu.memory_space<vmem>>[vector<16xi32>, vector<16xi32>], vector<16xf32>,
      %swap3A_1144 = arith.constant 23 : i32
      %swap3A_1145 = arith.index_cast %swap3A_1144 : i32 to index
      %swap3A_1146 = arith.constant 112 : index
      %swap3A_1147 = tpu.vector_load %arg8[%swap3A_1145, %swap3A_1146] {strides = array<i32>} : memref<32x128xf32, #tpu.memory_space<vmem>>, vector<16xf32>,
      tpu.vector_store %arg8[%swap3A_1145, %swap3A_1146], %gather3A_1143 {strides = array<i32>} : memref<32x128xf32, #tpu.memory_space<vmem>>, vector<16xf32>,
      %broadcast_in_dim3A_1148 = arith.constant 24 : i32
      %broadcast_in_dim3A_1149 = vector.broadcast %broadcast_in_dim3A_1148 : i32 to vector<16xi32>
      %gather3A_1150 = tpu.vector_load_idx %arg6[%add3A_121, %broadcast_in_dim3A_1149] : memref<128x128xf32, #tpu.memory_space<vmem>>[vector<16xi32>, vector<16xi32>], vector<16xf32>,
      %swap3A_1151 = arith.constant 24 : i32
      %swap3A_1152 = arith.index_cast %swap3A_1151 : i32 to index
      %swap3A_1153 = arith.constant 0 : index
      %swap3A_1154 = tpu.vector_load %arg8[%swap3A_1152, %swap3A_1153] {strides = array<i32>} : memref<32x128xf32, #tpu.memory_space<vmem>>, vector<16xf32>,
      tpu.vector_store %arg8[%swap3A_1152, %swap3A_1153], %gather3A_1150 {strides = array<i32>} : memref<32x128xf32, #tpu.memory_space<vmem>>, vector<16xf32>,
      %gather3A_1155 = tpu.vector_load_idx %arg6[%add3A_124, %broadcast_in_dim3A_1149] : memref<128x128xf32, #tpu.memory_space<vmem>>[vector<16xi32>, vector<16xi32>], vector<16xf32>,
      %swap3A_1156 = arith.constant 24 : i32
      %swap3A_1157 = arith.index_cast %swap3A_1156 : i32 to index
      %swap3A_1158 = arith.constant 16 : index
      %swap3A_1159 = tpu.vector_load %arg8[%swap3A_1157, %swap3A_1158] {strides = array<i32>} : memref<32x128xf32, #tpu.memory_space<vmem>>, vector<16xf32>,
      tpu.vector_store %arg8[%swap3A_1157, %swap3A_1158], %gather3A_1155 {strides = array<i32>} : memref<32x128xf32, #tpu.memory_space<vmem>>, vector<16xf32>,
      %gather3A_1160 = tpu.vector_load_idx %arg6[%add3A_127, %broadcast_in_dim3A_1149] : memref<128x128xf32, #tpu.memory_space<vmem>>[vector<16xi32>, vector<16xi32>], vector<16xf32>,
      %swap3A_1161 = arith.constant 24 : i32
      %swap3A_1162 = arith.index_cast %swap3A_1161 : i32 to index
      %swap3A_1163 = arith.constant 32 : index
      %swap3A_1164 = tpu.vector_load %arg8[%swap3A_1162, %swap3A_1163] {strides = array<i32>} : memref<32x128xf32, #tpu.memory_space<vmem>>, vector<16xf32>,
      tpu.vector_store %arg8[%swap3A_1162, %swap3A_1163], %gather3A_1160 {strides = array<i32>} : memref<32x128xf32, #tpu.memory_space<vmem>>, vector<16xf32>,
      %gather3A_1165 = tpu.vector_load_idx %arg6[%add3A_130, %broadcast_in_dim3A_1149] : memref<128x128xf32, #tpu.memory_space<vmem>>[vector<16xi32>, vector<16xi32>], vector<16xf32>,
      %swap3A_1166 = arith.constant 24 : i32
      %swap3A_1167 = arith.index_cast %swap3A_1166 : i32 to index
      %swap3A_1168 = arith.constant 48 : index
      %swap3A_1169 = tpu.vector_load %arg8[%swap3A_1167, %swap3A_1168] {strides = array<i32>} : memref<32x128xf32, #tpu.memory_space<vmem>>, vector<16xf32>,
      tpu.vector_store %arg8[%swap3A_1167, %swap3A_1168], %gather3A_1165 {strides = array<i32>} : memref<32x128xf32, #tpu.memory_space<vmem>>, vector<16xf32>,
      %gather3A_1170 = tpu.vector_load_idx %arg6[%add3A_133, %broadcast_in_dim3A_1149] : memref<128x128xf32, #tpu.memory_space<vmem>>[vector<16xi32>, vector<16xi32>], vector<16xf32>,
      %swap3A_1171 = arith.constant 24 : i32
      %swap3A_1172 = arith.index_cast %swap3A_1171 : i32 to index
      %swap3A_1173 = arith.constant 64 : index
      %swap3A_1174 = tpu.vector_load %arg8[%swap3A_1172, %swap3A_1173] {strides = array<i32>} : memref<32x128xf32, #tpu.memory_space<vmem>>, vector<16xf32>,
      tpu.vector_store %arg8[%swap3A_1172, %swap3A_1173], %gather3A_1170 {strides = array<i32>} : memref<32x128xf32, #tpu.memory_space<vmem>>, vector<16xf32>,
      %gather3A_1175 = tpu.vector_load_idx %arg6[%add3A_136, %broadcast_in_dim3A_1149] : memref<128x128xf32, #tpu.memory_space<vmem>>[vector<16xi32>, vector<16xi32>], vector<16xf32>,
      %swap3A_1176 = arith.constant 24 : i32
      %swap3A_1177 = arith.index_cast %swap3A_1176 : i32 to index
      %swap3A_1178 = arith.constant 80 : index
      %swap3A_1179 = tpu.vector_load %arg8[%swap3A_1177, %swap3A_1178] {strides = array<i32>} : memref<32x128xf32, #tpu.memory_space<vmem>>, vector<16xf32>,
      tpu.vector_store %arg8[%swap3A_1177, %swap3A_1178], %gather3A_1175 {strides = array<i32>} : memref<32x128xf32, #tpu.memory_space<vmem>>, vector<16xf32>,
      %gather3A_1180 = tpu.vector_load_idx %arg6[%add3A_139, %broadcast_in_dim3A_1149] : memref<128x128xf32, #tpu.memory_space<vmem>>[vector<16xi32>, vector<16xi32>], vector<16xf32>,
      %swap3A_1181 = arith.constant 24 : i32
      %swap3A_1182 = arith.index_cast %swap3A_1181 : i32 to index
      %swap3A_1183 = arith.constant 96 : index
      %swap3A_1184 = tpu.vector_load %arg8[%swap3A_1182, %swap3A_1183] {strides = array<i32>} : memref<32x128xf32, #tpu.memory_space<vmem>>, vector<16xf32>,
      tpu.vector_store %arg8[%swap3A_1182, %swap3A_1183], %gather3A_1180 {strides = array<i32>} : memref<32x128xf32, #tpu.memory_space<vmem>>, vector<16xf32>,
      %gather3A_1185 = tpu.vector_load_idx %arg6[%add3A_142, %broadcast_in_dim3A_1149] : memref<128x128xf32, #tpu.memory_space<vmem>>[vector<16xi32>, vector<16xi32>], vector<16xf32>,
      %swap3A_1186 = arith.constant 24 : i32
      %swap3A_1187 = arith.index_cast %swap3A_1186 : i32 to index
      %swap3A_1188 = arith.constant 112 : index
      %swap3A_1189 = tpu.vector_load %arg8[%swap3A_1187, %swap3A_1188] {strides = array<i32>} : memref<32x128xf32, #tpu.memory_space<vmem>>, vector<16xf32>,
      tpu.vector_store %arg8[%swap3A_1187, %swap3A_1188], %gather3A_1185 {strides = array<i32>} : memref<32x128xf32, #tpu.memory_space<vmem>>, vector<16xf32>,
      %broadcast_in_dim3A_1190 = arith.constant 25 : i32
      %broadcast_in_dim3A_1191 = vector.broadcast %broadcast_in_dim3A_1190 : i32 to vector<16xi32>
      %gather3A_1192 = tpu.vector_load_idx %arg6[%add3A_121, %broadcast_in_dim3A_1191] : memref<128x128xf32, #tpu.memory_space<vmem>>[vector<16xi32>, vector<16xi32>], vector<16xf32>,
      %swap3A_1193 = arith.constant 25 : i32
      %swap3A_1194 = arith.index_cast %swap3A_1193 : i32 to index
      %swap3A_1195 = arith.constant 0 : index
      %swap3A_1196 = tpu.vector_load %arg8[%swap3A_1194, %swap3A_1195] {strides = array<i32>} : memref<32x128xf32, #tpu.memory_space<vmem>>, vector<16xf32>,
      tpu.vector_store %arg8[%swap3A_1194, %swap3A_1195], %gather3A_1192 {strides = array<i32>} : memref<32x128xf32, #tpu.memory_space<vmem>>, vector<16xf32>,
      %gather3A_1197 = tpu.vector_load_idx %arg6[%add3A_124, %broadcast_in_dim3A_1191] : memref<128x128xf32, #tpu.memory_space<vmem>>[vector<16xi32>, vector<16xi32>], vector<16xf32>,
      %swap3A_1198 = arith.constant 25 : i32
      %swap3A_1199 = arith.index_cast %swap3A_1198 : i32 to index
      %swap3A_1200 = arith.constant 16 : index
      %swap3A_1201 = tpu.vector_load %arg8[%swap3A_1199, %swap3A_1200] {strides = array<i32>} : memref<32x128xf32, #tpu.memory_space<vmem>>, vector<16xf32>,
      tpu.vector_store %arg8[%swap3A_1199, %swap3A_1200], %gather3A_1197 {strides = array<i32>} : memref<32x128xf32, #tpu.memory_space<vmem>>, vector<16xf32>,
      %gather3A_1202 = tpu.vector_load_idx %arg6[%add3A_127, %broadcast_in_dim3A_1191] : memref<128x128xf32, #tpu.memory_space<vmem>>[vector<16xi32>, vector<16xi32>], vector<16xf32>,
      %swap3A_1203 = arith.constant 25 : i32
      %swap3A_1204 = arith.index_cast %swap3A_1203 : i32 to index
      %swap3A_1205 = arith.constant 32 : index
      %swap3A_1206 = tpu.vector_load %arg8[%swap3A_1204, %swap3A_1205] {strides = array<i32>} : memref<32x128xf32, #tpu.memory_space<vmem>>, vector<16xf32>,
      tpu.vector_store %arg8[%swap3A_1204, %swap3A_1205], %gather3A_1202 {strides = array<i32>} : memref<32x128xf32, #tpu.memory_space<vmem>>, vector<16xf32>,
      %gather3A_1207 = tpu.vector_load_idx %arg6[%add3A_130, %broadcast_in_dim3A_1191] : memref<128x128xf32, #tpu.memory_space<vmem>>[vector<16xi32>, vector<16xi32>], vector<16xf32>,
      %swap3A_1208 = arith.constant 25 : i32
      %swap3A_1209 = arith.index_cast %swap3A_1208 : i32 to index
      %swap3A_1210 = arith.constant 48 : index
      %swap3A_1211 = tpu.vector_load %arg8[%swap3A_1209, %swap3A_1210] {strides = array<i32>} : memref<32x128xf32, #tpu.memory_space<vmem>>, vector<16xf32>,
      tpu.vector_store %arg8[%swap3A_1209, %swap3A_1210], %gather3A_1207 {strides = array<i32>} : memref<32x128xf32, #tpu.memory_space<vmem>>, vector<16xf32>,
      %gather3A_1212 = tpu.vector_load_idx %arg6[%add3A_133, %broadcast_in_dim3A_1191] : memref<128x128xf32, #tpu.memory_space<vmem>>[vector<16xi32>, vector<16xi32>], vector<16xf32>,
      %swap3A_1213 = arith.constant 25 : i32
      %swap3A_1214 = arith.index_cast %swap3A_1213 : i32 to index
      %swap3A_1215 = arith.constant 64 : index
      %swap3A_1216 = tpu.vector_load %arg8[%swap3A_1214, %swap3A_1215] {strides = array<i32>} : memref<32x128xf32, #tpu.memory_space<vmem>>, vector<16xf32>,
      tpu.vector_store %arg8[%swap3A_1214, %swap3A_1215], %gather3A_1212 {strides = array<i32>} : memref<32x128xf32, #tpu.memory_space<vmem>>, vector<16xf32>,
      %gather3A_1217 = tpu.vector_load_idx %arg6[%add3A_136, %broadcast_in_dim3A_1191] : memref<128x128xf32, #tpu.memory_space<vmem>>[vector<16xi32>, vector<16xi32>], vector<16xf32>,
      %swap3A_1218 = arith.constant 25 : i32
      %swap3A_1219 = arith.index_cast %swap3A_1218 : i32 to index
      %swap3A_1220 = arith.constant 80 : index
      %swap3A_1221 = tpu.vector_load %arg8[%swap3A_1219, %swap3A_1220] {strides = array<i32>} : memref<32x128xf32, #tpu.memory_space<vmem>>, vector<16xf32>,
      tpu.vector_store %arg8[%swap3A_1219, %swap3A_1220], %gather3A_1217 {strides = array<i32>} : memref<32x128xf32, #tpu.memory_space<vmem>>, vector<16xf32>,
      %gather3A_1222 = tpu.vector_load_idx %arg6[%add3A_139, %broadcast_in_dim3A_1191] : memref<128x128xf32, #tpu.memory_space<vmem>>[vector<16xi32>, vector<16xi32>], vector<16xf32>,
      %swap3A_1223 = arith.constant 25 : i32
      %swap3A_1224 = arith.index_cast %swap3A_1223 : i32 to index
      %swap3A_1225 = arith.constant 96 : index
      %swap3A_1226 = tpu.vector_load %arg8[%swap3A_1224, %swap3A_1225] {strides = array<i32>} : memref<32x128xf32, #tpu.memory_space<vmem>>, vector<16xf32>,
      tpu.vector_store %arg8[%swap3A_1224, %swap3A_1225], %gather3A_1222 {strides = array<i32>} : memref<32x128xf32, #tpu.memory_space<vmem>>, vector<16xf32>,
      %gather3A_1227 = tpu.vector_load_idx %arg6[%add3A_142, %broadcast_in_dim3A_1191] : memref<128x128xf32, #tpu.memory_space<vmem>>[vector<16xi32>, vector<16xi32>], vector<16xf32>,
      %swap3A_1228 = arith.constant 25 : i32
      %swap3A_1229 = arith.index_cast %swap3A_1228 : i32 to index
      %swap3A_1230 = arith.constant 112 : index
      %swap3A_1231 = tpu.vector_load %arg8[%swap3A_1229, %swap3A_1230] {strides = array<i32>} : memref<32x128xf32, #tpu.memory_space<vmem>>, vector<16xf32>,
      tpu.vector_store %arg8[%swap3A_1229, %swap3A_1230], %gather3A_1227 {strides = array<i32>} : memref<32x128xf32, #tpu.memory_space<vmem>>, vector<16xf32>,
      %broadcast_in_dim3A_1232 = arith.constant 26 : i32
      %broadcast_in_dim3A_1233 = vector.broadcast %broadcast_in_dim3A_1232 : i32 to vector<16xi32>
      %gather3A_1234 = tpu.vector_load_idx %arg6[%add3A_121, %broadcast_in_dim3A_1233] : memref<128x128xf32, #tpu.memory_space<vmem>>[vector<16xi32>, vector<16xi32>], vector<16xf32>,
      %swap3A_1235 = arith.constant 26 : i32
      %swap3A_1236 = arith.index_cast %swap3A_1235 : i32 to index
      %swap3A_1237 = arith.constant 0 : index
      %swap3A_1238 = tpu.vector_load %arg8[%swap3A_1236, %swap3A_1237] {strides = array<i32>} : memref<32x128xf32, #tpu.memory_space<vmem>>, vector<16xf32>,
      tpu.vector_store %arg8[%swap3A_1236, %swap3A_1237], %gather3A_1234 {strides = array<i32>} : memref<32x128xf32, #tpu.memory_space<vmem>>, vector<16xf32>,
      %gather3A_1239 = tpu.vector_load_idx %arg6[%add3A_124, %broadcast_in_dim3A_1233] : memref<128x128xf32, #tpu.memory_space<vmem>>[vector<16xi32>, vector<16xi32>], vector<16xf32>,
      %swap3A_1240 = arith.constant 26 : i32
      %swap3A_1241 = arith.index_cast %swap3A_1240 : i32 to index
      %swap3A_1242 = arith.constant 16 : index
      %swap3A_1243 = tpu.vector_load %arg8[%swap3A_1241, %swap3A_1242] {strides = array<i32>} : memref<32x128xf32, #tpu.memory_space<vmem>>, vector<16xf32>,
      tpu.vector_store %arg8[%swap3A_1241, %swap3A_1242], %gather3A_1239 {strides = array<i32>} : memref<32x128xf32, #tpu.memory_space<vmem>>, vector<16xf32>,
      %gather3A_1244 = tpu.vector_load_idx %arg6[%add3A_127, %broadcast_in_dim3A_1233] : memref<128x128xf32, #tpu.memory_space<vmem>>[vector<16xi32>, vector<16xi32>], vector<16xf32>,
      %swap3A_1245 = arith.constant 26 : i32
      %swap3A_1246 = arith.index_cast %swap3A_1245 : i32 to index
      %swap3A_1247 = arith.constant 32 : index
      %swap3A_1248 = tpu.vector_load %arg8[%swap3A_1246, %swap3A_1247] {strides = array<i32>} : memref<32x128xf32, #tpu.memory_space<vmem>>, vector<16xf32>,
      tpu.vector_store %arg8[%swap3A_1246, %swap3A_1247], %gather3A_1244 {strides = array<i32>} : memref<32x128xf32, #tpu.memory_space<vmem>>, vector<16xf32>,
      %gather3A_1249 = tpu.vector_load_idx %arg6[%add3A_130, %broadcast_in_dim3A_1233] : memref<128x128xf32, #tpu.memory_space<vmem>>[vector<16xi32>, vector<16xi32>], vector<16xf32>,
      %swap3A_1250 = arith.constant 26 : i32
      %swap3A_1251 = arith.index_cast %swap3A_1250 : i32 to index
      %swap3A_1252 = arith.constant 48 : index
      %swap3A_1253 = tpu.vector_load %arg8[%swap3A_1251, %swap3A_1252] {strides = array<i32>} : memref<32x128xf32, #tpu.memory_space<vmem>>, vector<16xf32>,
      tpu.vector_store %arg8[%swap3A_1251, %swap3A_1252], %gather3A_1249 {strides = array<i32>} : memref<32x128xf32, #tpu.memory_space<vmem>>, vector<16xf32>,
      %gather3A_1254 = tpu.vector_load_idx %arg6[%add3A_133, %broadcast_in_dim3A_1233] : memref<128x128xf32, #tpu.memory_space<vmem>>[vector<16xi32>, vector<16xi32>], vector<16xf32>,
      %swap3A_1255 = arith.constant 26 : i32
      %swap3A_1256 = arith.index_cast %swap3A_1255 : i32 to index
      %swap3A_1257 = arith.constant 64 : index
      %swap3A_1258 = tpu.vector_load %arg8[%swap3A_1256, %swap3A_1257] {strides = array<i32>} : memref<32x128xf32, #tpu.memory_space<vmem>>, vector<16xf32>,
      tpu.vector_store %arg8[%swap3A_1256, %swap3A_1257], %gather3A_1254 {strides = array<i32>} : memref<32x128xf32, #tpu.memory_space<vmem>>, vector<16xf32>,
      %gather3A_1259 = tpu.vector_load_idx %arg6[%add3A_136, %broadcast_in_dim3A_1233] : memref<128x128xf32, #tpu.memory_space<vmem>>[vector<16xi32>, vector<16xi32>], vector<16xf32>,
      %swap3A_1260 = arith.constant 26 : i32
      %swap3A_1261 = arith.index_cast %swap3A_1260 : i32 to index
      %swap3A_1262 = arith.constant 80 : index
      %swap3A_1263 = tpu.vector_load %arg8[%swap3A_1261, %swap3A_1262] {strides = array<i32>} : memref<32x128xf32, #tpu.memory_space<vmem>>, vector<16xf32>,
      tpu.vector_store %arg8[%swap3A_1261, %swap3A_1262], %gather3A_1259 {strides = array<i32>} : memref<32x128xf32, #tpu.memory_space<vmem>>, vector<16xf32>,
      %gather3A_1264 = tpu.vector_load_idx %arg6[%add3A_139, %broadcast_in_dim3A_1233] : memref<128x128xf32, #tpu.memory_space<vmem>>[vector<16xi32>, vector<16xi32>], vector<16xf32>,
      %swap3A_1265 = arith.constant 26 : i32
      %swap3A_1266 = arith.index_cast %swap3A_1265 : i32 to index
      %swap3A_1267 = arith.constant 96 : index
      %swap3A_1268 = tpu.vector_load %arg8[%swap3A_1266, %swap3A_1267] {strides = array<i32>} : memref<32x128xf32, #tpu.memory_space<vmem>>, vector<16xf32>,
      tpu.vector_store %arg8[%swap3A_1266, %swap3A_1267], %gather3A_1264 {strides = array<i32>} : memref<32x128xf32, #tpu.memory_space<vmem>>, vector<16xf32>,
      %gather3A_1269 = tpu.vector_load_idx %arg6[%add3A_142, %broadcast_in_dim3A_1233] : memref<128x128xf32, #tpu.memory_space<vmem>>[vector<16xi32>, vector<16xi32>], vector<16xf32>,
      %swap3A_1270 = arith.constant 26 : i32
      %swap3A_1271 = arith.index_cast %swap3A_1270 : i32 to index
      %swap3A_1272 = arith.constant 112 : index
      %swap3A_1273 = tpu.vector_load %arg8[%swap3A_1271, %swap3A_1272] {strides = array<i32>} : memref<32x128xf32, #tpu.memory_space<vmem>>, vector<16xf32>,
      tpu.vector_store %arg8[%swap3A_1271, %swap3A_1272], %gather3A_1269 {strides = array<i32>} : memref<32x128xf32, #tpu.memory_space<vmem>>, vector<16xf32>,
      %broadcast_in_dim3A_1274 = arith.constant 27 : i32
      %broadcast_in_dim3A_1275 = vector.broadcast %broadcast_in_dim3A_1274 : i32 to vector<16xi32>
      %gather3A_1276 = tpu.vector_load_idx %arg6[%add3A_121, %broadcast_in_dim3A_1275] : memref<128x128xf32, #tpu.memory_space<vmem>>[vector<16xi32>, vector<16xi32>], vector<16xf32>,
      %swap3A_1277 = arith.constant 27 : i32
      %swap3A_1278 = arith.index_cast %swap3A_1277 : i32 to index
      %swap3A_1279 = arith.constant 0 : index
      %swap3A_1280 = tpu.vector_load %arg8[%swap3A_1278, %swap3A_1279] {strides = array<i32>} : memref<32x128xf32, #tpu.memory_space<vmem>>, vector<16xf32>,
      tpu.vector_store %arg8[%swap3A_1278, %swap3A_1279], %gather3A_1276 {strides = array<i32>} : memref<32x128xf32, #tpu.memory_space<vmem>>, vector<16xf32>,
      %gather3A_1281 = tpu.vector_load_idx %arg6[%add3A_124, %broadcast_in_dim3A_1275] : memref<128x128xf32, #tpu.memory_space<vmem>>[vector<16xi32>, vector<16xi32>], vector<16xf32>,
      %swap3A_1282 = arith.constant 27 : i32
      %swap3A_1283 = arith.index_cast %swap3A_1282 : i32 to index
      %swap3A_1284 = arith.constant 16 : index
      %swap3A_1285 = tpu.vector_load %arg8[%swap3A_1283, %swap3A_1284] {strides = array<i32>} : memref<32x128xf32, #tpu.memory_space<vmem>>, vector<16xf32>,
      tpu.vector_store %arg8[%swap3A_1283, %swap3A_1284], %gather3A_1281 {strides = array<i32>} : memref<32x128xf32, #tpu.memory_space<vmem>>, vector<16xf32>,
      %gather3A_1286 = tpu.vector_load_idx %arg6[%add3A_127, %broadcast_in_dim3A_1275] : memref<128x128xf32, #tpu.memory_space<vmem>>[vector<16xi32>, vector<16xi32>], vector<16xf32>,
      %swap3A_1287 = arith.constant 27 : i32
      %swap3A_1288 = arith.index_cast %swap3A_1287 : i32 to index
      %swap3A_1289 = arith.constant 32 : index
      %swap3A_1290 = tpu.vector_load %arg8[%swap3A_1288, %swap3A_1289] {strides = array<i32>} : memref<32x128xf32, #tpu.memory_space<vmem>>, vector<16xf32>,
      tpu.vector_store %arg8[%swap3A_1288, %swap3A_1289], %gather3A_1286 {strides = array<i32>} : memref<32x128xf32, #tpu.memory_space<vmem>>, vector<16xf32>,
      %gather3A_1291 = tpu.vector_load_idx %arg6[%add3A_130, %broadcast_in_dim3A_1275] : memref<128x128xf32, #tpu.memory_space<vmem>>[vector<16xi32>, vector<16xi32>], vector<16xf32>,
      %swap3A_1292 = arith.constant 27 : i32
      %swap3A_1293 = arith.index_cast %swap3A_1292 : i32 to index
      %swap3A_1294 = arith.constant 48 : index
      %swap3A_1295 = tpu.vector_load %arg8[%swap3A_1293, %swap3A_1294] {strides = array<i32>} : memref<32x128xf32, #tpu.memory_space<vmem>>, vector<16xf32>,
      tpu.vector_store %arg8[%swap3A_1293, %swap3A_1294], %gather3A_1291 {strides = array<i32>} : memref<32x128xf32, #tpu.memory_space<vmem>>, vector<16xf32>,
      %gather3A_1296 = tpu.vector_load_idx %arg6[%add3A_133, %broadcast_in_dim3A_1275] : memref<128x128xf32, #tpu.memory_space<vmem>>[vector<16xi32>, vector<16xi32>], vector<16xf32>,
      %swap3A_1297 = arith.constant 27 : i32
      %swap3A_1298 = arith.index_cast %swap3A_1297 : i32 to index
      %swap3A_1299 = arith.constant 64 : index
      %swap3A_1300 = tpu.vector_load %arg8[%swap3A_1298, %swap3A_1299] {strides = array<i32>} : memref<32x128xf32, #tpu.memory_space<vmem>>, vector<16xf32>,
      tpu.vector_store %arg8[%swap3A_1298, %swap3A_1299], %gather3A_1296 {strides = array<i32>} : memref<32x128xf32, #tpu.memory_space<vmem>>, vector<16xf32>,
      %gather3A_1301 = tpu.vector_load_idx %arg6[%add3A_136, %broadcast_in_dim3A_1275] : memref<128x128xf32, #tpu.memory_space<vmem>>[vector<16xi32>, vector<16xi32>], vector<16xf32>,
      %swap3A_1302 = arith.constant 27 : i32
      %swap3A_1303 = arith.index_cast %swap3A_1302 : i32 to index
      %swap3A_1304 = arith.constant 80 : index
      %swap3A_1305 = tpu.vector_load %arg8[%swap3A_1303, %swap3A_1304] {strides = array<i32>} : memref<32x128xf32, #tpu.memory_space<vmem>>, vector<16xf32>,
      tpu.vector_store %arg8[%swap3A_1303, %swap3A_1304], %gather3A_1301 {strides = array<i32>} : memref<32x128xf32, #tpu.memory_space<vmem>>, vector<16xf32>,
      %gather3A_1306 = tpu.vector_load_idx %arg6[%add3A_139, %broadcast_in_dim3A_1275] : memref<128x128xf32, #tpu.memory_space<vmem>>[vector<16xi32>, vector<16xi32>], vector<16xf32>,
      %swap3A_1307 = arith.constant 27 : i32
      %swap3A_1308 = arith.index_cast %swap3A_1307 : i32 to index
      %swap3A_1309 = arith.constant 96 : index
      %swap3A_1310 = tpu.vector_load %arg8[%swap3A_1308, %swap3A_1309] {strides = array<i32>} : memref<32x128xf32, #tpu.memory_space<vmem>>, vector<16xf32>,
      tpu.vector_store %arg8[%swap3A_1308, %swap3A_1309], %gather3A_1306 {strides = array<i32>} : memref<32x128xf32, #tpu.memory_space<vmem>>, vector<16xf32>,
      %gather3A_1311 = tpu.vector_load_idx %arg6[%add3A_142, %broadcast_in_dim3A_1275] : memref<128x128xf32, #tpu.memory_space<vmem>>[vector<16xi32>, vector<16xi32>], vector<16xf32>,
      %swap3A_1312 = arith.constant 27 : i32
      %swap3A_1313 = arith.index_cast %swap3A_1312 : i32 to index
      %swap3A_1314 = arith.constant 112 : index
      %swap3A_1315 = tpu.vector_load %arg8[%swap3A_1313, %swap3A_1314] {strides = array<i32>} : memref<32x128xf32, #tpu.memory_space<vmem>>, vector<16xf32>,
      tpu.vector_store %arg8[%swap3A_1313, %swap3A_1314], %gather3A_1311 {strides = array<i32>} : memref<32x128xf32, #tpu.memory_space<vmem>>, vector<16xf32>,
      %broadcast_in_dim3A_1316 = arith.constant 28 : i32
      %broadcast_in_dim3A_1317 = vector.broadcast %broadcast_in_dim3A_1316 : i32 to vector<16xi32>
      %gather3A_1318 = tpu.vector_load_idx %arg6[%add3A_121, %broadcast_in_dim3A_1317] : memref<128x128xf32, #tpu.memory_space<vmem>>[vector<16xi32>, vector<16xi32>], vector<16xf32>,
      %swap3A_1319 = arith.constant 28 : i32
      %swap3A_1320 = arith.index_cast %swap3A_1319 : i32 to index
      %swap3A_1321 = arith.constant 0 : index
      %swap3A_1322 = tpu.vector_load %arg8[%swap3A_1320, %swap3A_1321] {strides = array<i32>} : memref<32x128xf32, #tpu.memory_space<vmem>>, vector<16xf32>,
      tpu.vector_store %arg8[%swap3A_1320, %swap3A_1321], %gather3A_1318 {strides = array<i32>} : memref<32x128xf32, #tpu.memory_space<vmem>>, vector<16xf32>,
      %gather3A_1323 = tpu.vector_load_idx %arg6[%add3A_124, %broadcast_in_dim3A_1317] : memref<128x128xf32, #tpu.memory_space<vmem>>[vector<16xi32>, vector<16xi32>], vector<16xf32>,
      %swap3A_1324 = arith.constant 28 : i32
      %swap3A_1325 = arith.index_cast %swap3A_1324 : i32 to index
      %swap3A_1326 = arith.constant 16 : index
      %swap3A_1327 = tpu.vector_load %arg8[%swap3A_1325, %swap3A_1326] {strides = array<i32>} : memref<32x128xf32, #tpu.memory_space<vmem>>, vector<16xf32>,
      tpu.vector_store %arg8[%swap3A_1325, %swap3A_1326], %gather3A_1323 {strides = array<i32>} : memref<32x128xf32, #tpu.memory_space<vmem>>, vector<16xf32>,
      %gather3A_1328 = tpu.vector_load_idx %arg6[%add3A_127, %broadcast_in_dim3A_1317] : memref<128x128xf32, #tpu.memory_space<vmem>>[vector<16xi32>, vector<16xi32>], vector<16xf32>,
      %swap3A_1329 = arith.constant 28 : i32
      %swap3A_1330 = arith.index_cast %swap3A_1329 : i32 to index
      %swap3A_1331 = arith.constant 32 : index
      %swap3A_1332 = tpu.vector_load %arg8[%swap3A_1330, %swap3A_1331] {strides = array<i32>} : memref<32x128xf32, #tpu.memory_space<vmem>>, vector<16xf32>,
      tpu.vector_store %arg8[%swap3A_1330, %swap3A_1331], %gather3A_1328 {strides = array<i32>} : memref<32x128xf32, #tpu.memory_space<vmem>>, vector<16xf32>,
      %gather3A_1333 = tpu.vector_load_idx %arg6[%add3A_130, %broadcast_in_dim3A_1317] : memref<128x128xf32, #tpu.memory_space<vmem>>[vector<16xi32>, vector<16xi32>], vector<16xf32>,
      %swap3A_1334 = arith.constant 28 : i32
      %swap3A_1335 = arith.index_cast %swap3A_1334 : i32 to index
      %swap3A_1336 = arith.constant 48 : index
      %swap3A_1337 = tpu.vector_load %arg8[%swap3A_1335, %swap3A_1336] {strides = array<i32>} : memref<32x128xf32, #tpu.memory_space<vmem>>, vector<16xf32>,
      tpu.vector_store %arg8[%swap3A_1335, %swap3A_1336], %gather3A_1333 {strides = array<i32>} : memref<32x128xf32, #tpu.memory_space<vmem>>, vector<16xf32>,
      %gather3A_1338 = tpu.vector_load_idx %arg6[%add3A_133, %broadcast_in_dim3A_1317] : memref<128x128xf32, #tpu.memory_space<vmem>>[vector<16xi32>, vector<16xi32>], vector<16xf32>,
      %swap3A_1339 = arith.constant 28 : i32
      %swap3A_1340 = arith.index_cast %swap3A_1339 : i32 to index
      %swap3A_1341 = arith.constant 64 : index
      %swap3A_1342 = tpu.vector_load %arg8[%swap3A_1340, %swap3A_1341] {strides = array<i32>} : memref<32x128xf32, #tpu.memory_space<vmem>>, vector<16xf32>,
      tpu.vector_store %arg8[%swap3A_1340, %swap3A_1341], %gather3A_1338 {strides = array<i32>} : memref<32x128xf32, #tpu.memory_space<vmem>>, vector<16xf32>,
      %gather3A_1343 = tpu.vector_load_idx %arg6[%add3A_136, %broadcast_in_dim3A_1317] : memref<128x128xf32, #tpu.memory_space<vmem>>[vector<16xi32>, vector<16xi32>], vector<16xf32>,
      %swap3A_1344 = arith.constant 28 : i32
      %swap3A_1345 = arith.index_cast %swap3A_1344 : i32 to index
      %swap3A_1346 = arith.constant 80 : index
      %swap3A_1347 = tpu.vector_load %arg8[%swap3A_1345, %swap3A_1346] {strides = array<i32>} : memref<32x128xf32, #tpu.memory_space<vmem>>, vector<16xf32>,
      tpu.vector_store %arg8[%swap3A_1345, %swap3A_1346], %gather3A_1343 {strides = array<i32>} : memref<32x128xf32, #tpu.memory_space<vmem>>, vector<16xf32>,
      %gather3A_1348 = tpu.vector_load_idx %arg6[%add3A_139, %broadcast_in_dim3A_1317] : memref<128x128xf32, #tpu.memory_space<vmem>>[vector<16xi32>, vector<16xi32>], vector<16xf32>,
      %swap3A_1349 = arith.constant 28 : i32
      %swap3A_1350 = arith.index_cast %swap3A_1349 : i32 to index
      %swap3A_1351 = arith.constant 96 : index
      %swap3A_1352 = tpu.vector_load %arg8[%swap3A_1350, %swap3A_1351] {strides = array<i32>} : memref<32x128xf32, #tpu.memory_space<vmem>>, vector<16xf32>,
      tpu.vector_store %arg8[%swap3A_1350, %swap3A_1351], %gather3A_1348 {strides = array<i32>} : memref<32x128xf32, #tpu.memory_space<vmem>>, vector<16xf32>,
      %gather3A_1353 = tpu.vector_load_idx %arg6[%add3A_142, %broadcast_in_dim3A_1317] : memref<128x128xf32, #tpu.memory_space<vmem>>[vector<16xi32>, vector<16xi32>], vector<16xf32>,
      %swap3A_1354 = arith.constant 28 : i32
      %swap3A_1355 = arith.index_cast %swap3A_1354 : i32 to index
      %swap3A_1356 = arith.constant 112 : index
      %swap3A_1357 = tpu.vector_load %arg8[%swap3A_1355, %swap3A_1356] {strides = array<i32>} : memref<32x128xf32, #tpu.memory_space<vmem>>, vector<16xf32>,
      tpu.vector_store %arg8[%swap3A_1355, %swap3A_1356], %gather3A_1353 {strides = array<i32>} : memref<32x128xf32, #tpu.memory_space<vmem>>, vector<16xf32>,
      %broadcast_in_dim3A_1358 = arith.constant 29 : i32
      %broadcast_in_dim3A_1359 = vector.broadcast %broadcast_in_dim3A_1358 : i32 to vector<16xi32>
      %gather3A_1360 = tpu.vector_load_idx %arg6[%add3A_121, %broadcast_in_dim3A_1359] : memref<128x128xf32, #tpu.memory_space<vmem>>[vector<16xi32>, vector<16xi32>], vector<16xf32>,
      %swap3A_1361 = arith.constant 29 : i32
      %swap3A_1362 = arith.index_cast %swap3A_1361 : i32 to index
      %swap3A_1363 = arith.constant 0 : index
      %swap3A_1364 = tpu.vector_load %arg8[%swap3A_1362, %swap3A_1363] {strides = array<i32>} : memref<32x128xf32, #tpu.memory_space<vmem>>, vector<16xf32>,
      tpu.vector_store %arg8[%swap3A_1362, %swap3A_1363], %gather3A_1360 {strides = array<i32>} : memref<32x128xf32, #tpu.memory_space<vmem>>, vector<16xf32>,
      %gather3A_1365 = tpu.vector_load_idx %arg6[%add3A_124, %broadcast_in_dim3A_1359] : memref<128x128xf32, #tpu.memory_space<vmem>>[vector<16xi32>, vector<16xi32>], vector<16xf32>,
      %swap3A_1366 = arith.constant 29 : i32
      %swap3A_1367 = arith.index_cast %swap3A_1366 : i32 to index
      %swap3A_1368 = arith.constant 16 : index
      %swap3A_1369 = tpu.vector_load %arg8[%swap3A_1367, %swap3A_1368] {strides = array<i32>} : memref<32x128xf32, #tpu.memory_space<vmem>>, vector<16xf32>,
      tpu.vector_store %arg8[%swap3A_1367, %swap3A_1368], %gather3A_1365 {strides = array<i32>} : memref<32x128xf32, #tpu.memory_space<vmem>>, vector<16xf32>,
      %gather3A_1370 = tpu.vector_load_idx %arg6[%add3A_127, %broadcast_in_dim3A_1359] : memref<128x128xf32, #tpu.memory_space<vmem>>[vector<16xi32>, vector<16xi32>], vector<16xf32>,
      %swap3A_1371 = arith.constant 29 : i32
      %swap3A_1372 = arith.index_cast %swap3A_1371 : i32 to index
      %swap3A_1373 = arith.constant 32 : index
      %swap3A_1374 = tpu.vector_load %arg8[%swap3A_1372, %swap3A_1373] {strides = array<i32>} : memref<32x128xf32, #tpu.memory_space<vmem>>, vector<16xf32>,
      tpu.vector_store %arg8[%swap3A_1372, %swap3A_1373], %gather3A_1370 {strides = array<i32>} : memref<32x128xf32, #tpu.memory_space<vmem>>, vector<16xf32>,
      %gather3A_1375 = tpu.vector_load_idx %arg6[%add3A_130, %broadcast_in_dim3A_1359] : memref<128x128xf32, #tpu.memory_space<vmem>>[vector<16xi32>, vector<16xi32>], vector<16xf32>,
      %swap3A_1376 = arith.constant 29 : i32
      %swap3A_1377 = arith.index_cast %swap3A_1376 : i32 to index
      %swap3A_1378 = arith.constant 48 : index
      %swap3A_1379 = tpu.vector_load %arg8[%swap3A_1377, %swap3A_1378] {strides = array<i32>} : memref<32x128xf32, #tpu.memory_space<vmem>>, vector<16xf32>,
      tpu.vector_store %arg8[%swap3A_1377, %swap3A_1378], %gather3A_1375 {strides = array<i32>} : memref<32x128xf32, #tpu.memory_space<vmem>>, vector<16xf32>,
      %gather3A_1380 = tpu.vector_load_idx %arg6[%add3A_133, %broadcast_in_dim3A_1359] : memref<128x128xf32, #tpu.memory_space<vmem>>[vector<16xi32>, vector<16xi32>], vector<16xf32>,
      %swap3A_1381 = arith.constant 29 : i32
      %swap3A_1382 = arith.index_cast %swap3A_1381 : i32 to index
      %swap3A_1383 = arith.constant 64 : index
      %swap3A_1384 = tpu.vector_load %arg8[%swap3A_1382, %swap3A_1383] {strides = array<i32>} : memref<32x128xf32, #tpu.memory_space<vmem>>, vector<16xf32>,
      tpu.vector_store %arg8[%swap3A_1382, %swap3A_1383], %gather3A_1380 {strides = array<i32>} : memref<32x128xf32, #tpu.memory_space<vmem>>, vector<16xf32>,
      %gather3A_1385 = tpu.vector_load_idx %arg6[%add3A_136, %broadcast_in_dim3A_1359] : memref<128x128xf32, #tpu.memory_space<vmem>>[vector<16xi32>, vector<16xi32>], vector<16xf32>,
      %swap3A_1386 = arith.constant 29 : i32
      %swap3A_1387 = arith.index_cast %swap3A_1386 : i32 to index
      %swap3A_1388 = arith.constant 80 : index
      %swap3A_1389 = tpu.vector_load %arg8[%swap3A_1387, %swap3A_1388] {strides = array<i32>} : memref<32x128xf32, #tpu.memory_space<vmem>>, vector<16xf32>,
      tpu.vector_store %arg8[%swap3A_1387, %swap3A_1388], %gather3A_1385 {strides = array<i32>} : memref<32x128xf32, #tpu.memory_space<vmem>>, vector<16xf32>,
      %gather3A_1390 = tpu.vector_load_idx %arg6[%add3A_139, %broadcast_in_dim3A_1359] : memref<128x128xf32, #tpu.memory_space<vmem>>[vector<16xi32>, vector<16xi32>], vector<16xf32>,
      %swap3A_1391 = arith.constant 29 : i32
      %swap3A_1392 = arith.index_cast %swap3A_1391 : i32 to index
      %swap3A_1393 = arith.constant 96 : index
      %swap3A_1394 = tpu.vector_load %arg8[%swap3A_1392, %swap3A_1393] {strides = array<i32>} : memref<32x128xf32, #tpu.memory_space<vmem>>, vector<16xf32>,
      tpu.vector_store %arg8[%swap3A_1392, %swap3A_1393], %gather3A_1390 {strides = array<i32>} : memref<32x128xf32, #tpu.memory_space<vmem>>, vector<16xf32>,
      %gather3A_1395 = tpu.vector_load_idx %arg6[%add3A_142, %broadcast_in_dim3A_1359] : memref<128x128xf32, #tpu.memory_space<vmem>>[vector<16xi32>, vector<16xi32>], vector<16xf32>,
      %swap3A_1396 = arith.constant 29 : i32
      %swap3A_1397 = arith.index_cast %swap3A_1396 : i32 to index
      %swap3A_1398 = arith.constant 112 : index
      %swap3A_1399 = tpu.vector_load %arg8[%swap3A_1397, %swap3A_1398] {strides = array<i32>} : memref<32x128xf32, #tpu.memory_space<vmem>>, vector<16xf32>,
      tpu.vector_store %arg8[%swap3A_1397, %swap3A_1398], %gather3A_1395 {strides = array<i32>} : memref<32x128xf32, #tpu.memory_space<vmem>>, vector<16xf32>,
      %broadcast_in_dim3A_1400 = arith.constant 30 : i32
      %broadcast_in_dim3A_1401 = vector.broadcast %broadcast_in_dim3A_1400 : i32 to vector<16xi32>
      %gather3A_1402 = tpu.vector_load_idx %arg6[%add3A_121, %broadcast_in_dim3A_1401] : memref<128x128xf32, #tpu.memory_space<vmem>>[vector<16xi32>, vector<16xi32>], vector<16xf32>,
      %swap3A_1403 = arith.constant 30 : i32
      %swap3A_1404 = arith.index_cast %swap3A_1403 : i32 to index
      %swap3A_1405 = arith.constant 0 : index
      %swap3A_1406 = tpu.vector_load %arg8[%swap3A_1404, %swap3A_1405] {strides = array<i32>} : memref<32x128xf32, #tpu.memory_space<vmem>>, vector<16xf32>,
      tpu.vector_store %arg8[%swap3A_1404, %swap3A_1405], %gather3A_1402 {strides = array<i32>} : memref<32x128xf32, #tpu.memory_space<vmem>>, vector<16xf32>,
      %gather3A_1407 = tpu.vector_load_idx %arg6[%add3A_124, %broadcast_in_dim3A_1401] : memref<128x128xf32, #tpu.memory_space<vmem>>[vector<16xi32>, vector<16xi32>], vector<16xf32>,
      %swap3A_1408 = arith.constant 30 : i32
      %swap3A_1409 = arith.index_cast %swap3A_1408 : i32 to index
      %swap3A_1410 = arith.constant 16 : index
      %swap3A_1411 = tpu.vector_load %arg8[%swap3A_1409, %swap3A_1410] {strides = array<i32>} : memref<32x128xf32, #tpu.memory_space<vmem>>, vector<16xf32>,
      tpu.vector_store %arg8[%swap3A_1409, %swap3A_1410], %gather3A_1407 {strides = array<i32>} : memref<32x128xf32, #tpu.memory_space<vmem>>, vector<16xf32>,
      %gather3A_1412 = tpu.vector_load_idx %arg6[%add3A_127, %broadcast_in_dim3A_1401] : memref<128x128xf32, #tpu.memory_space<vmem>>[vector<16xi32>, vector<16xi32>], vector<16xf32>,
      %swap3A_1413 = arith.constant 30 : i32
      %swap3A_1414 = arith.index_cast %swap3A_1413 : i32 to index
      %swap3A_1415 = arith.constant 32 : index
      %swap3A_1416 = tpu.vector_load %arg8[%swap3A_1414, %swap3A_1415] {strides = array<i32>} : memref<32x128xf32, #tpu.memory_space<vmem>>, vector<16xf32>,
      tpu.vector_store %arg8[%swap3A_1414, %swap3A_1415], %gather3A_1412 {strides = array<i32>} : memref<32x128xf32, #tpu.memory_space<vmem>>, vector<16xf32>,
      %gather3A_1417 = tpu.vector_load_idx %arg6[%add3A_130, %broadcast_in_dim3A_1401] : memref<128x128xf32, #tpu.memory_space<vmem>>[vector<16xi32>, vector<16xi32>], vector<16xf32>,
      %swap3A_1418 = arith.constant 30 : i32
      %swap3A_1419 = arith.index_cast %swap3A_1418 : i32 to index
      %swap3A_1420 = arith.constant 48 : index
      %swap3A_1421 = tpu.vector_load %arg8[%swap3A_1419, %swap3A_1420] {strides = array<i32>} : memref<32x128xf32, #tpu.memory_space<vmem>>, vector<16xf32>,
      tpu.vector_store %arg8[%swap3A_1419, %swap3A_1420], %gather3A_1417 {strides = array<i32>} : memref<32x128xf32, #tpu.memory_space<vmem>>, vector<16xf32>,
      %gather3A_1422 = tpu.vector_load_idx %arg6[%add3A_133, %broadcast_in_dim3A_1401] : memref<128x128xf32, #tpu.memory_space<vmem>>[vector<16xi32>, vector<16xi32>], vector<16xf32>,
      %swap3A_1423 = arith.constant 30 : i32
      %swap3A_1424 = arith.index_cast %swap3A_1423 : i32 to index
      %swap3A_1425 = arith.constant 64 : index
      %swap3A_1426 = tpu.vector_load %arg8[%swap3A_1424, %swap3A_1425] {strides = array<i32>} : memref<32x128xf32, #tpu.memory_space<vmem>>, vector<16xf32>,
      tpu.vector_store %arg8[%swap3A_1424, %swap3A_1425], %gather3A_1422 {strides = array<i32>} : memref<32x128xf32, #tpu.memory_space<vmem>>, vector<16xf32>,
      %gather3A_1427 = tpu.vector_load_idx %arg6[%add3A_136, %broadcast_in_dim3A_1401] : memref<128x128xf32, #tpu.memory_space<vmem>>[vector<16xi32>, vector<16xi32>], vector<16xf32>,
      %swap3A_1428 = arith.constant 30 : i32
      %swap3A_1429 = arith.index_cast %swap3A_1428 : i32 to index
      %swap3A_1430 = arith.constant 80 : index
      %swap3A_1431 = tpu.vector_load %arg8[%swap3A_1429, %swap3A_1430] {strides = array<i32>} : memref<32x128xf32, #tpu.memory_space<vmem>>, vector<16xf32>,
      tpu.vector_store %arg8[%swap3A_1429, %swap3A_1430], %gather3A_1427 {strides = array<i32>} : memref<32x128xf32, #tpu.memory_space<vmem>>, vector<16xf32>,
      %gather3A_1432 = tpu.vector_load_idx %arg6[%add3A_139, %broadcast_in_dim3A_1401] : memref<128x128xf32, #tpu.memory_space<vmem>>[vector<16xi32>, vector<16xi32>], vector<16xf32>,
      %swap3A_1433 = arith.constant 30 : i32
      %swap3A_1434 = arith.index_cast %swap3A_1433 : i32 to index
      %swap3A_1435 = arith.constant 96 : index
      %swap3A_1436 = tpu.vector_load %arg8[%swap3A_1434, %swap3A_1435] {strides = array<i32>} : memref<32x128xf32, #tpu.memory_space<vmem>>, vector<16xf32>,
      tpu.vector_store %arg8[%swap3A_1434, %swap3A_1435], %gather3A_1432 {strides = array<i32>} : memref<32x128xf32, #tpu.memory_space<vmem>>, vector<16xf32>,
      %gather3A_1437 = tpu.vector_load_idx %arg6[%add3A_142, %broadcast_in_dim3A_1401] : memref<128x128xf32, #tpu.memory_space<vmem>>[vector<16xi32>, vector<16xi32>], vector<16xf32>,
      %swap3A_1438 = arith.constant 30 : i32
      %swap3A_1439 = arith.index_cast %swap3A_1438 : i32 to index
      %swap3A_1440 = arith.constant 112 : index
      %swap3A_1441 = tpu.vector_load %arg8[%swap3A_1439, %swap3A_1440] {strides = array<i32>} : memref<32x128xf32, #tpu.memory_space<vmem>>, vector<16xf32>,
      tpu.vector_store %arg8[%swap3A_1439, %swap3A_1440], %gather3A_1437 {strides = array<i32>} : memref<32x128xf32, #tpu.memory_space<vmem>>, vector<16xf32>,
      %broadcast_in_dim3A_1442 = arith.constant 31 : i32
      %broadcast_in_dim3A_1443 = vector.broadcast %broadcast_in_dim3A_1442 : i32 to vector<16xi32>
      %gather3A_1444 = tpu.vector_load_idx %arg6[%add3A_121, %broadcast_in_dim3A_1443] : memref<128x128xf32, #tpu.memory_space<vmem>>[vector<16xi32>, vector<16xi32>], vector<16xf32>,
      %swap3A_1445 = arith.constant 31 : i32
      %swap3A_1446 = arith.index_cast %swap3A_1445 : i32 to index
      %swap3A_1447 = arith.constant 0 : index
      %swap3A_1448 = tpu.vector_load %arg8[%swap3A_1446, %swap3A_1447] {strides = array<i32>} : memref<32x128xf32, #tpu.memory_space<vmem>>, vector<16xf32>,
      tpu.vector_store %arg8[%swap3A_1446, %swap3A_1447], %gather3A_1444 {strides = array<i32>} : memref<32x128xf32, #tpu.memory_space<vmem>>, vector<16xf32>,
      %gather3A_1449 = tpu.vector_load_idx %arg6[%add3A_124, %broadcast_in_dim3A_1443] : memref<128x128xf32, #tpu.memory_space<vmem>>[vector<16xi32>, vector<16xi32>], vector<16xf32>,
      %swap3A_1450 = arith.constant 31 : i32
      %swap3A_1451 = arith.index_cast %swap3A_1450 : i32 to index
      %swap3A_1452 = arith.constant 16 : index
      %swap3A_1453 = tpu.vector_load %arg8[%swap3A_1451, %swap3A_1452] {strides = array<i32>} : memref<32x128xf32, #tpu.memory_space<vmem>>, vector<16xf32>,
      tpu.vector_store %arg8[%swap3A_1451, %swap3A_1452], %gather3A_1449 {strides = array<i32>} : memref<32x128xf32, #tpu.memory_space<vmem>>, vector<16xf32>,
      %gather3A_1454 = tpu.vector_load_idx %arg6[%add3A_127, %broadcast_in_dim3A_1443] : memref<128x128xf32, #tpu.memory_space<vmem>>[vector<16xi32>, vector<16xi32>], vector<16xf32>,
      %swap3A_1455 = arith.constant 31 : i32
      %swap3A_1456 = arith.index_cast %swap3A_1455 : i32 to index
      %swap3A_1457 = arith.constant 32 : index
      %swap3A_1458 = tpu.vector_load %arg8[%swap3A_1456, %swap3A_1457] {strides = array<i32>} : memref<32x128xf32, #tpu.memory_space<vmem>>, vector<16xf32>,
      tpu.vector_store %arg8[%swap3A_1456, %swap3A_1457], %gather3A_1454 {strides = array<i32>} : memref<32x128xf32, #tpu.memory_space<vmem>>, vector<16xf32>,
      %gather3A_1459 = tpu.vector_load_idx %arg6[%add3A_130, %broadcast_in_dim3A_1443] : memref<128x128xf32, #tpu.memory_space<vmem>>[vector<16xi32>, vector<16xi32>], vector<16xf32>,
      %swap3A_1460 = arith.constant 31 : i32
      %swap3A_1461 = arith.index_cast %swap3A_1460 : i32 to index
      %swap3A_1462 = arith.constant 48 : index
      %swap3A_1463 = tpu.vector_load %arg8[%swap3A_1461, %swap3A_1462] {strides = array<i32>} : memref<32x128xf32, #tpu.memory_space<vmem>>, vector<16xf32>,
      tpu.vector_store %arg8[%swap3A_1461, %swap3A_1462], %gather3A_1459 {strides = array<i32>} : memref<32x128xf32, #tpu.memory_space<vmem>>, vector<16xf32>,
      %gather3A_1464 = tpu.vector_load_idx %arg6[%add3A_133, %broadcast_in_dim3A_1443] : memref<128x128xf32, #tpu.memory_space<vmem>>[vector<16xi32>, vector<16xi32>], vector<16xf32>,
      %swap3A_1465 = arith.constant 31 : i32
      %swap3A_1466 = arith.index_cast %swap3A_1465 : i32 to index
      %swap3A_1467 = arith.constant 64 : index
      %swap3A_1468 = tpu.vector_load %arg8[%swap3A_1466, %swap3A_1467] {strides = array<i32>} : memref<32x128xf32, #tpu.memory_space<vmem>>, vector<16xf32>,
      tpu.vector_store %arg8[%swap3A_1466, %swap3A_1467], %gather3A_1464 {strides = array<i32>} : memref<32x128xf32, #tpu.memory_space<vmem>>, vector<16xf32>,
      %gather3A_1469 = tpu.vector_load_idx %arg6[%add3A_136, %broadcast_in_dim3A_1443] : memref<128x128xf32, #tpu.memory_space<vmem>>[vector<16xi32>, vector<16xi32>], vector<16xf32>,
      %swap3A_1470 = arith.constant 31 : i32
      %swap3A_1471 = arith.index_cast %swap3A_1470 : i32 to index
      %swap3A_1472 = arith.constant 80 : index
      %swap3A_1473 = tpu.vector_load %arg8[%swap3A_1471, %swap3A_1472] {strides = array<i32>} : memref<32x128xf32, #tpu.memory_space<vmem>>, vector<16xf32>,
      tpu.vector_store %arg8[%swap3A_1471, %swap3A_1472], %gather3A_1469 {strides = array<i32>} : memref<32x128xf32, #tpu.memory_space<vmem>>, vector<16xf32>,
      %gather3A_1474 = tpu.vector_load_idx %arg6[%add3A_139, %broadcast_in_dim3A_1443] : memref<128x128xf32, #tpu.memory_space<vmem>>[vector<16xi32>, vector<16xi32>], vector<16xf32>,
      %swap3A_1475 = arith.constant 31 : i32
      %swap3A_1476 = arith.index_cast %swap3A_1475 : i32 to index
      %swap3A_1477 = arith.constant 96 : index
      %swap3A_1478 = tpu.vector_load %arg8[%swap3A_1476, %swap3A_1477] {strides = array<i32>} : memref<32x128xf32, #tpu.memory_space<vmem>>, vector<16xf32>,
      tpu.vector_store %arg8[%swap3A_1476, %swap3A_1477], %gather3A_1474 {strides = array<i32>} : memref<32x128xf32, #tpu.memory_space<vmem>>, vector<16xf32>,
      %gather3A_1479 = tpu.vector_load_idx %arg6[%add3A_142, %broadcast_in_dim3A_1443] : memref<128x128xf32, #tpu.memory_space<vmem>>[vector<16xi32>, vector<16xi32>], vector<16xf32>,
      %swap3A_1480 = arith.constant 31 : i32
      %swap3A_1481 = arith.index_cast %swap3A_1480 : i32 to index
      %swap3A_1482 = arith.constant 112 : index
      %swap3A_1483 = tpu.vector_load %arg8[%swap3A_1481, %swap3A_1482] {strides = array<i32>} : memref<32x128xf32, #tpu.memory_space<vmem>>, vector<16xf32>,
      tpu.vector_store %arg8[%swap3A_1481, %swap3A_1482], %gather3A_1479 {strides = array<i32>} : memref<32x128xf32, #tpu.memory_space<vmem>>, vector<16xf32>,
      %add3A_1484 = arith.addi %mul3A_2, %add3A_107 : i32
      %jit3A_1485 = arith.constant 128 : i32
      %div3A_1486 = arith.divsi %add3A_1484, %jit3A_1485 : i32
      %sign3A_1487 = arith.constant 0 : i32
      %sign3A_1488 = arith.cmpi sgt, %add3A_1484, %sign3A_1487 : i32
      %sign3A_1489 = arith.extui %sign3A_1488 : i1 to i32
      %sign3A_1490 = arith.constant 0 : i32
      %sign3A_1491 = arith.cmpi slt, %add3A_1484, %sign3A_1490 : i32
      %sign3A_1492 = arith.extui %sign3A_1491 : i1 to i32
      %sign3A_1493 = arith.subi %sign3A_1489, %sign3A_1492 : i32
      %sign3A_1494 = arith.constant 0 : i32
      %sign3A_1495 = arith.cmpi sgt, %jit3A_1485, %sign3A_1494 : i32
      %sign3A_1496 = arith.extui %sign3A_1495 : i1 to i32
      %sign3A_1497 = arith.constant 0 : i32
      %sign3A_1498 = arith.cmpi slt, %jit3A_1485, %sign3A_1497 : i32
      %sign3A_1499 = arith.extui %sign3A_1498 : i1 to i32
      %sign3A_1500 = arith.subi %sign3A_1496, %sign3A_1499 : i32
      %ne3A_1501 = arith.cmpi ne, %sign3A_1493, %sign3A_1500 : i32
      %rem3A_1502 = arith.remsi %add3A_1484, %jit3A_1485 : i32
      %ne3A_1503 = arith.constant 0 : i32
      %ne3A_1504 = arith.cmpi ne, %rem3A_1502, %ne3A_1503 : i32
      %and3A_1505 = arith.andi %ne3A_1501, %ne3A_1504 : i1
      %sub3A_1506 = arith.constant 1 : i32
      %sub3A_1507 = arith.subi %div3A_1486, %sub3A_1506 : i32
      %select_n3A_1508 = arith.select %and3A_1505, %sub3A_1507, %div3A_1486 : i32
      %jit3A_1509 = arith.constant 128 : i32
      %eq3A_1510 = arith.constant 0 : i32
      %eq3A_1511 = arith.cmpi eq, %jit3A_1509, %eq3A_1510 : i32
      %jit3A_1512 = arith.constant 1 : i32
      %select_n3A_1513 = arith.select %eq3A_1511, %jit3A_1512, %jit3A_1509 : i32
      %rem3A_1514 = arith.remsi %add3A_1484, %select_n3A_1513 : i32
      %ne3A_1515 = arith.constant 0 : i32
      %ne3A_1516 = arith.cmpi ne, %rem3A_1514, %ne3A_1515 : i32
      %lt3A_1517 = arith.constant 0 : i32
      %lt3A_1518 = arith.cmpi slt, %rem3A_1514, %lt3A_1517 : i32
      %lt3A_1519 = arith.constant 0 : i32
      %lt3A_1520 = arith.cmpi slt, %select_n3A_1513, %lt3A_1519 : i32
      %ne3A_1521 = arith.xori %lt3A_1518, %lt3A_1520 : i1
      %and3A_1522 = arith.andi %ne3A_1521, %ne3A_1516 : i1
      %add3A_1523 = arith.addi %rem3A_1514, %select_n3A_1513 : i32
      %select_n3A_1524 = arith.select %and3A_1522, %add3A_1523, %rem3A_1514 : i32
      %mul3A_1525 = arith.constant 128 : i32
      %mul3A_1526 = arith.muli %select_n3A_1524, %mul3A_1525 : i32
      %dma_start3A_1527 = arith.constant 0 : i32
      %dma_start3A_1528 = tpu.memref_slice %arg4[%select_n3A_1508, %dma_start3A_1527, %mul3A_1526] : memref<50x32x16384xf32, #tpu.memory_space<hbm>> -> memref<1x32x128xf32, #tpu.memory_space<hbm>>
      %dma_start3A_1529 = tpu.memref_squeeze %dma_start3A_1528 : memref<1x32x128xf32, #tpu.memory_space<hbm>> -> memref<32x128xf32, #tpu.memory_space<hbm>>
      %dma_start3A_1530 = arith.constant 0 : i32
      %dma_start3A_1531 = tpu.memref_slice %arg4[%select_n3A_1508, %dma_start3A_1530, %mul3A_1526] : memref<50x32x16384xf32, #tpu.memory_space<hbm>> -> memref<1x32x128xf32, #tpu.memory_space<hbm>>
      %dma_start3A_1532 = tpu.memref_squeeze %dma_start3A_1531 : memref<1x32x128xf32, #tpu.memory_space<hbm>> -> memref<32x128xf32, #tpu.memory_space<hbm>>
      tpu.enqueue_dma source(%arg8 : memref<32x128xf32, #tpu.memory_space<vmem>>) target(%dma_start3A_1532 : memref<32x128xf32, #tpu.memory_space<hbm>>) target_semaphore(%arg12 : memref<!tpu.dma_semaphore, #tpu.memory_space<semaphore_mem>>)
      %mul3A_1533 = arith.constant 2 : i32
      %mul3A_1534 = arith.muli %mul3A_1533, %scan3A_103 : i32
      %add3A_1535 = arith.constant 1 : i32
      %add3A_1536 = arith.addi %mul3A_1534, %add3A_1535 : i32
      %add3A_1537 = arith.constant 1 : i32
      %add3A_1538 = arith.addi %add3A_1536, %add3A_1537 : i32
      %lt3A_1539 = arith.constant 200 : i32
      %lt3A_1540 = arith.cmpi slt, %add3A_1538, %lt3A_1539 : i32
      %convert_element_type3A_1541 = arith.extui %lt3A_1540 : i1 to i32
      %cond3A_1542 = arith.constant 0 : i32
      %cond3A_1543 = arith.cmpi ne, %convert_element_type3A_1541, %cond3A_1542 : i32
      scf.if %cond3A_1543 {
        %ge3A = arith.constant 1 : i32
        %ge3A_2967 = arith.cmpi sge, %add3A_1536, %ge3A : i32
        %convert_element_type3A_2968 = arith.extui %ge3A_2967 : i1 to i32
        %cond3A_2969 = arith.constant 0 : i32
        %cond3A_2970 = arith.cmpi ne, %convert_element_type3A_2968, %cond3A_2969 : i32
        scf.if %cond3A_2970 {
          %sub3A_2979 = arith.constant 1 : i32
          %sub3A_2980 = arith.subi %add3A_1536, %sub3A_2979 : i32
          %add3A_2981 = arith.addi %mul3A_2, %sub3A_2980 : i32
          %jit3A_2982 = arith.constant 128 : i32
          %div3A_2983 = arith.divsi %add3A_2981, %jit3A_2982 : i32
          %sign3A_2984 = arith.constant 0 : i32
          %sign3A_2985 = arith.cmpi sgt, %add3A_2981, %sign3A_2984 : i32
          %sign3A_2986 = arith.extui %sign3A_2985 : i1 to i32
          %sign3A_2987 = arith.constant 0 : i32
          %sign3A_2988 = arith.cmpi slt, %add3A_2981, %sign3A_2987 : i32
          %sign3A_2989 = arith.extui %sign3A_2988 : i1 to i32
          %sign3A_2990 = arith.subi %sign3A_2986, %sign3A_2989 : i32
          %sign3A_2991 = arith.constant 0 : i32
          %sign3A_2992 = arith.cmpi sgt, %jit3A_2982, %sign3A_2991 : i32
          %sign3A_2993 = arith.extui %sign3A_2992 : i1 to i32
          %sign3A_2994 = arith.constant 0 : i32
          %sign3A_2995 = arith.cmpi slt, %jit3A_2982, %sign3A_2994 : i32
          %sign3A_2996 = arith.extui %sign3A_2995 : i1 to i32
          %sign3A_2997 = arith.subi %sign3A_2993, %sign3A_2996 : i32
          %ne3A_2998 = arith.cmpi ne, %sign3A_2990, %sign3A_2997 : i32
          %rem3A_2999 = arith.remsi %add3A_2981, %jit3A_2982 : i32
          %ne3A_3000 = arith.constant 0 : i32
          %ne3A_3001 = arith.cmpi ne, %rem3A_2999, %ne3A_3000 : i32
          %and3A_3002 = arith.andi %ne3A_2998, %ne3A_3001 : i1
          %sub3A_3003 = arith.constant 1 : i32
          %sub3A_3004 = arith.subi %div3A_2983, %sub3A_3003 : i32
          %select_n3A_3005 = arith.select %and3A_3002, %sub3A_3004, %div3A_2983 : i32
          %jit3A_3006 = arith.constant 128 : i32
          %eq3A_3007 = arith.constant 0 : i32
          %eq3A_3008 = arith.cmpi eq, %jit3A_3006, %eq3A_3007 : i32
          %jit3A_3009 = arith.constant 1 : i32
          %select_n3A_3010 = arith.select %eq3A_3008, %jit3A_3009, %jit3A_3006 : i32
          %rem3A_3011 = arith.remsi %add3A_2981, %select_n3A_3010 : i32
          %ne3A_3012 = arith.constant 0 : i32
          %ne3A_3013 = arith.cmpi ne, %rem3A_3011, %ne3A_3012 : i32
          %lt3A_3014 = arith.constant 0 : i32
          %lt3A_3015 = arith.cmpi slt, %rem3A_3011, %lt3A_3014 : i32
          %lt3A_3016 = arith.constant 0 : i32
          %lt3A_3017 = arith.cmpi slt, %select_n3A_3010, %lt3A_3016 : i32
          %ne3A_3018 = arith.xori %lt3A_3015, %lt3A_3017 : i1
          %and3A_3019 = arith.andi %ne3A_3018, %ne3A_3013 : i1
          %add3A_3020 = arith.addi %rem3A_3011, %select_n3A_3010 : i32
          %select_n3A_3021 = arith.select %and3A_3019, %add3A_3020, %rem3A_3011 : i32
          %mul3A_3022 = arith.constant 128 : i32
          %mul3A_3023 = arith.muli %select_n3A_3021, %mul3A_3022 : i32
          %dma_wait3A_3024 = arith.constant 0 : i32
          %dma_wait3A_3025 = tpu.memref_slice %arg4[%select_n3A_3005, %dma_wait3A_3024, %mul3A_3023] : memref<50x32x16384xf32, #tpu.memory_space<hbm>> -> memref<1x32x128xf32, #tpu.memory_space<hbm>>
          %dma_wait3A_3026 = tpu.memref_squeeze %dma_wait3A_3025 : memref<1x32x128xf32, #tpu.memory_space<hbm>> -> memref<32x128xf32, #tpu.memory_space<hbm>>
          %dma_wait3A_3027 = arith.constant 0 : i32
          %dma_wait3A_3028 = tpu.memref_slice %arg4[%select_n3A_3005, %dma_wait3A_3027, %mul3A_3023] : memref<50x32x16384xf32, #tpu.memory_space<hbm>> -> memref<1x32x128xf32, #tpu.memory_space<hbm>>
          %dma_wait3A_3029 = tpu.memref_squeeze %dma_wait3A_3028 : memref<1x32x128xf32, #tpu.memory_space<hbm>> -> memref<32x128xf32, #tpu.memory_space<hbm>>
          tpu.wait_dma2 semaphore(%arg12 : memref<!tpu.dma_semaphore, #tpu.memory_space<semaphore_mem>>) src(%arg8 : memref<32x128xf32, #tpu.memory_space<vmem>>) dst(%dma_wait3A_3029 : memref<32x128xf32, #tpu.memory_space<hbm>>)
        } else {
        }
        %add3A_2971 = arith.constant 1 : i32
        %add3A_2972 = arith.addi %add3A_1536, %add3A_2971 : i32
        %mul3A_2973 = arith.constant 128 : i32
        %mul3A_2974 = arith.muli %add3A_2972, %mul3A_2973 : i32
        %dma_start3A_2975 = tpu.memref_slice %arg5[%mul3A_2974] : memref<25600xi32, #tpu.memory_space<vmem>> -> memref<128xi32, #tpu.memory_space<vmem>>
        %dma_start3A_2976 = arith.constant 0 : i32
        %dma_start3A_2977 = arith.constant 0 : i32
        %dma_start3A_2978 = tpu.memref_slice %arg3[%dma_start3A_2976, %dma_start3A_2977] : memref<1000000x128xf32, #tpu.memory_space<hbm>> -> memref<1000000x128xf32, #tpu.memory_space<hbm>>
        tpu.enqueue_indirect_dma source(%dma_start3A_2978 : memref<1000000x128xf32, #tpu.memory_space<hbm>>) target(%arg6 : memref<128x128xf32, #tpu.memory_space<vmem>>) offsets(%dma_start3A_2975 : memref<128xi32, #tpu.memory_space<vmem>>) semaphore(%arg10 : memref<!tpu.dma_semaphore, #tpu.memory_space<semaphore_mem>>)
      } else {
      }
      %mul3A_1544 = arith.constant 128 : i32
      %mul3A_1545 = arith.muli %add3A_1536, %mul3A_1544 : i32
      %dma_wait3A_1546 = tpu.memref_slice %arg5[%mul3A_1545] : memref<25600xi32, #tpu.memory_space<vmem>> -> memref<128xi32, #tpu.memory_space<vmem>>
      %dma_wait3A_1547 = arith.constant 0 : i32
      %dma_wait3A_1548 = arith.constant 0 : i32
      %dma_wait3A_1549 = tpu.memref_slice %arg3[%dma_wait3A_1547, %dma_wait3A_1548] : memref<1000000x128xf32, #tpu.memory_space<hbm>> -> memref<1000000x128xf32, #tpu.memory_space<hbm>>
      tpu.wait_indirect_dma semaphore(%arg11 : memref<!tpu.dma_semaphore, #tpu.memory_space<semaphore_mem>>) src(%dma_wait3A_1549 : memref<1000000x128xf32, #tpu.memory_space<hbm>>) dst(%arg7 : memref<128x128xf32, #tpu.memory_space<vmem>>)
      %add3A_1550 = arith.constant 0 : i32
      %add3A_1551 = vector.broadcast %add3A_1550 : i32 to vector<16xi32>
      %add3A_1552 = arith.addi %iota3A, %add3A_1551 : vector<16xi32>
      %add3A_1553 = arith.constant 16 : i32
      %add3A_1554 = vector.broadcast %add3A_1553 : i32 to vector<16xi32>
      %add3A_1555 = arith.addi %iota3A, %add3A_1554 : vector<16xi32>
      %add3A_1556 = arith.constant 32 : i32
      %add3A_1557 = vector.broadcast %add3A_1556 : i32 to vector<16xi32>
      %add3A_1558 = arith.addi %iota3A, %add3A_1557 : vector<16xi32>
      %add3A_1559 = arith.constant 48 : i32
      %add3A_1560 = vector.broadcast %add3A_1559 : i32 to vector<16xi32>
      %add3A_1561 = arith.addi %iota3A, %add3A_1560 : vector<16xi32>
      %add3A_1562 = arith.constant 64 : i32
      %add3A_1563 = vector.broadcast %add3A_1562 : i32 to vector<16xi32>
      %add3A_1564 = arith.addi %iota3A, %add3A_1563 : vector<16xi32>
      %add3A_1565 = arith.constant 80 : i32
      %add3A_1566 = vector.broadcast %add3A_1565 : i32 to vector<16xi32>
      %add3A_1567 = arith.addi %iota3A, %add3A_1566 : vector<16xi32>
      %add3A_1568 = arith.constant 96 : i32
      %add3A_1569 = vector.broadcast %add3A_1568 : i32 to vector<16xi32>
      %add3A_1570 = arith.addi %iota3A, %add3A_1569 : vector<16xi32>
      %add3A_1571 = arith.constant 112 : i32
      %add3A_1572 = vector.broadcast %add3A_1571 : i32 to vector<16xi32>
      %add3A_1573 = arith.addi %iota3A, %add3A_1572 : vector<16xi32>
      %broadcast_in_dim3A_1574 = arith.constant 0 : i32
      %broadcast_in_dim3A_1575 = vector.broadcast %broadcast_in_dim3A_1574 : i32 to vector<16xi32>
      %gather3A_1576 = tpu.vector_load_idx %arg7[%add3A_1552, %broadcast_in_dim3A_1575] : memref<128x128xf32, #tpu.memory_space<vmem>>[vector<16xi32>, vector<16xi32>], vector<16xf32>,
      %swap3A_1577 = arith.constant 0 : i32
      %swap3A_1578 = arith.index_cast %swap3A_1577 : i32 to index
      %swap3A_1579 = arith.constant 0 : index
      %swap3A_1580 = tpu.vector_load %arg9[%swap3A_1578, %swap3A_1579] {strides = array<i32>} : memref<32x128xf32, #tpu.memory_space<vmem>>, vector<16xf32>,
      tpu.vector_store %arg9[%swap3A_1578, %swap3A_1579], %gather3A_1576 {strides = array<i32>} : memref<32x128xf32, #tpu.memory_space<vmem>>, vector<16xf32>,
      %gather3A_1581 = tpu.vector_load_idx %arg7[%add3A_1555, %broadcast_in_dim3A_1575] : memref<128x128xf32, #tpu.memory_space<vmem>>[vector<16xi32>, vector<16xi32>], vector<16xf32>,
      %swap3A_1582 = arith.constant 0 : i32
      %swap3A_1583 = arith.index_cast %swap3A_1582 : i32 to index
      %swap3A_1584 = arith.constant 16 : index
      %swap3A_1585 = tpu.vector_load %arg9[%swap3A_1583, %swap3A_1584] {strides = array<i32>} : memref<32x128xf32, #tpu.memory_space<vmem>>, vector<16xf32>,
      tpu.vector_store %arg9[%swap3A_1583, %swap3A_1584], %gather3A_1581 {strides = array<i32>} : memref<32x128xf32, #tpu.memory_space<vmem>>, vector<16xf32>,
      %gather3A_1586 = tpu.vector_load_idx %arg7[%add3A_1558, %broadcast_in_dim3A_1575] : memref<128x128xf32, #tpu.memory_space<vmem>>[vector<16xi32>, vector<16xi32>], vector<16xf32>,
      %swap3A_1587 = arith.constant 0 : i32
      %swap3A_1588 = arith.index_cast %swap3A_1587 : i32 to index
      %swap3A_1589 = arith.constant 32 : index
      %swap3A_1590 = tpu.vector_load %arg9[%swap3A_1588, %swap3A_1589] {strides = array<i32>} : memref<32x128xf32, #tpu.memory_space<vmem>>, vector<16xf32>,
      tpu.vector_store %arg9[%swap3A_1588, %swap3A_1589], %gather3A_1586 {strides = array<i32>} : memref<32x128xf32, #tpu.memory_space<vmem>>, vector<16xf32>,
      %gather3A_1591 = tpu.vector_load_idx %arg7[%add3A_1561, %broadcast_in_dim3A_1575] : memref<128x128xf32, #tpu.memory_space<vmem>>[vector<16xi32>, vector<16xi32>], vector<16xf32>,
      %swap3A_1592 = arith.constant 0 : i32
      %swap3A_1593 = arith.index_cast %swap3A_1592 : i32 to index
      %swap3A_1594 = arith.constant 48 : index
      %swap3A_1595 = tpu.vector_load %arg9[%swap3A_1593, %swap3A_1594] {strides = array<i32>} : memref<32x128xf32, #tpu.memory_space<vmem>>, vector<16xf32>,
      tpu.vector_store %arg9[%swap3A_1593, %swap3A_1594], %gather3A_1591 {strides = array<i32>} : memref<32x128xf32, #tpu.memory_space<vmem>>, vector<16xf32>,
      %gather3A_1596 = tpu.vector_load_idx %arg7[%add3A_1564, %broadcast_in_dim3A_1575] : memref<128x128xf32, #tpu.memory_space<vmem>>[vector<16xi32>, vector<16xi32>], vector<16xf32>,
      %swap3A_1597 = arith.constant 0 : i32
      %swap3A_1598 = arith.index_cast %swap3A_1597 : i32 to index
      %swap3A_1599 = arith.constant 64 : index
      %swap3A_1600 = tpu.vector_load %arg9[%swap3A_1598, %swap3A_1599] {strides = array<i32>} : memref<32x128xf32, #tpu.memory_space<vmem>>, vector<16xf32>,
      tpu.vector_store %arg9[%swap3A_1598, %swap3A_1599], %gather3A_1596 {strides = array<i32>} : memref<32x128xf32, #tpu.memory_space<vmem>>, vector<16xf32>,
      %gather3A_1601 = tpu.vector_load_idx %arg7[%add3A_1567, %broadcast_in_dim3A_1575] : memref<128x128xf32, #tpu.memory_space<vmem>>[vector<16xi32>, vector<16xi32>], vector<16xf32>,
      %swap3A_1602 = arith.constant 0 : i32
      %swap3A_1603 = arith.index_cast %swap3A_1602 : i32 to index
      %swap3A_1604 = arith.constant 80 : index
      %swap3A_1605 = tpu.vector_load %arg9[%swap3A_1603, %swap3A_1604] {strides = array<i32>} : memref<32x128xf32, #tpu.memory_space<vmem>>, vector<16xf32>,
      tpu.vector_store %arg9[%swap3A_1603, %swap3A_1604], %gather3A_1601 {strides = array<i32>} : memref<32x128xf32, #tpu.memory_space<vmem>>, vector<16xf32>,
      %gather3A_1606 = tpu.vector_load_idx %arg7[%add3A_1570, %broadcast_in_dim3A_1575] : memref<128x128xf32, #tpu.memory_space<vmem>>[vector<16xi32>, vector<16xi32>], vector<16xf32>,
      %swap3A_1607 = arith.constant 0 : i32
      %swap3A_1608 = arith.index_cast %swap3A_1607 : i32 to index
      %swap3A_1609 = arith.constant 96 : index
      %swap3A_1610 = tpu.vector_load %arg9[%swap3A_1608, %swap3A_1609] {strides = array<i32>} : memref<32x128xf32, #tpu.memory_space<vmem>>, vector<16xf32>,
      tpu.vector_store %arg9[%swap3A_1608, %swap3A_1609], %gather3A_1606 {strides = array<i32>} : memref<32x128xf32, #tpu.memory_space<vmem>>, vector<16xf32>,
      %gather3A_1611 = tpu.vector_load_idx %arg7[%add3A_1573, %broadcast_in_dim3A_1575] : memref<128x128xf32, #tpu.memory_space<vmem>>[vector<16xi32>, vector<16xi32>], vector<16xf32>,
      %swap3A_1612 = arith.constant 0 : i32
      %swap3A_1613 = arith.index_cast %swap3A_1612 : i32 to index
      %swap3A_1614 = arith.constant 112 : index
      %swap3A_1615 = tpu.vector_load %arg9[%swap3A_1613, %swap3A_1614] {strides = array<i32>} : memref<32x128xf32, #tpu.memory_space<vmem>>, vector<16xf32>,
      tpu.vector_store %arg9[%swap3A_1613, %swap3A_1614], %gather3A_1611 {strides = array<i32>} : memref<32x128xf32, #tpu.memory_space<vmem>>, vector<16xf32>,
      %broadcast_in_dim3A_1616 = arith.constant 1 : i32
      %broadcast_in_dim3A_1617 = vector.broadcast %broadcast_in_dim3A_1616 : i32 to vector<16xi32>
      %gather3A_1618 = tpu.vector_load_idx %arg7[%add3A_1552, %broadcast_in_dim3A_1617] : memref<128x128xf32, #tpu.memory_space<vmem>>[vector<16xi32>, vector<16xi32>], vector<16xf32>,
      %swap3A_1619 = arith.constant 1 : i32
      %swap3A_1620 = arith.index_cast %swap3A_1619 : i32 to index
      %swap3A_1621 = arith.constant 0 : index
      %swap3A_1622 = tpu.vector_load %arg9[%swap3A_1620, %swap3A_1621] {strides = array<i32>} : memref<32x128xf32, #tpu.memory_space<vmem>>, vector<16xf32>,
      tpu.vector_store %arg9[%swap3A_1620, %swap3A_1621], %gather3A_1618 {strides = array<i32>} : memref<32x128xf32, #tpu.memory_space<vmem>>, vector<16xf32>,
      %gather3A_1623 = tpu.vector_load_idx %arg7[%add3A_1555, %broadcast_in_dim3A_1617] : memref<128x128xf32, #tpu.memory_space<vmem>>[vector<16xi32>, vector<16xi32>], vector<16xf32>,
      %swap3A_1624 = arith.constant 1 : i32
      %swap3A_1625 = arith.index_cast %swap3A_1624 : i32 to index
      %swap3A_1626 = arith.constant 16 : index
      %swap3A_1627 = tpu.vector_load %arg9[%swap3A_1625, %swap3A_1626] {strides = array<i32>} : memref<32x128xf32, #tpu.memory_space<vmem>>, vector<16xf32>,
      tpu.vector_store %arg9[%swap3A_1625, %swap3A_1626], %gather3A_1623 {strides = array<i32>} : memref<32x128xf32, #tpu.memory_space<vmem>>, vector<16xf32>,
      %gather3A_1628 = tpu.vector_load_idx %arg7[%add3A_1558, %broadcast_in_dim3A_1617] : memref<128x128xf32, #tpu.memory_space<vmem>>[vector<16xi32>, vector<16xi32>], vector<16xf32>,
      %swap3A_1629 = arith.constant 1 : i32
      %swap3A_1630 = arith.index_cast %swap3A_1629 : i32 to index
      %swap3A_1631 = arith.constant 32 : index
      %swap3A_1632 = tpu.vector_load %arg9[%swap3A_1630, %swap3A_1631] {strides = array<i32>} : memref<32x128xf32, #tpu.memory_space<vmem>>, vector<16xf32>,
      tpu.vector_store %arg9[%swap3A_1630, %swap3A_1631], %gather3A_1628 {strides = array<i32>} : memref<32x128xf32, #tpu.memory_space<vmem>>, vector<16xf32>,
      %gather3A_1633 = tpu.vector_load_idx %arg7[%add3A_1561, %broadcast_in_dim3A_1617] : memref<128x128xf32, #tpu.memory_space<vmem>>[vector<16xi32>, vector<16xi32>], vector<16xf32>,
      %swap3A_1634 = arith.constant 1 : i32
      %swap3A_1635 = arith.index_cast %swap3A_1634 : i32 to index
      %swap3A_1636 = arith.constant 48 : index
      %swap3A_1637 = tpu.vector_load %arg9[%swap3A_1635, %swap3A_1636] {strides = array<i32>} : memref<32x128xf32, #tpu.memory_space<vmem>>, vector<16xf32>,
      tpu.vector_store %arg9[%swap3A_1635, %swap3A_1636], %gather3A_1633 {strides = array<i32>} : memref<32x128xf32, #tpu.memory_space<vmem>>, vector<16xf32>,
      %gather3A_1638 = tpu.vector_load_idx %arg7[%add3A_1564, %broadcast_in_dim3A_1617] : memref<128x128xf32, #tpu.memory_space<vmem>>[vector<16xi32>, vector<16xi32>], vector<16xf32>,
      %swap3A_1639 = arith.constant 1 : i32
      %swap3A_1640 = arith.index_cast %swap3A_1639 : i32 to index
      %swap3A_1641 = arith.constant 64 : index
      %swap3A_1642 = tpu.vector_load %arg9[%swap3A_1640, %swap3A_1641] {strides = array<i32>} : memref<32x128xf32, #tpu.memory_space<vmem>>, vector<16xf32>,
      tpu.vector_store %arg9[%swap3A_1640, %swap3A_1641], %gather3A_1638 {strides = array<i32>} : memref<32x128xf32, #tpu.memory_space<vmem>>, vector<16xf32>,
      %gather3A_1643 = tpu.vector_load_idx %arg7[%add3A_1567, %broadcast_in_dim3A_1617] : memref<128x128xf32, #tpu.memory_space<vmem>>[vector<16xi32>, vector<16xi32>], vector<16xf32>,
      %swap3A_1644 = arith.constant 1 : i32
      %swap3A_1645 = arith.index_cast %swap3A_1644 : i32 to index
      %swap3A_1646 = arith.constant 80 : index
      %swap3A_1647 = tpu.vector_load %arg9[%swap3A_1645, %swap3A_1646] {strides = array<i32>} : memref<32x128xf32, #tpu.memory_space<vmem>>, vector<16xf32>,
      tpu.vector_store %arg9[%swap3A_1645, %swap3A_1646], %gather3A_1643 {strides = array<i32>} : memref<32x128xf32, #tpu.memory_space<vmem>>, vector<16xf32>,
      %gather3A_1648 = tpu.vector_load_idx %arg7[%add3A_1570, %broadcast_in_dim3A_1617] : memref<128x128xf32, #tpu.memory_space<vmem>>[vector<16xi32>, vector<16xi32>], vector<16xf32>,
      %swap3A_1649 = arith.constant 1 : i32
      %swap3A_1650 = arith.index_cast %swap3A_1649 : i32 to index
      %swap3A_1651 = arith.constant 96 : index
      %swap3A_1652 = tpu.vector_load %arg9[%swap3A_1650, %swap3A_1651] {strides = array<i32>} : memref<32x128xf32, #tpu.memory_space<vmem>>, vector<16xf32>,
      tpu.vector_store %arg9[%swap3A_1650, %swap3A_1651], %gather3A_1648 {strides = array<i32>} : memref<32x128xf32, #tpu.memory_space<vmem>>, vector<16xf32>,
      %gather3A_1653 = tpu.vector_load_idx %arg7[%add3A_1573, %broadcast_in_dim3A_1617] : memref<128x128xf32, #tpu.memory_space<vmem>>[vector<16xi32>, vector<16xi32>], vector<16xf32>,
      %swap3A_1654 = arith.constant 1 : i32
      %swap3A_1655 = arith.index_cast %swap3A_1654 : i32 to index
      %swap3A_1656 = arith.constant 112 : index
      %swap3A_1657 = tpu.vector_load %arg9[%swap3A_1655, %swap3A_1656] {strides = array<i32>} : memref<32x128xf32, #tpu.memory_space<vmem>>, vector<16xf32>,
      tpu.vector_store %arg9[%swap3A_1655, %swap3A_1656], %gather3A_1653 {strides = array<i32>} : memref<32x128xf32, #tpu.memory_space<vmem>>, vector<16xf32>,
      %broadcast_in_dim3A_1658 = arith.constant 2 : i32
      %broadcast_in_dim3A_1659 = vector.broadcast %broadcast_in_dim3A_1658 : i32 to vector<16xi32>
      %gather3A_1660 = tpu.vector_load_idx %arg7[%add3A_1552, %broadcast_in_dim3A_1659] : memref<128x128xf32, #tpu.memory_space<vmem>>[vector<16xi32>, vector<16xi32>], vector<16xf32>,
      %swap3A_1661 = arith.constant 2 : i32
      %swap3A_1662 = arith.index_cast %swap3A_1661 : i32 to index
      %swap3A_1663 = arith.constant 0 : index
      %swap3A_1664 = tpu.vector_load %arg9[%swap3A_1662, %swap3A_1663] {strides = array<i32>} : memref<32x128xf32, #tpu.memory_space<vmem>>, vector<16xf32>,
      tpu.vector_store %arg9[%swap3A_1662, %swap3A_1663], %gather3A_1660 {strides = array<i32>} : memref<32x128xf32, #tpu.memory_space<vmem>>, vector<16xf32>,
      %gather3A_1665 = tpu.vector_load_idx %arg7[%add3A_1555, %broadcast_in_dim3A_1659] : memref<128x128xf32, #tpu.memory_space<vmem>>[vector<16xi32>, vector<16xi32>], vector<16xf32>,
      %swap3A_1666 = arith.constant 2 : i32
      %swap3A_1667 = arith.index_cast %swap3A_1666 : i32 to index
      %swap3A_1668 = arith.constant 16 : index
      %swap3A_1669 = tpu.vector_load %arg9[%swap3A_1667, %swap3A_1668] {strides = array<i32>} : memref<32x128xf32, #tpu.memory_space<vmem>>, vector<16xf32>,
      tpu.vector_store %arg9[%swap3A_1667, %swap3A_1668], %gather3A_1665 {strides = array<i32>} : memref<32x128xf32, #tpu.memory_space<vmem>>, vector<16xf32>,
      %gather3A_1670 = tpu.vector_load_idx %arg7[%add3A_1558, %broadcast_in_dim3A_1659] : memref<128x128xf32, #tpu.memory_space<vmem>>[vector<16xi32>, vector<16xi32>], vector<16xf32>,
      %swap3A_1671 = arith.constant 2 : i32
      %swap3A_1672 = arith.index_cast %swap3A_1671 : i32 to index
      %swap3A_1673 = arith.constant 32 : index
      %swap3A_1674 = tpu.vector_load %arg9[%swap3A_1672, %swap3A_1673] {strides = array<i32>} : memref<32x128xf32, #tpu.memory_space<vmem>>, vector<16xf32>,
      tpu.vector_store %arg9[%swap3A_1672, %swap3A_1673], %gather3A_1670 {strides = array<i32>} : memref<32x128xf32, #tpu.memory_space<vmem>>, vector<16xf32>,
      %gather3A_1675 = tpu.vector_load_idx %arg7[%add3A_1561, %broadcast_in_dim3A_1659] : memref<128x128xf32, #tpu.memory_space<vmem>>[vector<16xi32>, vector<16xi32>], vector<16xf32>,
      %swap3A_1676 = arith.constant 2 : i32
      %swap3A_1677 = arith.index_cast %swap3A_1676 : i32 to index
      %swap3A_1678 = arith.constant 48 : index
      %swap3A_1679 = tpu.vector_load %arg9[%swap3A_1677, %swap3A_1678] {strides = array<i32>} : memref<32x128xf32, #tpu.memory_space<vmem>>, vector<16xf32>,
      tpu.vector_store %arg9[%swap3A_1677, %swap3A_1678], %gather3A_1675 {strides = array<i32>} : memref<32x128xf32, #tpu.memory_space<vmem>>, vector<16xf32>,
      %gather3A_1680 = tpu.vector_load_idx %arg7[%add3A_1564, %broadcast_in_dim3A_1659] : memref<128x128xf32, #tpu.memory_space<vmem>>[vector<16xi32>, vector<16xi32>], vector<16xf32>,
      %swap3A_1681 = arith.constant 2 : i32
      %swap3A_1682 = arith.index_cast %swap3A_1681 : i32 to index
      %swap3A_1683 = arith.constant 64 : index
      %swap3A_1684 = tpu.vector_load %arg9[%swap3A_1682, %swap3A_1683] {strides = array<i32>} : memref<32x128xf32, #tpu.memory_space<vmem>>, vector<16xf32>,
      tpu.vector_store %arg9[%swap3A_1682, %swap3A_1683], %gather3A_1680 {strides = array<i32>} : memref<32x128xf32, #tpu.memory_space<vmem>>, vector<16xf32>,
      %gather3A_1685 = tpu.vector_load_idx %arg7[%add3A_1567, %broadcast_in_dim3A_1659] : memref<128x128xf32, #tpu.memory_space<vmem>>[vector<16xi32>, vector<16xi32>], vector<16xf32>,
      %swap3A_1686 = arith.constant 2 : i32
      %swap3A_1687 = arith.index_cast %swap3A_1686 : i32 to index
      %swap3A_1688 = arith.constant 80 : index
      %swap3A_1689 = tpu.vector_load %arg9[%swap3A_1687, %swap3A_1688] {strides = array<i32>} : memref<32x128xf32, #tpu.memory_space<vmem>>, vector<16xf32>,
      tpu.vector_store %arg9[%swap3A_1687, %swap3A_1688], %gather3A_1685 {strides = array<i32>} : memref<32x128xf32, #tpu.memory_space<vmem>>, vector<16xf32>,
      %gather3A_1690 = tpu.vector_load_idx %arg7[%add3A_1570, %broadcast_in_dim3A_1659] : memref<128x128xf32, #tpu.memory_space<vmem>>[vector<16xi32>, vector<16xi32>], vector<16xf32>,
      %swap3A_1691 = arith.constant 2 : i32
      %swap3A_1692 = arith.index_cast %swap3A_1691 : i32 to index
      %swap3A_1693 = arith.constant 96 : index
      %swap3A_1694 = tpu.vector_load %arg9[%swap3A_1692, %swap3A_1693] {strides = array<i32>} : memref<32x128xf32, #tpu.memory_space<vmem>>, vector<16xf32>,
      tpu.vector_store %arg9[%swap3A_1692, %swap3A_1693], %gather3A_1690 {strides = array<i32>} : memref<32x128xf32, #tpu.memory_space<vmem>>, vector<16xf32>,
      %gather3A_1695 = tpu.vector_load_idx %arg7[%add3A_1573, %broadcast_in_dim3A_1659] : memref<128x128xf32, #tpu.memory_space<vmem>>[vector<16xi32>, vector<16xi32>], vector<16xf32>,
      %swap3A_1696 = arith.constant 2 : i32
      %swap3A_1697 = arith.index_cast %swap3A_1696 : i32 to index
      %swap3A_1698 = arith.constant 112 : index
      %swap3A_1699 = tpu.vector_load %arg9[%swap3A_1697, %swap3A_1698] {strides = array<i32>} : memref<32x128xf32, #tpu.memory_space<vmem>>, vector<16xf32>,
      tpu.vector_store %arg9[%swap3A_1697, %swap3A_1698], %gather3A_1695 {strides = array<i32>} : memref<32x128xf32, #tpu.memory_space<vmem>>, vector<16xf32>,
      %broadcast_in_dim3A_1700 = arith.constant 3 : i32
      %broadcast_in_dim3A_1701 = vector.broadcast %broadcast_in_dim3A_1700 : i32 to vector<16xi32>
      %gather3A_1702 = tpu.vector_load_idx %arg7[%add3A_1552, %broadcast_in_dim3A_1701] : memref<128x128xf32, #tpu.memory_space<vmem>>[vector<16xi32>, vector<16xi32>], vector<16xf32>,
      %swap3A_1703 = arith.constant 3 : i32
      %swap3A_1704 = arith.index_cast %swap3A_1703 : i32 to index
      %swap3A_1705 = arith.constant 0 : index
      %swap3A_1706 = tpu.vector_load %arg9[%swap3A_1704, %swap3A_1705] {strides = array<i32>} : memref<32x128xf32, #tpu.memory_space<vmem>>, vector<16xf32>,
      tpu.vector_store %arg9[%swap3A_1704, %swap3A_1705], %gather3A_1702 {strides = array<i32>} : memref<32x128xf32, #tpu.memory_space<vmem>>, vector<16xf32>,
      %gather3A_1707 = tpu.vector_load_idx %arg7[%add3A_1555, %broadcast_in_dim3A_1701] : memref<128x128xf32, #tpu.memory_space<vmem>>[vector<16xi32>, vector<16xi32>], vector<16xf32>,
      %swap3A_1708 = arith.constant 3 : i32
      %swap3A_1709 = arith.index_cast %swap3A_1708 : i32 to index
      %swap3A_1710 = arith.constant 16 : index
      %swap3A_1711 = tpu.vector_load %arg9[%swap3A_1709, %swap3A_1710] {strides = array<i32>} : memref<32x128xf32, #tpu.memory_space<vmem>>, vector<16xf32>,
      tpu.vector_store %arg9[%swap3A_1709, %swap3A_1710], %gather3A_1707 {strides = array<i32>} : memref<32x128xf32, #tpu.memory_space<vmem>>, vector<16xf32>,
      %gather3A_1712 = tpu.vector_load_idx %arg7[%add3A_1558, %broadcast_in_dim3A_1701] : memref<128x128xf32, #tpu.memory_space<vmem>>[vector<16xi32>, vector<16xi32>], vector<16xf32>,
      %swap3A_1713 = arith.constant 3 : i32
      %swap3A_1714 = arith.index_cast %swap3A_1713 : i32 to index
      %swap3A_1715 = arith.constant 32 : index
      %swap3A_1716 = tpu.vector_load %arg9[%swap3A_1714, %swap3A_1715] {strides = array<i32>} : memref<32x128xf32, #tpu.memory_space<vmem>>, vector<16xf32>,
      tpu.vector_store %arg9[%swap3A_1714, %swap3A_1715], %gather3A_1712 {strides = array<i32>} : memref<32x128xf32, #tpu.memory_space<vmem>>, vector<16xf32>,
      %gather3A_1717 = tpu.vector_load_idx %arg7[%add3A_1561, %broadcast_in_dim3A_1701] : memref<128x128xf32, #tpu.memory_space<vmem>>[vector<16xi32>, vector<16xi32>], vector<16xf32>,
      %swap3A_1718 = arith.constant 3 : i32
      %swap3A_1719 = arith.index_cast %swap3A_1718 : i32 to index
      %swap3A_1720 = arith.constant 48 : index
      %swap3A_1721 = tpu.vector_load %arg9[%swap3A_1719, %swap3A_1720] {strides = array<i32>} : memref<32x128xf32, #tpu.memory_space<vmem>>, vector<16xf32>,
      tpu.vector_store %arg9[%swap3A_1719, %swap3A_1720], %gather3A_1717 {strides = array<i32>} : memref<32x128xf32, #tpu.memory_space<vmem>>, vector<16xf32>,
      %gather3A_1722 = tpu.vector_load_idx %arg7[%add3A_1564, %broadcast_in_dim3A_1701] : memref<128x128xf32, #tpu.memory_space<vmem>>[vector<16xi32>, vector<16xi32>], vector<16xf32>,
      %swap3A_1723 = arith.constant 3 : i32
      %swap3A_1724 = arith.index_cast %swap3A_1723 : i32 to index
      %swap3A_1725 = arith.constant 64 : index
      %swap3A_1726 = tpu.vector_load %arg9[%swap3A_1724, %swap3A_1725] {strides = array<i32>} : memref<32x128xf32, #tpu.memory_space<vmem>>, vector<16xf32>,
      tpu.vector_store %arg9[%swap3A_1724, %swap3A_1725], %gather3A_1722 {strides = array<i32>} : memref<32x128xf32, #tpu.memory_space<vmem>>, vector<16xf32>,
      %gather3A_1727 = tpu.vector_load_idx %arg7[%add3A_1567, %broadcast_in_dim3A_1701] : memref<128x128xf32, #tpu.memory_space<vmem>>[vector<16xi32>, vector<16xi32>], vector<16xf32>,
      %swap3A_1728 = arith.constant 3 : i32
      %swap3A_1729 = arith.index_cast %swap3A_1728 : i32 to index
      %swap3A_1730 = arith.constant 80 : index
      %swap3A_1731 = tpu.vector_load %arg9[%swap3A_1729, %swap3A_1730] {strides = array<i32>} : memref<32x128xf32, #tpu.memory_space<vmem>>, vector<16xf32>,
      tpu.vector_store %arg9[%swap3A_1729, %swap3A_1730], %gather3A_1727 {strides = array<i32>} : memref<32x128xf32, #tpu.memory_space<vmem>>, vector<16xf32>,
      %gather3A_1732 = tpu.vector_load_idx %arg7[%add3A_1570, %broadcast_in_dim3A_1701] : memref<128x128xf32, #tpu.memory_space<vmem>>[vector<16xi32>, vector<16xi32>], vector<16xf32>,
      %swap3A_1733 = arith.constant 3 : i32
      %swap3A_1734 = arith.index_cast %swap3A_1733 : i32 to index
      %swap3A_1735 = arith.constant 96 : index
      %swap3A_1736 = tpu.vector_load %arg9[%swap3A_1734, %swap3A_1735] {strides = array<i32>} : memref<32x128xf32, #tpu.memory_space<vmem>>, vector<16xf32>,
      tpu.vector_store %arg9[%swap3A_1734, %swap3A_1735], %gather3A_1732 {strides = array<i32>} : memref<32x128xf32, #tpu.memory_space<vmem>>, vector<16xf32>,
      %gather3A_1737 = tpu.vector_load_idx %arg7[%add3A_1573, %broadcast_in_dim3A_1701] : memref<128x128xf32, #tpu.memory_space<vmem>>[vector<16xi32>, vector<16xi32>], vector<16xf32>,
      %swap3A_1738 = arith.constant 3 : i32
      %swap3A_1739 = arith.index_cast %swap3A_1738 : i32 to index
      %swap3A_1740 = arith.constant 112 : index
      %swap3A_1741 = tpu.vector_load %arg9[%swap3A_1739, %swap3A_1740] {strides = array<i32>} : memref<32x128xf32, #tpu.memory_space<vmem>>, vector<16xf32>,
      tpu.vector_store %arg9[%swap3A_1739, %swap3A_1740], %gather3A_1737 {strides = array<i32>} : memref<32x128xf32, #tpu.memory_space<vmem>>, vector<16xf32>,
      %broadcast_in_dim3A_1742 = arith.constant 4 : i32
      %broadcast_in_dim3A_1743 = vector.broadcast %broadcast_in_dim3A_1742 : i32 to vector<16xi32>
      %gather3A_1744 = tpu.vector_load_idx %arg7[%add3A_1552, %broadcast_in_dim3A_1743] : memref<128x128xf32, #tpu.memory_space<vmem>>[vector<16xi32>, vector<16xi32>], vector<16xf32>,
      %swap3A_1745 = arith.constant 4 : i32
      %swap3A_1746 = arith.index_cast %swap3A_1745 : i32 to index
      %swap3A_1747 = arith.constant 0 : index
      %swap3A_1748 = tpu.vector_load %arg9[%swap3A_1746, %swap3A_1747] {strides = array<i32>} : memref<32x128xf32, #tpu.memory_space<vmem>>, vector<16xf32>,
      tpu.vector_store %arg9[%swap3A_1746, %swap3A_1747], %gather3A_1744 {strides = array<i32>} : memref<32x128xf32, #tpu.memory_space<vmem>>, vector<16xf32>,
      %gather3A_1749 = tpu.vector_load_idx %arg7[%add3A_1555, %broadcast_in_dim3A_1743] : memref<128x128xf32, #tpu.memory_space<vmem>>[vector<16xi32>, vector<16xi32>], vector<16xf32>,
      %swap3A_1750 = arith.constant 4 : i32
      %swap3A_1751 = arith.index_cast %swap3A_1750 : i32 to index
      %swap3A_1752 = arith.constant 16 : index
      %swap3A_1753 = tpu.vector_load %arg9[%swap3A_1751, %swap3A_1752] {strides = array<i32>} : memref<32x128xf32, #tpu.memory_space<vmem>>, vector<16xf32>,
      tpu.vector_store %arg9[%swap3A_1751, %swap3A_1752], %gather3A_1749 {strides = array<i32>} : memref<32x128xf32, #tpu.memory_space<vmem>>, vector<16xf32>,
      %gather3A_1754 = tpu.vector_load_idx %arg7[%add3A_1558, %broadcast_in_dim3A_1743] : memref<128x128xf32, #tpu.memory_space<vmem>>[vector<16xi32>, vector<16xi32>], vector<16xf32>,
      %swap3A_1755 = arith.constant 4 : i32
      %swap3A_1756 = arith.index_cast %swap3A_1755 : i32 to index
      %swap3A_1757 = arith.constant 32 : index
      %swap3A_1758 = tpu.vector_load %arg9[%swap3A_1756, %swap3A_1757] {strides = array<i32>} : memref<32x128xf32, #tpu.memory_space<vmem>>, vector<16xf32>,
      tpu.vector_store %arg9[%swap3A_1756, %swap3A_1757], %gather3A_1754 {strides = array<i32>} : memref<32x128xf32, #tpu.memory_space<vmem>>, vector<16xf32>,
      %gather3A_1759 = tpu.vector_load_idx %arg7[%add3A_1561, %broadcast_in_dim3A_1743] : memref<128x128xf32, #tpu.memory_space<vmem>>[vector<16xi32>, vector<16xi32>], vector<16xf32>,
      %swap3A_1760 = arith.constant 4 : i32
      %swap3A_1761 = arith.index_cast %swap3A_1760 : i32 to index
      %swap3A_1762 = arith.constant 48 : index
      %swap3A_1763 = tpu.vector_load %arg9[%swap3A_1761, %swap3A_1762] {strides = array<i32>} : memref<32x128xf32, #tpu.memory_space<vmem>>, vector<16xf32>,
      tpu.vector_store %arg9[%swap3A_1761, %swap3A_1762], %gather3A_1759 {strides = array<i32>} : memref<32x128xf32, #tpu.memory_space<vmem>>, vector<16xf32>,
      %gather3A_1764 = tpu.vector_load_idx %arg7[%add3A_1564, %broadcast_in_dim3A_1743] : memref<128x128xf32, #tpu.memory_space<vmem>>[vector<16xi32>, vector<16xi32>], vector<16xf32>,
      %swap3A_1765 = arith.constant 4 : i32
      %swap3A_1766 = arith.index_cast %swap3A_1765 : i32 to index
      %swap3A_1767 = arith.constant 64 : index
      %swap3A_1768 = tpu.vector_load %arg9[%swap3A_1766, %swap3A_1767] {strides = array<i32>} : memref<32x128xf32, #tpu.memory_space<vmem>>, vector<16xf32>,
      tpu.vector_store %arg9[%swap3A_1766, %swap3A_1767], %gather3A_1764 {strides = array<i32>} : memref<32x128xf32, #tpu.memory_space<vmem>>, vector<16xf32>,
      %gather3A_1769 = tpu.vector_load_idx %arg7[%add3A_1567, %broadcast_in_dim3A_1743] : memref<128x128xf32, #tpu.memory_space<vmem>>[vector<16xi32>, vector<16xi32>], vector<16xf32>,
      %swap3A_1770 = arith.constant 4 : i32
      %swap3A_1771 = arith.index_cast %swap3A_1770 : i32 to index
      %swap3A_1772 = arith.constant 80 : index
      %swap3A_1773 = tpu.vector_load %arg9[%swap3A_1771, %swap3A_1772] {strides = array<i32>} : memref<32x128xf32, #tpu.memory_space<vmem>>, vector<16xf32>,
      tpu.vector_store %arg9[%swap3A_1771, %swap3A_1772], %gather3A_1769 {strides = array<i32>} : memref<32x128xf32, #tpu.memory_space<vmem>>, vector<16xf32>,
      %gather3A_1774 = tpu.vector_load_idx %arg7[%add3A_1570, %broadcast_in_dim3A_1743] : memref<128x128xf32, #tpu.memory_space<vmem>>[vector<16xi32>, vector<16xi32>], vector<16xf32>,
      %swap3A_1775 = arith.constant 4 : i32
      %swap3A_1776 = arith.index_cast %swap3A_1775 : i32 to index
      %swap3A_1777 = arith.constant 96 : index
      %swap3A_1778 = tpu.vector_load %arg9[%swap3A_1776, %swap3A_1777] {strides = array<i32>} : memref<32x128xf32, #tpu.memory_space<vmem>>, vector<16xf32>,
      tpu.vector_store %arg9[%swap3A_1776, %swap3A_1777], %gather3A_1774 {strides = array<i32>} : memref<32x128xf32, #tpu.memory_space<vmem>>, vector<16xf32>,
      %gather3A_1779 = tpu.vector_load_idx %arg7[%add3A_1573, %broadcast_in_dim3A_1743] : memref<128x128xf32, #tpu.memory_space<vmem>>[vector<16xi32>, vector<16xi32>], vector<16xf32>,
      %swap3A_1780 = arith.constant 4 : i32
      %swap3A_1781 = arith.index_cast %swap3A_1780 : i32 to index
      %swap3A_1782 = arith.constant 112 : index
      %swap3A_1783 = tpu.vector_load %arg9[%swap3A_1781, %swap3A_1782] {strides = array<i32>} : memref<32x128xf32, #tpu.memory_space<vmem>>, vector<16xf32>,
      tpu.vector_store %arg9[%swap3A_1781, %swap3A_1782], %gather3A_1779 {strides = array<i32>} : memref<32x128xf32, #tpu.memory_space<vmem>>, vector<16xf32>,
      %broadcast_in_dim3A_1784 = arith.constant 5 : i32
      %broadcast_in_dim3A_1785 = vector.broadcast %broadcast_in_dim3A_1784 : i32 to vector<16xi32>
      %gather3A_1786 = tpu.vector_load_idx %arg7[%add3A_1552, %broadcast_in_dim3A_1785] : memref<128x128xf32, #tpu.memory_space<vmem>>[vector<16xi32>, vector<16xi32>], vector<16xf32>,
      %swap3A_1787 = arith.constant 5 : i32
      %swap3A_1788 = arith.index_cast %swap3A_1787 : i32 to index
      %swap3A_1789 = arith.constant 0 : index
      %swap3A_1790 = tpu.vector_load %arg9[%swap3A_1788, %swap3A_1789] {strides = array<i32>} : memref<32x128xf32, #tpu.memory_space<vmem>>, vector<16xf32>,
      tpu.vector_store %arg9[%swap3A_1788, %swap3A_1789], %gather3A_1786 {strides = array<i32>} : memref<32x128xf32, #tpu.memory_space<vmem>>, vector<16xf32>,
      %gather3A_1791 = tpu.vector_load_idx %arg7[%add3A_1555, %broadcast_in_dim3A_1785] : memref<128x128xf32, #tpu.memory_space<vmem>>[vector<16xi32>, vector<16xi32>], vector<16xf32>,
      %swap3A_1792 = arith.constant 5 : i32
      %swap3A_1793 = arith.index_cast %swap3A_1792 : i32 to index
      %swap3A_1794 = arith.constant 16 : index
      %swap3A_1795 = tpu.vector_load %arg9[%swap3A_1793, %swap3A_1794] {strides = array<i32>} : memref<32x128xf32, #tpu.memory_space<vmem>>, vector<16xf32>,
      tpu.vector_store %arg9[%swap3A_1793, %swap3A_1794], %gather3A_1791 {strides = array<i32>} : memref<32x128xf32, #tpu.memory_space<vmem>>, vector<16xf32>,
      %gather3A_1796 = tpu.vector_load_idx %arg7[%add3A_1558, %broadcast_in_dim3A_1785] : memref<128x128xf32, #tpu.memory_space<vmem>>[vector<16xi32>, vector<16xi32>], vector<16xf32>,
      %swap3A_1797 = arith.constant 5 : i32
      %swap3A_1798 = arith.index_cast %swap3A_1797 : i32 to index
      %swap3A_1799 = arith.constant 32 : index
      %swap3A_1800 = tpu.vector_load %arg9[%swap3A_1798, %swap3A_1799] {strides = array<i32>} : memref<32x128xf32, #tpu.memory_space<vmem>>, vector<16xf32>,
      tpu.vector_store %arg9[%swap3A_1798, %swap3A_1799], %gather3A_1796 {strides = array<i32>} : memref<32x128xf32, #tpu.memory_space<vmem>>, vector<16xf32>,
      %gather3A_1801 = tpu.vector_load_idx %arg7[%add3A_1561, %broadcast_in_dim3A_1785] : memref<128x128xf32, #tpu.memory_space<vmem>>[vector<16xi32>, vector<16xi32>], vector<16xf32>,
      %swap3A_1802 = arith.constant 5 : i32
      %swap3A_1803 = arith.index_cast %swap3A_1802 : i32 to index
      %swap3A_1804 = arith.constant 48 : index
      %swap3A_1805 = tpu.vector_load %arg9[%swap3A_1803, %swap3A_1804] {strides = array<i32>} : memref<32x128xf32, #tpu.memory_space<vmem>>, vector<16xf32>,
      tpu.vector_store %arg9[%swap3A_1803, %swap3A_1804], %gather3A_1801 {strides = array<i32>} : memref<32x128xf32, #tpu.memory_space<vmem>>, vector<16xf32>,
      %gather3A_1806 = tpu.vector_load_idx %arg7[%add3A_1564, %broadcast_in_dim3A_1785] : memref<128x128xf32, #tpu.memory_space<vmem>>[vector<16xi32>, vector<16xi32>], vector<16xf32>,
      %swap3A_1807 = arith.constant 5 : i32
      %swap3A_1808 = arith.index_cast %swap3A_1807 : i32 to index
      %swap3A_1809 = arith.constant 64 : index
      %swap3A_1810 = tpu.vector_load %arg9[%swap3A_1808, %swap3A_1809] {strides = array<i32>} : memref<32x128xf32, #tpu.memory_space<vmem>>, vector<16xf32>,
      tpu.vector_store %arg9[%swap3A_1808, %swap3A_1809], %gather3A_1806 {strides = array<i32>} : memref<32x128xf32, #tpu.memory_space<vmem>>, vector<16xf32>,
      %gather3A_1811 = tpu.vector_load_idx %arg7[%add3A_1567, %broadcast_in_dim3A_1785] : memref<128x128xf32, #tpu.memory_space<vmem>>[vector<16xi32>, vector<16xi32>], vector<16xf32>,
      %swap3A_1812 = arith.constant 5 : i32
      %swap3A_1813 = arith.index_cast %swap3A_1812 : i32 to index
      %swap3A_1814 = arith.constant 80 : index
      %swap3A_1815 = tpu.vector_load %arg9[%swap3A_1813, %swap3A_1814] {strides = array<i32>} : memref<32x128xf32, #tpu.memory_space<vmem>>, vector<16xf32>,
      tpu.vector_store %arg9[%swap3A_1813, %swap3A_1814], %gather3A_1811 {strides = array<i32>} : memref<32x128xf32, #tpu.memory_space<vmem>>, vector<16xf32>,
      %gather3A_1816 = tpu.vector_load_idx %arg7[%add3A_1570, %broadcast_in_dim3A_1785] : memref<128x128xf32, #tpu.memory_space<vmem>>[vector<16xi32>, vector<16xi32>], vector<16xf32>,
      %swap3A_1817 = arith.constant 5 : i32
      %swap3A_1818 = arith.index_cast %swap3A_1817 : i32 to index
      %swap3A_1819 = arith.constant 96 : index
      %swap3A_1820 = tpu.vector_load %arg9[%swap3A_1818, %swap3A_1819] {strides = array<i32>} : memref<32x128xf32, #tpu.memory_space<vmem>>, vector<16xf32>,
      tpu.vector_store %arg9[%swap3A_1818, %swap3A_1819], %gather3A_1816 {strides = array<i32>} : memref<32x128xf32, #tpu.memory_space<vmem>>, vector<16xf32>,
      %gather3A_1821 = tpu.vector_load_idx %arg7[%add3A_1573, %broadcast_in_dim3A_1785] : memref<128x128xf32, #tpu.memory_space<vmem>>[vector<16xi32>, vector<16xi32>], vector<16xf32>,
      %swap3A_1822 = arith.constant 5 : i32
      %swap3A_1823 = arith.index_cast %swap3A_1822 : i32 to index
      %swap3A_1824 = arith.constant 112 : index
      %swap3A_1825 = tpu.vector_load %arg9[%swap3A_1823, %swap3A_1824] {strides = array<i32>} : memref<32x128xf32, #tpu.memory_space<vmem>>, vector<16xf32>,
      tpu.vector_store %arg9[%swap3A_1823, %swap3A_1824], %gather3A_1821 {strides = array<i32>} : memref<32x128xf32, #tpu.memory_space<vmem>>, vector<16xf32>,
      %broadcast_in_dim3A_1826 = arith.constant 6 : i32
      %broadcast_in_dim3A_1827 = vector.broadcast %broadcast_in_dim3A_1826 : i32 to vector<16xi32>
      %gather3A_1828 = tpu.vector_load_idx %arg7[%add3A_1552, %broadcast_in_dim3A_1827] : memref<128x128xf32, #tpu.memory_space<vmem>>[vector<16xi32>, vector<16xi32>], vector<16xf32>,
      %swap3A_1829 = arith.constant 6 : i32
      %swap3A_1830 = arith.index_cast %swap3A_1829 : i32 to index
      %swap3A_1831 = arith.constant 0 : index
      %swap3A_1832 = tpu.vector_load %arg9[%swap3A_1830, %swap3A_1831] {strides = array<i32>} : memref<32x128xf32, #tpu.memory_space<vmem>>, vector<16xf32>,
      tpu.vector_store %arg9[%swap3A_1830, %swap3A_1831], %gather3A_1828 {strides = array<i32>} : memref<32x128xf32, #tpu.memory_space<vmem>>, vector<16xf32>,
      %gather3A_1833 = tpu.vector_load_idx %arg7[%add3A_1555, %broadcast_in_dim3A_1827] : memref<128x128xf32, #tpu.memory_space<vmem>>[vector<16xi32>, vector<16xi32>], vector<16xf32>,
      %swap3A_1834 = arith.constant 6 : i32
      %swap3A_1835 = arith.index_cast %swap3A_1834 : i32 to index
      %swap3A_1836 = arith.constant 16 : index
      %swap3A_1837 = tpu.vector_load %arg9[%swap3A_1835, %swap3A_1836] {strides = array<i32>} : memref<32x128xf32, #tpu.memory_space<vmem>>, vector<16xf32>,
      tpu.vector_store %arg9[%swap3A_1835, %swap3A_1836], %gather3A_1833 {strides = array<i32>} : memref<32x128xf32, #tpu.memory_space<vmem>>, vector<16xf32>,
      %gather3A_1838 = tpu.vector_load_idx %arg7[%add3A_1558, %broadcast_in_dim3A_1827] : memref<128x128xf32, #tpu.memory_space<vmem>>[vector<16xi32>, vector<16xi32>], vector<16xf32>,
      %swap3A_1839 = arith.constant 6 : i32
      %swap3A_1840 = arith.index_cast %swap3A_1839 : i32 to index
      %swap3A_1841 = arith.constant 32 : index
      %swap3A_1842 = tpu.vector_load %arg9[%swap3A_1840, %swap3A_1841] {strides = array<i32>} : memref<32x128xf32, #tpu.memory_space<vmem>>, vector<16xf32>,
      tpu.vector_store %arg9[%swap3A_1840, %swap3A_1841], %gather3A_1838 {strides = array<i32>} : memref<32x128xf32, #tpu.memory_space<vmem>>, vector<16xf32>,
      %gather3A_1843 = tpu.vector_load_idx %arg7[%add3A_1561, %broadcast_in_dim3A_1827] : memref<128x128xf32, #tpu.memory_space<vmem>>[vector<16xi32>, vector<16xi32>], vector<16xf32>,
      %swap3A_1844 = arith.constant 6 : i32
      %swap3A_1845 = arith.index_cast %swap3A_1844 : i32 to index
      %swap3A_1846 = arith.constant 48 : index
      %swap3A_1847 = tpu.vector_load %arg9[%swap3A_1845, %swap3A_1846] {strides = array<i32>} : memref<32x128xf32, #tpu.memory_space<vmem>>, vector<16xf32>,
      tpu.vector_store %arg9[%swap3A_1845, %swap3A_1846], %gather3A_1843 {strides = array<i32>} : memref<32x128xf32, #tpu.memory_space<vmem>>, vector<16xf32>,
      %gather3A_1848 = tpu.vector_load_idx %arg7[%add3A_1564, %broadcast_in_dim3A_1827] : memref<128x128xf32, #tpu.memory_space<vmem>>[vector<16xi32>, vector<16xi32>], vector<16xf32>,
      %swap3A_1849 = arith.constant 6 : i32
      %swap3A_1850 = arith.index_cast %swap3A_1849 : i32 to index
      %swap3A_1851 = arith.constant 64 : index
      %swap3A_1852 = tpu.vector_load %arg9[%swap3A_1850, %swap3A_1851] {strides = array<i32>} : memref<32x128xf32, #tpu.memory_space<vmem>>, vector<16xf32>,
      tpu.vector_store %arg9[%swap3A_1850, %swap3A_1851], %gather3A_1848 {strides = array<i32>} : memref<32x128xf32, #tpu.memory_space<vmem>>, vector<16xf32>,
      %gather3A_1853 = tpu.vector_load_idx %arg7[%add3A_1567, %broadcast_in_dim3A_1827] : memref<128x128xf32, #tpu.memory_space<vmem>>[vector<16xi32>, vector<16xi32>], vector<16xf32>,
      %swap3A_1854 = arith.constant 6 : i32
      %swap3A_1855 = arith.index_cast %swap3A_1854 : i32 to index
      %swap3A_1856 = arith.constant 80 : index
      %swap3A_1857 = tpu.vector_load %arg9[%swap3A_1855, %swap3A_1856] {strides = array<i32>} : memref<32x128xf32, #tpu.memory_space<vmem>>, vector<16xf32>,
      tpu.vector_store %arg9[%swap3A_1855, %swap3A_1856], %gather3A_1853 {strides = array<i32>} : memref<32x128xf32, #tpu.memory_space<vmem>>, vector<16xf32>,
      %gather3A_1858 = tpu.vector_load_idx %arg7[%add3A_1570, %broadcast_in_dim3A_1827] : memref<128x128xf32, #tpu.memory_space<vmem>>[vector<16xi32>, vector<16xi32>], vector<16xf32>,
      %swap3A_1859 = arith.constant 6 : i32
      %swap3A_1860 = arith.index_cast %swap3A_1859 : i32 to index
      %swap3A_1861 = arith.constant 96 : index
      %swap3A_1862 = tpu.vector_load %arg9[%swap3A_1860, %swap3A_1861] {strides = array<i32>} : memref<32x128xf32, #tpu.memory_space<vmem>>, vector<16xf32>,
      tpu.vector_store %arg9[%swap3A_1860, %swap3A_1861], %gather3A_1858 {strides = array<i32>} : memref<32x128xf32, #tpu.memory_space<vmem>>, vector<16xf32>,
      %gather3A_1863 = tpu.vector_load_idx %arg7[%add3A_1573, %broadcast_in_dim3A_1827] : memref<128x128xf32, #tpu.memory_space<vmem>>[vector<16xi32>, vector<16xi32>], vector<16xf32>,
      %swap3A_1864 = arith.constant 6 : i32
      %swap3A_1865 = arith.index_cast %swap3A_1864 : i32 to index
      %swap3A_1866 = arith.constant 112 : index
      %swap3A_1867 = tpu.vector_load %arg9[%swap3A_1865, %swap3A_1866] {strides = array<i32>} : memref<32x128xf32, #tpu.memory_space<vmem>>, vector<16xf32>,
      tpu.vector_store %arg9[%swap3A_1865, %swap3A_1866], %gather3A_1863 {strides = array<i32>} : memref<32x128xf32, #tpu.memory_space<vmem>>, vector<16xf32>,
      %broadcast_in_dim3A_1868 = arith.constant 7 : i32
      %broadcast_in_dim3A_1869 = vector.broadcast %broadcast_in_dim3A_1868 : i32 to vector<16xi32>
      %gather3A_1870 = tpu.vector_load_idx %arg7[%add3A_1552, %broadcast_in_dim3A_1869] : memref<128x128xf32, #tpu.memory_space<vmem>>[vector<16xi32>, vector<16xi32>], vector<16xf32>,
      %swap3A_1871 = arith.constant 7 : i32
      %swap3A_1872 = arith.index_cast %swap3A_1871 : i32 to index
      %swap3A_1873 = arith.constant 0 : index
      %swap3A_1874 = tpu.vector_load %arg9[%swap3A_1872, %swap3A_1873] {strides = array<i32>} : memref<32x128xf32, #tpu.memory_space<vmem>>, vector<16xf32>,
      tpu.vector_store %arg9[%swap3A_1872, %swap3A_1873], %gather3A_1870 {strides = array<i32>} : memref<32x128xf32, #tpu.memory_space<vmem>>, vector<16xf32>,
      %gather3A_1875 = tpu.vector_load_idx %arg7[%add3A_1555, %broadcast_in_dim3A_1869] : memref<128x128xf32, #tpu.memory_space<vmem>>[vector<16xi32>, vector<16xi32>], vector<16xf32>,
      %swap3A_1876 = arith.constant 7 : i32
      %swap3A_1877 = arith.index_cast %swap3A_1876 : i32 to index
      %swap3A_1878 = arith.constant 16 : index
      %swap3A_1879 = tpu.vector_load %arg9[%swap3A_1877, %swap3A_1878] {strides = array<i32>} : memref<32x128xf32, #tpu.memory_space<vmem>>, vector<16xf32>,
      tpu.vector_store %arg9[%swap3A_1877, %swap3A_1878], %gather3A_1875 {strides = array<i32>} : memref<32x128xf32, #tpu.memory_space<vmem>>, vector<16xf32>,
      %gather3A_1880 = tpu.vector_load_idx %arg7[%add3A_1558, %broadcast_in_dim3A_1869] : memref<128x128xf32, #tpu.memory_space<vmem>>[vector<16xi32>, vector<16xi32>], vector<16xf32>,
      %swap3A_1881 = arith.constant 7 : i32
      %swap3A_1882 = arith.index_cast %swap3A_1881 : i32 to index
      %swap3A_1883 = arith.constant 32 : index
      %swap3A_1884 = tpu.vector_load %arg9[%swap3A_1882, %swap3A_1883] {strides = array<i32>} : memref<32x128xf32, #tpu.memory_space<vmem>>, vector<16xf32>,
      tpu.vector_store %arg9[%swap3A_1882, %swap3A_1883], %gather3A_1880 {strides = array<i32>} : memref<32x128xf32, #tpu.memory_space<vmem>>, vector<16xf32>,
      %gather3A_1885 = tpu.vector_load_idx %arg7[%add3A_1561, %broadcast_in_dim3A_1869] : memref<128x128xf32, #tpu.memory_space<vmem>>[vector<16xi32>, vector<16xi32>], vector<16xf32>,
      %swap3A_1886 = arith.constant 7 : i32
      %swap3A_1887 = arith.index_cast %swap3A_1886 : i32 to index
      %swap3A_1888 = arith.constant 48 : index
      %swap3A_1889 = tpu.vector_load %arg9[%swap3A_1887, %swap3A_1888] {strides = array<i32>} : memref<32x128xf32, #tpu.memory_space<vmem>>, vector<16xf32>,
      tpu.vector_store %arg9[%swap3A_1887, %swap3A_1888], %gather3A_1885 {strides = array<i32>} : memref<32x128xf32, #tpu.memory_space<vmem>>, vector<16xf32>,
      %gather3A_1890 = tpu.vector_load_idx %arg7[%add3A_1564, %broadcast_in_dim3A_1869] : memref<128x128xf32, #tpu.memory_space<vmem>>[vector<16xi32>, vector<16xi32>], vector<16xf32>,
      %swap3A_1891 = arith.constant 7 : i32
      %swap3A_1892 = arith.index_cast %swap3A_1891 : i32 to index
      %swap3A_1893 = arith.constant 64 : index
      %swap3A_1894 = tpu.vector_load %arg9[%swap3A_1892, %swap3A_1893] {strides = array<i32>} : memref<32x128xf32, #tpu.memory_space<vmem>>, vector<16xf32>,
      tpu.vector_store %arg9[%swap3A_1892, %swap3A_1893], %gather3A_1890 {strides = array<i32>} : memref<32x128xf32, #tpu.memory_space<vmem>>, vector<16xf32>,
      %gather3A_1895 = tpu.vector_load_idx %arg7[%add3A_1567, %broadcast_in_dim3A_1869] : memref<128x128xf32, #tpu.memory_space<vmem>>[vector<16xi32>, vector<16xi32>], vector<16xf32>,
      %swap3A_1896 = arith.constant 7 : i32
      %swap3A_1897 = arith.index_cast %swap3A_1896 : i32 to index
      %swap3A_1898 = arith.constant 80 : index
      %swap3A_1899 = tpu.vector_load %arg9[%swap3A_1897, %swap3A_1898] {strides = array<i32>} : memref<32x128xf32, #tpu.memory_space<vmem>>, vector<16xf32>,
      tpu.vector_store %arg9[%swap3A_1897, %swap3A_1898], %gather3A_1895 {strides = array<i32>} : memref<32x128xf32, #tpu.memory_space<vmem>>, vector<16xf32>,
      %gather3A_1900 = tpu.vector_load_idx %arg7[%add3A_1570, %broadcast_in_dim3A_1869] : memref<128x128xf32, #tpu.memory_space<vmem>>[vector<16xi32>, vector<16xi32>], vector<16xf32>,
      %swap3A_1901 = arith.constant 7 : i32
      %swap3A_1902 = arith.index_cast %swap3A_1901 : i32 to index
      %swap3A_1903 = arith.constant 96 : index
      %swap3A_1904 = tpu.vector_load %arg9[%swap3A_1902, %swap3A_1903] {strides = array<i32>} : memref<32x128xf32, #tpu.memory_space<vmem>>, vector<16xf32>,
      tpu.vector_store %arg9[%swap3A_1902, %swap3A_1903], %gather3A_1900 {strides = array<i32>} : memref<32x128xf32, #tpu.memory_space<vmem>>, vector<16xf32>,
      %gather3A_1905 = tpu.vector_load_idx %arg7[%add3A_1573, %broadcast_in_dim3A_1869] : memref<128x128xf32, #tpu.memory_space<vmem>>[vector<16xi32>, vector<16xi32>], vector<16xf32>,
      %swap3A_1906 = arith.constant 7 : i32
      %swap3A_1907 = arith.index_cast %swap3A_1906 : i32 to index
      %swap3A_1908 = arith.constant 112 : index
      %swap3A_1909 = tpu.vector_load %arg9[%swap3A_1907, %swap3A_1908] {strides = array<i32>} : memref<32x128xf32, #tpu.memory_space<vmem>>, vector<16xf32>,
      tpu.vector_store %arg9[%swap3A_1907, %swap3A_1908], %gather3A_1905 {strides = array<i32>} : memref<32x128xf32, #tpu.memory_space<vmem>>, vector<16xf32>,
      %broadcast_in_dim3A_1910 = arith.constant 8 : i32
      %broadcast_in_dim3A_1911 = vector.broadcast %broadcast_in_dim3A_1910 : i32 to vector<16xi32>
      %gather3A_1912 = tpu.vector_load_idx %arg7[%add3A_1552, %broadcast_in_dim3A_1911] : memref<128x128xf32, #tpu.memory_space<vmem>>[vector<16xi32>, vector<16xi32>], vector<16xf32>,
      %swap3A_1913 = arith.constant 8 : i32
      %swap3A_1914 = arith.index_cast %swap3A_1913 : i32 to index
      %swap3A_1915 = arith.constant 0 : index
      %swap3A_1916 = tpu.vector_load %arg9[%swap3A_1914, %swap3A_1915] {strides = array<i32>} : memref<32x128xf32, #tpu.memory_space<vmem>>, vector<16xf32>,
      tpu.vector_store %arg9[%swap3A_1914, %swap3A_1915], %gather3A_1912 {strides = array<i32>} : memref<32x128xf32, #tpu.memory_space<vmem>>, vector<16xf32>,
      %gather3A_1917 = tpu.vector_load_idx %arg7[%add3A_1555, %broadcast_in_dim3A_1911] : memref<128x128xf32, #tpu.memory_space<vmem>>[vector<16xi32>, vector<16xi32>], vector<16xf32>,
      %swap3A_1918 = arith.constant 8 : i32
      %swap3A_1919 = arith.index_cast %swap3A_1918 : i32 to index
      %swap3A_1920 = arith.constant 16 : index
      %swap3A_1921 = tpu.vector_load %arg9[%swap3A_1919, %swap3A_1920] {strides = array<i32>} : memref<32x128xf32, #tpu.memory_space<vmem>>, vector<16xf32>,
      tpu.vector_store %arg9[%swap3A_1919, %swap3A_1920], %gather3A_1917 {strides = array<i32>} : memref<32x128xf32, #tpu.memory_space<vmem>>, vector<16xf32>,
      %gather3A_1922 = tpu.vector_load_idx %arg7[%add3A_1558, %broadcast_in_dim3A_1911] : memref<128x128xf32, #tpu.memory_space<vmem>>[vector<16xi32>, vector<16xi32>], vector<16xf32>,
      %swap3A_1923 = arith.constant 8 : i32
      %swap3A_1924 = arith.index_cast %swap3A_1923 : i32 to index
      %swap3A_1925 = arith.constant 32 : index
      %swap3A_1926 = tpu.vector_load %arg9[%swap3A_1924, %swap3A_1925] {strides = array<i32>} : memref<32x128xf32, #tpu.memory_space<vmem>>, vector<16xf32>,
      tpu.vector_store %arg9[%swap3A_1924, %swap3A_1925], %gather3A_1922 {strides = array<i32>} : memref<32x128xf32, #tpu.memory_space<vmem>>, vector<16xf32>,
      %gather3A_1927 = tpu.vector_load_idx %arg7[%add3A_1561, %broadcast_in_dim3A_1911] : memref<128x128xf32, #tpu.memory_space<vmem>>[vector<16xi32>, vector<16xi32>], vector<16xf32>,
      %swap3A_1928 = arith.constant 8 : i32
      %swap3A_1929 = arith.index_cast %swap3A_1928 : i32 to index
      %swap3A_1930 = arith.constant 48 : index
      %swap3A_1931 = tpu.vector_load %arg9[%swap3A_1929, %swap3A_1930] {strides = array<i32>} : memref<32x128xf32, #tpu.memory_space<vmem>>, vector<16xf32>,
      tpu.vector_store %arg9[%swap3A_1929, %swap3A_1930], %gather3A_1927 {strides = array<i32>} : memref<32x128xf32, #tpu.memory_space<vmem>>, vector<16xf32>,
      %gather3A_1932 = tpu.vector_load_idx %arg7[%add3A_1564, %broadcast_in_dim3A_1911] : memref<128x128xf32, #tpu.memory_space<vmem>>[vector<16xi32>, vector<16xi32>], vector<16xf32>,
      %swap3A_1933 = arith.constant 8 : i32
      %swap3A_1934 = arith.index_cast %swap3A_1933 : i32 to index
      %swap3A_1935 = arith.constant 64 : index
      %swap3A_1936 = tpu.vector_load %arg9[%swap3A_1934, %swap3A_1935] {strides = array<i32>} : memref<32x128xf32, #tpu.memory_space<vmem>>, vector<16xf32>,
      tpu.vector_store %arg9[%swap3A_1934, %swap3A_1935], %gather3A_1932 {strides = array<i32>} : memref<32x128xf32, #tpu.memory_space<vmem>>, vector<16xf32>,
      %gather3A_1937 = tpu.vector_load_idx %arg7[%add3A_1567, %broadcast_in_dim3A_1911] : memref<128x128xf32, #tpu.memory_space<vmem>>[vector<16xi32>, vector<16xi32>], vector<16xf32>,
      %swap3A_1938 = arith.constant 8 : i32
      %swap3A_1939 = arith.index_cast %swap3A_1938 : i32 to index
      %swap3A_1940 = arith.constant 80 : index
      %swap3A_1941 = tpu.vector_load %arg9[%swap3A_1939, %swap3A_1940] {strides = array<i32>} : memref<32x128xf32, #tpu.memory_space<vmem>>, vector<16xf32>,
      tpu.vector_store %arg9[%swap3A_1939, %swap3A_1940], %gather3A_1937 {strides = array<i32>} : memref<32x128xf32, #tpu.memory_space<vmem>>, vector<16xf32>,
      %gather3A_1942 = tpu.vector_load_idx %arg7[%add3A_1570, %broadcast_in_dim3A_1911] : memref<128x128xf32, #tpu.memory_space<vmem>>[vector<16xi32>, vector<16xi32>], vector<16xf32>,
      %swap3A_1943 = arith.constant 8 : i32
      %swap3A_1944 = arith.index_cast %swap3A_1943 : i32 to index
      %swap3A_1945 = arith.constant 96 : index
      %swap3A_1946 = tpu.vector_load %arg9[%swap3A_1944, %swap3A_1945] {strides = array<i32>} : memref<32x128xf32, #tpu.memory_space<vmem>>, vector<16xf32>,
      tpu.vector_store %arg9[%swap3A_1944, %swap3A_1945], %gather3A_1942 {strides = array<i32>} : memref<32x128xf32, #tpu.memory_space<vmem>>, vector<16xf32>,
      %gather3A_1947 = tpu.vector_load_idx %arg7[%add3A_1573, %broadcast_in_dim3A_1911] : memref<128x128xf32, #tpu.memory_space<vmem>>[vector<16xi32>, vector<16xi32>], vector<16xf32>,
      %swap3A_1948 = arith.constant 8 : i32
      %swap3A_1949 = arith.index_cast %swap3A_1948 : i32 to index
      %swap3A_1950 = arith.constant 112 : index
      %swap3A_1951 = tpu.vector_load %arg9[%swap3A_1949, %swap3A_1950] {strides = array<i32>} : memref<32x128xf32, #tpu.memory_space<vmem>>, vector<16xf32>,
      tpu.vector_store %arg9[%swap3A_1949, %swap3A_1950], %gather3A_1947 {strides = array<i32>} : memref<32x128xf32, #tpu.memory_space<vmem>>, vector<16xf32>,
      %broadcast_in_dim3A_1952 = arith.constant 9 : i32
      %broadcast_in_dim3A_1953 = vector.broadcast %broadcast_in_dim3A_1952 : i32 to vector<16xi32>
      %gather3A_1954 = tpu.vector_load_idx %arg7[%add3A_1552, %broadcast_in_dim3A_1953] : memref<128x128xf32, #tpu.memory_space<vmem>>[vector<16xi32>, vector<16xi32>], vector<16xf32>,
      %swap3A_1955 = arith.constant 9 : i32
      %swap3A_1956 = arith.index_cast %swap3A_1955 : i32 to index
      %swap3A_1957 = arith.constant 0 : index
      %swap3A_1958 = tpu.vector_load %arg9[%swap3A_1956, %swap3A_1957] {strides = array<i32>} : memref<32x128xf32, #tpu.memory_space<vmem>>, vector<16xf32>,
      tpu.vector_store %arg9[%swap3A_1956, %swap3A_1957], %gather3A_1954 {strides = array<i32>} : memref<32x128xf32, #tpu.memory_space<vmem>>, vector<16xf32>,
      %gather3A_1959 = tpu.vector_load_idx %arg7[%add3A_1555, %broadcast_in_dim3A_1953] : memref<128x128xf32, #tpu.memory_space<vmem>>[vector<16xi32>, vector<16xi32>], vector<16xf32>,
      %swap3A_1960 = arith.constant 9 : i32
      %swap3A_1961 = arith.index_cast %swap3A_1960 : i32 to index
      %swap3A_1962 = arith.constant 16 : index
      %swap3A_1963 = tpu.vector_load %arg9[%swap3A_1961, %swap3A_1962] {strides = array<i32>} : memref<32x128xf32, #tpu.memory_space<vmem>>, vector<16xf32>,
      tpu.vector_store %arg9[%swap3A_1961, %swap3A_1962], %gather3A_1959 {strides = array<i32>} : memref<32x128xf32, #tpu.memory_space<vmem>>, vector<16xf32>,
      %gather3A_1964 = tpu.vector_load_idx %arg7[%add3A_1558, %broadcast_in_dim3A_1953] : memref<128x128xf32, #tpu.memory_space<vmem>>[vector<16xi32>, vector<16xi32>], vector<16xf32>,
      %swap3A_1965 = arith.constant 9 : i32
      %swap3A_1966 = arith.index_cast %swap3A_1965 : i32 to index
      %swap3A_1967 = arith.constant 32 : index
      %swap3A_1968 = tpu.vector_load %arg9[%swap3A_1966, %swap3A_1967] {strides = array<i32>} : memref<32x128xf32, #tpu.memory_space<vmem>>, vector<16xf32>,
      tpu.vector_store %arg9[%swap3A_1966, %swap3A_1967], %gather3A_1964 {strides = array<i32>} : memref<32x128xf32, #tpu.memory_space<vmem>>, vector<16xf32>,
      %gather3A_1969 = tpu.vector_load_idx %arg7[%add3A_1561, %broadcast_in_dim3A_1953] : memref<128x128xf32, #tpu.memory_space<vmem>>[vector<16xi32>, vector<16xi32>], vector<16xf32>,
      %swap3A_1970 = arith.constant 9 : i32
      %swap3A_1971 = arith.index_cast %swap3A_1970 : i32 to index
      %swap3A_1972 = arith.constant 48 : index
      %swap3A_1973 = tpu.vector_load %arg9[%swap3A_1971, %swap3A_1972] {strides = array<i32>} : memref<32x128xf32, #tpu.memory_space<vmem>>, vector<16xf32>,
      tpu.vector_store %arg9[%swap3A_1971, %swap3A_1972], %gather3A_1969 {strides = array<i32>} : memref<32x128xf32, #tpu.memory_space<vmem>>, vector<16xf32>,
      %gather3A_1974 = tpu.vector_load_idx %arg7[%add3A_1564, %broadcast_in_dim3A_1953] : memref<128x128xf32, #tpu.memory_space<vmem>>[vector<16xi32>, vector<16xi32>], vector<16xf32>,
      %swap3A_1975 = arith.constant 9 : i32
      %swap3A_1976 = arith.index_cast %swap3A_1975 : i32 to index
      %swap3A_1977 = arith.constant 64 : index
      %swap3A_1978 = tpu.vector_load %arg9[%swap3A_1976, %swap3A_1977] {strides = array<i32>} : memref<32x128xf32, #tpu.memory_space<vmem>>, vector<16xf32>,
      tpu.vector_store %arg9[%swap3A_1976, %swap3A_1977], %gather3A_1974 {strides = array<i32>} : memref<32x128xf32, #tpu.memory_space<vmem>>, vector<16xf32>,
      %gather3A_1979 = tpu.vector_load_idx %arg7[%add3A_1567, %broadcast_in_dim3A_1953] : memref<128x128xf32, #tpu.memory_space<vmem>>[vector<16xi32>, vector<16xi32>], vector<16xf32>,
      %swap3A_1980 = arith.constant 9 : i32
      %swap3A_1981 = arith.index_cast %swap3A_1980 : i32 to index
      %swap3A_1982 = arith.constant 80 : index
      %swap3A_1983 = tpu.vector_load %arg9[%swap3A_1981, %swap3A_1982] {strides = array<i32>} : memref<32x128xf32, #tpu.memory_space<vmem>>, vector<16xf32>,
      tpu.vector_store %arg9[%swap3A_1981, %swap3A_1982], %gather3A_1979 {strides = array<i32>} : memref<32x128xf32, #tpu.memory_space<vmem>>, vector<16xf32>,
      %gather3A_1984 = tpu.vector_load_idx %arg7[%add3A_1570, %broadcast_in_dim3A_1953] : memref<128x128xf32, #tpu.memory_space<vmem>>[vector<16xi32>, vector<16xi32>], vector<16xf32>,
      %swap3A_1985 = arith.constant 9 : i32
      %swap3A_1986 = arith.index_cast %swap3A_1985 : i32 to index
      %swap3A_1987 = arith.constant 96 : index
      %swap3A_1988 = tpu.vector_load %arg9[%swap3A_1986, %swap3A_1987] {strides = array<i32>} : memref<32x128xf32, #tpu.memory_space<vmem>>, vector<16xf32>,
      tpu.vector_store %arg9[%swap3A_1986, %swap3A_1987], %gather3A_1984 {strides = array<i32>} : memref<32x128xf32, #tpu.memory_space<vmem>>, vector<16xf32>,
      %gather3A_1989 = tpu.vector_load_idx %arg7[%add3A_1573, %broadcast_in_dim3A_1953] : memref<128x128xf32, #tpu.memory_space<vmem>>[vector<16xi32>, vector<16xi32>], vector<16xf32>,
      %swap3A_1990 = arith.constant 9 : i32
      %swap3A_1991 = arith.index_cast %swap3A_1990 : i32 to index
      %swap3A_1992 = arith.constant 112 : index
      %swap3A_1993 = tpu.vector_load %arg9[%swap3A_1991, %swap3A_1992] {strides = array<i32>} : memref<32x128xf32, #tpu.memory_space<vmem>>, vector<16xf32>,
      tpu.vector_store %arg9[%swap3A_1991, %swap3A_1992], %gather3A_1989 {strides = array<i32>} : memref<32x128xf32, #tpu.memory_space<vmem>>, vector<16xf32>,
      %broadcast_in_dim3A_1994 = arith.constant 10 : i32
      %broadcast_in_dim3A_1995 = vector.broadcast %broadcast_in_dim3A_1994 : i32 to vector<16xi32>
      %gather3A_1996 = tpu.vector_load_idx %arg7[%add3A_1552, %broadcast_in_dim3A_1995] : memref<128x128xf32, #tpu.memory_space<vmem>>[vector<16xi32>, vector<16xi32>], vector<16xf32>,
      %swap3A_1997 = arith.constant 10 : i32
      %swap3A_1998 = arith.index_cast %swap3A_1997 : i32 to index
      %swap3A_1999 = arith.constant 0 : index
      %swap3A_2000 = tpu.vector_load %arg9[%swap3A_1998, %swap3A_1999] {strides = array<i32>} : memref<32x128xf32, #tpu.memory_space<vmem>>, vector<16xf32>,
      tpu.vector_store %arg9[%swap3A_1998, %swap3A_1999], %gather3A_1996 {strides = array<i32>} : memref<32x128xf32, #tpu.memory_space<vmem>>, vector<16xf32>,
      %gather3A_2001 = tpu.vector_load_idx %arg7[%add3A_1555, %broadcast_in_dim3A_1995] : memref<128x128xf32, #tpu.memory_space<vmem>>[vector<16xi32>, vector<16xi32>], vector<16xf32>,
      %swap3A_2002 = arith.constant 10 : i32
      %swap3A_2003 = arith.index_cast %swap3A_2002 : i32 to index
      %swap3A_2004 = arith.constant 16 : index
      %swap3A_2005 = tpu.vector_load %arg9[%swap3A_2003, %swap3A_2004] {strides = array<i32>} : memref<32x128xf32, #tpu.memory_space<vmem>>, vector<16xf32>,
      tpu.vector_store %arg9[%swap3A_2003, %swap3A_2004], %gather3A_2001 {strides = array<i32>} : memref<32x128xf32, #tpu.memory_space<vmem>>, vector<16xf32>,
      %gather3A_2006 = tpu.vector_load_idx %arg7[%add3A_1558, %broadcast_in_dim3A_1995] : memref<128x128xf32, #tpu.memory_space<vmem>>[vector<16xi32>, vector<16xi32>], vector<16xf32>,
      %swap3A_2007 = arith.constant 10 : i32
      %swap3A_2008 = arith.index_cast %swap3A_2007 : i32 to index
      %swap3A_2009 = arith.constant 32 : index
      %swap3A_2010 = tpu.vector_load %arg9[%swap3A_2008, %swap3A_2009] {strides = array<i32>} : memref<32x128xf32, #tpu.memory_space<vmem>>, vector<16xf32>,
      tpu.vector_store %arg9[%swap3A_2008, %swap3A_2009], %gather3A_2006 {strides = array<i32>} : memref<32x128xf32, #tpu.memory_space<vmem>>, vector<16xf32>,
      %gather3A_2011 = tpu.vector_load_idx %arg7[%add3A_1561, %broadcast_in_dim3A_1995] : memref<128x128xf32, #tpu.memory_space<vmem>>[vector<16xi32>, vector<16xi32>], vector<16xf32>,
      %swap3A_2012 = arith.constant 10 : i32
      %swap3A_2013 = arith.index_cast %swap3A_2012 : i32 to index
      %swap3A_2014 = arith.constant 48 : index
      %swap3A_2015 = tpu.vector_load %arg9[%swap3A_2013, %swap3A_2014] {strides = array<i32>} : memref<32x128xf32, #tpu.memory_space<vmem>>, vector<16xf32>,
      tpu.vector_store %arg9[%swap3A_2013, %swap3A_2014], %gather3A_2011 {strides = array<i32>} : memref<32x128xf32, #tpu.memory_space<vmem>>, vector<16xf32>,
      %gather3A_2016 = tpu.vector_load_idx %arg7[%add3A_1564, %broadcast_in_dim3A_1995] : memref<128x128xf32, #tpu.memory_space<vmem>>[vector<16xi32>, vector<16xi32>], vector<16xf32>,
      %swap3A_2017 = arith.constant 10 : i32
      %swap3A_2018 = arith.index_cast %swap3A_2017 : i32 to index
      %swap3A_2019 = arith.constant 64 : index
      %swap3A_2020 = tpu.vector_load %arg9[%swap3A_2018, %swap3A_2019] {strides = array<i32>} : memref<32x128xf32, #tpu.memory_space<vmem>>, vector<16xf32>,
      tpu.vector_store %arg9[%swap3A_2018, %swap3A_2019], %gather3A_2016 {strides = array<i32>} : memref<32x128xf32, #tpu.memory_space<vmem>>, vector<16xf32>,
      %gather3A_2021 = tpu.vector_load_idx %arg7[%add3A_1567, %broadcast_in_dim3A_1995] : memref<128x128xf32, #tpu.memory_space<vmem>>[vector<16xi32>, vector<16xi32>], vector<16xf32>,
      %swap3A_2022 = arith.constant 10 : i32
      %swap3A_2023 = arith.index_cast %swap3A_2022 : i32 to index
      %swap3A_2024 = arith.constant 80 : index
      %swap3A_2025 = tpu.vector_load %arg9[%swap3A_2023, %swap3A_2024] {strides = array<i32>} : memref<32x128xf32, #tpu.memory_space<vmem>>, vector<16xf32>,
      tpu.vector_store %arg9[%swap3A_2023, %swap3A_2024], %gather3A_2021 {strides = array<i32>} : memref<32x128xf32, #tpu.memory_space<vmem>>, vector<16xf32>,
      %gather3A_2026 = tpu.vector_load_idx %arg7[%add3A_1570, %broadcast_in_dim3A_1995] : memref<128x128xf32, #tpu.memory_space<vmem>>[vector<16xi32>, vector<16xi32>], vector<16xf32>,
      %swap3A_2027 = arith.constant 10 : i32
      %swap3A_2028 = arith.index_cast %swap3A_2027 : i32 to index
      %swap3A_2029 = arith.constant 96 : index
      %swap3A_2030 = tpu.vector_load %arg9[%swap3A_2028, %swap3A_2029] {strides = array<i32>} : memref<32x128xf32, #tpu.memory_space<vmem>>, vector<16xf32>,
      tpu.vector_store %arg9[%swap3A_2028, %swap3A_2029], %gather3A_2026 {strides = array<i32>} : memref<32x128xf32, #tpu.memory_space<vmem>>, vector<16xf32>,
      %gather3A_2031 = tpu.vector_load_idx %arg7[%add3A_1573, %broadcast_in_dim3A_1995] : memref<128x128xf32, #tpu.memory_space<vmem>>[vector<16xi32>, vector<16xi32>], vector<16xf32>,
      %swap3A_2032 = arith.constant 10 : i32
      %swap3A_2033 = arith.index_cast %swap3A_2032 : i32 to index
      %swap3A_2034 = arith.constant 112 : index
      %swap3A_2035 = tpu.vector_load %arg9[%swap3A_2033, %swap3A_2034] {strides = array<i32>} : memref<32x128xf32, #tpu.memory_space<vmem>>, vector<16xf32>,
      tpu.vector_store %arg9[%swap3A_2033, %swap3A_2034], %gather3A_2031 {strides = array<i32>} : memref<32x128xf32, #tpu.memory_space<vmem>>, vector<16xf32>,
      %broadcast_in_dim3A_2036 = arith.constant 11 : i32
      %broadcast_in_dim3A_2037 = vector.broadcast %broadcast_in_dim3A_2036 : i32 to vector<16xi32>
      %gather3A_2038 = tpu.vector_load_idx %arg7[%add3A_1552, %broadcast_in_dim3A_2037] : memref<128x128xf32, #tpu.memory_space<vmem>>[vector<16xi32>, vector<16xi32>], vector<16xf32>,
      %swap3A_2039 = arith.constant 11 : i32
      %swap3A_2040 = arith.index_cast %swap3A_2039 : i32 to index
      %swap3A_2041 = arith.constant 0 : index
      %swap3A_2042 = tpu.vector_load %arg9[%swap3A_2040, %swap3A_2041] {strides = array<i32>} : memref<32x128xf32, #tpu.memory_space<vmem>>, vector<16xf32>,
      tpu.vector_store %arg9[%swap3A_2040, %swap3A_2041], %gather3A_2038 {strides = array<i32>} : memref<32x128xf32, #tpu.memory_space<vmem>>, vector<16xf32>,
      %gather3A_2043 = tpu.vector_load_idx %arg7[%add3A_1555, %broadcast_in_dim3A_2037] : memref<128x128xf32, #tpu.memory_space<vmem>>[vector<16xi32>, vector<16xi32>], vector<16xf32>,
      %swap3A_2044 = arith.constant 11 : i32
      %swap3A_2045 = arith.index_cast %swap3A_2044 : i32 to index
      %swap3A_2046 = arith.constant 16 : index
      %swap3A_2047 = tpu.vector_load %arg9[%swap3A_2045, %swap3A_2046] {strides = array<i32>} : memref<32x128xf32, #tpu.memory_space<vmem>>, vector<16xf32>,
      tpu.vector_store %arg9[%swap3A_2045, %swap3A_2046], %gather3A_2043 {strides = array<i32>} : memref<32x128xf32, #tpu.memory_space<vmem>>, vector<16xf32>,
      %gather3A_2048 = tpu.vector_load_idx %arg7[%add3A_1558, %broadcast_in_dim3A_2037] : memref<128x128xf32, #tpu.memory_space<vmem>>[vector<16xi32>, vector<16xi32>], vector<16xf32>,
      %swap3A_2049 = arith.constant 11 : i32
      %swap3A_2050 = arith.index_cast %swap3A_2049 : i32 to index
      %swap3A_2051 = arith.constant 32 : index
      %swap3A_2052 = tpu.vector_load %arg9[%swap3A_2050, %swap3A_2051] {strides = array<i32>} : memref<32x128xf32, #tpu.memory_space<vmem>>, vector<16xf32>,
      tpu.vector_store %arg9[%swap3A_2050, %swap3A_2051], %gather3A_2048 {strides = array<i32>} : memref<32x128xf32, #tpu.memory_space<vmem>>, vector<16xf32>,
      %gather3A_2053 = tpu.vector_load_idx %arg7[%add3A_1561, %broadcast_in_dim3A_2037] : memref<128x128xf32, #tpu.memory_space<vmem>>[vector<16xi32>, vector<16xi32>], vector<16xf32>,
      %swap3A_2054 = arith.constant 11 : i32
      %swap3A_2055 = arith.index_cast %swap3A_2054 : i32 to index
      %swap3A_2056 = arith.constant 48 : index
      %swap3A_2057 = tpu.vector_load %arg9[%swap3A_2055, %swap3A_2056] {strides = array<i32>} : memref<32x128xf32, #tpu.memory_space<vmem>>, vector<16xf32>,
      tpu.vector_store %arg9[%swap3A_2055, %swap3A_2056], %gather3A_2053 {strides = array<i32>} : memref<32x128xf32, #tpu.memory_space<vmem>>, vector<16xf32>,
      %gather3A_2058 = tpu.vector_load_idx %arg7[%add3A_1564, %broadcast_in_dim3A_2037] : memref<128x128xf32, #tpu.memory_space<vmem>>[vector<16xi32>, vector<16xi32>], vector<16xf32>,
      %swap3A_2059 = arith.constant 11 : i32
      %swap3A_2060 = arith.index_cast %swap3A_2059 : i32 to index
      %swap3A_2061 = arith.constant 64 : index
      %swap3A_2062 = tpu.vector_load %arg9[%swap3A_2060, %swap3A_2061] {strides = array<i32>} : memref<32x128xf32, #tpu.memory_space<vmem>>, vector<16xf32>,
      tpu.vector_store %arg9[%swap3A_2060, %swap3A_2061], %gather3A_2058 {strides = array<i32>} : memref<32x128xf32, #tpu.memory_space<vmem>>, vector<16xf32>,
      %gather3A_2063 = tpu.vector_load_idx %arg7[%add3A_1567, %broadcast_in_dim3A_2037] : memref<128x128xf32, #tpu.memory_space<vmem>>[vector<16xi32>, vector<16xi32>], vector<16xf32>,
      %swap3A_2064 = arith.constant 11 : i32
      %swap3A_2065 = arith.index_cast %swap3A_2064 : i32 to index
      %swap3A_2066 = arith.constant 80 : index
      %swap3A_2067 = tpu.vector_load %arg9[%swap3A_2065, %swap3A_2066] {strides = array<i32>} : memref<32x128xf32, #tpu.memory_space<vmem>>, vector<16xf32>,
      tpu.vector_store %arg9[%swap3A_2065, %swap3A_2066], %gather3A_2063 {strides = array<i32>} : memref<32x128xf32, #tpu.memory_space<vmem>>, vector<16xf32>,
      %gather3A_2068 = tpu.vector_load_idx %arg7[%add3A_1570, %broadcast_in_dim3A_2037] : memref<128x128xf32, #tpu.memory_space<vmem>>[vector<16xi32>, vector<16xi32>], vector<16xf32>,
      %swap3A_2069 = arith.constant 11 : i32
      %swap3A_2070 = arith.index_cast %swap3A_2069 : i32 to index
      %swap3A_2071 = arith.constant 96 : index
      %swap3A_2072 = tpu.vector_load %arg9[%swap3A_2070, %swap3A_2071] {strides = array<i32>} : memref<32x128xf32, #tpu.memory_space<vmem>>, vector<16xf32>,
      tpu.vector_store %arg9[%swap3A_2070, %swap3A_2071], %gather3A_2068 {strides = array<i32>} : memref<32x128xf32, #tpu.memory_space<vmem>>, vector<16xf32>,
      %gather3A_2073 = tpu.vector_load_idx %arg7[%add3A_1573, %broadcast_in_dim3A_2037] : memref<128x128xf32, #tpu.memory_space<vmem>>[vector<16xi32>, vector<16xi32>], vector<16xf32>,
      %swap3A_2074 = arith.constant 11 : i32
      %swap3A_2075 = arith.index_cast %swap3A_2074 : i32 to index
      %swap3A_2076 = arith.constant 112 : index
      %swap3A_2077 = tpu.vector_load %arg9[%swap3A_2075, %swap3A_2076] {strides = array<i32>} : memref<32x128xf32, #tpu.memory_space<vmem>>, vector<16xf32>,
      tpu.vector_store %arg9[%swap3A_2075, %swap3A_2076], %gather3A_2073 {strides = array<i32>} : memref<32x128xf32, #tpu.memory_space<vmem>>, vector<16xf32>,
      %broadcast_in_dim3A_2078 = arith.constant 12 : i32
      %broadcast_in_dim3A_2079 = vector.broadcast %broadcast_in_dim3A_2078 : i32 to vector<16xi32>
      %gather3A_2080 = tpu.vector_load_idx %arg7[%add3A_1552, %broadcast_in_dim3A_2079] : memref<128x128xf32, #tpu.memory_space<vmem>>[vector<16xi32>, vector<16xi32>], vector<16xf32>,
      %swap3A_2081 = arith.constant 12 : i32
      %swap3A_2082 = arith.index_cast %swap3A_2081 : i32 to index
      %swap3A_2083 = arith.constant 0 : index
      %swap3A_2084 = tpu.vector_load %arg9[%swap3A_2082, %swap3A_2083] {strides = array<i32>} : memref<32x128xf32, #tpu.memory_space<vmem>>, vector<16xf32>,
      tpu.vector_store %arg9[%swap3A_2082, %swap3A_2083], %gather3A_2080 {strides = array<i32>} : memref<32x128xf32, #tpu.memory_space<vmem>>, vector<16xf32>,
      %gather3A_2085 = tpu.vector_load_idx %arg7[%add3A_1555, %broadcast_in_dim3A_2079] : memref<128x128xf32, #tpu.memory_space<vmem>>[vector<16xi32>, vector<16xi32>], vector<16xf32>,
      %swap3A_2086 = arith.constant 12 : i32
      %swap3A_2087 = arith.index_cast %swap3A_2086 : i32 to index
      %swap3A_2088 = arith.constant 16 : index
      %swap3A_2089 = tpu.vector_load %arg9[%swap3A_2087, %swap3A_2088] {strides = array<i32>} : memref<32x128xf32, #tpu.memory_space<vmem>>, vector<16xf32>,
      tpu.vector_store %arg9[%swap3A_2087, %swap3A_2088], %gather3A_2085 {strides = array<i32>} : memref<32x128xf32, #tpu.memory_space<vmem>>, vector<16xf32>,
      %gather3A_2090 = tpu.vector_load_idx %arg7[%add3A_1558, %broadcast_in_dim3A_2079] : memref<128x128xf32, #tpu.memory_space<vmem>>[vector<16xi32>, vector<16xi32>], vector<16xf32>,
      %swap3A_2091 = arith.constant 12 : i32
      %swap3A_2092 = arith.index_cast %swap3A_2091 : i32 to index
      %swap3A_2093 = arith.constant 32 : index
      %swap3A_2094 = tpu.vector_load %arg9[%swap3A_2092, %swap3A_2093] {strides = array<i32>} : memref<32x128xf32, #tpu.memory_space<vmem>>, vector<16xf32>,
      tpu.vector_store %arg9[%swap3A_2092, %swap3A_2093], %gather3A_2090 {strides = array<i32>} : memref<32x128xf32, #tpu.memory_space<vmem>>, vector<16xf32>,
      %gather3A_2095 = tpu.vector_load_idx %arg7[%add3A_1561, %broadcast_in_dim3A_2079] : memref<128x128xf32, #tpu.memory_space<vmem>>[vector<16xi32>, vector<16xi32>], vector<16xf32>,
      %swap3A_2096 = arith.constant 12 : i32
      %swap3A_2097 = arith.index_cast %swap3A_2096 : i32 to index
      %swap3A_2098 = arith.constant 48 : index
      %swap3A_2099 = tpu.vector_load %arg9[%swap3A_2097, %swap3A_2098] {strides = array<i32>} : memref<32x128xf32, #tpu.memory_space<vmem>>, vector<16xf32>,
      tpu.vector_store %arg9[%swap3A_2097, %swap3A_2098], %gather3A_2095 {strides = array<i32>} : memref<32x128xf32, #tpu.memory_space<vmem>>, vector<16xf32>,
      %gather3A_2100 = tpu.vector_load_idx %arg7[%add3A_1564, %broadcast_in_dim3A_2079] : memref<128x128xf32, #tpu.memory_space<vmem>>[vector<16xi32>, vector<16xi32>], vector<16xf32>,
      %swap3A_2101 = arith.constant 12 : i32
      %swap3A_2102 = arith.index_cast %swap3A_2101 : i32 to index
      %swap3A_2103 = arith.constant 64 : index
      %swap3A_2104 = tpu.vector_load %arg9[%swap3A_2102, %swap3A_2103] {strides = array<i32>} : memref<32x128xf32, #tpu.memory_space<vmem>>, vector<16xf32>,
      tpu.vector_store %arg9[%swap3A_2102, %swap3A_2103], %gather3A_2100 {strides = array<i32>} : memref<32x128xf32, #tpu.memory_space<vmem>>, vector<16xf32>,
      %gather3A_2105 = tpu.vector_load_idx %arg7[%add3A_1567, %broadcast_in_dim3A_2079] : memref<128x128xf32, #tpu.memory_space<vmem>>[vector<16xi32>, vector<16xi32>], vector<16xf32>,
      %swap3A_2106 = arith.constant 12 : i32
      %swap3A_2107 = arith.index_cast %swap3A_2106 : i32 to index
      %swap3A_2108 = arith.constant 80 : index
      %swap3A_2109 = tpu.vector_load %arg9[%swap3A_2107, %swap3A_2108] {strides = array<i32>} : memref<32x128xf32, #tpu.memory_space<vmem>>, vector<16xf32>,
      tpu.vector_store %arg9[%swap3A_2107, %swap3A_2108], %gather3A_2105 {strides = array<i32>} : memref<32x128xf32, #tpu.memory_space<vmem>>, vector<16xf32>,
      %gather3A_2110 = tpu.vector_load_idx %arg7[%add3A_1570, %broadcast_in_dim3A_2079] : memref<128x128xf32, #tpu.memory_space<vmem>>[vector<16xi32>, vector<16xi32>], vector<16xf32>,
      %swap3A_2111 = arith.constant 12 : i32
      %swap3A_2112 = arith.index_cast %swap3A_2111 : i32 to index
      %swap3A_2113 = arith.constant 96 : index
      %swap3A_2114 = tpu.vector_load %arg9[%swap3A_2112, %swap3A_2113] {strides = array<i32>} : memref<32x128xf32, #tpu.memory_space<vmem>>, vector<16xf32>,
      tpu.vector_store %arg9[%swap3A_2112, %swap3A_2113], %gather3A_2110 {strides = array<i32>} : memref<32x128xf32, #tpu.memory_space<vmem>>, vector<16xf32>,
      %gather3A_2115 = tpu.vector_load_idx %arg7[%add3A_1573, %broadcast_in_dim3A_2079] : memref<128x128xf32, #tpu.memory_space<vmem>>[vector<16xi32>, vector<16xi32>], vector<16xf32>,
      %swap3A_2116 = arith.constant 12 : i32
      %swap3A_2117 = arith.index_cast %swap3A_2116 : i32 to index
      %swap3A_2118 = arith.constant 112 : index
      %swap3A_2119 = tpu.vector_load %arg9[%swap3A_2117, %swap3A_2118] {strides = array<i32>} : memref<32x128xf32, #tpu.memory_space<vmem>>, vector<16xf32>,
      tpu.vector_store %arg9[%swap3A_2117, %swap3A_2118], %gather3A_2115 {strides = array<i32>} : memref<32x128xf32, #tpu.memory_space<vmem>>, vector<16xf32>,
      %broadcast_in_dim3A_2120 = arith.constant 13 : i32
      %broadcast_in_dim3A_2121 = vector.broadcast %broadcast_in_dim3A_2120 : i32 to vector<16xi32>
      %gather3A_2122 = tpu.vector_load_idx %arg7[%add3A_1552, %broadcast_in_dim3A_2121] : memref<128x128xf32, #tpu.memory_space<vmem>>[vector<16xi32>, vector<16xi32>], vector<16xf32>,
      %swap3A_2123 = arith.constant 13 : i32
      %swap3A_2124 = arith.index_cast %swap3A_2123 : i32 to index
      %swap3A_2125 = arith.constant 0 : index
      %swap3A_2126 = tpu.vector_load %arg9[%swap3A_2124, %swap3A_2125] {strides = array<i32>} : memref<32x128xf32, #tpu.memory_space<vmem>>, vector<16xf32>,
      tpu.vector_store %arg9[%swap3A_2124, %swap3A_2125], %gather3A_2122 {strides = array<i32>} : memref<32x128xf32, #tpu.memory_space<vmem>>, vector<16xf32>,
      %gather3A_2127 = tpu.vector_load_idx %arg7[%add3A_1555, %broadcast_in_dim3A_2121] : memref<128x128xf32, #tpu.memory_space<vmem>>[vector<16xi32>, vector<16xi32>], vector<16xf32>,
      %swap3A_2128 = arith.constant 13 : i32
      %swap3A_2129 = arith.index_cast %swap3A_2128 : i32 to index
      %swap3A_2130 = arith.constant 16 : index
      %swap3A_2131 = tpu.vector_load %arg9[%swap3A_2129, %swap3A_2130] {strides = array<i32>} : memref<32x128xf32, #tpu.memory_space<vmem>>, vector<16xf32>,
      tpu.vector_store %arg9[%swap3A_2129, %swap3A_2130], %gather3A_2127 {strides = array<i32>} : memref<32x128xf32, #tpu.memory_space<vmem>>, vector<16xf32>,
      %gather3A_2132 = tpu.vector_load_idx %arg7[%add3A_1558, %broadcast_in_dim3A_2121] : memref<128x128xf32, #tpu.memory_space<vmem>>[vector<16xi32>, vector<16xi32>], vector<16xf32>,
      %swap3A_2133 = arith.constant 13 : i32
      %swap3A_2134 = arith.index_cast %swap3A_2133 : i32 to index
      %swap3A_2135 = arith.constant 32 : index
      %swap3A_2136 = tpu.vector_load %arg9[%swap3A_2134, %swap3A_2135] {strides = array<i32>} : memref<32x128xf32, #tpu.memory_space<vmem>>, vector<16xf32>,
      tpu.vector_store %arg9[%swap3A_2134, %swap3A_2135], %gather3A_2132 {strides = array<i32>} : memref<32x128xf32, #tpu.memory_space<vmem>>, vector<16xf32>,
      %gather3A_2137 = tpu.vector_load_idx %arg7[%add3A_1561, %broadcast_in_dim3A_2121] : memref<128x128xf32, #tpu.memory_space<vmem>>[vector<16xi32>, vector<16xi32>], vector<16xf32>,
      %swap3A_2138 = arith.constant 13 : i32
      %swap3A_2139 = arith.index_cast %swap3A_2138 : i32 to index
      %swap3A_2140 = arith.constant 48 : index
      %swap3A_2141 = tpu.vector_load %arg9[%swap3A_2139, %swap3A_2140] {strides = array<i32>} : memref<32x128xf32, #tpu.memory_space<vmem>>, vector<16xf32>,
      tpu.vector_store %arg9[%swap3A_2139, %swap3A_2140], %gather3A_2137 {strides = array<i32>} : memref<32x128xf32, #tpu.memory_space<vmem>>, vector<16xf32>,
      %gather3A_2142 = tpu.vector_load_idx %arg7[%add3A_1564, %broadcast_in_dim3A_2121] : memref<128x128xf32, #tpu.memory_space<vmem>>[vector<16xi32>, vector<16xi32>], vector<16xf32>,
      %swap3A_2143 = arith.constant 13 : i32
      %swap3A_2144 = arith.index_cast %swap3A_2143 : i32 to index
      %swap3A_2145 = arith.constant 64 : index
      %swap3A_2146 = tpu.vector_load %arg9[%swap3A_2144, %swap3A_2145] {strides = array<i32>} : memref<32x128xf32, #tpu.memory_space<vmem>>, vector<16xf32>,
      tpu.vector_store %arg9[%swap3A_2144, %swap3A_2145], %gather3A_2142 {strides = array<i32>} : memref<32x128xf32, #tpu.memory_space<vmem>>, vector<16xf32>,
      %gather3A_2147 = tpu.vector_load_idx %arg7[%add3A_1567, %broadcast_in_dim3A_2121] : memref<128x128xf32, #tpu.memory_space<vmem>>[vector<16xi32>, vector<16xi32>], vector<16xf32>,
      %swap3A_2148 = arith.constant 13 : i32
      %swap3A_2149 = arith.index_cast %swap3A_2148 : i32 to index
      %swap3A_2150 = arith.constant 80 : index
      %swap3A_2151 = tpu.vector_load %arg9[%swap3A_2149, %swap3A_2150] {strides = array<i32>} : memref<32x128xf32, #tpu.memory_space<vmem>>, vector<16xf32>,
      tpu.vector_store %arg9[%swap3A_2149, %swap3A_2150], %gather3A_2147 {strides = array<i32>} : memref<32x128xf32, #tpu.memory_space<vmem>>, vector<16xf32>,
      %gather3A_2152 = tpu.vector_load_idx %arg7[%add3A_1570, %broadcast_in_dim3A_2121] : memref<128x128xf32, #tpu.memory_space<vmem>>[vector<16xi32>, vector<16xi32>], vector<16xf32>,
      %swap3A_2153 = arith.constant 13 : i32
      %swap3A_2154 = arith.index_cast %swap3A_2153 : i32 to index
      %swap3A_2155 = arith.constant 96 : index
      %swap3A_2156 = tpu.vector_load %arg9[%swap3A_2154, %swap3A_2155] {strides = array<i32>} : memref<32x128xf32, #tpu.memory_space<vmem>>, vector<16xf32>,
      tpu.vector_store %arg9[%swap3A_2154, %swap3A_2155], %gather3A_2152 {strides = array<i32>} : memref<32x128xf32, #tpu.memory_space<vmem>>, vector<16xf32>,
      %gather3A_2157 = tpu.vector_load_idx %arg7[%add3A_1573, %broadcast_in_dim3A_2121] : memref<128x128xf32, #tpu.memory_space<vmem>>[vector<16xi32>, vector<16xi32>], vector<16xf32>,
      %swap3A_2158 = arith.constant 13 : i32
      %swap3A_2159 = arith.index_cast %swap3A_2158 : i32 to index
      %swap3A_2160 = arith.constant 112 : index
      %swap3A_2161 = tpu.vector_load %arg9[%swap3A_2159, %swap3A_2160] {strides = array<i32>} : memref<32x128xf32, #tpu.memory_space<vmem>>, vector<16xf32>,
      tpu.vector_store %arg9[%swap3A_2159, %swap3A_2160], %gather3A_2157 {strides = array<i32>} : memref<32x128xf32, #tpu.memory_space<vmem>>, vector<16xf32>,
      %broadcast_in_dim3A_2162 = arith.constant 14 : i32
      %broadcast_in_dim3A_2163 = vector.broadcast %broadcast_in_dim3A_2162 : i32 to vector<16xi32>
      %gather3A_2164 = tpu.vector_load_idx %arg7[%add3A_1552, %broadcast_in_dim3A_2163] : memref<128x128xf32, #tpu.memory_space<vmem>>[vector<16xi32>, vector<16xi32>], vector<16xf32>,
      %swap3A_2165 = arith.constant 14 : i32
      %swap3A_2166 = arith.index_cast %swap3A_2165 : i32 to index
      %swap3A_2167 = arith.constant 0 : index
      %swap3A_2168 = tpu.vector_load %arg9[%swap3A_2166, %swap3A_2167] {strides = array<i32>} : memref<32x128xf32, #tpu.memory_space<vmem>>, vector<16xf32>,
      tpu.vector_store %arg9[%swap3A_2166, %swap3A_2167], %gather3A_2164 {strides = array<i32>} : memref<32x128xf32, #tpu.memory_space<vmem>>, vector<16xf32>,
      %gather3A_2169 = tpu.vector_load_idx %arg7[%add3A_1555, %broadcast_in_dim3A_2163] : memref<128x128xf32, #tpu.memory_space<vmem>>[vector<16xi32>, vector<16xi32>], vector<16xf32>,
      %swap3A_2170 = arith.constant 14 : i32
      %swap3A_2171 = arith.index_cast %swap3A_2170 : i32 to index
      %swap3A_2172 = arith.constant 16 : index
      %swap3A_2173 = tpu.vector_load %arg9[%swap3A_2171, %swap3A_2172] {strides = array<i32>} : memref<32x128xf32, #tpu.memory_space<vmem>>, vector<16xf32>,
      tpu.vector_store %arg9[%swap3A_2171, %swap3A_2172], %gather3A_2169 {strides = array<i32>} : memref<32x128xf32, #tpu.memory_space<vmem>>, vector<16xf32>,
      %gather3A_2174 = tpu.vector_load_idx %arg7[%add3A_1558, %broadcast_in_dim3A_2163] : memref<128x128xf32, #tpu.memory_space<vmem>>[vector<16xi32>, vector<16xi32>], vector<16xf32>,
      %swap3A_2175 = arith.constant 14 : i32
      %swap3A_2176 = arith.index_cast %swap3A_2175 : i32 to index
      %swap3A_2177 = arith.constant 32 : index
      %swap3A_2178 = tpu.vector_load %arg9[%swap3A_2176, %swap3A_2177] {strides = array<i32>} : memref<32x128xf32, #tpu.memory_space<vmem>>, vector<16xf32>,
      tpu.vector_store %arg9[%swap3A_2176, %swap3A_2177], %gather3A_2174 {strides = array<i32>} : memref<32x128xf32, #tpu.memory_space<vmem>>, vector<16xf32>,
      %gather3A_2179 = tpu.vector_load_idx %arg7[%add3A_1561, %broadcast_in_dim3A_2163] : memref<128x128xf32, #tpu.memory_space<vmem>>[vector<16xi32>, vector<16xi32>], vector<16xf32>,
      %swap3A_2180 = arith.constant 14 : i32
      %swap3A_2181 = arith.index_cast %swap3A_2180 : i32 to index
      %swap3A_2182 = arith.constant 48 : index
      %swap3A_2183 = tpu.vector_load %arg9[%swap3A_2181, %swap3A_2182] {strides = array<i32>} : memref<32x128xf32, #tpu.memory_space<vmem>>, vector<16xf32>,
      tpu.vector_store %arg9[%swap3A_2181, %swap3A_2182], %gather3A_2179 {strides = array<i32>} : memref<32x128xf32, #tpu.memory_space<vmem>>, vector<16xf32>,
      %gather3A_2184 = tpu.vector_load_idx %arg7[%add3A_1564, %broadcast_in_dim3A_2163] : memref<128x128xf32, #tpu.memory_space<vmem>>[vector<16xi32>, vector<16xi32>], vector<16xf32>,
      %swap3A_2185 = arith.constant 14 : i32
      %swap3A_2186 = arith.index_cast %swap3A_2185 : i32 to index
      %swap3A_2187 = arith.constant 64 : index
      %swap3A_2188 = tpu.vector_load %arg9[%swap3A_2186, %swap3A_2187] {strides = array<i32>} : memref<32x128xf32, #tpu.memory_space<vmem>>, vector<16xf32>,
      tpu.vector_store %arg9[%swap3A_2186, %swap3A_2187], %gather3A_2184 {strides = array<i32>} : memref<32x128xf32, #tpu.memory_space<vmem>>, vector<16xf32>,
      %gather3A_2189 = tpu.vector_load_idx %arg7[%add3A_1567, %broadcast_in_dim3A_2163] : memref<128x128xf32, #tpu.memory_space<vmem>>[vector<16xi32>, vector<16xi32>], vector<16xf32>,
      %swap3A_2190 = arith.constant 14 : i32
      %swap3A_2191 = arith.index_cast %swap3A_2190 : i32 to index
      %swap3A_2192 = arith.constant 80 : index
      %swap3A_2193 = tpu.vector_load %arg9[%swap3A_2191, %swap3A_2192] {strides = array<i32>} : memref<32x128xf32, #tpu.memory_space<vmem>>, vector<16xf32>,
      tpu.vector_store %arg9[%swap3A_2191, %swap3A_2192], %gather3A_2189 {strides = array<i32>} : memref<32x128xf32, #tpu.memory_space<vmem>>, vector<16xf32>,
      %gather3A_2194 = tpu.vector_load_idx %arg7[%add3A_1570, %broadcast_in_dim3A_2163] : memref<128x128xf32, #tpu.memory_space<vmem>>[vector<16xi32>, vector<16xi32>], vector<16xf32>,
      %swap3A_2195 = arith.constant 14 : i32
      %swap3A_2196 = arith.index_cast %swap3A_2195 : i32 to index
      %swap3A_2197 = arith.constant 96 : index
      %swap3A_2198 = tpu.vector_load %arg9[%swap3A_2196, %swap3A_2197] {strides = array<i32>} : memref<32x128xf32, #tpu.memory_space<vmem>>, vector<16xf32>,
      tpu.vector_store %arg9[%swap3A_2196, %swap3A_2197], %gather3A_2194 {strides = array<i32>} : memref<32x128xf32, #tpu.memory_space<vmem>>, vector<16xf32>,
      %gather3A_2199 = tpu.vector_load_idx %arg7[%add3A_1573, %broadcast_in_dim3A_2163] : memref<128x128xf32, #tpu.memory_space<vmem>>[vector<16xi32>, vector<16xi32>], vector<16xf32>,
      %swap3A_2200 = arith.constant 14 : i32
      %swap3A_2201 = arith.index_cast %swap3A_2200 : i32 to index
      %swap3A_2202 = arith.constant 112 : index
      %swap3A_2203 = tpu.vector_load %arg9[%swap3A_2201, %swap3A_2202] {strides = array<i32>} : memref<32x128xf32, #tpu.memory_space<vmem>>, vector<16xf32>,
      tpu.vector_store %arg9[%swap3A_2201, %swap3A_2202], %gather3A_2199 {strides = array<i32>} : memref<32x128xf32, #tpu.memory_space<vmem>>, vector<16xf32>,
      %broadcast_in_dim3A_2204 = arith.constant 15 : i32
      %broadcast_in_dim3A_2205 = vector.broadcast %broadcast_in_dim3A_2204 : i32 to vector<16xi32>
      %gather3A_2206 = tpu.vector_load_idx %arg7[%add3A_1552, %broadcast_in_dim3A_2205] : memref<128x128xf32, #tpu.memory_space<vmem>>[vector<16xi32>, vector<16xi32>], vector<16xf32>,
      %swap3A_2207 = arith.constant 15 : i32
      %swap3A_2208 = arith.index_cast %swap3A_2207 : i32 to index
      %swap3A_2209 = arith.constant 0 : index
      %swap3A_2210 = tpu.vector_load %arg9[%swap3A_2208, %swap3A_2209] {strides = array<i32>} : memref<32x128xf32, #tpu.memory_space<vmem>>, vector<16xf32>,
      tpu.vector_store %arg9[%swap3A_2208, %swap3A_2209], %gather3A_2206 {strides = array<i32>} : memref<32x128xf32, #tpu.memory_space<vmem>>, vector<16xf32>,
      %gather3A_2211 = tpu.vector_load_idx %arg7[%add3A_1555, %broadcast_in_dim3A_2205] : memref<128x128xf32, #tpu.memory_space<vmem>>[vector<16xi32>, vector<16xi32>], vector<16xf32>,
      %swap3A_2212 = arith.constant 15 : i32
      %swap3A_2213 = arith.index_cast %swap3A_2212 : i32 to index
      %swap3A_2214 = arith.constant 16 : index
      %swap3A_2215 = tpu.vector_load %arg9[%swap3A_2213, %swap3A_2214] {strides = array<i32>} : memref<32x128xf32, #tpu.memory_space<vmem>>, vector<16xf32>,
      tpu.vector_store %arg9[%swap3A_2213, %swap3A_2214], %gather3A_2211 {strides = array<i32>} : memref<32x128xf32, #tpu.memory_space<vmem>>, vector<16xf32>,
      %gather3A_2216 = tpu.vector_load_idx %arg7[%add3A_1558, %broadcast_in_dim3A_2205] : memref<128x128xf32, #tpu.memory_space<vmem>>[vector<16xi32>, vector<16xi32>], vector<16xf32>,
      %swap3A_2217 = arith.constant 15 : i32
      %swap3A_2218 = arith.index_cast %swap3A_2217 : i32 to index
      %swap3A_2219 = arith.constant 32 : index
      %swap3A_2220 = tpu.vector_load %arg9[%swap3A_2218, %swap3A_2219] {strides = array<i32>} : memref<32x128xf32, #tpu.memory_space<vmem>>, vector<16xf32>,
      tpu.vector_store %arg9[%swap3A_2218, %swap3A_2219], %gather3A_2216 {strides = array<i32>} : memref<32x128xf32, #tpu.memory_space<vmem>>, vector<16xf32>,
      %gather3A_2221 = tpu.vector_load_idx %arg7[%add3A_1561, %broadcast_in_dim3A_2205] : memref<128x128xf32, #tpu.memory_space<vmem>>[vector<16xi32>, vector<16xi32>], vector<16xf32>,
      %swap3A_2222 = arith.constant 15 : i32
      %swap3A_2223 = arith.index_cast %swap3A_2222 : i32 to index
      %swap3A_2224 = arith.constant 48 : index
      %swap3A_2225 = tpu.vector_load %arg9[%swap3A_2223, %swap3A_2224] {strides = array<i32>} : memref<32x128xf32, #tpu.memory_space<vmem>>, vector<16xf32>,
      tpu.vector_store %arg9[%swap3A_2223, %swap3A_2224], %gather3A_2221 {strides = array<i32>} : memref<32x128xf32, #tpu.memory_space<vmem>>, vector<16xf32>,
      %gather3A_2226 = tpu.vector_load_idx %arg7[%add3A_1564, %broadcast_in_dim3A_2205] : memref<128x128xf32, #tpu.memory_space<vmem>>[vector<16xi32>, vector<16xi32>], vector<16xf32>,
      %swap3A_2227 = arith.constant 15 : i32
      %swap3A_2228 = arith.index_cast %swap3A_2227 : i32 to index
      %swap3A_2229 = arith.constant 64 : index
      %swap3A_2230 = tpu.vector_load %arg9[%swap3A_2228, %swap3A_2229] {strides = array<i32>} : memref<32x128xf32, #tpu.memory_space<vmem>>, vector<16xf32>,
      tpu.vector_store %arg9[%swap3A_2228, %swap3A_2229], %gather3A_2226 {strides = array<i32>} : memref<32x128xf32, #tpu.memory_space<vmem>>, vector<16xf32>,
      %gather3A_2231 = tpu.vector_load_idx %arg7[%add3A_1567, %broadcast_in_dim3A_2205] : memref<128x128xf32, #tpu.memory_space<vmem>>[vector<16xi32>, vector<16xi32>], vector<16xf32>,
      %swap3A_2232 = arith.constant 15 : i32
      %swap3A_2233 = arith.index_cast %swap3A_2232 : i32 to index
      %swap3A_2234 = arith.constant 80 : index
      %swap3A_2235 = tpu.vector_load %arg9[%swap3A_2233, %swap3A_2234] {strides = array<i32>} : memref<32x128xf32, #tpu.memory_space<vmem>>, vector<16xf32>,
      tpu.vector_store %arg9[%swap3A_2233, %swap3A_2234], %gather3A_2231 {strides = array<i32>} : memref<32x128xf32, #tpu.memory_space<vmem>>, vector<16xf32>,
      %gather3A_2236 = tpu.vector_load_idx %arg7[%add3A_1570, %broadcast_in_dim3A_2205] : memref<128x128xf32, #tpu.memory_space<vmem>>[vector<16xi32>, vector<16xi32>], vector<16xf32>,
      %swap3A_2237 = arith.constant 15 : i32
      %swap3A_2238 = arith.index_cast %swap3A_2237 : i32 to index
      %swap3A_2239 = arith.constant 96 : index
      %swap3A_2240 = tpu.vector_load %arg9[%swap3A_2238, %swap3A_2239] {strides = array<i32>} : memref<32x128xf32, #tpu.memory_space<vmem>>, vector<16xf32>,
      tpu.vector_store %arg9[%swap3A_2238, %swap3A_2239], %gather3A_2236 {strides = array<i32>} : memref<32x128xf32, #tpu.memory_space<vmem>>, vector<16xf32>,
      %gather3A_2241 = tpu.vector_load_idx %arg7[%add3A_1573, %broadcast_in_dim3A_2205] : memref<128x128xf32, #tpu.memory_space<vmem>>[vector<16xi32>, vector<16xi32>], vector<16xf32>,
      %swap3A_2242 = arith.constant 15 : i32
      %swap3A_2243 = arith.index_cast %swap3A_2242 : i32 to index
      %swap3A_2244 = arith.constant 112 : index
      %swap3A_2245 = tpu.vector_load %arg9[%swap3A_2243, %swap3A_2244] {strides = array<i32>} : memref<32x128xf32, #tpu.memory_space<vmem>>, vector<16xf32>,
      tpu.vector_store %arg9[%swap3A_2243, %swap3A_2244], %gather3A_2241 {strides = array<i32>} : memref<32x128xf32, #tpu.memory_space<vmem>>, vector<16xf32>,
      %broadcast_in_dim3A_2246 = arith.constant 16 : i32
      %broadcast_in_dim3A_2247 = vector.broadcast %broadcast_in_dim3A_2246 : i32 to vector<16xi32>
      %gather3A_2248 = tpu.vector_load_idx %arg7[%add3A_1552, %broadcast_in_dim3A_2247] : memref<128x128xf32, #tpu.memory_space<vmem>>[vector<16xi32>, vector<16xi32>], vector<16xf32>,
      %swap3A_2249 = arith.constant 16 : i32
      %swap3A_2250 = arith.index_cast %swap3A_2249 : i32 to index
      %swap3A_2251 = arith.constant 0 : index
      %swap3A_2252 = tpu.vector_load %arg9[%swap3A_2250, %swap3A_2251] {strides = array<i32>} : memref<32x128xf32, #tpu.memory_space<vmem>>, vector<16xf32>,
      tpu.vector_store %arg9[%swap3A_2250, %swap3A_2251], %gather3A_2248 {strides = array<i32>} : memref<32x128xf32, #tpu.memory_space<vmem>>, vector<16xf32>,
      %gather3A_2253 = tpu.vector_load_idx %arg7[%add3A_1555, %broadcast_in_dim3A_2247] : memref<128x128xf32, #tpu.memory_space<vmem>>[vector<16xi32>, vector<16xi32>], vector<16xf32>,
      %swap3A_2254 = arith.constant 16 : i32
      %swap3A_2255 = arith.index_cast %swap3A_2254 : i32 to index
      %swap3A_2256 = arith.constant 16 : index
      %swap3A_2257 = tpu.vector_load %arg9[%swap3A_2255, %swap3A_2256] {strides = array<i32>} : memref<32x128xf32, #tpu.memory_space<vmem>>, vector<16xf32>,
      tpu.vector_store %arg9[%swap3A_2255, %swap3A_2256], %gather3A_2253 {strides = array<i32>} : memref<32x128xf32, #tpu.memory_space<vmem>>, vector<16xf32>,
      %gather3A_2258 = tpu.vector_load_idx %arg7[%add3A_1558, %broadcast_in_dim3A_2247] : memref<128x128xf32, #tpu.memory_space<vmem>>[vector<16xi32>, vector<16xi32>], vector<16xf32>,
      %swap3A_2259 = arith.constant 16 : i32
      %swap3A_2260 = arith.index_cast %swap3A_2259 : i32 to index
      %swap3A_2261 = arith.constant 32 : index
      %swap3A_2262 = tpu.vector_load %arg9[%swap3A_2260, %swap3A_2261] {strides = array<i32>} : memref<32x128xf32, #tpu.memory_space<vmem>>, vector<16xf32>,
      tpu.vector_store %arg9[%swap3A_2260, %swap3A_2261], %gather3A_2258 {strides = array<i32>} : memref<32x128xf32, #tpu.memory_space<vmem>>, vector<16xf32>,
      %gather3A_2263 = tpu.vector_load_idx %arg7[%add3A_1561, %broadcast_in_dim3A_2247] : memref<128x128xf32, #tpu.memory_space<vmem>>[vector<16xi32>, vector<16xi32>], vector<16xf32>,
      %swap3A_2264 = arith.constant 16 : i32
      %swap3A_2265 = arith.index_cast %swap3A_2264 : i32 to index
      %swap3A_2266 = arith.constant 48 : index
      %swap3A_2267 = tpu.vector_load %arg9[%swap3A_2265, %swap3A_2266] {strides = array<i32>} : memref<32x128xf32, #tpu.memory_space<vmem>>, vector<16xf32>,
      tpu.vector_store %arg9[%swap3A_2265, %swap3A_2266], %gather3A_2263 {strides = array<i32>} : memref<32x128xf32, #tpu.memory_space<vmem>>, vector<16xf32>,
      %gather3A_2268 = tpu.vector_load_idx %arg7[%add3A_1564, %broadcast_in_dim3A_2247] : memref<128x128xf32, #tpu.memory_space<vmem>>[vector<16xi32>, vector<16xi32>], vector<16xf32>,
      %swap3A_2269 = arith.constant 16 : i32
      %swap3A_2270 = arith.index_cast %swap3A_2269 : i32 to index
      %swap3A_2271 = arith.constant 64 : index
      %swap3A_2272 = tpu.vector_load %arg9[%swap3A_2270, %swap3A_2271] {strides = array<i32>} : memref<32x128xf32, #tpu.memory_space<vmem>>, vector<16xf32>,
      tpu.vector_store %arg9[%swap3A_2270, %swap3A_2271], %gather3A_2268 {strides = array<i32>} : memref<32x128xf32, #tpu.memory_space<vmem>>, vector<16xf32>,
      %gather3A_2273 = tpu.vector_load_idx %arg7[%add3A_1567, %broadcast_in_dim3A_2247] : memref<128x128xf32, #tpu.memory_space<vmem>>[vector<16xi32>, vector<16xi32>], vector<16xf32>,
      %swap3A_2274 = arith.constant 16 : i32
      %swap3A_2275 = arith.index_cast %swap3A_2274 : i32 to index
      %swap3A_2276 = arith.constant 80 : index
      %swap3A_2277 = tpu.vector_load %arg9[%swap3A_2275, %swap3A_2276] {strides = array<i32>} : memref<32x128xf32, #tpu.memory_space<vmem>>, vector<16xf32>,
      tpu.vector_store %arg9[%swap3A_2275, %swap3A_2276], %gather3A_2273 {strides = array<i32>} : memref<32x128xf32, #tpu.memory_space<vmem>>, vector<16xf32>,
      %gather3A_2278 = tpu.vector_load_idx %arg7[%add3A_1570, %broadcast_in_dim3A_2247] : memref<128x128xf32, #tpu.memory_space<vmem>>[vector<16xi32>, vector<16xi32>], vector<16xf32>,
      %swap3A_2279 = arith.constant 16 : i32
      %swap3A_2280 = arith.index_cast %swap3A_2279 : i32 to index
      %swap3A_2281 = arith.constant 96 : index
      %swap3A_2282 = tpu.vector_load %arg9[%swap3A_2280, %swap3A_2281] {strides = array<i32>} : memref<32x128xf32, #tpu.memory_space<vmem>>, vector<16xf32>,
      tpu.vector_store %arg9[%swap3A_2280, %swap3A_2281], %gather3A_2278 {strides = array<i32>} : memref<32x128xf32, #tpu.memory_space<vmem>>, vector<16xf32>,
      %gather3A_2283 = tpu.vector_load_idx %arg7[%add3A_1573, %broadcast_in_dim3A_2247] : memref<128x128xf32, #tpu.memory_space<vmem>>[vector<16xi32>, vector<16xi32>], vector<16xf32>,
      %swap3A_2284 = arith.constant 16 : i32
      %swap3A_2285 = arith.index_cast %swap3A_2284 : i32 to index
      %swap3A_2286 = arith.constant 112 : index
      %swap3A_2287 = tpu.vector_load %arg9[%swap3A_2285, %swap3A_2286] {strides = array<i32>} : memref<32x128xf32, #tpu.memory_space<vmem>>, vector<16xf32>,
      tpu.vector_store %arg9[%swap3A_2285, %swap3A_2286], %gather3A_2283 {strides = array<i32>} : memref<32x128xf32, #tpu.memory_space<vmem>>, vector<16xf32>,
      %broadcast_in_dim3A_2288 = arith.constant 17 : i32
      %broadcast_in_dim3A_2289 = vector.broadcast %broadcast_in_dim3A_2288 : i32 to vector<16xi32>
      %gather3A_2290 = tpu.vector_load_idx %arg7[%add3A_1552, %broadcast_in_dim3A_2289] : memref<128x128xf32, #tpu.memory_space<vmem>>[vector<16xi32>, vector<16xi32>], vector<16xf32>,
      %swap3A_2291 = arith.constant 17 : i32
      %swap3A_2292 = arith.index_cast %swap3A_2291 : i32 to index
      %swap3A_2293 = arith.constant 0 : index
      %swap3A_2294 = tpu.vector_load %arg9[%swap3A_2292, %swap3A_2293] {strides = array<i32>} : memref<32x128xf32, #tpu.memory_space<vmem>>, vector<16xf32>,
      tpu.vector_store %arg9[%swap3A_2292, %swap3A_2293], %gather3A_2290 {strides = array<i32>} : memref<32x128xf32, #tpu.memory_space<vmem>>, vector<16xf32>,
      %gather3A_2295 = tpu.vector_load_idx %arg7[%add3A_1555, %broadcast_in_dim3A_2289] : memref<128x128xf32, #tpu.memory_space<vmem>>[vector<16xi32>, vector<16xi32>], vector<16xf32>,
      %swap3A_2296 = arith.constant 17 : i32
      %swap3A_2297 = arith.index_cast %swap3A_2296 : i32 to index
      %swap3A_2298 = arith.constant 16 : index
      %swap3A_2299 = tpu.vector_load %arg9[%swap3A_2297, %swap3A_2298] {strides = array<i32>} : memref<32x128xf32, #tpu.memory_space<vmem>>, vector<16xf32>,
      tpu.vector_store %arg9[%swap3A_2297, %swap3A_2298], %gather3A_2295 {strides = array<i32>} : memref<32x128xf32, #tpu.memory_space<vmem>>, vector<16xf32>,
      %gather3A_2300 = tpu.vector_load_idx %arg7[%add3A_1558, %broadcast_in_dim3A_2289] : memref<128x128xf32, #tpu.memory_space<vmem>>[vector<16xi32>, vector<16xi32>], vector<16xf32>,
      %swap3A_2301 = arith.constant 17 : i32
      %swap3A_2302 = arith.index_cast %swap3A_2301 : i32 to index
      %swap3A_2303 = arith.constant 32 : index
      %swap3A_2304 = tpu.vector_load %arg9[%swap3A_2302, %swap3A_2303] {strides = array<i32>} : memref<32x128xf32, #tpu.memory_space<vmem>>, vector<16xf32>,
      tpu.vector_store %arg9[%swap3A_2302, %swap3A_2303], %gather3A_2300 {strides = array<i32>} : memref<32x128xf32, #tpu.memory_space<vmem>>, vector<16xf32>,
      %gather3A_2305 = tpu.vector_load_idx %arg7[%add3A_1561, %broadcast_in_dim3A_2289] : memref<128x128xf32, #tpu.memory_space<vmem>>[vector<16xi32>, vector<16xi32>], vector<16xf32>,
      %swap3A_2306 = arith.constant 17 : i32
      %swap3A_2307 = arith.index_cast %swap3A_2306 : i32 to index
      %swap3A_2308 = arith.constant 48 : index
      %swap3A_2309 = tpu.vector_load %arg9[%swap3A_2307, %swap3A_2308] {strides = array<i32>} : memref<32x128xf32, #tpu.memory_space<vmem>>, vector<16xf32>,
      tpu.vector_store %arg9[%swap3A_2307, %swap3A_2308], %gather3A_2305 {strides = array<i32>} : memref<32x128xf32, #tpu.memory_space<vmem>>, vector<16xf32>,
      %gather3A_2310 = tpu.vector_load_idx %arg7[%add3A_1564, %broadcast_in_dim3A_2289] : memref<128x128xf32, #tpu.memory_space<vmem>>[vector<16xi32>, vector<16xi32>], vector<16xf32>,
      %swap3A_2311 = arith.constant 17 : i32
      %swap3A_2312 = arith.index_cast %swap3A_2311 : i32 to index
      %swap3A_2313 = arith.constant 64 : index
      %swap3A_2314 = tpu.vector_load %arg9[%swap3A_2312, %swap3A_2313] {strides = array<i32>} : memref<32x128xf32, #tpu.memory_space<vmem>>, vector<16xf32>,
      tpu.vector_store %arg9[%swap3A_2312, %swap3A_2313], %gather3A_2310 {strides = array<i32>} : memref<32x128xf32, #tpu.memory_space<vmem>>, vector<16xf32>,
      %gather3A_2315 = tpu.vector_load_idx %arg7[%add3A_1567, %broadcast_in_dim3A_2289] : memref<128x128xf32, #tpu.memory_space<vmem>>[vector<16xi32>, vector<16xi32>], vector<16xf32>,
      %swap3A_2316 = arith.constant 17 : i32
      %swap3A_2317 = arith.index_cast %swap3A_2316 : i32 to index
      %swap3A_2318 = arith.constant 80 : index
      %swap3A_2319 = tpu.vector_load %arg9[%swap3A_2317, %swap3A_2318] {strides = array<i32>} : memref<32x128xf32, #tpu.memory_space<vmem>>, vector<16xf32>,
      tpu.vector_store %arg9[%swap3A_2317, %swap3A_2318], %gather3A_2315 {strides = array<i32>} : memref<32x128xf32, #tpu.memory_space<vmem>>, vector<16xf32>,
      %gather3A_2320 = tpu.vector_load_idx %arg7[%add3A_1570, %broadcast_in_dim3A_2289] : memref<128x128xf32, #tpu.memory_space<vmem>>[vector<16xi32>, vector<16xi32>], vector<16xf32>,
      %swap3A_2321 = arith.constant 17 : i32
      %swap3A_2322 = arith.index_cast %swap3A_2321 : i32 to index
      %swap3A_2323 = arith.constant 96 : index
      %swap3A_2324 = tpu.vector_load %arg9[%swap3A_2322, %swap3A_2323] {strides = array<i32>} : memref<32x128xf32, #tpu.memory_space<vmem>>, vector<16xf32>,
      tpu.vector_store %arg9[%swap3A_2322, %swap3A_2323], %gather3A_2320 {strides = array<i32>} : memref<32x128xf32, #tpu.memory_space<vmem>>, vector<16xf32>,
      %gather3A_2325 = tpu.vector_load_idx %arg7[%add3A_1573, %broadcast_in_dim3A_2289] : memref<128x128xf32, #tpu.memory_space<vmem>>[vector<16xi32>, vector<16xi32>], vector<16xf32>,
      %swap3A_2326 = arith.constant 17 : i32
      %swap3A_2327 = arith.index_cast %swap3A_2326 : i32 to index
      %swap3A_2328 = arith.constant 112 : index
      %swap3A_2329 = tpu.vector_load %arg9[%swap3A_2327, %swap3A_2328] {strides = array<i32>} : memref<32x128xf32, #tpu.memory_space<vmem>>, vector<16xf32>,
      tpu.vector_store %arg9[%swap3A_2327, %swap3A_2328], %gather3A_2325 {strides = array<i32>} : memref<32x128xf32, #tpu.memory_space<vmem>>, vector<16xf32>,
      %broadcast_in_dim3A_2330 = arith.constant 18 : i32
      %broadcast_in_dim3A_2331 = vector.broadcast %broadcast_in_dim3A_2330 : i32 to vector<16xi32>
      %gather3A_2332 = tpu.vector_load_idx %arg7[%add3A_1552, %broadcast_in_dim3A_2331] : memref<128x128xf32, #tpu.memory_space<vmem>>[vector<16xi32>, vector<16xi32>], vector<16xf32>,
      %swap3A_2333 = arith.constant 18 : i32
      %swap3A_2334 = arith.index_cast %swap3A_2333 : i32 to index
      %swap3A_2335 = arith.constant 0 : index
      %swap3A_2336 = tpu.vector_load %arg9[%swap3A_2334, %swap3A_2335] {strides = array<i32>} : memref<32x128xf32, #tpu.memory_space<vmem>>, vector<16xf32>,
      tpu.vector_store %arg9[%swap3A_2334, %swap3A_2335], %gather3A_2332 {strides = array<i32>} : memref<32x128xf32, #tpu.memory_space<vmem>>, vector<16xf32>,
      %gather3A_2337 = tpu.vector_load_idx %arg7[%add3A_1555, %broadcast_in_dim3A_2331] : memref<128x128xf32, #tpu.memory_space<vmem>>[vector<16xi32>, vector<16xi32>], vector<16xf32>,
      %swap3A_2338 = arith.constant 18 : i32
      %swap3A_2339 = arith.index_cast %swap3A_2338 : i32 to index
      %swap3A_2340 = arith.constant 16 : index
      %swap3A_2341 = tpu.vector_load %arg9[%swap3A_2339, %swap3A_2340] {strides = array<i32>} : memref<32x128xf32, #tpu.memory_space<vmem>>, vector<16xf32>,
      tpu.vector_store %arg9[%swap3A_2339, %swap3A_2340], %gather3A_2337 {strides = array<i32>} : memref<32x128xf32, #tpu.memory_space<vmem>>, vector<16xf32>,
      %gather3A_2342 = tpu.vector_load_idx %arg7[%add3A_1558, %broadcast_in_dim3A_2331] : memref<128x128xf32, #tpu.memory_space<vmem>>[vector<16xi32>, vector<16xi32>], vector<16xf32>,
      %swap3A_2343 = arith.constant 18 : i32
      %swap3A_2344 = arith.index_cast %swap3A_2343 : i32 to index
      %swap3A_2345 = arith.constant 32 : index
      %swap3A_2346 = tpu.vector_load %arg9[%swap3A_2344, %swap3A_2345] {strides = array<i32>} : memref<32x128xf32, #tpu.memory_space<vmem>>, vector<16xf32>,
      tpu.vector_store %arg9[%swap3A_2344, %swap3A_2345], %gather3A_2342 {strides = array<i32>} : memref<32x128xf32, #tpu.memory_space<vmem>>, vector<16xf32>,
      %gather3A_2347 = tpu.vector_load_idx %arg7[%add3A_1561, %broadcast_in_dim3A_2331] : memref<128x128xf32, #tpu.memory_space<vmem>>[vector<16xi32>, vector<16xi32>], vector<16xf32>,
      %swap3A_2348 = arith.constant 18 : i32
      %swap3A_2349 = arith.index_cast %swap3A_2348 : i32 to index
      %swap3A_2350 = arith.constant 48 : index
      %swap3A_2351 = tpu.vector_load %arg9[%swap3A_2349, %swap3A_2350] {strides = array<i32>} : memref<32x128xf32, #tpu.memory_space<vmem>>, vector<16xf32>,
      tpu.vector_store %arg9[%swap3A_2349, %swap3A_2350], %gather3A_2347 {strides = array<i32>} : memref<32x128xf32, #tpu.memory_space<vmem>>, vector<16xf32>,
      %gather3A_2352 = tpu.vector_load_idx %arg7[%add3A_1564, %broadcast_in_dim3A_2331] : memref<128x128xf32, #tpu.memory_space<vmem>>[vector<16xi32>, vector<16xi32>], vector<16xf32>,
      %swap3A_2353 = arith.constant 18 : i32
      %swap3A_2354 = arith.index_cast %swap3A_2353 : i32 to index
      %swap3A_2355 = arith.constant 64 : index
      %swap3A_2356 = tpu.vector_load %arg9[%swap3A_2354, %swap3A_2355] {strides = array<i32>} : memref<32x128xf32, #tpu.memory_space<vmem>>, vector<16xf32>,
      tpu.vector_store %arg9[%swap3A_2354, %swap3A_2355], %gather3A_2352 {strides = array<i32>} : memref<32x128xf32, #tpu.memory_space<vmem>>, vector<16xf32>,
      %gather3A_2357 = tpu.vector_load_idx %arg7[%add3A_1567, %broadcast_in_dim3A_2331] : memref<128x128xf32, #tpu.memory_space<vmem>>[vector<16xi32>, vector<16xi32>], vector<16xf32>,
      %swap3A_2358 = arith.constant 18 : i32
      %swap3A_2359 = arith.index_cast %swap3A_2358 : i32 to index
      %swap3A_2360 = arith.constant 80 : index
      %swap3A_2361 = tpu.vector_load %arg9[%swap3A_2359, %swap3A_2360] {strides = array<i32>} : memref<32x128xf32, #tpu.memory_space<vmem>>, vector<16xf32>,
      tpu.vector_store %arg9[%swap3A_2359, %swap3A_2360], %gather3A_2357 {strides = array<i32>} : memref<32x128xf32, #tpu.memory_space<vmem>>, vector<16xf32>,
      %gather3A_2362 = tpu.vector_load_idx %arg7[%add3A_1570, %broadcast_in_dim3A_2331] : memref<128x128xf32, #tpu.memory_space<vmem>>[vector<16xi32>, vector<16xi32>], vector<16xf32>,
      %swap3A_2363 = arith.constant 18 : i32
      %swap3A_2364 = arith.index_cast %swap3A_2363 : i32 to index
      %swap3A_2365 = arith.constant 96 : index
      %swap3A_2366 = tpu.vector_load %arg9[%swap3A_2364, %swap3A_2365] {strides = array<i32>} : memref<32x128xf32, #tpu.memory_space<vmem>>, vector<16xf32>,
      tpu.vector_store %arg9[%swap3A_2364, %swap3A_2365], %gather3A_2362 {strides = array<i32>} : memref<32x128xf32, #tpu.memory_space<vmem>>, vector<16xf32>,
      %gather3A_2367 = tpu.vector_load_idx %arg7[%add3A_1573, %broadcast_in_dim3A_2331] : memref<128x128xf32, #tpu.memory_space<vmem>>[vector<16xi32>, vector<16xi32>], vector<16xf32>,
      %swap3A_2368 = arith.constant 18 : i32
      %swap3A_2369 = arith.index_cast %swap3A_2368 : i32 to index
      %swap3A_2370 = arith.constant 112 : index
      %swap3A_2371 = tpu.vector_load %arg9[%swap3A_2369, %swap3A_2370] {strides = array<i32>} : memref<32x128xf32, #tpu.memory_space<vmem>>, vector<16xf32>,
      tpu.vector_store %arg9[%swap3A_2369, %swap3A_2370], %gather3A_2367 {strides = array<i32>} : memref<32x128xf32, #tpu.memory_space<vmem>>, vector<16xf32>,
      %broadcast_in_dim3A_2372 = arith.constant 19 : i32
      %broadcast_in_dim3A_2373 = vector.broadcast %broadcast_in_dim3A_2372 : i32 to vector<16xi32>
      %gather3A_2374 = tpu.vector_load_idx %arg7[%add3A_1552, %broadcast_in_dim3A_2373] : memref<128x128xf32, #tpu.memory_space<vmem>>[vector<16xi32>, vector<16xi32>], vector<16xf32>,
      %swap3A_2375 = arith.constant 19 : i32
      %swap3A_2376 = arith.index_cast %swap3A_2375 : i32 to index
      %swap3A_2377 = arith.constant 0 : index
      %swap3A_2378 = tpu.vector_load %arg9[%swap3A_2376, %swap3A_2377] {strides = array<i32>} : memref<32x128xf32, #tpu.memory_space<vmem>>, vector<16xf32>,
      tpu.vector_store %arg9[%swap3A_2376, %swap3A_2377], %gather3A_2374 {strides = array<i32>} : memref<32x128xf32, #tpu.memory_space<vmem>>, vector<16xf32>,
      %gather3A_2379 = tpu.vector_load_idx %arg7[%add3A_1555, %broadcast_in_dim3A_2373] : memref<128x128xf32, #tpu.memory_space<vmem>>[vector<16xi32>, vector<16xi32>], vector<16xf32>,
      %swap3A_2380 = arith.constant 19 : i32
      %swap3A_2381 = arith.index_cast %swap3A_2380 : i32 to index
      %swap3A_2382 = arith.constant 16 : index
      %swap3A_2383 = tpu.vector_load %arg9[%swap3A_2381, %swap3A_2382] {strides = array<i32>} : memref<32x128xf32, #tpu.memory_space<vmem>>, vector<16xf32>,
      tpu.vector_store %arg9[%swap3A_2381, %swap3A_2382], %gather3A_2379 {strides = array<i32>} : memref<32x128xf32, #tpu.memory_space<vmem>>, vector<16xf32>,
      %gather3A_2384 = tpu.vector_load_idx %arg7[%add3A_1558, %broadcast_in_dim3A_2373] : memref<128x128xf32, #tpu.memory_space<vmem>>[vector<16xi32>, vector<16xi32>], vector<16xf32>,
      %swap3A_2385 = arith.constant 19 : i32
      %swap3A_2386 = arith.index_cast %swap3A_2385 : i32 to index
      %swap3A_2387 = arith.constant 32 : index
      %swap3A_2388 = tpu.vector_load %arg9[%swap3A_2386, %swap3A_2387] {strides = array<i32>} : memref<32x128xf32, #tpu.memory_space<vmem>>, vector<16xf32>,
      tpu.vector_store %arg9[%swap3A_2386, %swap3A_2387], %gather3A_2384 {strides = array<i32>} : memref<32x128xf32, #tpu.memory_space<vmem>>, vector<16xf32>,
      %gather3A_2389 = tpu.vector_load_idx %arg7[%add3A_1561, %broadcast_in_dim3A_2373] : memref<128x128xf32, #tpu.memory_space<vmem>>[vector<16xi32>, vector<16xi32>], vector<16xf32>,
      %swap3A_2390 = arith.constant 19 : i32
      %swap3A_2391 = arith.index_cast %swap3A_2390 : i32 to index
      %swap3A_2392 = arith.constant 48 : index
      %swap3A_2393 = tpu.vector_load %arg9[%swap3A_2391, %swap3A_2392] {strides = array<i32>} : memref<32x128xf32, #tpu.memory_space<vmem>>, vector<16xf32>,
      tpu.vector_store %arg9[%swap3A_2391, %swap3A_2392], %gather3A_2389 {strides = array<i32>} : memref<32x128xf32, #tpu.memory_space<vmem>>, vector<16xf32>,
      %gather3A_2394 = tpu.vector_load_idx %arg7[%add3A_1564, %broadcast_in_dim3A_2373] : memref<128x128xf32, #tpu.memory_space<vmem>>[vector<16xi32>, vector<16xi32>], vector<16xf32>,
      %swap3A_2395 = arith.constant 19 : i32
      %swap3A_2396 = arith.index_cast %swap3A_2395 : i32 to index
      %swap3A_2397 = arith.constant 64 : index
      %swap3A_2398 = tpu.vector_load %arg9[%swap3A_2396, %swap3A_2397] {strides = array<i32>} : memref<32x128xf32, #tpu.memory_space<vmem>>, vector<16xf32>,
      tpu.vector_store %arg9[%swap3A_2396, %swap3A_2397], %gather3A_2394 {strides = array<i32>} : memref<32x128xf32, #tpu.memory_space<vmem>>, vector<16xf32>,
      %gather3A_2399 = tpu.vector_load_idx %arg7[%add3A_1567, %broadcast_in_dim3A_2373] : memref<128x128xf32, #tpu.memory_space<vmem>>[vector<16xi32>, vector<16xi32>], vector<16xf32>,
      %swap3A_2400 = arith.constant 19 : i32
      %swap3A_2401 = arith.index_cast %swap3A_2400 : i32 to index
      %swap3A_2402 = arith.constant 80 : index
      %swap3A_2403 = tpu.vector_load %arg9[%swap3A_2401, %swap3A_2402] {strides = array<i32>} : memref<32x128xf32, #tpu.memory_space<vmem>>, vector<16xf32>,
      tpu.vector_store %arg9[%swap3A_2401, %swap3A_2402], %gather3A_2399 {strides = array<i32>} : memref<32x128xf32, #tpu.memory_space<vmem>>, vector<16xf32>,
      %gather3A_2404 = tpu.vector_load_idx %arg7[%add3A_1570, %broadcast_in_dim3A_2373] : memref<128x128xf32, #tpu.memory_space<vmem>>[vector<16xi32>, vector<16xi32>], vector<16xf32>,
      %swap3A_2405 = arith.constant 19 : i32
      %swap3A_2406 = arith.index_cast %swap3A_2405 : i32 to index
      %swap3A_2407 = arith.constant 96 : index
      %swap3A_2408 = tpu.vector_load %arg9[%swap3A_2406, %swap3A_2407] {strides = array<i32>} : memref<32x128xf32, #tpu.memory_space<vmem>>, vector<16xf32>,
      tpu.vector_store %arg9[%swap3A_2406, %swap3A_2407], %gather3A_2404 {strides = array<i32>} : memref<32x128xf32, #tpu.memory_space<vmem>>, vector<16xf32>,
      %gather3A_2409 = tpu.vector_load_idx %arg7[%add3A_1573, %broadcast_in_dim3A_2373] : memref<128x128xf32, #tpu.memory_space<vmem>>[vector<16xi32>, vector<16xi32>], vector<16xf32>,
      %swap3A_2410 = arith.constant 19 : i32
      %swap3A_2411 = arith.index_cast %swap3A_2410 : i32 to index
      %swap3A_2412 = arith.constant 112 : index
      %swap3A_2413 = tpu.vector_load %arg9[%swap3A_2411, %swap3A_2412] {strides = array<i32>} : memref<32x128xf32, #tpu.memory_space<vmem>>, vector<16xf32>,
      tpu.vector_store %arg9[%swap3A_2411, %swap3A_2412], %gather3A_2409 {strides = array<i32>} : memref<32x128xf32, #tpu.memory_space<vmem>>, vector<16xf32>,
      %broadcast_in_dim3A_2414 = arith.constant 20 : i32
      %broadcast_in_dim3A_2415 = vector.broadcast %broadcast_in_dim3A_2414 : i32 to vector<16xi32>
      %gather3A_2416 = tpu.vector_load_idx %arg7[%add3A_1552, %broadcast_in_dim3A_2415] : memref<128x128xf32, #tpu.memory_space<vmem>>[vector<16xi32>, vector<16xi32>], vector<16xf32>,
      %swap3A_2417 = arith.constant 20 : i32
      %swap3A_2418 = arith.index_cast %swap3A_2417 : i32 to index
      %swap3A_2419 = arith.constant 0 : index
      %swap3A_2420 = tpu.vector_load %arg9[%swap3A_2418, %swap3A_2419] {strides = array<i32>} : memref<32x128xf32, #tpu.memory_space<vmem>>, vector<16xf32>,
      tpu.vector_store %arg9[%swap3A_2418, %swap3A_2419], %gather3A_2416 {strides = array<i32>} : memref<32x128xf32, #tpu.memory_space<vmem>>, vector<16xf32>,
      %gather3A_2421 = tpu.vector_load_idx %arg7[%add3A_1555, %broadcast_in_dim3A_2415] : memref<128x128xf32, #tpu.memory_space<vmem>>[vector<16xi32>, vector<16xi32>], vector<16xf32>,
      %swap3A_2422 = arith.constant 20 : i32
      %swap3A_2423 = arith.index_cast %swap3A_2422 : i32 to index
      %swap3A_2424 = arith.constant 16 : index
      %swap3A_2425 = tpu.vector_load %arg9[%swap3A_2423, %swap3A_2424] {strides = array<i32>} : memref<32x128xf32, #tpu.memory_space<vmem>>, vector<16xf32>,
      tpu.vector_store %arg9[%swap3A_2423, %swap3A_2424], %gather3A_2421 {strides = array<i32>} : memref<32x128xf32, #tpu.memory_space<vmem>>, vector<16xf32>,
      %gather3A_2426 = tpu.vector_load_idx %arg7[%add3A_1558, %broadcast_in_dim3A_2415] : memref<128x128xf32, #tpu.memory_space<vmem>>[vector<16xi32>, vector<16xi32>], vector<16xf32>,
      %swap3A_2427 = arith.constant 20 : i32
      %swap3A_2428 = arith.index_cast %swap3A_2427 : i32 to index
      %swap3A_2429 = arith.constant 32 : index
      %swap3A_2430 = tpu.vector_load %arg9[%swap3A_2428, %swap3A_2429] {strides = array<i32>} : memref<32x128xf32, #tpu.memory_space<vmem>>, vector<16xf32>,
      tpu.vector_store %arg9[%swap3A_2428, %swap3A_2429], %gather3A_2426 {strides = array<i32>} : memref<32x128xf32, #tpu.memory_space<vmem>>, vector<16xf32>,
      %gather3A_2431 = tpu.vector_load_idx %arg7[%add3A_1561, %broadcast_in_dim3A_2415] : memref<128x128xf32, #tpu.memory_space<vmem>>[vector<16xi32>, vector<16xi32>], vector<16xf32>,
      %swap3A_2432 = arith.constant 20 : i32
      %swap3A_2433 = arith.index_cast %swap3A_2432 : i32 to index
      %swap3A_2434 = arith.constant 48 : index
      %swap3A_2435 = tpu.vector_load %arg9[%swap3A_2433, %swap3A_2434] {strides = array<i32>} : memref<32x128xf32, #tpu.memory_space<vmem>>, vector<16xf32>,
      tpu.vector_store %arg9[%swap3A_2433, %swap3A_2434], %gather3A_2431 {strides = array<i32>} : memref<32x128xf32, #tpu.memory_space<vmem>>, vector<16xf32>,
      %gather3A_2436 = tpu.vector_load_idx %arg7[%add3A_1564, %broadcast_in_dim3A_2415] : memref<128x128xf32, #tpu.memory_space<vmem>>[vector<16xi32>, vector<16xi32>], vector<16xf32>,
      %swap3A_2437 = arith.constant 20 : i32
      %swap3A_2438 = arith.index_cast %swap3A_2437 : i32 to index
      %swap3A_2439 = arith.constant 64 : index
      %swap3A_2440 = tpu.vector_load %arg9[%swap3A_2438, %swap3A_2439] {strides = array<i32>} : memref<32x128xf32, #tpu.memory_space<vmem>>, vector<16xf32>,
      tpu.vector_store %arg9[%swap3A_2438, %swap3A_2439], %gather3A_2436 {strides = array<i32>} : memref<32x128xf32, #tpu.memory_space<vmem>>, vector<16xf32>,
      %gather3A_2441 = tpu.vector_load_idx %arg7[%add3A_1567, %broadcast_in_dim3A_2415] : memref<128x128xf32, #tpu.memory_space<vmem>>[vector<16xi32>, vector<16xi32>], vector<16xf32>,
      %swap3A_2442 = arith.constant 20 : i32
      %swap3A_2443 = arith.index_cast %swap3A_2442 : i32 to index
      %swap3A_2444 = arith.constant 80 : index
      %swap3A_2445 = tpu.vector_load %arg9[%swap3A_2443, %swap3A_2444] {strides = array<i32>} : memref<32x128xf32, #tpu.memory_space<vmem>>, vector<16xf32>,
      tpu.vector_store %arg9[%swap3A_2443, %swap3A_2444], %gather3A_2441 {strides = array<i32>} : memref<32x128xf32, #tpu.memory_space<vmem>>, vector<16xf32>,
      %gather3A_2446 = tpu.vector_load_idx %arg7[%add3A_1570, %broadcast_in_dim3A_2415] : memref<128x128xf32, #tpu.memory_space<vmem>>[vector<16xi32>, vector<16xi32>], vector<16xf32>,
      %swap3A_2447 = arith.constant 20 : i32
      %swap3A_2448 = arith.index_cast %swap3A_2447 : i32 to index
      %swap3A_2449 = arith.constant 96 : index
      %swap3A_2450 = tpu.vector_load %arg9[%swap3A_2448, %swap3A_2449] {strides = array<i32>} : memref<32x128xf32, #tpu.memory_space<vmem>>, vector<16xf32>,
      tpu.vector_store %arg9[%swap3A_2448, %swap3A_2449], %gather3A_2446 {strides = array<i32>} : memref<32x128xf32, #tpu.memory_space<vmem>>, vector<16xf32>,
      %gather3A_2451 = tpu.vector_load_idx %arg7[%add3A_1573, %broadcast_in_dim3A_2415] : memref<128x128xf32, #tpu.memory_space<vmem>>[vector<16xi32>, vector<16xi32>], vector<16xf32>,
      %swap3A_2452 = arith.constant 20 : i32
      %swap3A_2453 = arith.index_cast %swap3A_2452 : i32 to index
      %swap3A_2454 = arith.constant 112 : index
      %swap3A_2455 = tpu.vector_load %arg9[%swap3A_2453, %swap3A_2454] {strides = array<i32>} : memref<32x128xf32, #tpu.memory_space<vmem>>, vector<16xf32>,
      tpu.vector_store %arg9[%swap3A_2453, %swap3A_2454], %gather3A_2451 {strides = array<i32>} : memref<32x128xf32, #tpu.memory_space<vmem>>, vector<16xf32>,
      %broadcast_in_dim3A_2456 = arith.constant 21 : i32
      %broadcast_in_dim3A_2457 = vector.broadcast %broadcast_in_dim3A_2456 : i32 to vector<16xi32>
      %gather3A_2458 = tpu.vector_load_idx %arg7[%add3A_1552, %broadcast_in_dim3A_2457] : memref<128x128xf32, #tpu.memory_space<vmem>>[vector<16xi32>, vector<16xi32>], vector<16xf32>,
      %swap3A_2459 = arith.constant 21 : i32
      %swap3A_2460 = arith.index_cast %swap3A_2459 : i32 to index
      %swap3A_2461 = arith.constant 0 : index
      %swap3A_2462 = tpu.vector_load %arg9[%swap3A_2460, %swap3A_2461] {strides = array<i32>} : memref<32x128xf32, #tpu.memory_space<vmem>>, vector<16xf32>,
      tpu.vector_store %arg9[%swap3A_2460, %swap3A_2461], %gather3A_2458 {strides = array<i32>} : memref<32x128xf32, #tpu.memory_space<vmem>>, vector<16xf32>,
      %gather3A_2463 = tpu.vector_load_idx %arg7[%add3A_1555, %broadcast_in_dim3A_2457] : memref<128x128xf32, #tpu.memory_space<vmem>>[vector<16xi32>, vector<16xi32>], vector<16xf32>,
      %swap3A_2464 = arith.constant 21 : i32
      %swap3A_2465 = arith.index_cast %swap3A_2464 : i32 to index
      %swap3A_2466 = arith.constant 16 : index
      %swap3A_2467 = tpu.vector_load %arg9[%swap3A_2465, %swap3A_2466] {strides = array<i32>} : memref<32x128xf32, #tpu.memory_space<vmem>>, vector<16xf32>,
      tpu.vector_store %arg9[%swap3A_2465, %swap3A_2466], %gather3A_2463 {strides = array<i32>} : memref<32x128xf32, #tpu.memory_space<vmem>>, vector<16xf32>,
      %gather3A_2468 = tpu.vector_load_idx %arg7[%add3A_1558, %broadcast_in_dim3A_2457] : memref<128x128xf32, #tpu.memory_space<vmem>>[vector<16xi32>, vector<16xi32>], vector<16xf32>,
      %swap3A_2469 = arith.constant 21 : i32
      %swap3A_2470 = arith.index_cast %swap3A_2469 : i32 to index
      %swap3A_2471 = arith.constant 32 : index
      %swap3A_2472 = tpu.vector_load %arg9[%swap3A_2470, %swap3A_2471] {strides = array<i32>} : memref<32x128xf32, #tpu.memory_space<vmem>>, vector<16xf32>,
      tpu.vector_store %arg9[%swap3A_2470, %swap3A_2471], %gather3A_2468 {strides = array<i32>} : memref<32x128xf32, #tpu.memory_space<vmem>>, vector<16xf32>,
      %gather3A_2473 = tpu.vector_load_idx %arg7[%add3A_1561, %broadcast_in_dim3A_2457] : memref<128x128xf32, #tpu.memory_space<vmem>>[vector<16xi32>, vector<16xi32>], vector<16xf32>,
      %swap3A_2474 = arith.constant 21 : i32
      %swap3A_2475 = arith.index_cast %swap3A_2474 : i32 to index
      %swap3A_2476 = arith.constant 48 : index
      %swap3A_2477 = tpu.vector_load %arg9[%swap3A_2475, %swap3A_2476] {strides = array<i32>} : memref<32x128xf32, #tpu.memory_space<vmem>>, vector<16xf32>,
      tpu.vector_store %arg9[%swap3A_2475, %swap3A_2476], %gather3A_2473 {strides = array<i32>} : memref<32x128xf32, #tpu.memory_space<vmem>>, vector<16xf32>,
      %gather3A_2478 = tpu.vector_load_idx %arg7[%add3A_1564, %broadcast_in_dim3A_2457] : memref<128x128xf32, #tpu.memory_space<vmem>>[vector<16xi32>, vector<16xi32>], vector<16xf32>,
      %swap3A_2479 = arith.constant 21 : i32
      %swap3A_2480 = arith.index_cast %swap3A_2479 : i32 to index
      %swap3A_2481 = arith.constant 64 : index
      %swap3A_2482 = tpu.vector_load %arg9[%swap3A_2480, %swap3A_2481] {strides = array<i32>} : memref<32x128xf32, #tpu.memory_space<vmem>>, vector<16xf32>,
      tpu.vector_store %arg9[%swap3A_2480, %swap3A_2481], %gather3A_2478 {strides = array<i32>} : memref<32x128xf32, #tpu.memory_space<vmem>>, vector<16xf32>,
      %gather3A_2483 = tpu.vector_load_idx %arg7[%add3A_1567, %broadcast_in_dim3A_2457] : memref<128x128xf32, #tpu.memory_space<vmem>>[vector<16xi32>, vector<16xi32>], vector<16xf32>,
      %swap3A_2484 = arith.constant 21 : i32
      %swap3A_2485 = arith.index_cast %swap3A_2484 : i32 to index
      %swap3A_2486 = arith.constant 80 : index
      %swap3A_2487 = tpu.vector_load %arg9[%swap3A_2485, %swap3A_2486] {strides = array<i32>} : memref<32x128xf32, #tpu.memory_space<vmem>>, vector<16xf32>,
      tpu.vector_store %arg9[%swap3A_2485, %swap3A_2486], %gather3A_2483 {strides = array<i32>} : memref<32x128xf32, #tpu.memory_space<vmem>>, vector<16xf32>,
      %gather3A_2488 = tpu.vector_load_idx %arg7[%add3A_1570, %broadcast_in_dim3A_2457] : memref<128x128xf32, #tpu.memory_space<vmem>>[vector<16xi32>, vector<16xi32>], vector<16xf32>,
      %swap3A_2489 = arith.constant 21 : i32
      %swap3A_2490 = arith.index_cast %swap3A_2489 : i32 to index
      %swap3A_2491 = arith.constant 96 : index
      %swap3A_2492 = tpu.vector_load %arg9[%swap3A_2490, %swap3A_2491] {strides = array<i32>} : memref<32x128xf32, #tpu.memory_space<vmem>>, vector<16xf32>,
      tpu.vector_store %arg9[%swap3A_2490, %swap3A_2491], %gather3A_2488 {strides = array<i32>} : memref<32x128xf32, #tpu.memory_space<vmem>>, vector<16xf32>,
      %gather3A_2493 = tpu.vector_load_idx %arg7[%add3A_1573, %broadcast_in_dim3A_2457] : memref<128x128xf32, #tpu.memory_space<vmem>>[vector<16xi32>, vector<16xi32>], vector<16xf32>,
      %swap3A_2494 = arith.constant 21 : i32
      %swap3A_2495 = arith.index_cast %swap3A_2494 : i32 to index
      %swap3A_2496 = arith.constant 112 : index
      %swap3A_2497 = tpu.vector_load %arg9[%swap3A_2495, %swap3A_2496] {strides = array<i32>} : memref<32x128xf32, #tpu.memory_space<vmem>>, vector<16xf32>,
      tpu.vector_store %arg9[%swap3A_2495, %swap3A_2496], %gather3A_2493 {strides = array<i32>} : memref<32x128xf32, #tpu.memory_space<vmem>>, vector<16xf32>,
      %broadcast_in_dim3A_2498 = arith.constant 22 : i32
      %broadcast_in_dim3A_2499 = vector.broadcast %broadcast_in_dim3A_2498 : i32 to vector<16xi32>
      %gather3A_2500 = tpu.vector_load_idx %arg7[%add3A_1552, %broadcast_in_dim3A_2499] : memref<128x128xf32, #tpu.memory_space<vmem>>[vector<16xi32>, vector<16xi32>], vector<16xf32>,
      %swap3A_2501 = arith.constant 22 : i32
      %swap3A_2502 = arith.index_cast %swap3A_2501 : i32 to index
      %swap3A_2503 = arith.constant 0 : index
      %swap3A_2504 = tpu.vector_load %arg9[%swap3A_2502, %swap3A_2503] {strides = array<i32>} : memref<32x128xf32, #tpu.memory_space<vmem>>, vector<16xf32>,
      tpu.vector_store %arg9[%swap3A_2502, %swap3A_2503], %gather3A_2500 {strides = array<i32>} : memref<32x128xf32, #tpu.memory_space<vmem>>, vector<16xf32>,
      %gather3A_2505 = tpu.vector_load_idx %arg7[%add3A_1555, %broadcast_in_dim3A_2499] : memref<128x128xf32, #tpu.memory_space<vmem>>[vector<16xi32>, vector<16xi32>], vector<16xf32>,
      %swap3A_2506 = arith.constant 22 : i32
      %swap3A_2507 = arith.index_cast %swap3A_2506 : i32 to index
      %swap3A_2508 = arith.constant 16 : index
      %swap3A_2509 = tpu.vector_load %arg9[%swap3A_2507, %swap3A_2508] {strides = array<i32>} : memref<32x128xf32, #tpu.memory_space<vmem>>, vector<16xf32>,
      tpu.vector_store %arg9[%swap3A_2507, %swap3A_2508], %gather3A_2505 {strides = array<i32>} : memref<32x128xf32, #tpu.memory_space<vmem>>, vector<16xf32>,
      %gather3A_2510 = tpu.vector_load_idx %arg7[%add3A_1558, %broadcast_in_dim3A_2499] : memref<128x128xf32, #tpu.memory_space<vmem>>[vector<16xi32>, vector<16xi32>], vector<16xf32>,
      %swap3A_2511 = arith.constant 22 : i32
      %swap3A_2512 = arith.index_cast %swap3A_2511 : i32 to index
      %swap3A_2513 = arith.constant 32 : index
      %swap3A_2514 = tpu.vector_load %arg9[%swap3A_2512, %swap3A_2513] {strides = array<i32>} : memref<32x128xf32, #tpu.memory_space<vmem>>, vector<16xf32>,
      tpu.vector_store %arg9[%swap3A_2512, %swap3A_2513], %gather3A_2510 {strides = array<i32>} : memref<32x128xf32, #tpu.memory_space<vmem>>, vector<16xf32>,
      %gather3A_2515 = tpu.vector_load_idx %arg7[%add3A_1561, %broadcast_in_dim3A_2499] : memref<128x128xf32, #tpu.memory_space<vmem>>[vector<16xi32>, vector<16xi32>], vector<16xf32>,
      %swap3A_2516 = arith.constant 22 : i32
      %swap3A_2517 = arith.index_cast %swap3A_2516 : i32 to index
      %swap3A_2518 = arith.constant 48 : index
      %swap3A_2519 = tpu.vector_load %arg9[%swap3A_2517, %swap3A_2518] {strides = array<i32>} : memref<32x128xf32, #tpu.memory_space<vmem>>, vector<16xf32>,
      tpu.vector_store %arg9[%swap3A_2517, %swap3A_2518], %gather3A_2515 {strides = array<i32>} : memref<32x128xf32, #tpu.memory_space<vmem>>, vector<16xf32>,
      %gather3A_2520 = tpu.vector_load_idx %arg7[%add3A_1564, %broadcast_in_dim3A_2499] : memref<128x128xf32, #tpu.memory_space<vmem>>[vector<16xi32>, vector<16xi32>], vector<16xf32>,
      %swap3A_2521 = arith.constant 22 : i32
      %swap3A_2522 = arith.index_cast %swap3A_2521 : i32 to index
      %swap3A_2523 = arith.constant 64 : index
      %swap3A_2524 = tpu.vector_load %arg9[%swap3A_2522, %swap3A_2523] {strides = array<i32>} : memref<32x128xf32, #tpu.memory_space<vmem>>, vector<16xf32>,
      tpu.vector_store %arg9[%swap3A_2522, %swap3A_2523], %gather3A_2520 {strides = array<i32>} : memref<32x128xf32, #tpu.memory_space<vmem>>, vector<16xf32>,
      %gather3A_2525 = tpu.vector_load_idx %arg7[%add3A_1567, %broadcast_in_dim3A_2499] : memref<128x128xf32, #tpu.memory_space<vmem>>[vector<16xi32>, vector<16xi32>], vector<16xf32>,
      %swap3A_2526 = arith.constant 22 : i32
      %swap3A_2527 = arith.index_cast %swap3A_2526 : i32 to index
      %swap3A_2528 = arith.constant 80 : index
      %swap3A_2529 = tpu.vector_load %arg9[%swap3A_2527, %swap3A_2528] {strides = array<i32>} : memref<32x128xf32, #tpu.memory_space<vmem>>, vector<16xf32>,
      tpu.vector_store %arg9[%swap3A_2527, %swap3A_2528], %gather3A_2525 {strides = array<i32>} : memref<32x128xf32, #tpu.memory_space<vmem>>, vector<16xf32>,
      %gather3A_2530 = tpu.vector_load_idx %arg7[%add3A_1570, %broadcast_in_dim3A_2499] : memref<128x128xf32, #tpu.memory_space<vmem>>[vector<16xi32>, vector<16xi32>], vector<16xf32>,
      %swap3A_2531 = arith.constant 22 : i32
      %swap3A_2532 = arith.index_cast %swap3A_2531 : i32 to index
      %swap3A_2533 = arith.constant 96 : index
      %swap3A_2534 = tpu.vector_load %arg9[%swap3A_2532, %swap3A_2533] {strides = array<i32>} : memref<32x128xf32, #tpu.memory_space<vmem>>, vector<16xf32>,
      tpu.vector_store %arg9[%swap3A_2532, %swap3A_2533], %gather3A_2530 {strides = array<i32>} : memref<32x128xf32, #tpu.memory_space<vmem>>, vector<16xf32>,
      %gather3A_2535 = tpu.vector_load_idx %arg7[%add3A_1573, %broadcast_in_dim3A_2499] : memref<128x128xf32, #tpu.memory_space<vmem>>[vector<16xi32>, vector<16xi32>], vector<16xf32>,
      %swap3A_2536 = arith.constant 22 : i32
      %swap3A_2537 = arith.index_cast %swap3A_2536 : i32 to index
      %swap3A_2538 = arith.constant 112 : index
      %swap3A_2539 = tpu.vector_load %arg9[%swap3A_2537, %swap3A_2538] {strides = array<i32>} : memref<32x128xf32, #tpu.memory_space<vmem>>, vector<16xf32>,
      tpu.vector_store %arg9[%swap3A_2537, %swap3A_2538], %gather3A_2535 {strides = array<i32>} : memref<32x128xf32, #tpu.memory_space<vmem>>, vector<16xf32>,
      %broadcast_in_dim3A_2540 = arith.constant 23 : i32
      %broadcast_in_dim3A_2541 = vector.broadcast %broadcast_in_dim3A_2540 : i32 to vector<16xi32>
      %gather3A_2542 = tpu.vector_load_idx %arg7[%add3A_1552, %broadcast_in_dim3A_2541] : memref<128x128xf32, #tpu.memory_space<vmem>>[vector<16xi32>, vector<16xi32>], vector<16xf32>,
      %swap3A_2543 = arith.constant 23 : i32
      %swap3A_2544 = arith.index_cast %swap3A_2543 : i32 to index
      %swap3A_2545 = arith.constant 0 : index
      %swap3A_2546 = tpu.vector_load %arg9[%swap3A_2544, %swap3A_2545] {strides = array<i32>} : memref<32x128xf32, #tpu.memory_space<vmem>>, vector<16xf32>,
      tpu.vector_store %arg9[%swap3A_2544, %swap3A_2545], %gather3A_2542 {strides = array<i32>} : memref<32x128xf32, #tpu.memory_space<vmem>>, vector<16xf32>,
      %gather3A_2547 = tpu.vector_load_idx %arg7[%add3A_1555, %broadcast_in_dim3A_2541] : memref<128x128xf32, #tpu.memory_space<vmem>>[vector<16xi32>, vector<16xi32>], vector<16xf32>,
      %swap3A_2548 = arith.constant 23 : i32
      %swap3A_2549 = arith.index_cast %swap3A_2548 : i32 to index
      %swap3A_2550 = arith.constant 16 : index
      %swap3A_2551 = tpu.vector_load %arg9[%swap3A_2549, %swap3A_2550] {strides = array<i32>} : memref<32x128xf32, #tpu.memory_space<vmem>>, vector<16xf32>,
      tpu.vector_store %arg9[%swap3A_2549, %swap3A_2550], %gather3A_2547 {strides = array<i32>} : memref<32x128xf32, #tpu.memory_space<vmem>>, vector<16xf32>,
      %gather3A_2552 = tpu.vector_load_idx %arg7[%add3A_1558, %broadcast_in_dim3A_2541] : memref<128x128xf32, #tpu.memory_space<vmem>>[vector<16xi32>, vector<16xi32>], vector<16xf32>,
      %swap3A_2553 = arith.constant 23 : i32
      %swap3A_2554 = arith.index_cast %swap3A_2553 : i32 to index
      %swap3A_2555 = arith.constant 32 : index
      %swap3A_2556 = tpu.vector_load %arg9[%swap3A_2554, %swap3A_2555] {strides = array<i32>} : memref<32x128xf32, #tpu.memory_space<vmem>>, vector<16xf32>,
      tpu.vector_store %arg9[%swap3A_2554, %swap3A_2555], %gather3A_2552 {strides = array<i32>} : memref<32x128xf32, #tpu.memory_space<vmem>>, vector<16xf32>,
      %gather3A_2557 = tpu.vector_load_idx %arg7[%add3A_1561, %broadcast_in_dim3A_2541] : memref<128x128xf32, #tpu.memory_space<vmem>>[vector<16xi32>, vector<16xi32>], vector<16xf32>,
      %swap3A_2558 = arith.constant 23 : i32
      %swap3A_2559 = arith.index_cast %swap3A_2558 : i32 to index
      %swap3A_2560 = arith.constant 48 : index
      %swap3A_2561 = tpu.vector_load %arg9[%swap3A_2559, %swap3A_2560] {strides = array<i32>} : memref<32x128xf32, #tpu.memory_space<vmem>>, vector<16xf32>,
      tpu.vector_store %arg9[%swap3A_2559, %swap3A_2560], %gather3A_2557 {strides = array<i32>} : memref<32x128xf32, #tpu.memory_space<vmem>>, vector<16xf32>,
      %gather3A_2562 = tpu.vector_load_idx %arg7[%add3A_1564, %broadcast_in_dim3A_2541] : memref<128x128xf32, #tpu.memory_space<vmem>>[vector<16xi32>, vector<16xi32>], vector<16xf32>,
      %swap3A_2563 = arith.constant 23 : i32
      %swap3A_2564 = arith.index_cast %swap3A_2563 : i32 to index
      %swap3A_2565 = arith.constant 64 : index
      %swap3A_2566 = tpu.vector_load %arg9[%swap3A_2564, %swap3A_2565] {strides = array<i32>} : memref<32x128xf32, #tpu.memory_space<vmem>>, vector<16xf32>,
      tpu.vector_store %arg9[%swap3A_2564, %swap3A_2565], %gather3A_2562 {strides = array<i32>} : memref<32x128xf32, #tpu.memory_space<vmem>>, vector<16xf32>,
      %gather3A_2567 = tpu.vector_load_idx %arg7[%add3A_1567, %broadcast_in_dim3A_2541] : memref<128x128xf32, #tpu.memory_space<vmem>>[vector<16xi32>, vector<16xi32>], vector<16xf32>,
      %swap3A_2568 = arith.constant 23 : i32
      %swap3A_2569 = arith.index_cast %swap3A_2568 : i32 to index
      %swap3A_2570 = arith.constant 80 : index
      %swap3A_2571 = tpu.vector_load %arg9[%swap3A_2569, %swap3A_2570] {strides = array<i32>} : memref<32x128xf32, #tpu.memory_space<vmem>>, vector<16xf32>,
      tpu.vector_store %arg9[%swap3A_2569, %swap3A_2570], %gather3A_2567 {strides = array<i32>} : memref<32x128xf32, #tpu.memory_space<vmem>>, vector<16xf32>,
      %gather3A_2572 = tpu.vector_load_idx %arg7[%add3A_1570, %broadcast_in_dim3A_2541] : memref<128x128xf32, #tpu.memory_space<vmem>>[vector<16xi32>, vector<16xi32>], vector<16xf32>,
      %swap3A_2573 = arith.constant 23 : i32
      %swap3A_2574 = arith.index_cast %swap3A_2573 : i32 to index
      %swap3A_2575 = arith.constant 96 : index
      %swap3A_2576 = tpu.vector_load %arg9[%swap3A_2574, %swap3A_2575] {strides = array<i32>} : memref<32x128xf32, #tpu.memory_space<vmem>>, vector<16xf32>,
      tpu.vector_store %arg9[%swap3A_2574, %swap3A_2575], %gather3A_2572 {strides = array<i32>} : memref<32x128xf32, #tpu.memory_space<vmem>>, vector<16xf32>,
      %gather3A_2577 = tpu.vector_load_idx %arg7[%add3A_1573, %broadcast_in_dim3A_2541] : memref<128x128xf32, #tpu.memory_space<vmem>>[vector<16xi32>, vector<16xi32>], vector<16xf32>,
      %swap3A_2578 = arith.constant 23 : i32
      %swap3A_2579 = arith.index_cast %swap3A_2578 : i32 to index
      %swap3A_2580 = arith.constant 112 : index
      %swap3A_2581 = tpu.vector_load %arg9[%swap3A_2579, %swap3A_2580] {strides = array<i32>} : memref<32x128xf32, #tpu.memory_space<vmem>>, vector<16xf32>,
      tpu.vector_store %arg9[%swap3A_2579, %swap3A_2580], %gather3A_2577 {strides = array<i32>} : memref<32x128xf32, #tpu.memory_space<vmem>>, vector<16xf32>,
      %broadcast_in_dim3A_2582 = arith.constant 24 : i32
      %broadcast_in_dim3A_2583 = vector.broadcast %broadcast_in_dim3A_2582 : i32 to vector<16xi32>
      %gather3A_2584 = tpu.vector_load_idx %arg7[%add3A_1552, %broadcast_in_dim3A_2583] : memref<128x128xf32, #tpu.memory_space<vmem>>[vector<16xi32>, vector<16xi32>], vector<16xf32>,
      %swap3A_2585 = arith.constant 24 : i32
      %swap3A_2586 = arith.index_cast %swap3A_2585 : i32 to index
      %swap3A_2587 = arith.constant 0 : index
      %swap3A_2588 = tpu.vector_load %arg9[%swap3A_2586, %swap3A_2587] {strides = array<i32>} : memref<32x128xf32, #tpu.memory_space<vmem>>, vector<16xf32>,
      tpu.vector_store %arg9[%swap3A_2586, %swap3A_2587], %gather3A_2584 {strides = array<i32>} : memref<32x128xf32, #tpu.memory_space<vmem>>, vector<16xf32>,
      %gather3A_2589 = tpu.vector_load_idx %arg7[%add3A_1555, %broadcast_in_dim3A_2583] : memref<128x128xf32, #tpu.memory_space<vmem>>[vector<16xi32>, vector<16xi32>], vector<16xf32>,
      %swap3A_2590 = arith.constant 24 : i32
      %swap3A_2591 = arith.index_cast %swap3A_2590 : i32 to index
      %swap3A_2592 = arith.constant 16 : index
      %swap3A_2593 = tpu.vector_load %arg9[%swap3A_2591, %swap3A_2592] {strides = array<i32>} : memref<32x128xf32, #tpu.memory_space<vmem>>, vector<16xf32>,
      tpu.vector_store %arg9[%swap3A_2591, %swap3A_2592], %gather3A_2589 {strides = array<i32>} : memref<32x128xf32, #tpu.memory_space<vmem>>, vector<16xf32>,
      %gather3A_2594 = tpu.vector_load_idx %arg7[%add3A_1558, %broadcast_in_dim3A_2583] : memref<128x128xf32, #tpu.memory_space<vmem>>[vector<16xi32>, vector<16xi32>], vector<16xf32>,
      %swap3A_2595 = arith.constant 24 : i32
      %swap3A_2596 = arith.index_cast %swap3A_2595 : i32 to index
      %swap3A_2597 = arith.constant 32 : index
      %swap3A_2598 = tpu.vector_load %arg9[%swap3A_2596, %swap3A_2597] {strides = array<i32>} : memref<32x128xf32, #tpu.memory_space<vmem>>, vector<16xf32>,
      tpu.vector_store %arg9[%swap3A_2596, %swap3A_2597], %gather3A_2594 {strides = array<i32>} : memref<32x128xf32, #tpu.memory_space<vmem>>, vector<16xf32>,
      %gather3A_2599 = tpu.vector_load_idx %arg7[%add3A_1561, %broadcast_in_dim3A_2583] : memref<128x128xf32, #tpu.memory_space<vmem>>[vector<16xi32>, vector<16xi32>], vector<16xf32>,
      %swap3A_2600 = arith.constant 24 : i32
      %swap3A_2601 = arith.index_cast %swap3A_2600 : i32 to index
      %swap3A_2602 = arith.constant 48 : index
      %swap3A_2603 = tpu.vector_load %arg9[%swap3A_2601, %swap3A_2602] {strides = array<i32>} : memref<32x128xf32, #tpu.memory_space<vmem>>, vector<16xf32>,
      tpu.vector_store %arg9[%swap3A_2601, %swap3A_2602], %gather3A_2599 {strides = array<i32>} : memref<32x128xf32, #tpu.memory_space<vmem>>, vector<16xf32>,
      %gather3A_2604 = tpu.vector_load_idx %arg7[%add3A_1564, %broadcast_in_dim3A_2583] : memref<128x128xf32, #tpu.memory_space<vmem>>[vector<16xi32>, vector<16xi32>], vector<16xf32>,
      %swap3A_2605 = arith.constant 24 : i32
      %swap3A_2606 = arith.index_cast %swap3A_2605 : i32 to index
      %swap3A_2607 = arith.constant 64 : index
      %swap3A_2608 = tpu.vector_load %arg9[%swap3A_2606, %swap3A_2607] {strides = array<i32>} : memref<32x128xf32, #tpu.memory_space<vmem>>, vector<16xf32>,
      tpu.vector_store %arg9[%swap3A_2606, %swap3A_2607], %gather3A_2604 {strides = array<i32>} : memref<32x128xf32, #tpu.memory_space<vmem>>, vector<16xf32>,
      %gather3A_2609 = tpu.vector_load_idx %arg7[%add3A_1567, %broadcast_in_dim3A_2583] : memref<128x128xf32, #tpu.memory_space<vmem>>[vector<16xi32>, vector<16xi32>], vector<16xf32>,
      %swap3A_2610 = arith.constant 24 : i32
      %swap3A_2611 = arith.index_cast %swap3A_2610 : i32 to index
      %swap3A_2612 = arith.constant 80 : index
      %swap3A_2613 = tpu.vector_load %arg9[%swap3A_2611, %swap3A_2612] {strides = array<i32>} : memref<32x128xf32, #tpu.memory_space<vmem>>, vector<16xf32>,
      tpu.vector_store %arg9[%swap3A_2611, %swap3A_2612], %gather3A_2609 {strides = array<i32>} : memref<32x128xf32, #tpu.memory_space<vmem>>, vector<16xf32>,
      %gather3A_2614 = tpu.vector_load_idx %arg7[%add3A_1570, %broadcast_in_dim3A_2583] : memref<128x128xf32, #tpu.memory_space<vmem>>[vector<16xi32>, vector<16xi32>], vector<16xf32>,
      %swap3A_2615 = arith.constant 24 : i32
      %swap3A_2616 = arith.index_cast %swap3A_2615 : i32 to index
      %swap3A_2617 = arith.constant 96 : index
      %swap3A_2618 = tpu.vector_load %arg9[%swap3A_2616, %swap3A_2617] {strides = array<i32>} : memref<32x128xf32, #tpu.memory_space<vmem>>, vector<16xf32>,
      tpu.vector_store %arg9[%swap3A_2616, %swap3A_2617], %gather3A_2614 {strides = array<i32>} : memref<32x128xf32, #tpu.memory_space<vmem>>, vector<16xf32>,
      %gather3A_2619 = tpu.vector_load_idx %arg7[%add3A_1573, %broadcast_in_dim3A_2583] : memref<128x128xf32, #tpu.memory_space<vmem>>[vector<16xi32>, vector<16xi32>], vector<16xf32>,
      %swap3A_2620 = arith.constant 24 : i32
      %swap3A_2621 = arith.index_cast %swap3A_2620 : i32 to index
      %swap3A_2622 = arith.constant 112 : index
      %swap3A_2623 = tpu.vector_load %arg9[%swap3A_2621, %swap3A_2622] {strides = array<i32>} : memref<32x128xf32, #tpu.memory_space<vmem>>, vector<16xf32>,
      tpu.vector_store %arg9[%swap3A_2621, %swap3A_2622], %gather3A_2619 {strides = array<i32>} : memref<32x128xf32, #tpu.memory_space<vmem>>, vector<16xf32>,
      %broadcast_in_dim3A_2624 = arith.constant 25 : i32
      %broadcast_in_dim3A_2625 = vector.broadcast %broadcast_in_dim3A_2624 : i32 to vector<16xi32>
      %gather3A_2626 = tpu.vector_load_idx %arg7[%add3A_1552, %broadcast_in_dim3A_2625] : memref<128x128xf32, #tpu.memory_space<vmem>>[vector<16xi32>, vector<16xi32>], vector<16xf32>,
      %swap3A_2627 = arith.constant 25 : i32
      %swap3A_2628 = arith.index_cast %swap3A_2627 : i32 to index
      %swap3A_2629 = arith.constant 0 : index
      %swap3A_2630 = tpu.vector_load %arg9[%swap3A_2628, %swap3A_2629] {strides = array<i32>} : memref<32x128xf32, #tpu.memory_space<vmem>>, vector<16xf32>,
      tpu.vector_store %arg9[%swap3A_2628, %swap3A_2629], %gather3A_2626 {strides = array<i32>} : memref<32x128xf32, #tpu.memory_space<vmem>>, vector<16xf32>,
      %gather3A_2631 = tpu.vector_load_idx %arg7[%add3A_1555, %broadcast_in_dim3A_2625] : memref<128x128xf32, #tpu.memory_space<vmem>>[vector<16xi32>, vector<16xi32>], vector<16xf32>,
      %swap3A_2632 = arith.constant 25 : i32
      %swap3A_2633 = arith.index_cast %swap3A_2632 : i32 to index
      %swap3A_2634 = arith.constant 16 : index
      %swap3A_2635 = tpu.vector_load %arg9[%swap3A_2633, %swap3A_2634] {strides = array<i32>} : memref<32x128xf32, #tpu.memory_space<vmem>>, vector<16xf32>,
      tpu.vector_store %arg9[%swap3A_2633, %swap3A_2634], %gather3A_2631 {strides = array<i32>} : memref<32x128xf32, #tpu.memory_space<vmem>>, vector<16xf32>,
      %gather3A_2636 = tpu.vector_load_idx %arg7[%add3A_1558, %broadcast_in_dim3A_2625] : memref<128x128xf32, #tpu.memory_space<vmem>>[vector<16xi32>, vector<16xi32>], vector<16xf32>,
      %swap3A_2637 = arith.constant 25 : i32
      %swap3A_2638 = arith.index_cast %swap3A_2637 : i32 to index
      %swap3A_2639 = arith.constant 32 : index
      %swap3A_2640 = tpu.vector_load %arg9[%swap3A_2638, %swap3A_2639] {strides = array<i32>} : memref<32x128xf32, #tpu.memory_space<vmem>>, vector<16xf32>,
      tpu.vector_store %arg9[%swap3A_2638, %swap3A_2639], %gather3A_2636 {strides = array<i32>} : memref<32x128xf32, #tpu.memory_space<vmem>>, vector<16xf32>,
      %gather3A_2641 = tpu.vector_load_idx %arg7[%add3A_1561, %broadcast_in_dim3A_2625] : memref<128x128xf32, #tpu.memory_space<vmem>>[vector<16xi32>, vector<16xi32>], vector<16xf32>,
      %swap3A_2642 = arith.constant 25 : i32
      %swap3A_2643 = arith.index_cast %swap3A_2642 : i32 to index
      %swap3A_2644 = arith.constant 48 : index
      %swap3A_2645 = tpu.vector_load %arg9[%swap3A_2643, %swap3A_2644] {strides = array<i32>} : memref<32x128xf32, #tpu.memory_space<vmem>>, vector<16xf32>,
      tpu.vector_store %arg9[%swap3A_2643, %swap3A_2644], %gather3A_2641 {strides = array<i32>} : memref<32x128xf32, #tpu.memory_space<vmem>>, vector<16xf32>,
      %gather3A_2646 = tpu.vector_load_idx %arg7[%add3A_1564, %broadcast_in_dim3A_2625] : memref<128x128xf32, #tpu.memory_space<vmem>>[vector<16xi32>, vector<16xi32>], vector<16xf32>,
      %swap3A_2647 = arith.constant 25 : i32
      %swap3A_2648 = arith.index_cast %swap3A_2647 : i32 to index
      %swap3A_2649 = arith.constant 64 : index
      %swap3A_2650 = tpu.vector_load %arg9[%swap3A_2648, %swap3A_2649] {strides = array<i32>} : memref<32x128xf32, #tpu.memory_space<vmem>>, vector<16xf32>,
      tpu.vector_store %arg9[%swap3A_2648, %swap3A_2649], %gather3A_2646 {strides = array<i32>} : memref<32x128xf32, #tpu.memory_space<vmem>>, vector<16xf32>,
      %gather3A_2651 = tpu.vector_load_idx %arg7[%add3A_1567, %broadcast_in_dim3A_2625] : memref<128x128xf32, #tpu.memory_space<vmem>>[vector<16xi32>, vector<16xi32>], vector<16xf32>,
      %swap3A_2652 = arith.constant 25 : i32
      %swap3A_2653 = arith.index_cast %swap3A_2652 : i32 to index
      %swap3A_2654 = arith.constant 80 : index
      %swap3A_2655 = tpu.vector_load %arg9[%swap3A_2653, %swap3A_2654] {strides = array<i32>} : memref<32x128xf32, #tpu.memory_space<vmem>>, vector<16xf32>,
      tpu.vector_store %arg9[%swap3A_2653, %swap3A_2654], %gather3A_2651 {strides = array<i32>} : memref<32x128xf32, #tpu.memory_space<vmem>>, vector<16xf32>,
      %gather3A_2656 = tpu.vector_load_idx %arg7[%add3A_1570, %broadcast_in_dim3A_2625] : memref<128x128xf32, #tpu.memory_space<vmem>>[vector<16xi32>, vector<16xi32>], vector<16xf32>,
      %swap3A_2657 = arith.constant 25 : i32
      %swap3A_2658 = arith.index_cast %swap3A_2657 : i32 to index
      %swap3A_2659 = arith.constant 96 : index
      %swap3A_2660 = tpu.vector_load %arg9[%swap3A_2658, %swap3A_2659] {strides = array<i32>} : memref<32x128xf32, #tpu.memory_space<vmem>>, vector<16xf32>,
      tpu.vector_store %arg9[%swap3A_2658, %swap3A_2659], %gather3A_2656 {strides = array<i32>} : memref<32x128xf32, #tpu.memory_space<vmem>>, vector<16xf32>,
      %gather3A_2661 = tpu.vector_load_idx %arg7[%add3A_1573, %broadcast_in_dim3A_2625] : memref<128x128xf32, #tpu.memory_space<vmem>>[vector<16xi32>, vector<16xi32>], vector<16xf32>,
      %swap3A_2662 = arith.constant 25 : i32
      %swap3A_2663 = arith.index_cast %swap3A_2662 : i32 to index
      %swap3A_2664 = arith.constant 112 : index
      %swap3A_2665 = tpu.vector_load %arg9[%swap3A_2663, %swap3A_2664] {strides = array<i32>} : memref<32x128xf32, #tpu.memory_space<vmem>>, vector<16xf32>,
      tpu.vector_store %arg9[%swap3A_2663, %swap3A_2664], %gather3A_2661 {strides = array<i32>} : memref<32x128xf32, #tpu.memory_space<vmem>>, vector<16xf32>,
      %broadcast_in_dim3A_2666 = arith.constant 26 : i32
      %broadcast_in_dim3A_2667 = vector.broadcast %broadcast_in_dim3A_2666 : i32 to vector<16xi32>
      %gather3A_2668 = tpu.vector_load_idx %arg7[%add3A_1552, %broadcast_in_dim3A_2667] : memref<128x128xf32, #tpu.memory_space<vmem>>[vector<16xi32>, vector<16xi32>], vector<16xf32>,
      %swap3A_2669 = arith.constant 26 : i32
      %swap3A_2670 = arith.index_cast %swap3A_2669 : i32 to index
      %swap3A_2671 = arith.constant 0 : index
      %swap3A_2672 = tpu.vector_load %arg9[%swap3A_2670, %swap3A_2671] {strides = array<i32>} : memref<32x128xf32, #tpu.memory_space<vmem>>, vector<16xf32>,
      tpu.vector_store %arg9[%swap3A_2670, %swap3A_2671], %gather3A_2668 {strides = array<i32>} : memref<32x128xf32, #tpu.memory_space<vmem>>, vector<16xf32>,
      %gather3A_2673 = tpu.vector_load_idx %arg7[%add3A_1555, %broadcast_in_dim3A_2667] : memref<128x128xf32, #tpu.memory_space<vmem>>[vector<16xi32>, vector<16xi32>], vector<16xf32>,
      %swap3A_2674 = arith.constant 26 : i32
      %swap3A_2675 = arith.index_cast %swap3A_2674 : i32 to index
      %swap3A_2676 = arith.constant 16 : index
      %swap3A_2677 = tpu.vector_load %arg9[%swap3A_2675, %swap3A_2676] {strides = array<i32>} : memref<32x128xf32, #tpu.memory_space<vmem>>, vector<16xf32>,
      tpu.vector_store %arg9[%swap3A_2675, %swap3A_2676], %gather3A_2673 {strides = array<i32>} : memref<32x128xf32, #tpu.memory_space<vmem>>, vector<16xf32>,
      %gather3A_2678 = tpu.vector_load_idx %arg7[%add3A_1558, %broadcast_in_dim3A_2667] : memref<128x128xf32, #tpu.memory_space<vmem>>[vector<16xi32>, vector<16xi32>], vector<16xf32>,
      %swap3A_2679 = arith.constant 26 : i32
      %swap3A_2680 = arith.index_cast %swap3A_2679 : i32 to index
      %swap3A_2681 = arith.constant 32 : index
      %swap3A_2682 = tpu.vector_load %arg9[%swap3A_2680, %swap3A_2681] {strides = array<i32>} : memref<32x128xf32, #tpu.memory_space<vmem>>, vector<16xf32>,
      tpu.vector_store %arg9[%swap3A_2680, %swap3A_2681], %gather3A_2678 {strides = array<i32>} : memref<32x128xf32, #tpu.memory_space<vmem>>, vector<16xf32>,
      %gather3A_2683 = tpu.vector_load_idx %arg7[%add3A_1561, %broadcast_in_dim3A_2667] : memref<128x128xf32, #tpu.memory_space<vmem>>[vector<16xi32>, vector<16xi32>], vector<16xf32>,
      %swap3A_2684 = arith.constant 26 : i32
      %swap3A_2685 = arith.index_cast %swap3A_2684 : i32 to index
      %swap3A_2686 = arith.constant 48 : index
      %swap3A_2687 = tpu.vector_load %arg9[%swap3A_2685, %swap3A_2686] {strides = array<i32>} : memref<32x128xf32, #tpu.memory_space<vmem>>, vector<16xf32>,
      tpu.vector_store %arg9[%swap3A_2685, %swap3A_2686], %gather3A_2683 {strides = array<i32>} : memref<32x128xf32, #tpu.memory_space<vmem>>, vector<16xf32>,
      %gather3A_2688 = tpu.vector_load_idx %arg7[%add3A_1564, %broadcast_in_dim3A_2667] : memref<128x128xf32, #tpu.memory_space<vmem>>[vector<16xi32>, vector<16xi32>], vector<16xf32>,
      %swap3A_2689 = arith.constant 26 : i32
      %swap3A_2690 = arith.index_cast %swap3A_2689 : i32 to index
      %swap3A_2691 = arith.constant 64 : index
      %swap3A_2692 = tpu.vector_load %arg9[%swap3A_2690, %swap3A_2691] {strides = array<i32>} : memref<32x128xf32, #tpu.memory_space<vmem>>, vector<16xf32>,
      tpu.vector_store %arg9[%swap3A_2690, %swap3A_2691], %gather3A_2688 {strides = array<i32>} : memref<32x128xf32, #tpu.memory_space<vmem>>, vector<16xf32>,
      %gather3A_2693 = tpu.vector_load_idx %arg7[%add3A_1567, %broadcast_in_dim3A_2667] : memref<128x128xf32, #tpu.memory_space<vmem>>[vector<16xi32>, vector<16xi32>], vector<16xf32>,
      %swap3A_2694 = arith.constant 26 : i32
      %swap3A_2695 = arith.index_cast %swap3A_2694 : i32 to index
      %swap3A_2696 = arith.constant 80 : index
      %swap3A_2697 = tpu.vector_load %arg9[%swap3A_2695, %swap3A_2696] {strides = array<i32>} : memref<32x128xf32, #tpu.memory_space<vmem>>, vector<16xf32>,
      tpu.vector_store %arg9[%swap3A_2695, %swap3A_2696], %gather3A_2693 {strides = array<i32>} : memref<32x128xf32, #tpu.memory_space<vmem>>, vector<16xf32>,
      %gather3A_2698 = tpu.vector_load_idx %arg7[%add3A_1570, %broadcast_in_dim3A_2667] : memref<128x128xf32, #tpu.memory_space<vmem>>[vector<16xi32>, vector<16xi32>], vector<16xf32>,
      %swap3A_2699 = arith.constant 26 : i32
      %swap3A_2700 = arith.index_cast %swap3A_2699 : i32 to index
      %swap3A_2701 = arith.constant 96 : index
      %swap3A_2702 = tpu.vector_load %arg9[%swap3A_2700, %swap3A_2701] {strides = array<i32>} : memref<32x128xf32, #tpu.memory_space<vmem>>, vector<16xf32>,
      tpu.vector_store %arg9[%swap3A_2700, %swap3A_2701], %gather3A_2698 {strides = array<i32>} : memref<32x128xf32, #tpu.memory_space<vmem>>, vector<16xf32>,
      %gather3A_2703 = tpu.vector_load_idx %arg7[%add3A_1573, %broadcast_in_dim3A_2667] : memref<128x128xf32, #tpu.memory_space<vmem>>[vector<16xi32>, vector<16xi32>], vector<16xf32>,
      %swap3A_2704 = arith.constant 26 : i32
      %swap3A_2705 = arith.index_cast %swap3A_2704 : i32 to index
      %swap3A_2706 = arith.constant 112 : index
      %swap3A_2707 = tpu.vector_load %arg9[%swap3A_2705, %swap3A_2706] {strides = array<i32>} : memref<32x128xf32, #tpu.memory_space<vmem>>, vector<16xf32>,
      tpu.vector_store %arg9[%swap3A_2705, %swap3A_2706], %gather3A_2703 {strides = array<i32>} : memref<32x128xf32, #tpu.memory_space<vmem>>, vector<16xf32>,
      %broadcast_in_dim3A_2708 = arith.constant 27 : i32
      %broadcast_in_dim3A_2709 = vector.broadcast %broadcast_in_dim3A_2708 : i32 to vector<16xi32>
      %gather3A_2710 = tpu.vector_load_idx %arg7[%add3A_1552, %broadcast_in_dim3A_2709] : memref<128x128xf32, #tpu.memory_space<vmem>>[vector<16xi32>, vector<16xi32>], vector<16xf32>,
      %swap3A_2711 = arith.constant 27 : i32
      %swap3A_2712 = arith.index_cast %swap3A_2711 : i32 to index
      %swap3A_2713 = arith.constant 0 : index
      %swap3A_2714 = tpu.vector_load %arg9[%swap3A_2712, %swap3A_2713] {strides = array<i32>} : memref<32x128xf32, #tpu.memory_space<vmem>>, vector<16xf32>,
      tpu.vector_store %arg9[%swap3A_2712, %swap3A_2713], %gather3A_2710 {strides = array<i32>} : memref<32x128xf32, #tpu.memory_space<vmem>>, vector<16xf32>,
      %gather3A_2715 = tpu.vector_load_idx %arg7[%add3A_1555, %broadcast_in_dim3A_2709] : memref<128x128xf32, #tpu.memory_space<vmem>>[vector<16xi32>, vector<16xi32>], vector<16xf32>,
      %swap3A_2716 = arith.constant 27 : i32
      %swap3A_2717 = arith.index_cast %swap3A_2716 : i32 to index
      %swap3A_2718 = arith.constant 16 : index
      %swap3A_2719 = tpu.vector_load %arg9[%swap3A_2717, %swap3A_2718] {strides = array<i32>} : memref<32x128xf32, #tpu.memory_space<vmem>>, vector<16xf32>,
      tpu.vector_store %arg9[%swap3A_2717, %swap3A_2718], %gather3A_2715 {strides = array<i32>} : memref<32x128xf32, #tpu.memory_space<vmem>>, vector<16xf32>,
      %gather3A_2720 = tpu.vector_load_idx %arg7[%add3A_1558, %broadcast_in_dim3A_2709] : memref<128x128xf32, #tpu.memory_space<vmem>>[vector<16xi32>, vector<16xi32>], vector<16xf32>,
      %swap3A_2721 = arith.constant 27 : i32
      %swap3A_2722 = arith.index_cast %swap3A_2721 : i32 to index
      %swap3A_2723 = arith.constant 32 : index
      %swap3A_2724 = tpu.vector_load %arg9[%swap3A_2722, %swap3A_2723] {strides = array<i32>} : memref<32x128xf32, #tpu.memory_space<vmem>>, vector<16xf32>,
      tpu.vector_store %arg9[%swap3A_2722, %swap3A_2723], %gather3A_2720 {strides = array<i32>} : memref<32x128xf32, #tpu.memory_space<vmem>>, vector<16xf32>,
      %gather3A_2725 = tpu.vector_load_idx %arg7[%add3A_1561, %broadcast_in_dim3A_2709] : memref<128x128xf32, #tpu.memory_space<vmem>>[vector<16xi32>, vector<16xi32>], vector<16xf32>,
      %swap3A_2726 = arith.constant 27 : i32
      %swap3A_2727 = arith.index_cast %swap3A_2726 : i32 to index
      %swap3A_2728 = arith.constant 48 : index
      %swap3A_2729 = tpu.vector_load %arg9[%swap3A_2727, %swap3A_2728] {strides = array<i32>} : memref<32x128xf32, #tpu.memory_space<vmem>>, vector<16xf32>,
      tpu.vector_store %arg9[%swap3A_2727, %swap3A_2728], %gather3A_2725 {strides = array<i32>} : memref<32x128xf32, #tpu.memory_space<vmem>>, vector<16xf32>,
      %gather3A_2730 = tpu.vector_load_idx %arg7[%add3A_1564, %broadcast_in_dim3A_2709] : memref<128x128xf32, #tpu.memory_space<vmem>>[vector<16xi32>, vector<16xi32>], vector<16xf32>,
      %swap3A_2731 = arith.constant 27 : i32
      %swap3A_2732 = arith.index_cast %swap3A_2731 : i32 to index
      %swap3A_2733 = arith.constant 64 : index
      %swap3A_2734 = tpu.vector_load %arg9[%swap3A_2732, %swap3A_2733] {strides = array<i32>} : memref<32x128xf32, #tpu.memory_space<vmem>>, vector<16xf32>,
      tpu.vector_store %arg9[%swap3A_2732, %swap3A_2733], %gather3A_2730 {strides = array<i32>} : memref<32x128xf32, #tpu.memory_space<vmem>>, vector<16xf32>,
      %gather3A_2735 = tpu.vector_load_idx %arg7[%add3A_1567, %broadcast_in_dim3A_2709] : memref<128x128xf32, #tpu.memory_space<vmem>>[vector<16xi32>, vector<16xi32>], vector<16xf32>,
      %swap3A_2736 = arith.constant 27 : i32
      %swap3A_2737 = arith.index_cast %swap3A_2736 : i32 to index
      %swap3A_2738 = arith.constant 80 : index
      %swap3A_2739 = tpu.vector_load %arg9[%swap3A_2737, %swap3A_2738] {strides = array<i32>} : memref<32x128xf32, #tpu.memory_space<vmem>>, vector<16xf32>,
      tpu.vector_store %arg9[%swap3A_2737, %swap3A_2738], %gather3A_2735 {strides = array<i32>} : memref<32x128xf32, #tpu.memory_space<vmem>>, vector<16xf32>,
      %gather3A_2740 = tpu.vector_load_idx %arg7[%add3A_1570, %broadcast_in_dim3A_2709] : memref<128x128xf32, #tpu.memory_space<vmem>>[vector<16xi32>, vector<16xi32>], vector<16xf32>,
      %swap3A_2741 = arith.constant 27 : i32
      %swap3A_2742 = arith.index_cast %swap3A_2741 : i32 to index
      %swap3A_2743 = arith.constant 96 : index
      %swap3A_2744 = tpu.vector_load %arg9[%swap3A_2742, %swap3A_2743] {strides = array<i32>} : memref<32x128xf32, #tpu.memory_space<vmem>>, vector<16xf32>,
      tpu.vector_store %arg9[%swap3A_2742, %swap3A_2743], %gather3A_2740 {strides = array<i32>} : memref<32x128xf32, #tpu.memory_space<vmem>>, vector<16xf32>,
      %gather3A_2745 = tpu.vector_load_idx %arg7[%add3A_1573, %broadcast_in_dim3A_2709] : memref<128x128xf32, #tpu.memory_space<vmem>>[vector<16xi32>, vector<16xi32>], vector<16xf32>,
      %swap3A_2746 = arith.constant 27 : i32
      %swap3A_2747 = arith.index_cast %swap3A_2746 : i32 to index
      %swap3A_2748 = arith.constant 112 : index
      %swap3A_2749 = tpu.vector_load %arg9[%swap3A_2747, %swap3A_2748] {strides = array<i32>} : memref<32x128xf32, #tpu.memory_space<vmem>>, vector<16xf32>,
      tpu.vector_store %arg9[%swap3A_2747, %swap3A_2748], %gather3A_2745 {strides = array<i32>} : memref<32x128xf32, #tpu.memory_space<vmem>>, vector<16xf32>,
      %broadcast_in_dim3A_2750 = arith.constant 28 : i32
      %broadcast_in_dim3A_2751 = vector.broadcast %broadcast_in_dim3A_2750 : i32 to vector<16xi32>
      %gather3A_2752 = tpu.vector_load_idx %arg7[%add3A_1552, %broadcast_in_dim3A_2751] : memref<128x128xf32, #tpu.memory_space<vmem>>[vector<16xi32>, vector<16xi32>], vector<16xf32>,
      %swap3A_2753 = arith.constant 28 : i32
      %swap3A_2754 = arith.index_cast %swap3A_2753 : i32 to index
      %swap3A_2755 = arith.constant 0 : index
      %swap3A_2756 = tpu.vector_load %arg9[%swap3A_2754, %swap3A_2755] {strides = array<i32>} : memref<32x128xf32, #tpu.memory_space<vmem>>, vector<16xf32>,
      tpu.vector_store %arg9[%swap3A_2754, %swap3A_2755], %gather3A_2752 {strides = array<i32>} : memref<32x128xf32, #tpu.memory_space<vmem>>, vector<16xf32>,
      %gather3A_2757 = tpu.vector_load_idx %arg7[%add3A_1555, %broadcast_in_dim3A_2751] : memref<128x128xf32, #tpu.memory_space<vmem>>[vector<16xi32>, vector<16xi32>], vector<16xf32>,
      %swap3A_2758 = arith.constant 28 : i32
      %swap3A_2759 = arith.index_cast %swap3A_2758 : i32 to index
      %swap3A_2760 = arith.constant 16 : index
      %swap3A_2761 = tpu.vector_load %arg9[%swap3A_2759, %swap3A_2760] {strides = array<i32>} : memref<32x128xf32, #tpu.memory_space<vmem>>, vector<16xf32>,
      tpu.vector_store %arg9[%swap3A_2759, %swap3A_2760], %gather3A_2757 {strides = array<i32>} : memref<32x128xf32, #tpu.memory_space<vmem>>, vector<16xf32>,
      %gather3A_2762 = tpu.vector_load_idx %arg7[%add3A_1558, %broadcast_in_dim3A_2751] : memref<128x128xf32, #tpu.memory_space<vmem>>[vector<16xi32>, vector<16xi32>], vector<16xf32>,
      %swap3A_2763 = arith.constant 28 : i32
      %swap3A_2764 = arith.index_cast %swap3A_2763 : i32 to index
      %swap3A_2765 = arith.constant 32 : index
      %swap3A_2766 = tpu.vector_load %arg9[%swap3A_2764, %swap3A_2765] {strides = array<i32>} : memref<32x128xf32, #tpu.memory_space<vmem>>, vector<16xf32>,
      tpu.vector_store %arg9[%swap3A_2764, %swap3A_2765], %gather3A_2762 {strides = array<i32>} : memref<32x128xf32, #tpu.memory_space<vmem>>, vector<16xf32>,
      %gather3A_2767 = tpu.vector_load_idx %arg7[%add3A_1561, %broadcast_in_dim3A_2751] : memref<128x128xf32, #tpu.memory_space<vmem>>[vector<16xi32>, vector<16xi32>], vector<16xf32>,
      %swap3A_2768 = arith.constant 28 : i32
      %swap3A_2769 = arith.index_cast %swap3A_2768 : i32 to index
      %swap3A_2770 = arith.constant 48 : index
      %swap3A_2771 = tpu.vector_load %arg9[%swap3A_2769, %swap3A_2770] {strides = array<i32>} : memref<32x128xf32, #tpu.memory_space<vmem>>, vector<16xf32>,
      tpu.vector_store %arg9[%swap3A_2769, %swap3A_2770], %gather3A_2767 {strides = array<i32>} : memref<32x128xf32, #tpu.memory_space<vmem>>, vector<16xf32>,
      %gather3A_2772 = tpu.vector_load_idx %arg7[%add3A_1564, %broadcast_in_dim3A_2751] : memref<128x128xf32, #tpu.memory_space<vmem>>[vector<16xi32>, vector<16xi32>], vector<16xf32>,
      %swap3A_2773 = arith.constant 28 : i32
      %swap3A_2774 = arith.index_cast %swap3A_2773 : i32 to index
      %swap3A_2775 = arith.constant 64 : index
      %swap3A_2776 = tpu.vector_load %arg9[%swap3A_2774, %swap3A_2775] {strides = array<i32>} : memref<32x128xf32, #tpu.memory_space<vmem>>, vector<16xf32>,
      tpu.vector_store %arg9[%swap3A_2774, %swap3A_2775], %gather3A_2772 {strides = array<i32>} : memref<32x128xf32, #tpu.memory_space<vmem>>, vector<16xf32>,
      %gather3A_2777 = tpu.vector_load_idx %arg7[%add3A_1567, %broadcast_in_dim3A_2751] : memref<128x128xf32, #tpu.memory_space<vmem>>[vector<16xi32>, vector<16xi32>], vector<16xf32>,
      %swap3A_2778 = arith.constant 28 : i32
      %swap3A_2779 = arith.index_cast %swap3A_2778 : i32 to index
      %swap3A_2780 = arith.constant 80 : index
      %swap3A_2781 = tpu.vector_load %arg9[%swap3A_2779, %swap3A_2780] {strides = array<i32>} : memref<32x128xf32, #tpu.memory_space<vmem>>, vector<16xf32>,
      tpu.vector_store %arg9[%swap3A_2779, %swap3A_2780], %gather3A_2777 {strides = array<i32>} : memref<32x128xf32, #tpu.memory_space<vmem>>, vector<16xf32>,
      %gather3A_2782 = tpu.vector_load_idx %arg7[%add3A_1570, %broadcast_in_dim3A_2751] : memref<128x128xf32, #tpu.memory_space<vmem>>[vector<16xi32>, vector<16xi32>], vector<16xf32>,
      %swap3A_2783 = arith.constant 28 : i32
      %swap3A_2784 = arith.index_cast %swap3A_2783 : i32 to index
      %swap3A_2785 = arith.constant 96 : index
      %swap3A_2786 = tpu.vector_load %arg9[%swap3A_2784, %swap3A_2785] {strides = array<i32>} : memref<32x128xf32, #tpu.memory_space<vmem>>, vector<16xf32>,
      tpu.vector_store %arg9[%swap3A_2784, %swap3A_2785], %gather3A_2782 {strides = array<i32>} : memref<32x128xf32, #tpu.memory_space<vmem>>, vector<16xf32>,
      %gather3A_2787 = tpu.vector_load_idx %arg7[%add3A_1573, %broadcast_in_dim3A_2751] : memref<128x128xf32, #tpu.memory_space<vmem>>[vector<16xi32>, vector<16xi32>], vector<16xf32>,
      %swap3A_2788 = arith.constant 28 : i32
      %swap3A_2789 = arith.index_cast %swap3A_2788 : i32 to index
      %swap3A_2790 = arith.constant 112 : index
      %swap3A_2791 = tpu.vector_load %arg9[%swap3A_2789, %swap3A_2790] {strides = array<i32>} : memref<32x128xf32, #tpu.memory_space<vmem>>, vector<16xf32>,
      tpu.vector_store %arg9[%swap3A_2789, %swap3A_2790], %gather3A_2787 {strides = array<i32>} : memref<32x128xf32, #tpu.memory_space<vmem>>, vector<16xf32>,
      %broadcast_in_dim3A_2792 = arith.constant 29 : i32
      %broadcast_in_dim3A_2793 = vector.broadcast %broadcast_in_dim3A_2792 : i32 to vector<16xi32>
      %gather3A_2794 = tpu.vector_load_idx %arg7[%add3A_1552, %broadcast_in_dim3A_2793] : memref<128x128xf32, #tpu.memory_space<vmem>>[vector<16xi32>, vector<16xi32>], vector<16xf32>,
      %swap3A_2795 = arith.constant 29 : i32
      %swap3A_2796 = arith.index_cast %swap3A_2795 : i32 to index
      %swap3A_2797 = arith.constant 0 : index
      %swap3A_2798 = tpu.vector_load %arg9[%swap3A_2796, %swap3A_2797] {strides = array<i32>} : memref<32x128xf32, #tpu.memory_space<vmem>>, vector<16xf32>,
      tpu.vector_store %arg9[%swap3A_2796, %swap3A_2797], %gather3A_2794 {strides = array<i32>} : memref<32x128xf32, #tpu.memory_space<vmem>>, vector<16xf32>,
      %gather3A_2799 = tpu.vector_load_idx %arg7[%add3A_1555, %broadcast_in_dim3A_2793] : memref<128x128xf32, #tpu.memory_space<vmem>>[vector<16xi32>, vector<16xi32>], vector<16xf32>,
      %swap3A_2800 = arith.constant 29 : i32
      %swap3A_2801 = arith.index_cast %swap3A_2800 : i32 to index
      %swap3A_2802 = arith.constant 16 : index
      %swap3A_2803 = tpu.vector_load %arg9[%swap3A_2801, %swap3A_2802] {strides = array<i32>} : memref<32x128xf32, #tpu.memory_space<vmem>>, vector<16xf32>,
      tpu.vector_store %arg9[%swap3A_2801, %swap3A_2802], %gather3A_2799 {strides = array<i32>} : memref<32x128xf32, #tpu.memory_space<vmem>>, vector<16xf32>,
      %gather3A_2804 = tpu.vector_load_idx %arg7[%add3A_1558, %broadcast_in_dim3A_2793] : memref<128x128xf32, #tpu.memory_space<vmem>>[vector<16xi32>, vector<16xi32>], vector<16xf32>,
      %swap3A_2805 = arith.constant 29 : i32
      %swap3A_2806 = arith.index_cast %swap3A_2805 : i32 to index
      %swap3A_2807 = arith.constant 32 : index
      %swap3A_2808 = tpu.vector_load %arg9[%swap3A_2806, %swap3A_2807] {strides = array<i32>} : memref<32x128xf32, #tpu.memory_space<vmem>>, vector<16xf32>,
      tpu.vector_store %arg9[%swap3A_2806, %swap3A_2807], %gather3A_2804 {strides = array<i32>} : memref<32x128xf32, #tpu.memory_space<vmem>>, vector<16xf32>,
      %gather3A_2809 = tpu.vector_load_idx %arg7[%add3A_1561, %broadcast_in_dim3A_2793] : memref<128x128xf32, #tpu.memory_space<vmem>>[vector<16xi32>, vector<16xi32>], vector<16xf32>,
      %swap3A_2810 = arith.constant 29 : i32
      %swap3A_2811 = arith.index_cast %swap3A_2810 : i32 to index
      %swap3A_2812 = arith.constant 48 : index
      %swap3A_2813 = tpu.vector_load %arg9[%swap3A_2811, %swap3A_2812] {strides = array<i32>} : memref<32x128xf32, #tpu.memory_space<vmem>>, vector<16xf32>,
      tpu.vector_store %arg9[%swap3A_2811, %swap3A_2812], %gather3A_2809 {strides = array<i32>} : memref<32x128xf32, #tpu.memory_space<vmem>>, vector<16xf32>,
      %gather3A_2814 = tpu.vector_load_idx %arg7[%add3A_1564, %broadcast_in_dim3A_2793] : memref<128x128xf32, #tpu.memory_space<vmem>>[vector<16xi32>, vector<16xi32>], vector<16xf32>,
      %swap3A_2815 = arith.constant 29 : i32
      %swap3A_2816 = arith.index_cast %swap3A_2815 : i32 to index
      %swap3A_2817 = arith.constant 64 : index
      %swap3A_2818 = tpu.vector_load %arg9[%swap3A_2816, %swap3A_2817] {strides = array<i32>} : memref<32x128xf32, #tpu.memory_space<vmem>>, vector<16xf32>,
      tpu.vector_store %arg9[%swap3A_2816, %swap3A_2817], %gather3A_2814 {strides = array<i32>} : memref<32x128xf32, #tpu.memory_space<vmem>>, vector<16xf32>,
      %gather3A_2819 = tpu.vector_load_idx %arg7[%add3A_1567, %broadcast_in_dim3A_2793] : memref<128x128xf32, #tpu.memory_space<vmem>>[vector<16xi32>, vector<16xi32>], vector<16xf32>,
      %swap3A_2820 = arith.constant 29 : i32
      %swap3A_2821 = arith.index_cast %swap3A_2820 : i32 to index
      %swap3A_2822 = arith.constant 80 : index
      %swap3A_2823 = tpu.vector_load %arg9[%swap3A_2821, %swap3A_2822] {strides = array<i32>} : memref<32x128xf32, #tpu.memory_space<vmem>>, vector<16xf32>,
      tpu.vector_store %arg9[%swap3A_2821, %swap3A_2822], %gather3A_2819 {strides = array<i32>} : memref<32x128xf32, #tpu.memory_space<vmem>>, vector<16xf32>,
      %gather3A_2824 = tpu.vector_load_idx %arg7[%add3A_1570, %broadcast_in_dim3A_2793] : memref<128x128xf32, #tpu.memory_space<vmem>>[vector<16xi32>, vector<16xi32>], vector<16xf32>,
      %swap3A_2825 = arith.constant 29 : i32
      %swap3A_2826 = arith.index_cast %swap3A_2825 : i32 to index
      %swap3A_2827 = arith.constant 96 : index
      %swap3A_2828 = tpu.vector_load %arg9[%swap3A_2826, %swap3A_2827] {strides = array<i32>} : memref<32x128xf32, #tpu.memory_space<vmem>>, vector<16xf32>,
      tpu.vector_store %arg9[%swap3A_2826, %swap3A_2827], %gather3A_2824 {strides = array<i32>} : memref<32x128xf32, #tpu.memory_space<vmem>>, vector<16xf32>,
      %gather3A_2829 = tpu.vector_load_idx %arg7[%add3A_1573, %broadcast_in_dim3A_2793] : memref<128x128xf32, #tpu.memory_space<vmem>>[vector<16xi32>, vector<16xi32>], vector<16xf32>,
      %swap3A_2830 = arith.constant 29 : i32
      %swap3A_2831 = arith.index_cast %swap3A_2830 : i32 to index
      %swap3A_2832 = arith.constant 112 : index
      %swap3A_2833 = tpu.vector_load %arg9[%swap3A_2831, %swap3A_2832] {strides = array<i32>} : memref<32x128xf32, #tpu.memory_space<vmem>>, vector<16xf32>,
      tpu.vector_store %arg9[%swap3A_2831, %swap3A_2832], %gather3A_2829 {strides = array<i32>} : memref<32x128xf32, #tpu.memory_space<vmem>>, vector<16xf32>,
      %broadcast_in_dim3A_2834 = arith.constant 30 : i32
      %broadcast_in_dim3A_2835 = vector.broadcast %broadcast_in_dim3A_2834 : i32 to vector<16xi32>
      %gather3A_2836 = tpu.vector_load_idx %arg7[%add3A_1552, %broadcast_in_dim3A_2835] : memref<128x128xf32, #tpu.memory_space<vmem>>[vector<16xi32>, vector<16xi32>], vector<16xf32>,
      %swap3A_2837 = arith.constant 30 : i32
      %swap3A_2838 = arith.index_cast %swap3A_2837 : i32 to index
      %swap3A_2839 = arith.constant 0 : index
      %swap3A_2840 = tpu.vector_load %arg9[%swap3A_2838, %swap3A_2839] {strides = array<i32>} : memref<32x128xf32, #tpu.memory_space<vmem>>, vector<16xf32>,
      tpu.vector_store %arg9[%swap3A_2838, %swap3A_2839], %gather3A_2836 {strides = array<i32>} : memref<32x128xf32, #tpu.memory_space<vmem>>, vector<16xf32>,
      %gather3A_2841 = tpu.vector_load_idx %arg7[%add3A_1555, %broadcast_in_dim3A_2835] : memref<128x128xf32, #tpu.memory_space<vmem>>[vector<16xi32>, vector<16xi32>], vector<16xf32>,
      %swap3A_2842 = arith.constant 30 : i32
      %swap3A_2843 = arith.index_cast %swap3A_2842 : i32 to index
      %swap3A_2844 = arith.constant 16 : index
      %swap3A_2845 = tpu.vector_load %arg9[%swap3A_2843, %swap3A_2844] {strides = array<i32>} : memref<32x128xf32, #tpu.memory_space<vmem>>, vector<16xf32>,
      tpu.vector_store %arg9[%swap3A_2843, %swap3A_2844], %gather3A_2841 {strides = array<i32>} : memref<32x128xf32, #tpu.memory_space<vmem>>, vector<16xf32>,
      %gather3A_2846 = tpu.vector_load_idx %arg7[%add3A_1558, %broadcast_in_dim3A_2835] : memref<128x128xf32, #tpu.memory_space<vmem>>[vector<16xi32>, vector<16xi32>], vector<16xf32>,
      %swap3A_2847 = arith.constant 30 : i32
      %swap3A_2848 = arith.index_cast %swap3A_2847 : i32 to index
      %swap3A_2849 = arith.constant 32 : index
      %swap3A_2850 = tpu.vector_load %arg9[%swap3A_2848, %swap3A_2849] {strides = array<i32>} : memref<32x128xf32, #tpu.memory_space<vmem>>, vector<16xf32>,
      tpu.vector_store %arg9[%swap3A_2848, %swap3A_2849], %gather3A_2846 {strides = array<i32>} : memref<32x128xf32, #tpu.memory_space<vmem>>, vector<16xf32>,
      %gather3A_2851 = tpu.vector_load_idx %arg7[%add3A_1561, %broadcast_in_dim3A_2835] : memref<128x128xf32, #tpu.memory_space<vmem>>[vector<16xi32>, vector<16xi32>], vector<16xf32>,
      %swap3A_2852 = arith.constant 30 : i32
      %swap3A_2853 = arith.index_cast %swap3A_2852 : i32 to index
      %swap3A_2854 = arith.constant 48 : index
      %swap3A_2855 = tpu.vector_load %arg9[%swap3A_2853, %swap3A_2854] {strides = array<i32>} : memref<32x128xf32, #tpu.memory_space<vmem>>, vector<16xf32>,
      tpu.vector_store %arg9[%swap3A_2853, %swap3A_2854], %gather3A_2851 {strides = array<i32>} : memref<32x128xf32, #tpu.memory_space<vmem>>, vector<16xf32>,
      %gather3A_2856 = tpu.vector_load_idx %arg7[%add3A_1564, %broadcast_in_dim3A_2835] : memref<128x128xf32, #tpu.memory_space<vmem>>[vector<16xi32>, vector<16xi32>], vector<16xf32>,
      %swap3A_2857 = arith.constant 30 : i32
      %swap3A_2858 = arith.index_cast %swap3A_2857 : i32 to index
      %swap3A_2859 = arith.constant 64 : index
      %swap3A_2860 = tpu.vector_load %arg9[%swap3A_2858, %swap3A_2859] {strides = array<i32>} : memref<32x128xf32, #tpu.memory_space<vmem>>, vector<16xf32>,
      tpu.vector_store %arg9[%swap3A_2858, %swap3A_2859], %gather3A_2856 {strides = array<i32>} : memref<32x128xf32, #tpu.memory_space<vmem>>, vector<16xf32>,
      %gather3A_2861 = tpu.vector_load_idx %arg7[%add3A_1567, %broadcast_in_dim3A_2835] : memref<128x128xf32, #tpu.memory_space<vmem>>[vector<16xi32>, vector<16xi32>], vector<16xf32>,
      %swap3A_2862 = arith.constant 30 : i32
      %swap3A_2863 = arith.index_cast %swap3A_2862 : i32 to index
      %swap3A_2864 = arith.constant 80 : index
      %swap3A_2865 = tpu.vector_load %arg9[%swap3A_2863, %swap3A_2864] {strides = array<i32>} : memref<32x128xf32, #tpu.memory_space<vmem>>, vector<16xf32>,
      tpu.vector_store %arg9[%swap3A_2863, %swap3A_2864], %gather3A_2861 {strides = array<i32>} : memref<32x128xf32, #tpu.memory_space<vmem>>, vector<16xf32>,
      %gather3A_2866 = tpu.vector_load_idx %arg7[%add3A_1570, %broadcast_in_dim3A_2835] : memref<128x128xf32, #tpu.memory_space<vmem>>[vector<16xi32>, vector<16xi32>], vector<16xf32>,
      %swap3A_2867 = arith.constant 30 : i32
      %swap3A_2868 = arith.index_cast %swap3A_2867 : i32 to index
      %swap3A_2869 = arith.constant 96 : index
      %swap3A_2870 = tpu.vector_load %arg9[%swap3A_2868, %swap3A_2869] {strides = array<i32>} : memref<32x128xf32, #tpu.memory_space<vmem>>, vector<16xf32>,
      tpu.vector_store %arg9[%swap3A_2868, %swap3A_2869], %gather3A_2866 {strides = array<i32>} : memref<32x128xf32, #tpu.memory_space<vmem>>, vector<16xf32>,
      %gather3A_2871 = tpu.vector_load_idx %arg7[%add3A_1573, %broadcast_in_dim3A_2835] : memref<128x128xf32, #tpu.memory_space<vmem>>[vector<16xi32>, vector<16xi32>], vector<16xf32>,
      %swap3A_2872 = arith.constant 30 : i32
      %swap3A_2873 = arith.index_cast %swap3A_2872 : i32 to index
      %swap3A_2874 = arith.constant 112 : index
      %swap3A_2875 = tpu.vector_load %arg9[%swap3A_2873, %swap3A_2874] {strides = array<i32>} : memref<32x128xf32, #tpu.memory_space<vmem>>, vector<16xf32>,
      tpu.vector_store %arg9[%swap3A_2873, %swap3A_2874], %gather3A_2871 {strides = array<i32>} : memref<32x128xf32, #tpu.memory_space<vmem>>, vector<16xf32>,
      %broadcast_in_dim3A_2876 = arith.constant 31 : i32
      %broadcast_in_dim3A_2877 = vector.broadcast %broadcast_in_dim3A_2876 : i32 to vector<16xi32>
      %gather3A_2878 = tpu.vector_load_idx %arg7[%add3A_1552, %broadcast_in_dim3A_2877] : memref<128x128xf32, #tpu.memory_space<vmem>>[vector<16xi32>, vector<16xi32>], vector<16xf32>,
      %swap3A_2879 = arith.constant 31 : i32
      %swap3A_2880 = arith.index_cast %swap3A_2879 : i32 to index
      %swap3A_2881 = arith.constant 0 : index
      %swap3A_2882 = tpu.vector_load %arg9[%swap3A_2880, %swap3A_2881] {strides = array<i32>} : memref<32x128xf32, #tpu.memory_space<vmem>>, vector<16xf32>,
      tpu.vector_store %arg9[%swap3A_2880, %swap3A_2881], %gather3A_2878 {strides = array<i32>} : memref<32x128xf32, #tpu.memory_space<vmem>>, vector<16xf32>,
      %gather3A_2883 = tpu.vector_load_idx %arg7[%add3A_1555, %broadcast_in_dim3A_2877] : memref<128x128xf32, #tpu.memory_space<vmem>>[vector<16xi32>, vector<16xi32>], vector<16xf32>,
      %swap3A_2884 = arith.constant 31 : i32
      %swap3A_2885 = arith.index_cast %swap3A_2884 : i32 to index
      %swap3A_2886 = arith.constant 16 : index
      %swap3A_2887 = tpu.vector_load %arg9[%swap3A_2885, %swap3A_2886] {strides = array<i32>} : memref<32x128xf32, #tpu.memory_space<vmem>>, vector<16xf32>,
      tpu.vector_store %arg9[%swap3A_2885, %swap3A_2886], %gather3A_2883 {strides = array<i32>} : memref<32x128xf32, #tpu.memory_space<vmem>>, vector<16xf32>,
      %gather3A_2888 = tpu.vector_load_idx %arg7[%add3A_1558, %broadcast_in_dim3A_2877] : memref<128x128xf32, #tpu.memory_space<vmem>>[vector<16xi32>, vector<16xi32>], vector<16xf32>,
      %swap3A_2889 = arith.constant 31 : i32
      %swap3A_2890 = arith.index_cast %swap3A_2889 : i32 to index
      %swap3A_2891 = arith.constant 32 : index
      %swap3A_2892 = tpu.vector_load %arg9[%swap3A_2890, %swap3A_2891] {strides = array<i32>} : memref<32x128xf32, #tpu.memory_space<vmem>>, vector<16xf32>,
      tpu.vector_store %arg9[%swap3A_2890, %swap3A_2891], %gather3A_2888 {strides = array<i32>} : memref<32x128xf32, #tpu.memory_space<vmem>>, vector<16xf32>,
      %gather3A_2893 = tpu.vector_load_idx %arg7[%add3A_1561, %broadcast_in_dim3A_2877] : memref<128x128xf32, #tpu.memory_space<vmem>>[vector<16xi32>, vector<16xi32>], vector<16xf32>,
      %swap3A_2894 = arith.constant 31 : i32
      %swap3A_2895 = arith.index_cast %swap3A_2894 : i32 to index
      %swap3A_2896 = arith.constant 48 : index
      %swap3A_2897 = tpu.vector_load %arg9[%swap3A_2895, %swap3A_2896] {strides = array<i32>} : memref<32x128xf32, #tpu.memory_space<vmem>>, vector<16xf32>,
      tpu.vector_store %arg9[%swap3A_2895, %swap3A_2896], %gather3A_2893 {strides = array<i32>} : memref<32x128xf32, #tpu.memory_space<vmem>>, vector<16xf32>,
      %gather3A_2898 = tpu.vector_load_idx %arg7[%add3A_1564, %broadcast_in_dim3A_2877] : memref<128x128xf32, #tpu.memory_space<vmem>>[vector<16xi32>, vector<16xi32>], vector<16xf32>,
      %swap3A_2899 = arith.constant 31 : i32
      %swap3A_2900 = arith.index_cast %swap3A_2899 : i32 to index
      %swap3A_2901 = arith.constant 64 : index
      %swap3A_2902 = tpu.vector_load %arg9[%swap3A_2900, %swap3A_2901] {strides = array<i32>} : memref<32x128xf32, #tpu.memory_space<vmem>>, vector<16xf32>,
      tpu.vector_store %arg9[%swap3A_2900, %swap3A_2901], %gather3A_2898 {strides = array<i32>} : memref<32x128xf32, #tpu.memory_space<vmem>>, vector<16xf32>,
      %gather3A_2903 = tpu.vector_load_idx %arg7[%add3A_1567, %broadcast_in_dim3A_2877] : memref<128x128xf32, #tpu.memory_space<vmem>>[vector<16xi32>, vector<16xi32>], vector<16xf32>,
      %swap3A_2904 = arith.constant 31 : i32
      %swap3A_2905 = arith.index_cast %swap3A_2904 : i32 to index
      %swap3A_2906 = arith.constant 80 : index
      %swap3A_2907 = tpu.vector_load %arg9[%swap3A_2905, %swap3A_2906] {strides = array<i32>} : memref<32x128xf32, #tpu.memory_space<vmem>>, vector<16xf32>,
      tpu.vector_store %arg9[%swap3A_2905, %swap3A_2906], %gather3A_2903 {strides = array<i32>} : memref<32x128xf32, #tpu.memory_space<vmem>>, vector<16xf32>,
      %gather3A_2908 = tpu.vector_load_idx %arg7[%add3A_1570, %broadcast_in_dim3A_2877] : memref<128x128xf32, #tpu.memory_space<vmem>>[vector<16xi32>, vector<16xi32>], vector<16xf32>,
      %swap3A_2909 = arith.constant 31 : i32
      %swap3A_2910 = arith.index_cast %swap3A_2909 : i32 to index
      %swap3A_2911 = arith.constant 96 : index
      %swap3A_2912 = tpu.vector_load %arg9[%swap3A_2910, %swap3A_2911] {strides = array<i32>} : memref<32x128xf32, #tpu.memory_space<vmem>>, vector<16xf32>,
      tpu.vector_store %arg9[%swap3A_2910, %swap3A_2911], %gather3A_2908 {strides = array<i32>} : memref<32x128xf32, #tpu.memory_space<vmem>>, vector<16xf32>,
      %gather3A_2913 = tpu.vector_load_idx %arg7[%add3A_1573, %broadcast_in_dim3A_2877] : memref<128x128xf32, #tpu.memory_space<vmem>>[vector<16xi32>, vector<16xi32>], vector<16xf32>,
      %swap3A_2914 = arith.constant 31 : i32
      %swap3A_2915 = arith.index_cast %swap3A_2914 : i32 to index
      %swap3A_2916 = arith.constant 112 : index
      %swap3A_2917 = tpu.vector_load %arg9[%swap3A_2915, %swap3A_2916] {strides = array<i32>} : memref<32x128xf32, #tpu.memory_space<vmem>>, vector<16xf32>,
      tpu.vector_store %arg9[%swap3A_2915, %swap3A_2916], %gather3A_2913 {strides = array<i32>} : memref<32x128xf32, #tpu.memory_space<vmem>>, vector<16xf32>,
      %add3A_2918 = arith.addi %mul3A_2, %add3A_1536 : i32
      %jit3A_2919 = arith.constant 128 : i32
      %div3A_2920 = arith.divsi %add3A_2918, %jit3A_2919 : i32
      %sign3A_2921 = arith.constant 0 : i32
      %sign3A_2922 = arith.cmpi sgt, %add3A_2918, %sign3A_2921 : i32
      %sign3A_2923 = arith.extui %sign3A_2922 : i1 to i32
      %sign3A_2924 = arith.constant 0 : i32
      %sign3A_2925 = arith.cmpi slt, %add3A_2918, %sign3A_2924 : i32
      %sign3A_2926 = arith.extui %sign3A_2925 : i1 to i32
      %sign3A_2927 = arith.subi %sign3A_2923, %sign3A_2926 : i32
      %sign3A_2928 = arith.constant 0 : i32
      %sign3A_2929 = arith.cmpi sgt, %jit3A_2919, %sign3A_2928 : i32
      %sign3A_2930 = arith.extui %sign3A_2929 : i1 to i32
      %sign3A_2931 = arith.constant 0 : i32
      %sign3A_2932 = arith.cmpi slt, %jit3A_2919, %sign3A_2931 : i32
      %sign3A_2933 = arith.extui %sign3A_2932 : i1 to i32
      %sign3A_2934 = arith.subi %sign3A_2930, %sign3A_2933 : i32
      %ne3A_2935 = arith.cmpi ne, %sign3A_2927, %sign3A_2934 : i32
      %rem3A_2936 = arith.remsi %add3A_2918, %jit3A_2919 : i32
      %ne3A_2937 = arith.constant 0 : i32
      %ne3A_2938 = arith.cmpi ne, %rem3A_2936, %ne3A_2937 : i32
      %and3A_2939 = arith.andi %ne3A_2935, %ne3A_2938 : i1
      %sub3A_2940 = arith.constant 1 : i32
      %sub3A_2941 = arith.subi %div3A_2920, %sub3A_2940 : i32
      %select_n3A_2942 = arith.select %and3A_2939, %sub3A_2941, %div3A_2920 : i32
      %jit3A_2943 = arith.constant 128 : i32
      %eq3A_2944 = arith.constant 0 : i32
      %eq3A_2945 = arith.cmpi eq, %jit3A_2943, %eq3A_2944 : i32
      %jit3A_2946 = arith.constant 1 : i32
      %select_n3A_2947 = arith.select %eq3A_2945, %jit3A_2946, %jit3A_2943 : i32
      %rem3A_2948 = arith.remsi %add3A_2918, %select_n3A_2947 : i32
      %ne3A_2949 = arith.constant 0 : i32
      %ne3A_2950 = arith.cmpi ne, %rem3A_2948, %ne3A_2949 : i32
      %lt3A_2951 = arith.constant 0 : i32
      %lt3A_2952 = arith.cmpi slt, %rem3A_2948, %lt3A_2951 : i32
      %lt3A_2953 = arith.constant 0 : i32
      %lt3A_2954 = arith.cmpi slt, %select_n3A_2947, %lt3A_2953 : i32
      %ne3A_2955 = arith.xori %lt3A_2952, %lt3A_2954 : i1
      %and3A_2956 = arith.andi %ne3A_2955, %ne3A_2950 : i1
      %add3A_2957 = arith.addi %rem3A_2948, %select_n3A_2947 : i32
      %select_n3A_2958 = arith.select %and3A_2956, %add3A_2957, %rem3A_2948 : i32
      %mul3A_2959 = arith.constant 128 : i32
      %mul3A_2960 = arith.muli %select_n3A_2958, %mul3A_2959 : i32
      %dma_start3A_2961 = arith.constant 0 : i32
      %dma_start3A_2962 = tpu.memref_slice %arg4[%select_n3A_2942, %dma_start3A_2961, %mul3A_2960] : memref<50x32x16384xf32, #tpu.memory_space<hbm>> -> memref<1x32x128xf32, #tpu.memory_space<hbm>>
      %dma_start3A_2963 = tpu.memref_squeeze %dma_start3A_2962 : memref<1x32x128xf32, #tpu.memory_space<hbm>> -> memref<32x128xf32, #tpu.memory_space<hbm>>
      %dma_start3A_2964 = arith.constant 0 : i32
      %dma_start3A_2965 = tpu.memref_slice %arg4[%select_n3A_2942, %dma_start3A_2964, %mul3A_2960] : memref<50x32x16384xf32, #tpu.memory_space<hbm>> -> memref<1x32x128xf32, #tpu.memory_space<hbm>>
      %dma_start3A_2966 = tpu.memref_squeeze %dma_start3A_2965 : memref<1x32x128xf32, #tpu.memory_space<hbm>> -> memref<32x128xf32, #tpu.memory_space<hbm>>
      tpu.enqueue_dma source(%arg9 : memref<32x128xf32, #tpu.memory_space<vmem>>) target(%dma_start3A_2966 : memref<32x128xf32, #tpu.memory_space<hbm>>) target_semaphore(%arg13 : memref<!tpu.dma_semaphore, #tpu.memory_space<semaphore_mem>>)
    }
    %scan3A_13 = arith.constant 100 : i32
    %add3A_14 = arith.constant 198 : i32
    %add3A_15 = arith.addi %mul3A_2, %add3A_14 : i32
    %jit3A = arith.constant 128 : i32
    %div3A = arith.divsi %add3A_15, %jit3A : i32
    %sign3A = arith.constant 0 : i32
    %sign3A_16 = arith.cmpi sgt, %add3A_15, %sign3A : i32
    %sign3A_17 = arith.extui %sign3A_16 : i1 to i32
    %sign3A_18 = arith.constant 0 : i32
    %sign3A_19 = arith.cmpi slt, %add3A_15, %sign3A_18 : i32
    %sign3A_20 = arith.extui %sign3A_19 : i1 to i32
    %sign3A_21 = arith.subi %sign3A_17, %sign3A_20 : i32
    %sign3A_22 = arith.constant 0 : i32
    %sign3A_23 = arith.cmpi sgt, %jit3A, %sign3A_22 : i32
    %sign3A_24 = arith.extui %sign3A_23 : i1 to i32
    %sign3A_25 = arith.constant 0 : i32
    %sign3A_26 = arith.cmpi slt, %jit3A, %sign3A_25 : i32
    %sign3A_27 = arith.extui %sign3A_26 : i1 to i32
    %sign3A_28 = arith.subi %sign3A_24, %sign3A_27 : i32
    %ne3A = arith.cmpi ne, %sign3A_21, %sign3A_28 : i32
    %rem3A = arith.remsi %add3A_15, %jit3A : i32
    %ne3A_29 = arith.constant 0 : i32
    %ne3A_30 = arith.cmpi ne, %rem3A, %ne3A_29 : i32
    %and3A = arith.andi %ne3A, %ne3A_30 : i1
    %sub3A = arith.constant 1 : i32
    %sub3A_31 = arith.subi %div3A, %sub3A : i32
    %select_n3A = arith.select %and3A, %sub3A_31, %div3A : i32
    %jit3A_32 = arith.constant 128 : i32
    %eq3A = arith.constant 0 : i32
    %eq3A_33 = arith.cmpi eq, %jit3A_32, %eq3A : i32
    %jit3A_34 = arith.constant 1 : i32
    %select_n3A_35 = arith.select %eq3A_33, %jit3A_34, %jit3A_32 : i32
    %rem3A_36 = arith.remsi %add3A_15, %select_n3A_35 : i32
    %ne3A_37 = arith.constant 0 : i32
    %ne3A_38 = arith.cmpi ne, %rem3A_36, %ne3A_37 : i32
    %lt3A = arith.constant 0 : i32
    %lt3A_39 = arith.cmpi slt, %rem3A_36, %lt3A : i32
    %lt3A_40 = arith.constant 0 : i32
    %lt3A_41 = arith.cmpi slt, %select_n3A_35, %lt3A_40 : i32
    %ne3A_42 = arith.xori %lt3A_39, %lt3A_41 : i1
    %and3A_43 = arith.andi %ne3A_42, %ne3A_38 : i1
    %add3A_44 = arith.addi %rem3A_36, %select_n3A_35 : i32
    %select_n3A_45 = arith.select %and3A_43, %add3A_44, %rem3A_36 : i32
    %mul3A_46 = arith.constant 128 : i32
    %mul3A_47 = arith.muli %select_n3A_45, %mul3A_46 : i32
    %dma_wait3A = arith.constant 0 : i32
    %dma_wait3A_48 = tpu.memref_slice %arg4[%select_n3A, %dma_wait3A, %mul3A_47] : memref<50x32x16384xf32, #tpu.memory_space<hbm>> -> memref<1x32x128xf32, #tpu.memory_space<hbm>>
    %dma_wait3A_49 = tpu.memref_squeeze %dma_wait3A_48 : memref<1x32x128xf32, #tpu.memory_space<hbm>> -> memref<32x128xf32, #tpu.memory_space<hbm>>
    %dma_wait3A_50 = arith.constant 0 : i32
    %dma_wait3A_51 = tpu.memref_slice %arg4[%select_n3A, %dma_wait3A_50, %mul3A_47] : memref<50x32x16384xf32, #tpu.memory_space<hbm>> -> memref<1x32x128xf32, #tpu.memory_space<hbm>>
    %dma_wait3A_52 = tpu.memref_squeeze %dma_wait3A_51 : memref<1x32x128xf32, #tpu.memory_space<hbm>> -> memref<32x128xf32, #tpu.memory_space<hbm>>
    tpu.wait_dma2 semaphore(%arg12 : memref<!tpu.dma_semaphore, #tpu.memory_space<semaphore_mem>>) src(%arg8 : memref<32x128xf32, #tpu.memory_space<vmem>>) dst(%dma_wait3A_52 : memref<32x128xf32, #tpu.memory_space<hbm>>)
    %add3A_53 = arith.constant 199 : i32
    %add3A_54 = arith.addi %mul3A_2, %add3A_53 : i32
    %jit3A_55 = arith.constant 128 : i32
    %div3A_56 = arith.divsi %add3A_54, %jit3A_55 : i32
    %sign3A_57 = arith.constant 0 : i32
    %sign3A_58 = arith.cmpi sgt, %add3A_54, %sign3A_57 : i32
    %sign3A_59 = arith.extui %sign3A_58 : i1 to i32
    %sign3A_60 = arith.constant 0 : i32
    %sign3A_61 = arith.cmpi slt, %add3A_54, %sign3A_60 : i32
    %sign3A_62 = arith.extui %sign3A_61 : i1 to i32
    %sign3A_63 = arith.subi %sign3A_59, %sign3A_62 : i32
    %sign3A_64 = arith.constant 0 : i32
    %sign3A_65 = arith.cmpi sgt, %jit3A_55, %sign3A_64 : i32
    %sign3A_66 = arith.extui %sign3A_65 : i1 to i32
    %sign3A_67 = arith.constant 0 : i32
    %sign3A_68 = arith.cmpi slt, %jit3A_55, %sign3A_67 : i32
    %sign3A_69 = arith.extui %sign3A_68 : i1 to i32
    %sign3A_70 = arith.subi %sign3A_66, %sign3A_69 : i32
    %ne3A_71 = arith.cmpi ne, %sign3A_63, %sign3A_70 : i32
    %rem3A_72 = arith.remsi %add3A_54, %jit3A_55 : i32
    %ne3A_73 = arith.constant 0 : i32
    %ne3A_74 = arith.cmpi ne, %rem3A_72, %ne3A_73 : i32
    %and3A_75 = arith.andi %ne3A_71, %ne3A_74 : i1
    %sub3A_76 = arith.constant 1 : i32
    %sub3A_77 = arith.subi %div3A_56, %sub3A_76 : i32
    %select_n3A_78 = arith.select %and3A_75, %sub3A_77, %div3A_56 : i32
    %jit3A_79 = arith.constant 128 : i32
    %eq3A_80 = arith.constant 0 : i32
    %eq3A_81 = arith.cmpi eq, %jit3A_79, %eq3A_80 : i32
    %jit3A_82 = arith.constant 1 : i32
    %select_n3A_83 = arith.select %eq3A_81, %jit3A_82, %jit3A_79 : i32
    %rem3A_84 = arith.remsi %add3A_54, %select_n3A_83 : i32
    %ne3A_85 = arith.constant 0 : i32
    %ne3A_86 = arith.cmpi ne, %rem3A_84, %ne3A_85 : i32
    %lt3A_87 = arith.constant 0 : i32
    %lt3A_88 = arith.cmpi slt, %rem3A_84, %lt3A_87 : i32
    %lt3A_89 = arith.constant 0 : i32
    %lt3A_90 = arith.cmpi slt, %select_n3A_83, %lt3A_89 : i32
    %ne3A_91 = arith.xori %lt3A_88, %lt3A_90 : i1
    %and3A_92 = arith.andi %ne3A_91, %ne3A_86 : i1
    %add3A_93 = arith.addi %rem3A_84, %select_n3A_83 : i32
    %select_n3A_94 = arith.select %and3A_92, %add3A_93, %rem3A_84 : i32
    %mul3A_95 = arith.constant 128 : i32
    %mul3A_96 = arith.muli %select_n3A_94, %mul3A_95 : i32
    %dma_wait3A_97 = arith.constant 0 : i32
    %dma_wait3A_98 = tpu.memref_slice %arg4[%select_n3A_78, %dma_wait3A_97, %mul3A_96] : memref<50x32x16384xf32, #tpu.memory_space<hbm>> -> memref<1x32x128xf32, #tpu.memory_space<hbm>>
    %dma_wait3A_99 = tpu.memref_squeeze %dma_wait3A_98 : memref<1x32x128xf32, #tpu.memory_space<hbm>> -> memref<32x128xf32, #tpu.memory_space<hbm>>
    %dma_wait3A_100 = arith.constant 0 : i32
    %dma_wait3A_101 = tpu.memref_slice %arg4[%select_n3A_78, %dma_wait3A_100, %mul3A_96] : memref<50x32x16384xf32, #tpu.memory_space<hbm>> -> memref<1x32x128xf32, #tpu.memory_space<hbm>>
    %dma_wait3A_102 = tpu.memref_squeeze %dma_wait3A_101 : memref<1x32x128xf32, #tpu.memory_space<hbm>> -> memref<32x128xf32, #tpu.memory_space<hbm>>
    tpu.wait_dma2 semaphore(%arg13 : memref<!tpu.dma_semaphore, #tpu.memory_space<semaphore_mem>>) src(%arg9 : memref<32x128xf32, #tpu.memory_space<vmem>>) dst(%dma_wait3A_102 : memref<32x128xf32, #tpu.memory_space<hbm>>)
    return
  }
}

</mosaic_0001>

<sc_bundles>
// kernel: kernel.3.cloned.1.call-start
scs
__scs_entry_jumppad:
0x0: {  	(pc) =	sbr.rel $0x88, $3  }
0x1: {  	(tag) =	ssettag $0x0;
	lr =	simm.s32 $0x1  }
0x2: {  	[smem:$0x3F9F] =	sst lr;
	_ =	strace $0xD0000000  }
0x3: {  	_ = 	snop  }
0x4: {  	_ = 	snop  }
0x5: {  	_ = 	snop  }
0x6: {  	_ = 	snop  }
0x7: {  	_ = 	snop  }
__scs_overlays_trampoline_lowered:
0x8: {  	[smem:$0x3FAE] =	sst s0  }
0x9: {  	[smem:$0x3FAF] =	sst s1  }
0xa: {  	[smem:$0x3FB0] =	sst s2  }
0xb: {  	[smem:$0x3FB1] =	sst s3  }
0xc: {  	[smem:$0x3FB2] =	sst s4  }
0xd: {  	[smem:$0x3FB3] =	sst s5  }
0xe: {  	[smem:$0x3FB4] =	sst s6  }
0xf: {  	[smem:$0x3FB5] =	sst s7  }
0x10: {  	[smem:$0x3FB6] =	sst s8  }
0x11: {  	[smem:$0x3FB7] =	sst s9;
	s0 =	simm.s32 @!p0 $0x0  }
0x12: {  	s1 =	sld [smem:$0x3F9D];
	s0 =	simm.s32 @p0 $0x1  }
0x13: {  	[smem:$0x3FB8] =	sst s0;
	s0 =	simm.s32 @!p1 $0x0  }
0x14: {  	s2 =	sld [smem:$0x3F9C];
	s0 =	simm.s32 @p1 $0x1  }
0x15: {  	[smem:$0x3FB9] =	sst s0;
	s0 =	simm.s32 @!p2 $0x0  }
0x16: {  	s3 =	sld [smem:$0x3FDB];
	s0 =	simm.s32 @p2 $0x1  }
0x17: {  	s4 =	simm.s32 $0x1BF5;
	[smem:$0x3FBB] =	sst s0  }
0x18: {  	s0 =	sld [smem:$0x3F9E];
	_ =	swait.ge [sflag:s4], $0x0  }
0x19: {  	s7 =	sld [smem:$0x3F9F]  }
0x1a: {  	s8 =	sadd.s32 $0xFFFFE003, lr  }
0x1b: {  	s9 =	sadd.s32 $0xFFFFFEF7, lr;
	s5 =	simm.s32 $0xFFFFFFFF;
	p2 =	slt.u32 s8, $0xFFFFF086  }
0x1c: {  	p1 =	slt.u32 s9, $0xF7A;
	s5 =	simm.s32 @!p2 $0x0  }
0x1d: {  	s5 =	simm.s32 @p1 $0x1;
	p0 =	seq.s32 s7, s2  }
0x1e: {  	s7 =	smul.u32 @!p0 $0xF7A, s2;
	p2 =	seq.s32 @!p0 s5, $0x0  }
0x1f: {  	s9 =	smul.u32 $0xF7A, s1;
	s8 =	simm.s32 @!p0 $0x1BF5;
	p2 =	por !p2, p0  }
0x20: {  	[sflag:s8] =	ssyncset.s32 @!p0 $0xFFFFF086;
	s6 =	sadd.s32 @!p0 s3, s7;
	s7 =	simm.s32 @!p0 $0x108  }
0x21: {  	s3 =	sadd.s32 s3, s9;
	s6 =	sadd.s32 @!p0 $0x88, s6;
	s7 =	simm.s32 @p2 $0x1082  }
0x22: {  	[simem:s7], [sflag:s8] =	dma.local @!p0 [hbm:s6], $0xF7A  }
0x23: {  	s9 =	sor.u32 $0xD0000000, s2;
	s6 =	simm.s32 $0x108;
	_ =	swait.ge @!p0 [sflag:s8], $0x0  }
0x24: {  	s3 =	sadd.s32 $0x88, s3;
	s6 =	simm.s32 @!p1 $0x1082;
	[sflag:s4] =	ssyncset.s32 $0xFFFFF086  }
0x25: {  	[simem:s6], [sflag:s4] =	dma.local [hbm:s3], $0xF7A  }
0x26: {  	[smem:$0x3F9F] =	sst s1;
	(tag) =	ssettag s2;
	_ =	strace s9  }
0x27: {  	s1 =	sld [smem:$0x3FAF]  }
0x28: {  	s2 =	sld [smem:$0x3FB0]  }
0x29: {  	s4 =	sld [smem:$0x3FB2]  }
0x2a: {  	p0 =	seq.s32 s5, $0x0;
	s5 =	sld [smem:$0x3FB3]  }
0x2b: {  	s6 =	sld [smem:$0x3FB4]  }
0x2c: {  	s7 =	sld [smem:$0x3FB5]  }
0x2d: {  	s3 =	simm.s32 $0x108;
	s8 =	sld [smem:$0x3FB6]  }
0x2e: {  	s3 =	simm.s32 @!p0 $0x1082;
	s9 =	sld [smem:$0x3FB7]  }
0x2f: {  	lr =	sadd.s32 s0, s3;
	s0 =	sld [smem:$0x3FAE]  }
0x30: {  	s3 =	sld [smem:$0x3FB1]  }
0x31: {  	[smem:$0x3FBA] =	sst s10  }
0x32: {  	s10 =	sld [smem:$0x3FB8];
	_ =	sdelay $0x3  }
0x33: {  	p0 =	seq.s32 s10, $0x1;
	s10 =	sld [smem:$0x3FBA];
	_ =	sdelay $0x3  }
0x34: {  	[smem:$0x3FBA] =	sst s10  }
0x35: {  	s10 =	sld [smem:$0x3FB9];
	_ =	sdelay $0x3  }
0x36: {  	p1 =	seq.s32 s10, $0x1;
	s10 =	sld [smem:$0x3FBA];
	_ =	sdelay $0x3  }
0x37: {  	[smem:$0x3FBA] =	sst s10  }
0x38: {  	s10 =	sld [smem:$0x3FBB]  }
0x39: {  	_ = 	snop;
	(pc) =	sbr.ind lr, $3  }
0x3a: {  	_ = 	snop  }
0x3b: {  	_ = 	snop  }
0x3c: {  	p2 =	seq.s32 s10, $0x1;
	s10 =	sld [smem:$0x3FBA]  }
0x3d: {  	_ =	shalt  }
0x3e: {  	_ =	shalt  }
0x3f: {  	_ =	shalt  }
0x40: {  	_ =	shalt  }
0x41: {  	_ =	shalt  }
0x42: {  	_ =	shalt  }
0x43: {  	_ =	shalt  }
0x44: {  	_ =	shalt  }
0x45: {  	_ =	shalt  }
0x46: {  	_ =	shalt  }
0x47: {  	_ =	shalt  }
0x48: {  	_ =	shalt  }
0x49: {  	_ =	shalt  }
0x4a: {  	_ =	shalt  }
0x4b: {  	_ =	shalt  }
0x4c: {  	_ =	shalt  }
0x4d: {  	_ =	shalt  }
0x4e: {  	_ =	shalt  }
0x4f: {  	_ =	shalt  }
0x50: {  	_ =	shalt  }
0x51: {  	_ =	shalt  }
0x52: {  	_ =	shalt  }
0x53: {  	_ =	shalt  }
0x54: {  	_ =	shalt  }
0x55: {  	_ =	shalt  }
0x56: {  	_ =	shalt  }
0x57: {  	_ =	shalt  }
0x58: {  	_ =	shalt  }
0x59: {  	_ =	shalt  }
0x5a: {  	_ =	shalt  }
0x5b: {  	_ =	shalt  }
0x5c: {  	_ =	shalt  }
0x5d: {  	_ =	shalt  }
0x5e: {  	_ =	shalt  }
0x5f: {  	_ =	shalt  }
0x60: {  	_ =	shalt  }
0x61: {  	_ =	shalt  }
0x62: {  	_ =	shalt  }
0x63: {  	_ =	shalt  }
0x64: {  	_ =	shalt  }
0x65: {  	_ =	shalt  }
0x66: {  	_ =	shalt  }
0x67: {  	_ =	shalt  }
0x68: {  	_ =	shalt  }
0x69: {  	_ =	shalt  }
0x6a: {  	_ =	shalt  }
0x6b: {  	_ =	shalt  }
0x6c: {  	_ =	shalt  }
0x6d: {  	_ =	shalt  }
0x6e: {  	_ =	shalt  }
0x6f: {  	_ =	shalt  }
0x70: {  	_ =	shalt  }
0x71: {  	_ =	shalt  }
0x72: {  	_ =	shalt  }
0x73: {  	_ =	shalt  }
0x74: {  	_ =	shalt  }
0x75: {  	_ =	shalt  }
0x76: {  	_ =	shalt  }
0x77: {  	_ =	shalt  }
0x78: {  	_ =	shalt  }
0x79: {  	_ =	shalt  }
0x7a: {  	_ =	shalt  }
0x7b: {  	_ =	shalt  }
0x7c: {  	_ =	shalt  }
0x7d: {  	_ =	shalt  }
0x7e: {  	_ =	shalt  }
0x7f: {  	_ =	shalt  }
0x80: {  	_ =	shalt  }
0x81: {  	_ =	shalt  }
0x82: {  	_ =	shalt  }
0x83: {  	_ =	shalt  }
0x84: {  	_ =	shalt  }
0x85: {  	_ =	shalt  }
0x86: {  	_ =	shalt  }
0x87: {  	_ =	shalt  }
.Lfunc_end0:
.L_simem_size_0:
called_computation_lowered:
.L_overlay_start_0:
0x88: {  	s2 =	sld [smem:$0x3FD9]  }
0x89: {  	s3 =	sld [smem:$0x3FFE];
	_ =	sdelay $0x1  }
0x8a: {  	s1 =	srdreg.scid  }
0x8b: {  	s0 =	sand.u32 $0x1, s1  }
0x8c: {  	s17 =	sshll.u32 s0, $0xA;
	s2 =	sadd.s32 s3, s2  }
0x8d: {  	s2 =	sadd.s32 s2, s17  }
0x8e: {  	[smem:$0x3FC6] =	sst s2  }
0x8f: {  	_ = 	snop  }
0x90: {  	s2 =	sld [smem:$0x3FD0];
	(tm) =	ssettm $0x1  }
0x91: {  	s18 =	sld [smem:$0x3FFB];
	_ =	sdelay $0x3  }
0x92: {  	_ =	strace s18  }
0x93: {  	s3 =	sld [smem:$0x3FFC];
	_ =	sdelay $0x3  }
0x94: {  	_ =	strace s3  }
0x95: {  	s3 =	sld [smem:$0x3FFD];
	_ =	sdelay $0x3  }
0x96: {  	_ =	strace s3  }
0x97: {  	_ =	strace $0x8FFFFFFF  }
0x98: {  	s19 =	sld [smem:$0x3FDB];
	_ =	sdelay $0x1  }
0x99: {  	s4 =	simm.s32 $_scs_section_size  }
0x9a: {  	s5 =	simm.s32 $_size__tile_overlayer_lowered;
	s6 =	simm.s32 $_tile_overlayer_lowered  }
0x9b: {  	s22 =	simm.s32 $0x1BFF;
	s21 =	sshll.u32 s6, $0x1;
	s3 =	sadd.s32 s4, s19  }
0x9c: {  	s7 =	simm.s32 $0x0;
	s20 =	sshll.u32 s5, $0x1;
	s5 =	sadd.s32 s21, s3  }
0x9d: {  	[timem:s7], [sflag:s22] =	dma.local [hbm:s5], s20  }
0x9e: {  	_ =	swait.ge [sflag:s22], s20  }
0x9f: {  	s4 =	ssub.s32 $0x0, s20;
	[sflag:s22] =	ssyncset.done $0x0  }
0xa0: {  	[sflag:s22] =	ssyncadd.s32 s4;
	_ =	sdelay $0x1  }
0xa1: {  	s23 =	simm.s32 $0x1B8B  }
0xa2: {  	_ =	swait.ge [sflag:s23], $0x1  }
0xa3: {  	[sflag:s23] =	ssyncset.done $0x0  }
0xa4: {  	s25 =	simm.s32 $0x1B8E;
	s24 =	sld [smem:$0x3FFE];
	[sflag:s23] =	ssyncadd.s32 $0xFFFFFFFF  }
0xa5: {  	s26 =	simm.s32 $execute0_lowered;
	[smem:$0x3FD2] =	sst s25  }
0xa6: {  	s5 =	sshll.u32 s26, $0x1;
	_ =	strace $0x80000046;
	[dreg:$0x1] =	wrdreg $0xFFFFFFFF  }
0xa7: {  	s28 =	simm.s32 $_size_execute0_lowered;
	s3 =	sadd.s32 s3, s5;
	[dreg:$0x0] =	wrdreg $0x0  }
0xa8: {  	s5 =	sshll.u32 s28, $0x1;
	[dreg:$0x2] =	wrdreg s3  }
0xa9: {  	[dreg:$0x3] =	wrdreg s5  }
0xaa: {  	[dreg:$0x4] =	wrdreg $0xC0  }
0xab: {  	_ =	task [dreg:s7], $0x5FFFF  }
0xac: {  	[dreg:$0x1] =	wrdreg $0xFFFFFFFF  }
0xad: {  	[dreg:$0x0] =	wrdreg $0x60  }
0xae: {  	[dreg:$0x2] =	wrdreg s24  }
0xaf: {  	[dreg:$0x3] =	wrdreg s2  }
0xb0: {  	[dreg:$0x4] =	wrdreg $0x9  }
0xb1: {  	_ =	task.clear_ibuf [dreg:s7], $0x5FFFF;
	_ =	strace $0x90000046  }
0xb2: {  	s29 =	simm.s32 $0x9;
	_ =	strace $0x80000048  }
0xb3: {  	_ =	swait.ge [sflag:s29], $0x1  }
0xb4: {  	[sflag:s29] =	ssyncadd.s32 $0xFFFFFFFF  }
0xb5: {  	_ =	strace $0x90000048  }
0xb6: {  	_ =	sfence  }
0xb7: {  	s30 =	sld [smem:$0x0];
	_ =	sdelay $0x2  }
0xb8: {  	s31 =	sshll.u32 s1, $0xD;
	s1 =	sshrl.u32 s1, $0x2  }
0xb9: {  	s3 =	sand.u32 $0x4000, s31;
	s1 =	sadd.s32 s1, s30  }
0xba: {  	s0 =	sor.u32 s3, s0;
	s1 =	sshll.u32 s1, $0x11  }
0xbb: {  	s0 =	sor.u32 s1, s0  }
0xbc: {  	s0 =	sadd.s32 $0x8F2B, s0  }
0xbd: {  	[sflag:s0] =	ssyncadd.remote.s32 $0x1  }
0xbe: {  	_ =	sfence.sel $0xFFFF  }
0xbf: {  	[dreg:$0x0] =	wrdreg $0xFFFFFFFF;
	(pc) =	sbr.abs _section_cstart, $3  }
0xc0: {  	[dreg:$0x1] =	wrdreg $0xFFFFFFFF  }
0xc1: {  	_ =	task.clear_ibuf [dreg:s7], $0x2FFFF;
	_ =	strace $0x9FFFFFFF  }
0xc2: {  	(tm) =	ssettm $0x7FFFFFFF  }
0xc3: {  	_ =	shalt  }
tec
execute0_lowered:
.L_overlay_start_1:
0x0: {  	(tag) =	ssettag $0x1  }
0x1: {  	v0 =	vlaneseq.u32  }
0x2: {  	v0 =	vmul.u32 $0x80, v0;
	_ =	sdelay $0x1  }
0x3: {  	v2 =	vor.u32 $0x800, v0;
	v3 =	vor.u32 $0x1000, v0;
	v4 =	vor.u32 $0x1800, v0  }
0x4: {  	v5 =	vor.u32 $0x2000, v0;
	v6 =	vor.u32 $0x2800, v0;
	v7 =	vor.u32 $0x3000, v0  }
0x5: {  	v8 =	vor.u32 $0x3800, v0;
	v9 =	vor.u32 $0x1, v0;
	v10 =	vor.u32 $0x801, v0  }
0x6: {  	v11 =	vor.u32 $0x1001, v0;
	v12 =	vor.u32 $0x1801, v0;
	v13 =	vor.u32 $0x2001, v0  }
0x7: {  	v14 =	vor.u32 $0x2801, v0;
	v15 =	vor.u32 $0x3001, v0;
	v16 =	vor.u32 $0x3801, v0  }
0x8: {  	v17 =	vor.u32 $0x2, v0;
	v18 =	vor.u32 $0x802, v0;
	v19 =	vor.u32 $0x1002, v0  }
0x9: {  	v20 =	vor.u32 $0x1802, v0;
	v21 =	vor.u32 $0x2002, v0;
	v22 =	vor.u32 $0x2802, v0  }
0xa: {  	s1 =	srdreg.scid;
	v23 =	vor.u32 $0x3002, v0;
	v24 =	vor.u32 $0x3802, v0;
	v25 =	vor.u32 $0x3, v0  }
0xb: {  	s0 =	stileid.u32;
	s4 =	rddreg [dreg:$0x0];
	v26 =	vor.u32 $0x803, v0;
	v27 =	vor.u32 $0x1003, v0;
	v28 =	vor.u32 $0x1803, v0  }
0xc: {  	s2 =	rddreg [dreg:$0x1];
	s3 =	simm.s32 $0x0;
	s12 =	simm.s32 $0x1;
	v29 =	vor.u32 $0x2003, v0;
	v30 =	vor.u32 $0x2803, v0;
	v31 =	vor.u32 $0x3003, v0  }
0xd: {  	s13 =	simm.s32 $0x400;
	s14 =	simm.s32 $0x20000;
	s15 =	simm.s32 $0xE400;
	v32 =	vor.u32 $0x3803, v0;
	v33 =	vor.u32 $0x4, v0;
	v34 =	vor.u32 $0x804, v0  }
0xe: {  	s16 =	simm.s32 $0x2;
	s17 =	simm.s32 $0xF400;
	s18 =	simm.s32 $0x3;
	v35 =	vor.u32 $0x1004, v0;
	v36 =	vor.u32 $0x1804, v0;
	v37 =	vor.u32 $0x2004, v0  }
0xf: {  	s19 =	simm.s32 $0x4;
	s20 =	simm.s32 $0x0;
	s7 =	smul.u32 $0x32000, s0;
	v38 =	vor.u32 $0x2804, v0;
	v39 =	vor.u32 $0x3004, v0;
	v40 =	vor.u32 $0x3804, v0  }
0x10: {  	s5 =	sand.u32 $0x1, s1;
	s1 =	rddreg [dreg:$0x2];
	s11 =	smul.u32 $0xC800, s0;
	v41 =	vor.u32 $0x5, v0;
	v42 =	vor.u32 $0x805, v0;
	v43 =	vor.u32 $0x1005, v0  }
0x11: {  	s30 =	sshll.u32 s0, $0x1;
	[smem:$0x7FF] =	sst s3;
	s9 =	smul.u32 $0x19000, s5;
	v44 =	vor.u32 $0x1805, v0;
	v45 =	vor.u32 $0x2005, v0;
	v46 =	vor.u32 $0x2805, v0  }
0x12: {  	s6 =	sor.u32 s5, s30;
	s8 =	ssub.s32 $0x2, s5;
	s31 =	smul.u32 $0x6400, s5;
	v47 =	vor.u32 $0x3005, v0;
	v48 =	vor.u32 $0x3805, v0;
	v49 =	vor.u32 $0x6, v0  }
0x13: {  	_ =	strace $0x80000047;
	s6 =	smul.u32 $0xC80, s6;
	s10 =	sshrl.u32 s8, $0x1;
	v50 =	vor.u32 $0x806, v0;
	v51 =	vor.u32 $0x1006, v0;
	v52 =	vor.u32 $0x1806, v0  }
0x14: {  	v53 =	vor.u32 $0x2006, v0;
	v54 =	vor.u32 $0x2806, v0;
	v1 =	vor.u32 $0x3807, v0;
	s8 =	ssub.s32 s8, s10;
	s7 =	sadd.s32 s9, s7;
	s9 =	simm.s32 $0x80  }
0x15: {  	v55 =	vor.u32 $0x3006, v0;
	v56 =	vor.u32 $0x3806, v0;
	v57 =	vor.u32 $0x7, v0;
	s10 =	simm.s32 $0x6400;
	[tilespmem:$0x1FFD0] =	vst v1;
	s6 =	sadd.s32 s6, s4;
	s4 =	sadd.s32 $0xF5BA00, s4  }
0x16: {  	v58 =	vor.u32 $0x807, v0;
	v59 =	vor.u32 $0x1007, v0;
	v60 =	vor.u32 $0x1807, v0;
	[tilespmem:$0x1FFE0] =	vst v2;
	[dreg:$0x3] =	wrdreg s7;
	s7 =	sadd.s32 s31, s11;
	s11 =	simm.s32 $0xA400  }
0x17: {  	v61 =	vor.u32 $0x2007, v0;
	v62 =	vor.u32 $0x2807, v0;
	v63 =	vor.u32 $0x3007, v0;
	[tilespmem:$0x1FFF0] =	vst v3;
	s5 =	sadd.s32 $0xF42A00, s6;
	s6 =	smax.u32 s8, $0x1;
	s8 =	simm.s32 $0x5  }
.LBB2_1:
0x18: {  	[tilespmem:s3], [sflag:$0x5] =	stream.linear.gather [hbm4b:s5+s3], $0x6400, $0x38;
	[tilespmem:$0x10400] =	vst v63  }
0x19: {  	_ =	swait.ge [sflag:s8], $0x6400  }
0x1a: {  	[sflag:s8] =	ssyncset.done $0x0  }
0x1b: {  	s21 =	smov.u32 s7;
	s22 =	simm.s32 $0x0;
	[sflag:s8] =	ssyncadd.s32 $0xFFFF9C00  }
0x1c: {  	[tilespmem:s10], [sflag:$0x1] =	stream.indirect.gather [hbm4b:s4+s9], $0x80, s3, s9, $0xb8;
	[tilespmem:$0x10400] =	vst v63  }
.LBB2_2:
0x1d: {  	p0 =	seq.s32 s22, $0x0  }
0x1e: {  	s23 =	simm.s32 @!p0 $0x4  }
0x1f: {  	_ =	swait.ge @!p0 [sflag:s23], $0x1000  }
0x20: {  	s24 =	sshra.s32 s22, $0x2;
	[sflag:s23] =	ssyncset.done @!p0 $0x0  }
0x21: {  	s28 =	sadd.s32 $0x80, s24;
	[sflag:s23] =	ssyncadd.s32 @!p0 $0xFFFFF000  }
0x22: {  	[tilespmem:s11], [sflag:$0x2] =	stream.indirect.gather [hbm4b:s4+s9], $0x80, s28, s9, $0xb8;
	[tilespmem:$0x10400] =	vst v63  }
0x23: {  	_ =	swait.ge [sflag:s12], $0x4000  }
0x24: {  	[sflag:s12] =	ssyncset.done $0x0  }
0x25: {  	[sflag:s12] =	ssyncadd.s32 $0xFFFFC000  }
0x26: {  	v1 =	vld.idx.msk [tilespmem:v0+s10+$0x0], $0xffff;
	_ =	sdelay $0x4  }
0x27: {  	[tilespmem:$0xE400] =	vst v1  }
0x28: {  	v1 =	vld.idx.msk [tilespmem:v2+s10+$0x0], $0xffff;
	_ =	sdelay $0x4  }
0x29: {  	[tilespmem:$0xE410] =	vst v1  }
0x2a: {  	v1 =	vld.idx.msk [tilespmem:v3+s10+$0x0], $0xffff;
	_ =	sdelay $0x4  }
0x2b: {  	[tilespmem:$0xE420] =	vst v1  }
0x2c: {  	v1 =	vld.idx.msk [tilespmem:v4+s10+$0x0], $0xffff;
	_ =	sdelay $0x4  }
0x2d: {  	[tilespmem:$0xE430] =	vst v1  }
0x2e: {  	v1 =	vld.idx.msk [tilespmem:v5+s10+$0x0], $0xffff;
	_ =	sdelay $0x4  }
0x2f: {  	[tilespmem:$0xE440] =	vst v1  }
0x30: {  	v1 =	vld.idx.msk [tilespmem:v6+s10+$0x0], $0xffff;
	_ =	sdelay $0x4  }
0x31: {  	[tilespmem:$0xE450] =	vst v1  }
0x32: {  	v1 =	vld.idx.msk [tilespmem:v7+s10+$0x0], $0xffff;
	_ =	sdelay $0x4  }
0x33: {  	[tilespmem:$0xE460] =	vst v1  }
0x34: {  	v1 =	vld.idx.msk [tilespmem:v8+s10+$0x0], $0xffff;
	_ =	sdelay $0x4  }
0x35: {  	[tilespmem:$0xE470] =	vst v1  }
0x36: {  	v1 =	vld.idx.msk [tilespmem:v9+s10+$0x0], $0xffff;
	_ =	sdelay $0x4  }
0x37: {  	[tilespmem:$0xE480] =	vst v1  }
0x38: {  	v1 =	vld.idx.msk [tilespmem:v10+s10+$0x0], $0xffff;
	_ =	sdelay $0x4  }
0x39: {  	[tilespmem:$0xE490] =	vst v1  }
0x3a: {  	v1 =	vld.idx.msk [tilespmem:v11+s10+$0x0], $0xffff;
	_ =	sdelay $0x4  }
0x3b: {  	[tilespmem:$0xE4A0] =	vst v1  }
0x3c: {  	v1 =	vld.idx.msk [tilespmem:v12+s10+$0x0], $0xffff;
	_ =	sdelay $0x4  }
0x3d: {  	[tilespmem:$0xE4B0] =	vst v1  }
0x3e: {  	v1 =	vld.idx.msk [tilespmem:v13+s10+$0x0], $0xffff;
	_ =	sdelay $0x4  }
0x3f: {  	[tilespmem:$0xE4C0] =	vst v1  }
0x40: {  	v1 =	vld.idx.msk [tilespmem:v14+s10+$0x0], $0xffff;
	_ =	sdelay $0x4  }
0x41: {  	[tilespmem:$0xE4D0] =	vst v1  }
0x42: {  	v1 =	vld.idx.msk [tilespmem:v15+s10+$0x0], $0xffff;
	_ =	sdelay $0x4  }
0x43: {  	[tilespmem:$0xE4E0] =	vst v1  }
0x44: {  	v1 =	vld.idx.msk [tilespmem:v16+s10+$0x0], $0xffff;
	_ =	sdelay $0x4  }
0x45: {  	[tilespmem:$0xE4F0] =	vst v1  }
0x46: {  	v1 =	vld.idx.msk [tilespmem:v17+s10+$0x0], $0xffff;
	_ =	sdelay $0x4  }
0x47: {  	[tilespmem:$0xE500] =	vst v1  }
0x48: {  	v1 =	vld.idx.msk [tilespmem:v18+s10+$0x0], $0xffff;
	_ =	sdelay $0x4  }
0x49: {  	[tilespmem:$0xE510] =	vst v1  }
0x4a: {  	v1 =	vld.idx.msk [tilespmem:v19+s10+$0x0], $0xffff;
	_ =	sdelay $0x4  }
0x4b: {  	[tilespmem:$0xE520] =	vst v1  }
0x4c: {  	v1 =	vld.idx.msk [tilespmem:v20+s10+$0x0], $0xffff;
	_ =	sdelay $0x4  }
0x4d: {  	[tilespmem:$0xE530] =	vst v1  }
0x4e: {  	v1 =	vld.idx.msk [tilespmem:v21+s10+$0x0], $0xffff;
	_ =	sdelay $0x4  }
0x4f: {  	[tilespmem:$0xE540] =	vst v1  }
0x50: {  	v1 =	vld.idx.msk [tilespmem:v22+s10+$0x0], $0xffff;
	_ =	sdelay $0x4  }
0x51: {  	[tilespmem:$0xE550] =	vst v1  }
0x52: {  	v1 =	vld.idx.msk [tilespmem:v23+s10+$0x0], $0xffff;
	_ =	sdelay $0x4  }
0x53: {  	[tilespmem:$0xE560] =	vst v1  }
0x54: {  	v1 =	vld.idx.msk [tilespmem:v24+s10+$0x0], $0xffff;
	_ =	sdelay $0x4  }
0x55: {  	[tilespmem:$0xE570] =	vst v1  }
0x56: {  	v1 =	vld.idx.msk [tilespmem:v25+s10+$0x0], $0xffff;
	_ =	sdelay $0x4  }
0x57: {  	[tilespmem:$0xE580] =	vst v1  }
0x58: {  	v1 =	vld.idx.msk [tilespmem:v26+s10+$0x0], $0xffff;
	_ =	sdelay $0x4  }
0x59: {  	[tilespmem:$0xE590] =	vst v1  }
0x5a: {  	v1 =	vld.idx.msk [tilespmem:v27+s10+$0x0], $0xffff;
	_ =	sdelay $0x4  }
0x5b: {  	[tilespmem:$0xE5A0] =	vst v1  }
0x5c: {  	v1 =	vld.idx.msk [tilespmem:v28+s10+$0x0], $0xffff;
	_ =	sdelay $0x4  }
0x5d: {  	[tilespmem:$0xE5B0] =	vst v1  }
0x5e: {  	v1 =	vld.idx.msk [tilespmem:v29+s10+$0x0], $0xffff;
	_ =	sdelay $0x4  }
0x5f: {  	[tilespmem:$0xE5C0] =	vst v1  }
0x60: {  	v1 =	vld.idx.msk [tilespmem:v30+s10+$0x0], $0xffff;
	_ =	sdelay $0x4  }
0x61: {  	[tilespmem:$0xE5D0] =	vst v1  }
0x62: {  	v1 =	vld.idx.msk [tilespmem:v31+s10+$0x0], $0xffff;
	_ =	sdelay $0x4  }
0x63: {  	[tilespmem:$0xE5E0] =	vst v1  }
0x64: {  	v1 =	vld.idx.msk [tilespmem:v32+s10+$0x0], $0xffff;
	_ =	sdelay $0x4  }
0x65: {  	[tilespmem:$0xE5F0] =	vst v1  }
0x66: {  	v1 =	vld.idx.msk [tilespmem:v33+s10+$0x0], $0xffff;
	_ =	sdelay $0x4  }
0x67: {  	[tilespmem:$0xE600] =	vst v1  }
0x68: {  	v1 =	vld.idx.msk [tilespmem:v34+s10+$0x0], $0xffff;
	_ =	sdelay $0x4  }
0x69: {  	[tilespmem:$0xE610] =	vst v1  }
0x6a: {  	v1 =	vld.idx.msk [tilespmem:v35+s10+$0x0], $0xffff;
	_ =	sdelay $0x4  }
0x6b: {  	[tilespmem:$0xE620] =	vst v1  }
0x6c: {  	v1 =	vld.idx.msk [tilespmem:v36+s10+$0x0], $0xffff;
	_ =	sdelay $0x4  }
0x6d: {  	[tilespmem:$0xE630] =	vst v1  }
0x6e: {  	v1 =	vld.idx.msk [tilespmem:v37+s10+$0x0], $0xffff;
	_ =	sdelay $0x4  }
0x6f: {  	[tilespmem:$0xE640] =	vst v1  }
0x70: {  	v1 =	vld.idx.msk [tilespmem:v38+s10+$0x0], $0xffff;
	_ =	sdelay $0x4  }
0x71: {  	[tilespmem:$0xE650] =	vst v1  }
0x72: {  	v1 =	vld.idx.msk [tilespmem:v39+s10+$0x0], $0xffff;
	_ =	sdelay $0x4  }
0x73: {  	[tilespmem:$0xE660] =	vst v1  }
0x74: {  	v1 =	vld.idx.msk [tilespmem:v40+s10+$0x0], $0xffff;
	_ =	sdelay $0x4  }
0x75: {  	[tilespmem:$0xE670] =	vst v1  }
0x76: {  	v1 =	vld.idx.msk [tilespmem:v41+s10+$0x0], $0xffff;
	_ =	sdelay $0x4  }
0x77: {  	[tilespmem:$0xE680] =	vst v1  }
0x78: {  	v1 =	vld.idx.msk [tilespmem:v42+s10+$0x0], $0xffff;
	_ =	sdelay $0x4  }
0x79: {  	[tilespmem:$0xE690] =	vst v1  }
0x7a: {  	v1 =	vld.idx.msk [tilespmem:v43+s10+$0x0], $0xffff;
	_ =	sdelay $0x4  }
0x7b: {  	[tilespmem:$0xE6A0] =	vst v1  }
0x7c: {  	v1 =	vld.idx.msk [tilespmem:v44+s10+$0x0], $0xffff;
	_ =	sdelay $0x4  }
0x7d: {  	[tilespmem:$0xE6B0] =	vst v1  }
0x7e: {  	v1 =	vld.idx.msk [tilespmem:v45+s10+$0x0], $0xffff;
	_ =	sdelay $0x4  }
0x7f: {  	[tilespmem:$0xE6C0] =	vst v1  }
0x80: {  	v1 =	vld.idx.msk [tilespmem:v46+s10+$0x0], $0xffff;
	_ =	sdelay $0x4  }
0x81: {  	[tilespmem:$0xE6D0] =	vst v1  }
0x82: {  	v1 =	vld.idx.msk [tilespmem:v47+s10+$0x0], $0xffff;
	_ =	sdelay $0x4  }
0x83: {  	[tilespmem:$0xE6E0] =	vst v1  }
0x84: {  	v1 =	vld.idx.msk [tilespmem:v48+s10+$0x0], $0xffff;
	_ =	sdelay $0x4  }
0x85: {  	[tilespmem:$0xE6F0] =	vst v1  }
0x86: {  	v1 =	vld.idx.msk [tilespmem:v49+s10+$0x0], $0xffff;
	_ =	sdelay $0x4  }
0x87: {  	[tilespmem:$0xE700] =	vst v1  }
0x88: {  	v1 =	vld.idx.msk [tilespmem:v50+s10+$0x0], $0xffff;
	_ =	sdelay $0x4  }
0x89: {  	[tilespmem:$0xE710] =	vst v1  }
0x8a: {  	v1 =	vld.idx.msk [tilespmem:v51+s10+$0x0], $0xffff;
	_ =	sdelay $0x4  }
0x8b: {  	[tilespmem:$0xE720] =	vst v1  }
0x8c: {  	v1 =	vld.idx.msk [tilespmem:v52+s10+$0x0], $0xffff;
	_ =	sdelay $0x4  }
0x8d: {  	[tilespmem:$0xE730] =	vst v1  }
0x8e: {  	v1 =	vld.idx.msk [tilespmem:v53+s10+$0x0], $0xffff;
	_ =	sdelay $0x4  }
0x8f: {  	[tilespmem:$0xE740] =	vst v1  }
0x90: {  	v1 =	vld.idx.msk [tilespmem:v54+s10+$0x0], $0xffff;
	_ =	sdelay $0x4  }
0x91: {  	[tilespmem:$0xE750] =	vst v1  }
0x92: {  	v1 =	vld.idx.msk [tilespmem:v55+s10+$0x0], $0xffff;
	_ =	sdelay $0x4  }
0x93: {  	[tilespmem:$0xE760] =	vst v1  }
0x94: {  	v1 =	vld.idx.msk [tilespmem:v56+s10+$0x0], $0xffff;
	_ =	sdelay $0x4  }
0x95: {  	[tilespmem:$0xE770] =	vst v1  }
0x96: {  	v1 =	vld.idx.msk [tilespmem:v57+s10+$0x0], $0xffff;
	_ =	sdelay $0x4  }
0x97: {  	[tilespmem:$0xE780] =	vst v1  }
0x98: {  	v1 =	vld.idx.msk [tilespmem:v58+s10+$0x0], $0xffff;
	_ =	sdelay $0x4  }
0x99: {  	[tilespmem:$0xE790] =	vst v1  }
0x9a: {  	v1 =	vld.idx.msk [tilespmem:v59+s10+$0x0], $0xffff;
	_ =	sdelay $0x4  }
0x9b: {  	[tilespmem:$0xE7A0] =	vst v1  }
0x9c: {  	v1 =	vld.idx.msk [tilespmem:v60+s10+$0x0], $0xffff;
	_ =	sdelay $0x4  }
0x9d: {  	[tilespmem:$0xE7B0] =	vst v1  }
0x9e: {  	v1 =	vld.idx.msk [tilespmem:v61+s10+$0x0], $0xffff;
	_ =	sdelay $0x4  }
0x9f: {  	[tilespmem:$0xE7C0] =	vst v1  }
0xa0: {  	v1 =	vld.idx.msk [tilespmem:v62+s10+$0x0], $0xffff;
	_ =	sdelay $0x4  }
0xa1: {  	[tilespmem:$0xE7D0] =	vst v1  }
0xa2: {  	v1 =	vld.idx.msk [tilespmem:v63+s10+$0x0], $0xffff;
	_ =	sdelay $0x4  }
0xa3: {  	[tilespmem:$0xE7E0] =	vst v1;
	v1 =	vld [tilespmem:$0x1FFD0];
	_ =	sdelay $0x7  }
0xa4: {  	v2 =	vld.idx.msk [tilespmem:v1+s10+$0x0], $0xffff  }
0xa5: {  	v1 =	vor.u32 $0x8, v0;
	_ =	sdelay $0x3  }
0xa6: {  	[tilespmem:$0xE7F0] =	vst v2  }
0xa7: {  	v2 =	vld.idx.msk [tilespmem:v1+s10+$0x0], $0xffff  }
0xa8: {  	[tilespmem:$0x1F3E0] =	vst v1;
	v1 =	vor.u32 $0x808, v0;
	_ =	sdelay $0x3  }
0xa9: {  	[tilespmem:$0xE800] =	vst v2  }
0xaa: {  	v2 =	vld.idx.msk [tilespmem:v1+s10+$0x0], $0xffff  }
0xab: {  	[tilespmem:$0x1F3F0] =	vst v1;
	v1 =	vor.u32 $0x1008, v0;
	_ =	sdelay $0x3  }
0xac: {  	[tilespmem:$0xE810] =	vst v2  }
0xad: {  	v2 =	vld.idx.msk [tilespmem:v1+s10+$0x0], $0xffff  }
0xae: {  	[tilespmem:$0x1F400] =	vst v1;
	v1 =	vor.u32 $0x1808, v0;
	_ =	sdelay $0x3  }
0xaf: {  	[tilespmem:$0xE820] =	vst v2  }
0xb0: {  	v2 =	vld.idx.msk [tilespmem:v1+s10+$0x0], $0xffff  }
0xb1: {  	[tilespmem:$0x1F410] =	vst v1;
	v1 =	vor.u32 $0x2008, v0;
	_ =	sdelay $0x3  }
0xb2: {  	[tilespmem:$0xE830] =	vst v2  }
0xb3: {  	v2 =	vld.idx.msk [tilespmem:v1+s10+$0x0], $0xffff  }
0xb4: {  	[tilespmem:$0x1F420] =	vst v1;
	v1 =	vor.u32 $0x2808, v0;
	_ =	sdelay $0x3  }
0xb5: {  	[tilespmem:$0xE840] =	vst v2  }
0xb6: {  	v2 =	vld.idx.msk [tilespmem:v1+s10+$0x0], $0xffff  }
0xb7: {  	[tilespmem:$0x1F430] =	vst v1;
	v1 =	vor.u32 $0x3008, v0;
	_ =	sdelay $0x3  }
0xb8: {  	[tilespmem:$0xE850] =	vst v2  }
0xb9: {  	v2 =	vld.idx.msk [tilespmem:v1+s10+$0x0], $0xffff  }
0xba: {  	[tilespmem:$0x1F440] =	vst v1;
	v1 =	vor.u32 $0x3808, v0;
	_ =	sdelay $0x3  }
0xbb: {  	[tilespmem:$0xE860] =	vst v2  }
0xbc: {  	v2 =	vld.idx.msk [tilespmem:v1+s10+$0x0], $0xffff  }
0xbd: {  	[tilespmem:$0x1F450] =	vst v1;
	v1 =	vor.u32 $0x9, v0;
	_ =	sdelay $0x3  }
0xbe: {  	[tilespmem:$0xE870] =	vst v2  }
0xbf: {  	v2 =	vld.idx.msk [tilespmem:v1+s10+$0x0], $0xffff  }
0xc0: {  	[tilespmem:$0x1F460] =	vst v1;
	v1 =	vor.u32 $0x809, v0;
	_ =	sdelay $0x3  }
0xc1: {  	[tilespmem:$0xE880] =	vst v2  }
0xc2: {  	v2 =	vld.idx.msk [tilespmem:v1+s10+$0x0], $0xffff  }
0xc3: {  	[tilespmem:$0x1F470] =	vst v1;
	v1 =	vor.u32 $0x1009, v0;
	_ =	sdelay $0x3  }
0xc4: {  	[tilespmem:$0xE890] =	vst v2  }
0xc5: {  	v2 =	vld.idx.msk [tilespmem:v1+s10+$0x0], $0xffff  }
0xc6: {  	[tilespmem:$0x1F480] =	vst v1;
	v1 =	vor.u32 $0x1809, v0;
	_ =	sdelay $0x3  }
0xc7: {  	[tilespmem:$0xE8A0] =	vst v2  }
0xc8: {  	v2 =	vld.idx.msk [tilespmem:v1+s10+$0x0], $0xffff  }
0xc9: {  	[tilespmem:$0x1F490] =	vst v1;
	v1 =	vor.u32 $0x2009, v0;
	_ =	sdelay $0x3  }
0xca: {  	[tilespmem:$0xE8B0] =	vst v2  }
0xcb: {  	v2 =	vld.idx.msk [tilespmem:v1+s10+$0x0], $0xffff  }
0xcc: {  	[tilespmem:$0x1F4A0] =	vst v1;
	v1 =	vor.u32 $0x2809, v0;
	_ =	sdelay $0x3  }
0xcd: {  	[tilespmem:$0xE8C0] =	vst v2  }
0xce: {  	v2 =	vld.idx.msk [tilespmem:v1+s10+$0x0], $0xffff  }
0xcf: {  	[tilespmem:$0x1F4B0] =	vst v1;
	v1 =	vor.u32 $0x3009, v0;
	_ =	sdelay $0x3  }
0xd0: {  	[tilespmem:$0xE8D0] =	vst v2  }
0xd1: {  	v2 =	vld.idx.msk [tilespmem:v1+s10+$0x0], $0xffff  }
0xd2: {  	[tilespmem:$0x1F4C0] =	vst v1;
	v1 =	vor.u32 $0x3809, v0;
	_ =	sdelay $0x3  }
0xd3: {  	[tilespmem:$0xE8E0] =	vst v2  }
0xd4: {  	v2 =	vld.idx.msk [tilespmem:v1+s10+$0x0], $0xffff  }
0xd5: {  	[tilespmem:$0x1F4D0] =	vst v1;
	v1 =	vor.u32 $0xA, v0;
	_ =	sdelay $0x3  }
0xd6: {  	[tilespmem:$0xE8F0] =	vst v2  }
0xd7: {  	v2 =	vld.idx.msk [tilespmem:v1+s10+$0x0], $0xffff  }
0xd8: {  	[tilespmem:$0x1F4E0] =	vst v1;
	v1 =	vor.u32 $0x80A, v0;
	_ =	sdelay $0x3  }
0xd9: {  	[tilespmem:$0xE900] =	vst v2  }
0xda: {  	v2 =	vld.idx.msk [tilespmem:v1+s10+$0x0], $0xffff  }
0xdb: {  	[tilespmem:$0x1F4F0] =	vst v1;
	v1 =	vor.u32 $0x100A, v0;
	_ =	sdelay $0x3  }
0xdc: {  	[tilespmem:$0xE910] =	vst v2  }
0xdd: {  	v2 =	vld.idx.msk [tilespmem:v1+s10+$0x0], $0xffff  }
0xde: {  	[tilespmem:$0x1F500] =	vst v1;
	v1 =	vor.u32 $0x180A, v0;
	_ =	sdelay $0x3  }
0xdf: {  	[tilespmem:$0xE920] =	vst v2  }
0xe0: {  	v2 =	vld.idx.msk [tilespmem:v1+s10+$0x0], $0xffff  }
0xe1: {  	[tilespmem:$0x1F510] =	vst v1;
	v1 =	vor.u32 $0x200A, v0;
	_ =	sdelay $0x3  }
0xe2: {  	[tilespmem:$0xE930] =	vst v2  }
0xe3: {  	v2 =	vld.idx.msk [tilespmem:v1+s10+$0x0], $0xffff  }
0xe4: {  	[tilespmem:$0x1F520] =	vst v1;
	v1 =	vor.u32 $0x280A, v0;
	_ =	sdelay $0x3  }
0xe5: {  	[tilespmem:$0xE940] =	vst v2  }
0xe6: {  	v2 =	vld.idx.msk [tilespmem:v1+s10+$0x0], $0xffff  }
0xe7: {  	[tilespmem:$0x1F530] =	vst v1;
	v1 =	vor.u32 $0x300A, v0;
	_ =	sdelay $0x3  }
0xe8: {  	[tilespmem:$0xE950] =	vst v2  }
0xe9: {  	v2 =	vld.idx.msk [tilespmem:v1+s10+$0x0], $0xffff  }
0xea: {  	[tilespmem:$0x1F540] =	vst v1;
	v1 =	vor.u32 $0x380A, v0;
	_ =	sdelay $0x3  }
0xeb: {  	[tilespmem:$0xE960] =	vst v2  }
0xec: {  	v2 =	vld.idx.msk [tilespmem:v1+s10+$0x0], $0xffff  }
0xed: {  	[tilespmem:$0x1F550] =	vst v1;
	v1 =	vor.u32 $0xB, v0;
	_ =	sdelay $0x3  }
0xee: {  	[tilespmem:$0xE970] =	vst v2  }
0xef: {  	v2 =	vld.idx.msk [tilespmem:v1+s10+$0x0], $0xffff  }
0xf0: {  	[tilespmem:$0x1F560] =	vst v1;
	v1 =	vor.u32 $0x80B, v0;
	_ =	sdelay $0x3  }
0xf1: {  	[tilespmem:$0xE980] =	vst v2  }
0xf2: {  	v2 =	vld.idx.msk [tilespmem:v1+s10+$0x0], $0xffff  }
0xf3: {  	[tilespmem:$0x1F570] =	vst v1;
	v1 =	vor.u32 $0x100B, v0;
	_ =	sdelay $0x3  }
0xf4: {  	[tilespmem:$0xE990] =	vst v2  }
0xf5: {  	v2 =	vld.idx.msk [tilespmem:v1+s10+$0x0], $0xffff  }
0xf6: {  	[tilespmem:$0x1F580] =	vst v1;
	v1 =	vor.u32 $0x180B, v0;
	_ =	sdelay $0x3  }
0xf7: {  	[tilespmem:$0xE9A0] =	vst v2  }
0xf8: {  	v2 =	vld.idx.msk [tilespmem:v1+s10+$0x0], $0xffff  }
0xf9: {  	[tilespmem:$0x1F590] =	vst v1;
	v1 =	vor.u32 $0x200B, v0;
	_ =	sdelay $0x3  }
0xfa: {  	[tilespmem:$0xE9B0] =	vst v2  }
0xfb: {  	v2 =	vld.idx.msk [tilespmem:v1+s10+$0x0], $0xffff  }
0xfc: {  	[tilespmem:$0x1F5A0] =	vst v1;
	v1 =	vor.u32 $0x280B, v0;
	_ =	sdelay $0x3  }
0xfd: {  	[tilespmem:$0xE9C0] =	vst v2  }
0xfe: {  	v2 =	vld.idx.msk [tilespmem:v1+s10+$0x0], $0xffff  }
0xff: {  	[tilespmem:$0x1F5B0] =	vst v1;
	v1 =	vor.u32 $0x300B, v0;
	_ =	sdelay $0x3  }
0x100: {  	[tilespmem:$0xE9D0] =	vst v2  }
0x101: {  	v2 =	vld.idx.msk [tilespmem:v1+s10+$0x0], $0xffff  }
0x102: {  	[tilespmem:$0x1F5C0] =	vst v1;
	v1 =	vor.u32 $0x380B, v0;
	_ =	sdelay $0x3  }
0x103: {  	[tilespmem:$0xE9E0] =	vst v2  }
0x104: {  	v2 =	vld.idx.msk [tilespmem:v1+s10+$0x0], $0xffff  }
0x105: {  	[tilespmem:$0x1F5D0] =	vst v1;
	v1 =	vor.u32 $0xC, v0;
	_ =	sdelay $0x3  }
0x106: {  	[tilespmem:$0xE9F0] =	vst v2  }
0x107: {  	v2 =	vld.idx.msk [tilespmem:v1+s10+$0x0], $0xffff  }
0x108: {  	[tilespmem:$0x1F5E0] =	vst v1;
	v1 =	vor.u32 $0x80C, v0;
	_ =	sdelay $0x3  }
0x109: {  	[tilespmem:$0xEA00] =	vst v2  }
0x10a: {  	v2 =	vld.idx.msk [tilespmem:v1+s10+$0x0], $0xffff  }
0x10b: {  	[tilespmem:$0x1F5F0] =	vst v1;
	v1 =	vor.u32 $0x100C, v0;
	_ =	sdelay $0x3  }
0x10c: {  	[tilespmem:$0xEA10] =	vst v2  }
0x10d: {  	v2 =	vld.idx.msk [tilespmem:v1+s10+$0x0], $0xffff  }
0x10e: {  	[tilespmem:$0x1F600] =	vst v1;
	v1 =	vor.u32 $0x180C, v0;
	_ =	sdelay $0x3  }
0x10f: {  	[tilespmem:$0xEA20] =	vst v2  }
0x110: {  	v2 =	vld.idx.msk [tilespmem:v1+s10+$0x0], $0xffff  }
0x111: {  	[tilespmem:$0x1F610] =	vst v1;
	v1 =	vor.u32 $0x200C, v0;
	_ =	sdelay $0x3  }
0x112: {  	[tilespmem:$0xEA30] =	vst v2  }
0x113: {  	v2 =	vld.idx.msk [tilespmem:v1+s10+$0x0], $0xffff  }
0x114: {  	[tilespmem:$0x1F620] =	vst v1;
	v1 =	vor.u32 $0x280C, v0;
	_ =	sdelay $0x3  }
0x115: {  	[tilespmem:$0xEA40] =	vst v2  }
0x116: {  	v2 =	vld.idx.msk [tilespmem:v1+s10+$0x0], $0xffff  }
0x117: {  	[tilespmem:$0x1F630] =	vst v1;
	v1 =	vor.u32 $0x300C, v0;
	_ =	sdelay $0x3  }
0x118: {  	[tilespmem:$0xEA50] =	vst v2  }
0x119: {  	v2 =	vld.idx.msk [tilespmem:v1+s10+$0x0], $0xffff  }
0x11a: {  	[tilespmem:$0x1F640] =	vst v1;
	v1 =	vor.u32 $0x380C, v0;
	_ =	sdelay $0x3  }
0x11b: {  	[tilespmem:$0xEA60] =	vst v2  }
0x11c: {  	v2 =	vld.idx.msk [tilespmem:v1+s10+$0x0], $0xffff  }
0x11d: {  	[tilespmem:$0x1F650] =	vst v1;
	v1 =	vor.u32 $0xD, v0;
	_ =	sdelay $0x3  }
0x11e: {  	[tilespmem:$0xEA70] =	vst v2  }
0x11f: {  	v2 =	vld.idx.msk [tilespmem:v1+s10+$0x0], $0xffff  }
0x120: {  	[tilespmem:$0x1F660] =	vst v1;
	v1 =	vor.u32 $0x80D, v0;
	_ =	sdelay $0x3  }
0x121: {  	[tilespmem:$0xEA80] =	vst v2  }
0x122: {  	v2 =	vld.idx.msk [tilespmem:v1+s10+$0x0], $0xffff  }
0x123: {  	[tilespmem:$0x1F670] =	vst v1;
	v1 =	vor.u32 $0x100D, v0;
	_ =	sdelay $0x3  }
0x124: {  	[tilespmem:$0xEA90] =	vst v2  }
0x125: {  	v2 =	vld.idx.msk [tilespmem:v1+s10+$0x0], $0xffff  }
0x126: {  	[tilespmem:$0x1F680] =	vst v1;
	v1 =	vor.u32 $0x180D, v0;
	_ =	sdelay $0x3  }
0x127: {  	[tilespmem:$0xEAA0] =	vst v2  }
0x128: {  	v2 =	vld.idx.msk [tilespmem:v1+s10+$0x0], $0xffff  }
0x129: {  	[tilespmem:$0x1F690] =	vst v1;
	v1 =	vor.u32 $0x200D, v0;
	_ =	sdelay $0x3  }
0x12a: {  	[tilespmem:$0xEAB0] =	vst v2  }
0x12b: {  	v2 =	vld.idx.msk [tilespmem:v1+s10+$0x0], $0xffff  }
0x12c: {  	[tilespmem:$0x1F6A0] =	vst v1;
	v1 =	vor.u32 $0x280D, v0;
	_ =	sdelay $0x3  }
0x12d: {  	[tilespmem:$0xEAC0] =	vst v2  }
0x12e: {  	v2 =	vld.idx.msk [tilespmem:v1+s10+$0x0], $0xffff  }
0x12f: {  	[tilespmem:$0x1F6B0] =	vst v1;
	v1 =	vor.u32 $0x300D, v0;
	_ =	sdelay $0x3  }
0x130: {  	[tilespmem:$0xEAD0] =	vst v2  }
0x131: {  	v2 =	vld.idx.msk [tilespmem:v1+s10+$0x0], $0xffff  }
0x132: {  	[tilespmem:$0x1F6C0] =	vst v1;
	v1 =	vor.u32 $0x380D, v0;
	_ =	sdelay $0x3  }
0x133: {  	[tilespmem:$0xEAE0] =	vst v2  }
0x134: {  	v2 =	vld.idx.msk [tilespmem:v1+s10+$0x0], $0xffff  }
0x135: {  	[tilespmem:$0x1F6D0] =	vst v1;
	v1 =	vor.u32 $0xE, v0;
	_ =	sdelay $0x3  }
0x136: {  	[tilespmem:$0xEAF0] =	vst v2  }
0x137: {  	v2 =	vld.idx.msk [tilespmem:v1+s10+$0x0], $0xffff  }
0x138: {  	[tilespmem:$0x1F6E0] =	vst v1;
	v1 =	vor.u32 $0x80E, v0;
	_ =	sdelay $0x3  }
0x139: {  	[tilespmem:$0xEB00] =	vst v2  }
0x13a: {  	v2 =	vld.idx.msk [tilespmem:v1+s10+$0x0], $0xffff  }
0x13b: {  	[tilespmem:$0x1F6F0] =	vst v1;
	v1 =	vor.u32 $0x100E, v0;
	_ =	sdelay $0x3  }
0x13c: {  	[tilespmem:$0xEB10] =	vst v2  }
0x13d: {  	v2 =	vld.idx.msk [tilespmem:v1+s10+$0x0], $0xffff  }
0x13e: {  	[tilespmem:$0x1F700] =	vst v1;
	v1 =	vor.u32 $0x180E, v0;
	_ =	sdelay $0x3  }
0x13f: {  	[tilespmem:$0xEB20] =	vst v2  }
0x140: {  	v2 =	vld.idx.msk [tilespmem:v1+s10+$0x0], $0xffff  }
0x141: {  	[tilespmem:$0x1F710] =	vst v1;
	v1 =	vor.u32 $0x200E, v0;
	_ =	sdelay $0x3  }
0x142: {  	[tilespmem:$0xEB30] =	vst v2  }
0x143: {  	v2 =	vld.idx.msk [tilespmem:v1+s10+$0x0], $0xffff  }
0x144: {  	[tilespmem:$0x1F720] =	vst v1;
	v1 =	vor.u32 $0x280E, v0;
	_ =	sdelay $0x3  }
0x145: {  	[tilespmem:$0xEB40] =	vst v2  }
0x146: {  	v2 =	vld.idx.msk [tilespmem:v1+s10+$0x0], $0xffff  }
0x147: {  	[tilespmem:$0x1F730] =	vst v1;
	v1 =	vor.u32 $0x300E, v0;
	_ =	sdelay $0x3  }
0x148: {  	[tilespmem:$0xEB50] =	vst v2  }
0x149: {  	v2 =	vld.idx.msk [tilespmem:v1+s10+$0x0], $0xffff  }
0x14a: {  	[tilespmem:$0x1F740] =	vst v1;
	v1 =	vor.u32 $0x380E, v0;
	_ =	sdelay $0x3  }
0x14b: {  	[tilespmem:$0xEB60] =	vst v2  }
0x14c: {  	v2 =	vld.idx.msk [tilespmem:v1+s10+$0x0], $0xffff  }
0x14d: {  	[tilespmem:$0x1F750] =	vst v1;
	v1 =	vor.u32 $0xF, v0;
	_ =	sdelay $0x3  }
0x14e: {  	[tilespmem:$0xEB70] =	vst v2  }
0x14f: {  	v2 =	vld.idx.msk [tilespmem:v1+s10+$0x0], $0xffff  }
0x150: {  	[tilespmem:$0x1F760] =	vst v1;
	v1 =	vor.u32 $0x80F, v0;
	_ =	sdelay $0x3  }
0x151: {  	[tilespmem:$0xEB80] =	vst v2  }
0x152: {  	v2 =	vld.idx.msk [tilespmem:v1+s10+$0x0], $0xffff  }
0x153: {  	[tilespmem:$0x1F770] =	vst v1;
	v1 =	vor.u32 $0x100F, v0;
	_ =	sdelay $0x3  }
0x154: {  	[tilespmem:$0xEB90] =	vst v2  }
0x155: {  	v2 =	vld.idx.msk [tilespmem:v1+s10+$0x0], $0xffff  }
0x156: {  	[tilespmem:$0x1F780] =	vst v1;
	v1 =	vor.u32 $0x180F, v0;
	_ =	sdelay $0x3  }
0x157: {  	[tilespmem:$0xEBA0] =	vst v2  }
0x158: {  	v2 =	vld.idx.msk [tilespmem:v1+s10+$0x0], $0xffff  }
0x159: {  	[tilespmem:$0x1F790] =	vst v1;
	v1 =	vor.u32 $0x200F, v0;
	_ =	sdelay $0x3  }
0x15a: {  	[tilespmem:$0xEBB0] =	vst v2  }
0x15b: {  	v2 =	vld.idx.msk [tilespmem:v1+s10+$0x0], $0xffff  }
0x15c: {  	[tilespmem:$0x1F7A0] =	vst v1;
	v1 =	vor.u32 $0x280F, v0;
	_ =	sdelay $0x3  }
0x15d: {  	[tilespmem:$0xEBC0] =	vst v2  }
0x15e: {  	v2 =	vld.idx.msk [tilespmem:v1+s10+$0x0], $0xffff  }
0x15f: {  	[tilespmem:$0x1F7B0] =	vst v1;
	v1 =	vor.u32 $0x300F, v0;
	_ =	sdelay $0x3  }
0x160: {  	[tilespmem:$0xEBD0] =	vst v2  }
0x161: {  	v2 =	vld.idx.msk [tilespmem:v1+s10+$0x0], $0xffff  }
0x162: {  	[tilespmem:$0x1F7C0] =	vst v1;
	v1 =	vor.u32 $0x380F, v0;
	_ =	sdelay $0x3  }
0x163: {  	[tilespmem:$0xEBE0] =	vst v2  }
0x164: {  	v2 =	vld.idx.msk [tilespmem:v1+s10+$0x0], $0xffff  }
0x165: {  	[tilespmem:$0x1F7D0] =	vst v1;
	v1 =	vor.u32 $0x10, v0;
	_ =	sdelay $0x3  }
0x166: {  	[tilespmem:$0xEBF0] =	vst v2  }
0x167: {  	v2 =	vld.idx.msk [tilespmem:v1+s10+$0x0], $0xffff  }
0x168: {  	[tilespmem:$0x1F7E0] =	vst v1;
	v1 =	vor.u32 $0x810, v0;
	_ =	sdelay $0x3  }
0x169: {  	[tilespmem:$0xEC00] =	vst v2  }
0x16a: {  	v2 =	vld.idx.msk [tilespmem:v1+s10+$0x0], $0xffff  }
0x16b: {  	[tilespmem:$0x1F7F0] =	vst v1;
	v1 =	vor.u32 $0x1010, v0;
	_ =	sdelay $0x3  }
0x16c: {  	[tilespmem:$0xEC10] =	vst v2  }
0x16d: {  	v2 =	vld.idx.msk [tilespmem:v1+s10+$0x0], $0xffff  }
0x16e: {  	[tilespmem:$0x1F800] =	vst v1;
	v1 =	vor.u32 $0x1810, v0;
	_ =	sdelay $0x3  }
0x16f: {  	[tilespmem:$0xEC20] =	vst v2  }
0x170: {  	v2 =	vld.idx.msk [tilespmem:v1+s10+$0x0], $0xffff  }
0x171: {  	[tilespmem:$0x1F810] =	vst v1;
	v1 =	vor.u32 $0x2010, v0;
	_ =	sdelay $0x3  }
0x172: {  	[tilespmem:$0xEC30] =	vst v2  }
0x173: {  	v2 =	vld.idx.msk [tilespmem:v1+s10+$0x0], $0xffff  }
0x174: {  	[tilespmem:$0x1F820] =	vst v1;
	v1 =	vor.u32 $0x2810, v0;
	_ =	sdelay $0x3  }
0x175: {  	[tilespmem:$0xEC40] =	vst v2  }
0x176: {  	v2 =	vld.idx.msk [tilespmem:v1+s10+$0x0], $0xffff  }
0x177: {  	[tilespmem:$0x1F830] =	vst v1;
	v1 =	vor.u32 $0x3010, v0;
	_ =	sdelay $0x3  }
0x178: {  	[tilespmem:$0xEC50] =	vst v2  }
0x179: {  	v2 =	vld.idx.msk [tilespmem:v1+s10+$0x0], $0xffff  }
0x17a: {  	[tilespmem:$0x1F840] =	vst v1;
	v1 =	vor.u32 $0x3810, v0;
	_ =	sdelay $0x3  }
0x17b: {  	[tilespmem:$0xEC60] =	vst v2  }
0x17c: {  	v2 =	vld.idx.msk [tilespmem:v1+s10+$0x0], $0xffff  }
0x17d: {  	[tilespmem:$0x1F850] =	vst v1;
	v1 =	vor.u32 $0x11, v0;
	_ =	sdelay $0x3  }
0x17e: {  	[tilespmem:$0xEC70] =	vst v2  }
0x17f: {  	v2 =	vld.idx.msk [tilespmem:v1+s10+$0x0], $0xffff  }
0x180: {  	[tilespmem:$0x1F860] =	vst v1;
	v1 =	vor.u32 $0x811, v0;
	_ =	sdelay $0x3  }
0x181: {  	[tilespmem:$0xEC80] =	vst v2  }
0x182: {  	v2 =	vld.idx.msk [tilespmem:v1+s10+$0x0], $0xffff  }
0x183: {  	[tilespmem:$0x1F870] =	vst v1;
	v1 =	vor.u32 $0x1011, v0;
	_ =	sdelay $0x3  }
0x184: {  	[tilespmem:$0xEC90] =	vst v2  }
0x185: {  	v2 =	vld.idx.msk [tilespmem:v1+s10+$0x0], $0xffff  }
0x186: {  	[tilespmem:$0x1F880] =	vst v1;
	v1 =	vor.u32 $0x1811, v0;
	_ =	sdelay $0x3  }
0x187: {  	[tilespmem:$0xECA0] =	vst v2  }
0x188: {  	v2 =	vld.idx.msk [tilespmem:v1+s10+$0x0], $0xffff  }
0x189: {  	[tilespmem:$0x1F890] =	vst v1;
	v1 =	vor.u32 $0x2011, v0;
	_ =	sdelay $0x3  }
0x18a: {  	[tilespmem:$0xECB0] =	vst v2  }
0x18b: {  	v2 =	vld.idx.msk [tilespmem:v1+s10+$0x0], $0xffff  }
0x18c: {  	[tilespmem:$0x1F8A0] =	vst v1;
	v1 =	vor.u32 $0x2811, v0;
	_ =	sdelay $0x3  }
0x18d: {  	[tilespmem:$0xECC0] =	vst v2  }
0x18e: {  	v2 =	vld.idx.msk [tilespmem:v1+s10+$0x0], $0xffff  }
0x18f: {  	[tilespmem:$0x1F8B0] =	vst v1;
	v1 =	vor.u32 $0x3011, v0;
	_ =	sdelay $0x3  }
0x190: {  	[tilespmem:$0xECD0] =	vst v2  }
0x191: {  	v2 =	vld.idx.msk [tilespmem:v1+s10+$0x0], $0xffff  }
0x192: {  	[tilespmem:$0x1F8C0] =	vst v1;
	v1 =	vor.u32 $0x3811, v0;
	_ =	sdelay $0x3  }
0x193: {  	[tilespmem:$0xECE0] =	vst v2  }
0x194: {  	v2 =	vld.idx.msk [tilespmem:v1+s10+$0x0], $0xffff  }
0x195: {  	[tilespmem:$0x1F8D0] =	vst v1;
	v1 =	vor.u32 $0x12, v0;
	_ =	sdelay $0x3  }
0x196: {  	[tilespmem:$0xECF0] =	vst v2  }
0x197: {  	v2 =	vld.idx.msk [tilespmem:v1+s10+$0x0], $0xffff  }
0x198: {  	[tilespmem:$0x1F8E0] =	vst v1;
	v1 =	vor.u32 $0x812, v0;
	_ =	sdelay $0x3  }
0x199: {  	[tilespmem:$0xED00] =	vst v2  }
0x19a: {  	v2 =	vld.idx.msk [tilespmem:v1+s10+$0x0], $0xffff  }
0x19b: {  	[tilespmem:$0x1F8F0] =	vst v1;
	v1 =	vor.u32 $0x1012, v0;
	_ =	sdelay $0x3  }
0x19c: {  	[tilespmem:$0xED10] =	vst v2  }
0x19d: {  	v2 =	vld.idx.msk [tilespmem:v1+s10+$0x0], $0xffff  }
0x19e: {  	[tilespmem:$0x1F900] =	vst v1;
	v1 =	vor.u32 $0x1812, v0;
	_ =	sdelay $0x3  }
0x19f: {  	[tilespmem:$0xED20] =	vst v2  }
0x1a0: {  	v2 =	vld.idx.msk [tilespmem:v1+s10+$0x0], $0xffff  }
0x1a1: {  	[tilespmem:$0x1F910] =	vst v1;
	v1 =	vor.u32 $0x2012, v0;
	_ =	sdelay $0x3  }
0x1a2: {  	[tilespmem:$0xED30] =	vst v2  }
0x1a3: {  	v2 =	vld.idx.msk [tilespmem:v1+s10+$0x0], $0xffff  }
0x1a4: {  	[tilespmem:$0x1F920] =	vst v1;
	v1 =	vor.u32 $0x2812, v0;
	_ =	sdelay $0x3  }
0x1a5: {  	[tilespmem:$0xED40] =	vst v2  }
0x1a6: {  	v2 =	vld.idx.msk [tilespmem:v1+s10+$0x0], $0xffff  }
0x1a7: {  	[tilespmem:$0x1F930] =	vst v1;
	v1 =	vor.u32 $0x3012, v0;
	_ =	sdelay $0x3  }
0x1a8: {  	[tilespmem:$0xED50] =	vst v2  }
0x1a9: {  	v2 =	vld.idx.msk [tilespmem:v1+s10+$0x0], $0xffff  }
0x1aa: {  	[tilespmem:$0x1F940] =	vst v1;
	v1 =	vor.u32 $0x3812, v0;
	_ =	sdelay $0x3  }
0x1ab: {  	[tilespmem:$0xED60] =	vst v2  }
0x1ac: {  	v2 =	vld.idx.msk [tilespmem:v1+s10+$0x0], $0xffff  }
0x1ad: {  	[tilespmem:$0x1F950] =	vst v1;
	v1 =	vor.u32 $0x13, v0;
	_ =	sdelay $0x3  }
0x1ae: {  	[tilespmem:$0xED70] =	vst v2  }
0x1af: {  	v2 =	vld.idx.msk [tilespmem:v1+s10+$0x0], $0xffff  }
0x1b0: {  	[tilespmem:$0x1F960] =	vst v1;
	v1 =	vor.u32 $0x813, v0;
	_ =	sdelay $0x3  }
0x1b1: {  	[tilespmem:$0xED80] =	vst v2  }
0x1b2: {  	v2 =	vld.idx.msk [tilespmem:v1+s10+$0x0], $0xffff  }
0x1b3: {  	[tilespmem:$0x1F970] =	vst v1;
	v1 =	vor.u32 $0x1013, v0;
	_ =	sdelay $0x3  }
0x1b4: {  	[tilespmem:$0xED90] =	vst v2  }
0x1b5: {  	v2 =	vld.idx.msk [tilespmem:v1+s10+$0x0], $0xffff  }
0x1b6: {  	[tilespmem:$0x1F980] =	vst v1;
	v1 =	vor.u32 $0x1813, v0;
	_ =	sdelay $0x3  }
0x1b7: {  	[tilespmem:$0xEDA0] =	vst v2  }
0x1b8: {  	v2 =	vld.idx.msk [tilespmem:v1+s10+$0x0], $0xffff  }
0x1b9: {  	[tilespmem:$0x1F990] =	vst v1;
	v1 =	vor.u32 $0x2013, v0;
	_ =	sdelay $0x3  }
0x1ba: {  	[tilespmem:$0xEDB0] =	vst v2  }
0x1bb: {  	v2 =	vld.idx.msk [tilespmem:v1+s10+$0x0], $0xffff  }
0x1bc: {  	[tilespmem:$0x1F9A0] =	vst v1;
	v1 =	vor.u32 $0x2813, v0;
	_ =	sdelay $0x3  }
0x1bd: {  	[tilespmem:$0xEDC0] =	vst v2  }
0x1be: {  	v2 =	vld.idx.msk [tilespmem:v1+s10+$0x0], $0xffff  }
0x1bf: {  	[tilespmem:$0x1F9B0] =	vst v1;
	v1 =	vor.u32 $0x3013, v0;
	_ =	sdelay $0x3  }
0x1c0: {  	[tilespmem:$0xEDD0] =	vst v2  }
0x1c1: {  	v2 =	vld.idx.msk [tilespmem:v1+s10+$0x0], $0xffff  }
0x1c2: {  	[tilespmem:$0x1F9C0] =	vst v1;
	v1 =	vor.u32 $0x3813, v0;
	_ =	sdelay $0x3  }
0x1c3: {  	[tilespmem:$0xEDE0] =	vst v2  }
0x1c4: {  	v2 =	vld.idx.msk [tilespmem:v1+s10+$0x0], $0xffff  }
0x1c5: {  	[tilespmem:$0x1F9D0] =	vst v1;
	v1 =	vor.u32 $0x14, v0;
	_ =	sdelay $0x3  }
0x1c6: {  	[tilespmem:$0xEDF0] =	vst v2  }
0x1c7: {  	v2 =	vld.idx.msk [tilespmem:v1+s10+$0x0], $0xffff  }
0x1c8: {  	[tilespmem:$0x1F9E0] =	vst v1;
	v1 =	vor.u32 $0x814, v0;
	_ =	sdelay $0x2  }
0x1c9: {  	[tilespmem:$0x1F9F0] =	vst v1  }
0x1ca: {  	[tilespmem:$0xEE00] =	vst v2  }
0x1cb: {  	v2 =	vld.idx.msk [tilespmem:v1+s10+$0x0], $0xffff  }
0x1cc: {  	v1 =	vor.u32 $0x1014, v0;
	_ =	sdelay $0x3  }
0x1cd: {  	[tilespmem:$0xEE10] =	vst v2  }
0x1ce: {  	v2 =	vld.idx.msk [tilespmem:v1+s10+$0x0], $0xffff  }
0x1cf: {  	[tilespmem:$0x1FA00] =	vst v1;
	v1 =	vor.u32 $0x1814, v0;
	_ =	sdelay $0x3  }
0x1d0: {  	[tilespmem:$0xEE20] =	vst v2  }
0x1d1: {  	v2 =	vld.idx.msk [tilespmem:v1+s10+$0x0], $0xffff  }
0x1d2: {  	[tilespmem:$0x1FA10] =	vst v1;
	v1 =	vor.u32 $0x2014, v0;
	_ =	sdelay $0x3  }
0x1d3: {  	[tilespmem:$0xEE30] =	vst v2  }
0x1d4: {  	v2 =	vld.idx.msk [tilespmem:v1+s10+$0x0], $0xffff  }
0x1d5: {  	[tilespmem:$0x1FA20] =	vst v1;
	v1 =	vor.u32 $0x2814, v0;
	_ =	sdelay $0x3  }
0x1d6: {  	[tilespmem:$0xEE40] =	vst v2  }
0x1d7: {  	v2 =	vld.idx.msk [tilespmem:v1+s10+$0x0], $0xffff  }
0x1d8: {  	[tilespmem:$0x1FA30] =	vst v1;
	v1 =	vor.u32 $0x3014, v0;
	_ =	sdelay $0x3  }
0x1d9: {  	[tilespmem:$0xEE50] =	vst v2  }
0x1da: {  	v2 =	vld.idx.msk [tilespmem:v1+s10+$0x0], $0xffff  }
0x1db: {  	[tilespmem:$0x1FA40] =	vst v1;
	v1 =	vor.u32 $0x3814, v0;
	_ =	sdelay $0x3  }
0x1dc: {  	[tilespmem:$0xEE60] =	vst v2  }
0x1dd: {  	v2 =	vld.idx.msk [tilespmem:v1+s10+$0x0], $0xffff  }
0x1de: {  	[tilespmem:$0x1FA50] =	vst v1;
	v1 =	vor.u32 $0x15, v0;
	_ =	sdelay $0x3  }
0x1df: {  	[tilespmem:$0xEE70] =	vst v2  }
0x1e0: {  	v2 =	vld.idx.msk [tilespmem:v1+s10+$0x0], $0xffff  }
0x1e1: {  	[tilespmem:$0x1FA60] =	vst v1;
	v1 =	vor.u32 $0x815, v0;
	_ =	sdelay $0x3  }
0x1e2: {  	[tilespmem:$0xEE80] =	vst v2  }
0x1e3: {  	v2 =	vld.idx.msk [tilespmem:v1+s10+$0x0], $0xffff  }
0x1e4: {  	[tilespmem:$0x1FA70] =	vst v1;
	v1 =	vor.u32 $0x1015, v0;
	_ =	sdelay $0x3  }
0x1e5: {  	[tilespmem:$0xEE90] =	vst v2  }
0x1e6: {  	v2 =	vld.idx.msk [tilespmem:v1+s10+$0x0], $0xffff  }
0x1e7: {  	[tilespmem:$0x1FA80] =	vst v1;
	v1 =	vor.u32 $0x1815, v0;
	_ =	sdelay $0x3  }
0x1e8: {  	[tilespmem:$0xEEA0] =	vst v2  }
0x1e9: {  	v2 =	vld.idx.msk [tilespmem:v1+s10+$0x0], $0xffff  }
0x1ea: {  	[tilespmem:$0x1FA90] =	vst v1;
	v1 =	vor.u32 $0x2015, v0;
	_ =	sdelay $0x3  }
0x1eb: {  	[tilespmem:$0xEEB0] =	vst v2  }
0x1ec: {  	v2 =	vld.idx.msk [tilespmem:v1+s10+$0x0], $0xffff  }
0x1ed: {  	[tilespmem:$0x1FAA0] =	vst v1;
	v1 =	vor.u32 $0x2815, v0;
	_ =	sdelay $0x3  }
0x1ee: {  	[tilespmem:$0xEEC0] =	vst v2  }
0x1ef: {  	v2 =	vld.idx.msk [tilespmem:v1+s10+$0x0], $0xffff  }
0x1f0: {  	[tilespmem:$0x1FAB0] =	vst v1;
	v1 =	vor.u32 $0x3015, v0;
	_ =	sdelay $0x3  }
0x1f1: {  	[tilespmem:$0xEED0] =	vst v2  }
0x1f2: {  	v2 =	vld.idx.msk [tilespmem:v1+s10+$0x0], $0xffff  }
0x1f3: {  	[tilespmem:$0x1FAC0] =	vst v1;
	v1 =	vor.u32 $0x3815, v0;
	_ =	sdelay $0x3  }
0x1f4: {  	[tilespmem:$0xEEE0] =	vst v2  }
0x1f5: {  	v2 =	vld.idx.msk [tilespmem:v1+s10+$0x0], $0xffff  }
0x1f6: {  	[tilespmem:$0x1FAD0] =	vst v1;
	v1 =	vor.u32 $0x16, v0;
	_ =	sdelay $0x3  }
0x1f7: {  	[tilespmem:$0xEEF0] =	vst v2  }
0x1f8: {  	v2 =	vld.idx.msk [tilespmem:v1+s10+$0x0], $0xffff  }
0x1f9: {  	[tilespmem:$0x1FAE0] =	vst v1;
	v1 =	vor.u32 $0x816, v0;
	_ =	sdelay $0x3  }
0x1fa: {  	[tilespmem:$0xEF00] =	vst v2  }
0x1fb: {  	v2 =	vld.idx.msk [tilespmem:v1+s10+$0x0], $0xffff  }
0x1fc: {  	[tilespmem:$0x1FAF0] =	vst v1;
	v1 =	vor.u32 $0x1016, v0;
	_ =	sdelay $0x3  }
0x1fd: {  	[tilespmem:$0xEF10] =	vst v2  }
0x1fe: {  	v2 =	vld.idx.msk [tilespmem:v1+s10+$0x0], $0xffff  }
0x1ff: {  	[tilespmem:$0x1FB00] =	vst v1;
	v1 =	vor.u32 $0x1816, v0;
	_ =	sdelay $0x3  }
0x200: {  	[tilespmem:$0xEF20] =	vst v2  }
0x201: {  	v2 =	vld.idx.msk [tilespmem:v1+s10+$0x0], $0xffff  }
0x202: {  	[tilespmem:$0x1FB10] =	vst v1;
	v1 =	vor.u32 $0x2016, v0;
	_ =	sdelay $0x3  }
0x203: {  	[tilespmem:$0xEF30] =	vst v2  }
0x204: {  	v2 =	vld.idx.msk [tilespmem:v1+s10+$0x0], $0xffff  }
0x205: {  	[tilespmem:$0x1FB20] =	vst v1;
	v1 =	vor.u32 $0x2816, v0;
	_ =	sdelay $0x3  }
0x206: {  	[tilespmem:$0xEF40] =	vst v2  }
0x207: {  	v2 =	vld.idx.msk [tilespmem:v1+s10+$0x0], $0xffff  }
0x208: {  	[tilespmem:$0x1FB30] =	vst v1;
	v1 =	vor.u32 $0x3016, v0;
	_ =	sdelay $0x3  }
0x209: {  	[tilespmem:$0xEF50] =	vst v2  }
0x20a: {  	v2 =	vld.idx.msk [tilespmem:v1+s10+$0x0], $0xffff  }
0x20b: {  	[tilespmem:$0x1FB40] =	vst v1;
	v1 =	vor.u32 $0x3816, v0;
	_ =	sdelay $0x3  }
0x20c: {  	[tilespmem:$0xEF60] =	vst v2  }
0x20d: {  	v2 =	vld.idx.msk [tilespmem:v1+s10+$0x0], $0xffff  }
0x20e: {  	[tilespmem:$0x1FB50] =	vst v1;
	v1 =	vor.u32 $0x17, v0;
	_ =	sdelay $0x3  }
0x20f: {  	[tilespmem:$0xEF70] =	vst v2  }
0x210: {  	v2 =	vld.idx.msk [tilespmem:v1+s10+$0x0], $0xffff  }
0x211: {  	[tilespmem:$0x1FB60] =	vst v1;
	v1 =	vor.u32 $0x817, v0;
	_ =	sdelay $0x3  }
0x212: {  	[tilespmem:$0xEF80] =	vst v2  }
0x213: {  	v2 =	vld.idx.msk [tilespmem:v1+s10+$0x0], $0xffff  }
0x214: {  	[tilespmem:$0x1FB70] =	vst v1;
	v1 =	vor.u32 $0x1017, v0;
	_ =	sdelay $0x3  }
0x215: {  	[tilespmem:$0xEF90] =	vst v2  }
0x216: {  	v2 =	vld.idx.msk [tilespmem:v1+s10+$0x0], $0xffff  }
0x217: {  	[tilespmem:$0x1FB80] =	vst v1;
	v1 =	vor.u32 $0x1817, v0;
	_ =	sdelay $0x3  }
0x218: {  	[tilespmem:$0xEFA0] =	vst v2  }
0x219: {  	v2 =	vld.idx.msk [tilespmem:v1+s10+$0x0], $0xffff  }
0x21a: {  	[tilespmem:$0x1FB90] =	vst v1;
	v1 =	vor.u32 $0x2017, v0;
	_ =	sdelay $0x3  }
0x21b: {  	[tilespmem:$0xEFB0] =	vst v2  }
0x21c: {  	v2 =	vld.idx.msk [tilespmem:v1+s10+$0x0], $0xffff  }
0x21d: {  	[tilespmem:$0x1FBA0] =	vst v1;
	v1 =	vor.u32 $0x2817, v0;
	_ =	sdelay $0x3  }
0x21e: {  	[tilespmem:$0xEFC0] =	vst v2  }
0x21f: {  	v2 =	vld.idx.msk [tilespmem:v1+s10+$0x0], $0xffff  }
0x220: {  	[tilespmem:$0x1FBB0] =	vst v1;
	v1 =	vor.u32 $0x3017, v0;
	_ =	sdelay $0x3  }
0x221: {  	[tilespmem:$0xEFD0] =	vst v2  }
0x222: {  	v2 =	vld.idx.msk [tilespmem:v1+s10+$0x0], $0xffff  }
0x223: {  	[tilespmem:$0x1FBC0] =	vst v1;
	v1 =	vor.u32 $0x3817, v0;
	_ =	sdelay $0x3  }
0x224: {  	[tilespmem:$0xEFE0] =	vst v2  }
0x225: {  	v2 =	vld.idx.msk [tilespmem:v1+s10+$0x0], $0xffff  }
0x226: {  	[tilespmem:$0x1FBD0] =	vst v1;
	v1 =	vor.u32 $0x18, v0;
	_ =	sdelay $0x3  }
0x227: {  	[tilespmem:$0xEFF0] =	vst v2  }
0x228: {  	v2 =	vld.idx.msk [tilespmem:v1+s10+$0x0], $0xffff  }
0x229: {  	[tilespmem:$0x1FBE0] =	vst v1;
	v1 =	vor.u32 $0x818, v0;
	_ =	sdelay $0x3  }
0x22a: {  	[tilespmem:$0xF000] =	vst v2  }
0x22b: {  	v2 =	vld.idx.msk [tilespmem:v1+s10+$0x0], $0xffff  }
0x22c: {  	[tilespmem:$0x1FBF0] =	vst v1;
	v1 =	vor.u32 $0x1018, v0;
	_ =	sdelay $0x3  }
0x22d: {  	[tilespmem:$0xF010] =	vst v2  }
0x22e: {  	v2 =	vld.idx.msk [tilespmem:v1+s10+$0x0], $0xffff  }
0x22f: {  	[tilespmem:$0x1FC00] =	vst v1;
	v1 =	vor.u32 $0x1818, v0;
	_ =	sdelay $0x3  }
0x230: {  	[tilespmem:$0xF020] =	vst v2  }
0x231: {  	v2 =	vld.idx.msk [tilespmem:v1+s10+$0x0], $0xffff  }
0x232: {  	[tilespmem:$0x1FC10] =	vst v1;
	v1 =	vor.u32 $0x2018, v0;
	_ =	sdelay $0x3  }
0x233: {  	[tilespmem:$0xF030] =	vst v2  }
0x234: {  	v2 =	vld.idx.msk [tilespmem:v1+s10+$0x0], $0xffff  }
0x235: {  	[tilespmem:$0x1FC20] =	vst v1;
	v1 =	vor.u32 $0x2818, v0;
	_ =	sdelay $0x3  }
0x236: {  	[tilespmem:$0xF040] =	vst v2  }
0x237: {  	v2 =	vld.idx.msk [tilespmem:v1+s10+$0x0], $0xffff  }
0x238: {  	[tilespmem:$0x1FC30] =	vst v1;
	v1 =	vor.u32 $0x3018, v0;
	_ =	sdelay $0x3  }
0x239: {  	[tilespmem:$0xF050] =	vst v2  }
0x23a: {  	v2 =	vld.idx.msk [tilespmem:v1+s10+$0x0], $0xffff  }
0x23b: {  	[tilespmem:$0x1FC40] =	vst v1;
	v1 =	vor.u32 $0x3818, v0;
	_ =	sdelay $0x3  }
0x23c: {  	[tilespmem:$0xF060] =	vst v2  }
0x23d: {  	v2 =	vld.idx.msk [tilespmem:v1+s10+$0x0], $0xffff  }
0x23e: {  	[tilespmem:$0x1FC50] =	vst v1;
	v1 =	vor.u32 $0x19, v0;
	_ =	sdelay $0x3  }
0x23f: {  	[tilespmem:$0xF070] =	vst v2  }
0x240: {  	v2 =	vld.idx.msk [tilespmem:v1+s10+$0x0], $0xffff  }
0x241: {  	[tilespmem:$0x1FC60] =	vst v1;
	v1 =	vor.u32 $0x819, v0;
	_ =	sdelay $0x3  }
0x242: {  	[tilespmem:$0xF080] =	vst v2  }
0x243: {  	v2 =	vld.idx.msk [tilespmem:v1+s10+$0x0], $0xffff  }
0x244: {  	[tilespmem:$0x1FC70] =	vst v1;
	v1 =	vor.u32 $0x1019, v0;
	_ =	sdelay $0x3  }
0x245: {  	[tilespmem:$0xF090] =	vst v2  }
0x246: {  	v2 =	vld.idx.msk [tilespmem:v1+s10+$0x0], $0xffff  }
0x247: {  	[tilespmem:$0x1FC80] =	vst v1;
	v1 =	vor.u32 $0x1819, v0;
	_ =	sdelay $0x3  }
0x248: {  	[tilespmem:$0xF0A0] =	vst v2  }
0x249: {  	v2 =	vld.idx.msk [tilespmem:v1+s10+$0x0], $0xffff  }
0x24a: {  	[tilespmem:$0x1FC90] =	vst v1;
	v1 =	vor.u32 $0x2019, v0;
	_ =	sdelay $0x3  }
0x24b: {  	[tilespmem:$0xF0B0] =	vst v2  }
0x24c: {  	v2 =	vld.idx.msk [tilespmem:v1+s10+$0x0], $0xffff  }
0x24d: {  	[tilespmem:$0x1FCA0] =	vst v1;
	v1 =	vor.u32 $0x2819, v0;
	_ =	sdelay $0x3  }
0x24e: {  	[tilespmem:$0xF0C0] =	vst v2  }
0x24f: {  	v2 =	vld.idx.msk [tilespmem:v1+s10+$0x0], $0xffff  }
0x250: {  	[tilespmem:$0x1FCB0] =	vst v1;
	v1 =	vor.u32 $0x3019, v0;
	_ =	sdelay $0x3  }
0x251: {  	[tilespmem:$0xF0D0] =	vst v2  }
0x252: {  	v2 =	vld.idx.msk [tilespmem:v1+s10+$0x0], $0xffff  }
0x253: {  	[tilespmem:$0x1FCC0] =	vst v1;
	v1 =	vor.u32 $0x3819, v0;
	_ =	sdelay $0x3  }
0x254: {  	[tilespmem:$0xF0E0] =	vst v2  }
0x255: {  	v2 =	vld.idx.msk [tilespmem:v1+s10+$0x0], $0xffff  }
0x256: {  	[tilespmem:$0x1FCD0] =	vst v1;
	v1 =	vor.u32 $0x1A, v0;
	_ =	sdelay $0x3  }
0x257: {  	[tilespmem:$0xF0F0] =	vst v2  }
0x258: {  	v2 =	vld.idx.msk [tilespmem:v1+s10+$0x0], $0xffff  }
0x259: {  	[tilespmem:$0x1FCE0] =	vst v1;
	v1 =	vor.u32 $0x81A, v0;
	_ =	sdelay $0x3  }
0x25a: {  	[tilespmem:$0xF100] =	vst v2  }
0x25b: {  	v2 =	vld.idx.msk [tilespmem:v1+s10+$0x0], $0xffff  }
0x25c: {  	[tilespmem:$0x1FCF0] =	vst v1;
	v1 =	vor.u32 $0x101A, v0;
	_ =	sdelay $0x3  }
0x25d: {  	[tilespmem:$0xF110] =	vst v2  }
0x25e: {  	v2 =	vld.idx.msk [tilespmem:v1+s10+$0x0], $0xffff  }
0x25f: {  	[tilespmem:$0x1FD00] =	vst v1;
	v1 =	vor.u32 $0x181A, v0;
	_ =	sdelay $0x3  }
0x260: {  	[tilespmem:$0xF120] =	vst v2  }
0x261: {  	v2 =	vld.idx.msk [tilespmem:v1+s10+$0x0], $0xffff  }
0x262: {  	[tilespmem:$0x1FD10] =	vst v1;
	v1 =	vor.u32 $0x201A, v0;
	_ =	sdelay $0x3  }
0x263: {  	[tilespmem:$0xF130] =	vst v2  }
0x264: {  	v2 =	vld.idx.msk [tilespmem:v1+s10+$0x0], $0xffff  }
0x265: {  	[tilespmem:$0x1FD20] =	vst v1;
	v1 =	vor.u32 $0x281A, v0;
	_ =	sdelay $0x3  }
0x266: {  	[tilespmem:$0xF140] =	vst v2  }
0x267: {  	v2 =	vld.idx.msk [tilespmem:v1+s10+$0x0], $0xffff  }
0x268: {  	[tilespmem:$0x1FD30] =	vst v1;
	v1 =	vor.u32 $0x301A, v0;
	_ =	sdelay $0x3  }
0x269: {  	[tilespmem:$0xF150] =	vst v2  }
0x26a: {  	v2 =	vld.idx.msk [tilespmem:v1+s10+$0x0], $0xffff  }
0x26b: {  	[tilespmem:$0x1FD40] =	vst v1;
	v1 =	vor.u32 $0x381A, v0;
	_ =	sdelay $0x3  }
0x26c: {  	[tilespmem:$0xF160] =	vst v2  }
0x26d: {  	v2 =	vld.idx.msk [tilespmem:v1+s10+$0x0], $0xffff  }
0x26e: {  	[tilespmem:$0x1FD50] =	vst v1;
	v1 =	vor.u32 $0x1B, v0;
	_ =	sdelay $0x3  }
0x26f: {  	[tilespmem:$0xF170] =	vst v2  }
0x270: {  	v2 =	vld.idx.msk [tilespmem:v1+s10+$0x0], $0xffff  }
0x271: {  	[tilespmem:$0x1FD60] =	vst v1;
	v1 =	vor.u32 $0x81B, v0;
	_ =	sdelay $0x3  }
0x272: {  	[tilespmem:$0xF180] =	vst v2  }
0x273: {  	v2 =	vld.idx.msk [tilespmem:v1+s10+$0x0], $0xffff  }
0x274: {  	[tilespmem:$0x1FD70] =	vst v1;
	v1 =	vor.u32 $0x101B, v0;
	_ =	sdelay $0x3  }
0x275: {  	[tilespmem:$0xF190] =	vst v2  }
0x276: {  	v2 =	vld.idx.msk [tilespmem:v1+s10+$0x0], $0xffff  }
0x277: {  	[tilespmem:$0x1FD80] =	vst v1;
	v1 =	vor.u32 $0x181B, v0;
	_ =	sdelay $0x3  }
0x278: {  	[tilespmem:$0xF1A0] =	vst v2  }
0x279: {  	v2 =	vld.idx.msk [tilespmem:v1+s10+$0x0], $0xffff  }
0x27a: {  	[tilespmem:$0x1FD90] =	vst v1;
	v1 =	vor.u32 $0x201B, v0;
	_ =	sdelay $0x3  }
0x27b: {  	[tilespmem:$0xF1B0] =	vst v2  }
0x27c: {  	v2 =	vld.idx.msk [tilespmem:v1+s10+$0x0], $0xffff  }
0x27d: {  	[tilespmem:$0x1FDA0] =	vst v1;
	v1 =	vor.u32 $0x281B, v0;
	_ =	sdelay $0x3  }
0x27e: {  	[tilespmem:$0xF1C0] =	vst v2  }
0x27f: {  	v2 =	vld.idx.msk [tilespmem:v1+s10+$0x0], $0xffff  }
0x280: {  	[tilespmem:$0x1FDB0] =	vst v1;
	v1 =	vor.u32 $0x301B, v0;
	_ =	sdelay $0x3  }
0x281: {  	[tilespmem:$0xF1D0] =	vst v2  }
0x282: {  	v2 =	vld.idx.msk [tilespmem:v1+s10+$0x0], $0xffff  }
0x283: {  	[tilespmem:$0x1FDC0] =	vst v1;
	v1 =	vor.u32 $0x381B, v0;
	_ =	sdelay $0x3  }
0x284: {  	[tilespmem:$0xF1E0] =	vst v2  }
0x285: {  	v2 =	vld.idx.msk [tilespmem:v1+s10+$0x0], $0xffff  }
0x286: {  	[tilespmem:$0x1FDD0] =	vst v1;
	v1 =	vor.u32 $0x1C, v0;
	_ =	sdelay $0x3  }
0x287: {  	[tilespmem:$0xF1F0] =	vst v2  }
0x288: {  	v2 =	vld.idx.msk [tilespmem:v1+s10+$0x0], $0xffff  }
0x289: {  	[tilespmem:$0x1FDE0] =	vst v1;
	v1 =	vor.u32 $0x81C, v0;
	_ =	sdelay $0x3  }
0x28a: {  	[tilespmem:$0xF200] =	vst v2  }
0x28b: {  	v2 =	vld.idx.msk [tilespmem:v1+s10+$0x0], $0xffff  }
0x28c: {  	[tilespmem:$0x1FDF0] =	vst v1;
	v1 =	vor.u32 $0x101C, v0;
	_ =	sdelay $0x3  }
0x28d: {  	[tilespmem:$0xF210] =	vst v2  }
0x28e: {  	v2 =	vld.idx.msk [tilespmem:v1+s10+$0x0], $0xffff  }
0x28f: {  	[tilespmem:$0x1FE00] =	vst v1;
	v1 =	vor.u32 $0x181C, v0;
	_ =	sdelay $0x3  }
0x290: {  	[tilespmem:$0xF220] =	vst v2  }
0x291: {  	v2 =	vld.idx.msk [tilespmem:v1+s10+$0x0], $0xffff  }
0x292: {  	[tilespmem:$0x1FE10] =	vst v1;
	v1 =	vor.u32 $0x201C, v0;
	_ =	sdelay $0x3  }
0x293: {  	[tilespmem:$0xF230] =	vst v2  }
0x294: {  	v2 =	vld.idx.msk [tilespmem:v1+s10+$0x0], $0xffff  }
0x295: {  	[tilespmem:$0x1FE20] =	vst v1;
	v1 =	vor.u32 $0x281C, v0;
	_ =	sdelay $0x3  }
0x296: {  	[tilespmem:$0xF240] =	vst v2  }
0x297: {  	v2 =	vld.idx.msk [tilespmem:v1+s10+$0x0], $0xffff  }
0x298: {  	[tilespmem:$0x1FE30] =	vst v1;
	v1 =	vor.u32 $0x301C, v0;
	_ =	sdelay $0x3  }
0x299: {  	[tilespmem:$0xF250] =	vst v2  }
0x29a: {  	v2 =	vld.idx.msk [tilespmem:v1+s10+$0x0], $0xffff  }
0x29b: {  	[tilespmem:$0x1FE40] =	vst v1;
	v1 =	vor.u32 $0x381C, v0;
	_ =	sdelay $0x3  }
0x29c: {  	[tilespmem:$0xF260] =	vst v2  }
0x29d: {  	v2 =	vld.idx.msk [tilespmem:v1+s10+$0x0], $0xffff  }
0x29e: {  	[tilespmem:$0x1FE50] =	vst v1;
	v1 =	vor.u32 $0x1D, v0;
	_ =	sdelay $0x3  }
0x29f: {  	[tilespmem:$0xF270] =	vst v2  }
0x2a0: {  	v2 =	vld.idx.msk [tilespmem:v1+s10+$0x0], $0xffff  }
0x2a1: {  	[tilespmem:$0x1FE60] =	vst v1;
	v1 =	vor.u32 $0x81D, v0;
	_ =	sdelay $0x3  }
0x2a2: {  	[tilespmem:$0xF280] =	vst v2  }
0x2a3: {  	v2 =	vld.idx.msk [tilespmem:v1+s10+$0x0], $0xffff  }
0x2a4: {  	[tilespmem:$0x1FE70] =	vst v1;
	v1 =	vor.u32 $0x101D, v0;
	_ =	sdelay $0x3  }
0x2a5: {  	[tilespmem:$0xF290] =	vst v2  }
0x2a6: {  	v2 =	vld.idx.msk [tilespmem:v1+s10+$0x0], $0xffff  }
0x2a7: {  	[tilespmem:$0x1FE80] =	vst v1;
	v1 =	vor.u32 $0x181D, v0;
	_ =	sdelay $0x3  }
0x2a8: {  	[tilespmem:$0xF2A0] =	vst v2  }
0x2a9: {  	v2 =	vld.idx.msk [tilespmem:v1+s10+$0x0], $0xffff  }
0x2aa: {  	[tilespmem:$0x1FE90] =	vst v1;
	v1 =	vor.u32 $0x201D, v0;
	_ =	sdelay $0x3  }
0x2ab: {  	[tilespmem:$0xF2B0] =	vst v2  }
0x2ac: {  	v2 =	vld.idx.msk [tilespmem:v1+s10+$0x0], $0xffff  }
0x2ad: {  	[tilespmem:$0x1FEA0] =	vst v1;
	v1 =	vor.u32 $0x281D, v0;
	_ =	sdelay $0x3  }
0x2ae: {  	[tilespmem:$0xF2C0] =	vst v2  }
0x2af: {  	v2 =	vld.idx.msk [tilespmem:v1+s10+$0x0], $0xffff  }
0x2b0: {  	[tilespmem:$0x1FEB0] =	vst v1;
	v1 =	vor.u32 $0x301D, v0;
	_ =	sdelay $0x3  }
0x2b1: {  	[tilespmem:$0xF2D0] =	vst v2  }
0x2b2: {  	v2 =	vld.idx.msk [tilespmem:v1+s10+$0x0], $0xffff  }
0x2b3: {  	[tilespmem:$0x1FEC0] =	vst v1;
	v1 =	vor.u32 $0x381D, v0;
	_ =	sdelay $0x3  }
0x2b4: {  	[tilespmem:$0xF2E0] =	vst v2  }
0x2b5: {  	v2 =	vld.idx.msk [tilespmem:v1+s10+$0x0], $0xffff  }
0x2b6: {  	[tilespmem:$0x1FED0] =	vst v1;
	v1 =	vor.u32 $0x1E, v0;
	_ =	sdelay $0x3  }
0x2b7: {  	[tilespmem:$0xF2F0] =	vst v2  }
0x2b8: {  	v2 =	vld.idx.msk [tilespmem:v1+s10+$0x0], $0xffff  }
0x2b9: {  	[tilespmem:$0x1FEE0] =	vst v1;
	v1 =	vor.u32 $0x81E, v0;
	_ =	sdelay $0x3  }
0x2ba: {  	[tilespmem:$0xF300] =	vst v2  }
0x2bb: {  	v2 =	vld.idx.msk [tilespmem:v1+s10+$0x0], $0xffff  }
0x2bc: {  	[tilespmem:$0x1FEF0] =	vst v1;
	v1 =	vor.u32 $0x101E, v0;
	_ =	sdelay $0x3  }
0x2bd: {  	[tilespmem:$0xF310] =	vst v2  }
0x2be: {  	v2 =	vld.idx.msk [tilespmem:v1+s10+$0x0], $0xffff  }
0x2bf: {  	[tilespmem:$0x1FF00] =	vst v1;
	v1 =	vor.u32 $0x181E, v0;
	_ =	sdelay $0x3  }
0x2c0: {  	[tilespmem:$0xF320] =	vst v2  }
0x2c1: {  	v2 =	vld.idx.msk [tilespmem:v1+s10+$0x0], $0xffff  }
0x2c2: {  	[tilespmem:$0x1FF10] =	vst v1;
	v1 =	vor.u32 $0x201E, v0;
	_ =	sdelay $0x3  }
0x2c3: {  	[tilespmem:$0xF330] =	vst v2  }
0x2c4: {  	v2 =	vld.idx.msk [tilespmem:v1+s10+$0x0], $0xffff  }
0x2c5: {  	[tilespmem:$0x1FF20] =	vst v1;
	v1 =	vor.u32 $0x281E, v0;
	_ =	sdelay $0x3  }
0x2c6: {  	[tilespmem:$0xF340] =	vst v2  }
0x2c7: {  	v2 =	vld.idx.msk [tilespmem:v1+s10+$0x0], $0xffff  }
0x2c8: {  	[tilespmem:$0x1FF30] =	vst v1;
	v1 =	vor.u32 $0x301E, v0;
	_ =	sdelay $0x3  }
0x2c9: {  	[tilespmem:$0xF350] =	vst v2  }
0x2ca: {  	v2 =	vld.idx.msk [tilespmem:v1+s10+$0x0], $0xffff  }
0x2cb: {  	[tilespmem:$0x1FF40] =	vst v1;
	v1 =	vor.u32 $0x381E, v0;
	_ =	sdelay $0x3  }
0x2cc: {  	[tilespmem:$0xF360] =	vst v2  }
0x2cd: {  	v2 =	vld.idx.msk [tilespmem:v1+s10+$0x0], $0xffff  }
0x2ce: {  	[tilespmem:$0x1FF50] =	vst v1;
	v1 =	vor.u32 $0x1F, v0;
	_ =	sdelay $0x3  }
0x2cf: {  	[tilespmem:$0xF370] =	vst v2  }
0x2d0: {  	v2 =	vld.idx.msk [tilespmem:v1+s10+$0x0], $0xffff  }
0x2d1: {  	[tilespmem:$0x1FF60] =	vst v1;
	v1 =	vor.u32 $0x81F, v0;
	_ =	sdelay $0x3  }
0x2d2: {  	[tilespmem:$0xF380] =	vst v2  }
0x2d3: {  	v2 =	vld.idx.msk [tilespmem:v1+s10+$0x0], $0xffff  }
0x2d4: {  	[tilespmem:$0x1FF70] =	vst v1;
	v1 =	vor.u32 $0x101F, v0;
	_ =	sdelay $0x3  }
0x2d5: {  	[tilespmem:$0xF390] =	vst v2  }
0x2d6: {  	v2 =	vld.idx.msk [tilespmem:v1+s10+$0x0], $0xffff  }
0x2d7: {  	[tilespmem:$0x1FF80] =	vst v1;
	v1 =	vor.u32 $0x181F, v0;
	_ =	sdelay $0x3  }
0x2d8: {  	[tilespmem:$0xF3A0] =	vst v2  }
0x2d9: {  	v2 =	vld.idx.msk [tilespmem:v1+s10+$0x0], $0xffff  }
0x2da: {  	[tilespmem:$0x1FF90] =	vst v1;
	v1 =	vor.u32 $0x201F, v0;
	_ =	sdelay $0x3  }
0x2db: {  	[tilespmem:$0xF3B0] =	vst v2  }
0x2dc: {  	v2 =	vld.idx.msk [tilespmem:v1+s10+$0x0], $0xffff  }
0x2dd: {  	[tilespmem:$0x1FFA0] =	vst v1;
	v1 =	vor.u32 $0x281F, v0;
	_ =	sdelay $0x3  }
0x2de: {  	[tilespmem:$0xF3C0] =	vst v2  }
0x2df: {  	v2 =	vld.idx.msk [tilespmem:v1+s10+$0x0], $0xffff  }
0x2e0: {  	[tilespmem:$0x1FFB0] =	vst v1;
	v1 =	vor.u32 $0x301F, v0;
	_ =	sdelay $0x3  }
0x2e1: {  	[tilespmem:$0xF3D0] =	vst v2  }
0x2e2: {  	v3 =	vld.idx.msk [tilespmem:v1+s10+$0x0], $0xffff  }
0x2e3: {  	v2 =	vor.u32 $0x381F, v0;
	_ =	sdelay $0x3  }
0x2e4: {  	[tilespmem:$0xF3E0] =	vst v3  }
0x2e5: {  	[tilespmem:$0x1FFC0] =	vst v1;
	v1 =	vld.idx.msk [tilespmem:v2+s10+$0x0], $0xffff;
	_ =	sdelay $0x1  }
0x2e6: {  	s29 =	rddreg [dreg:$0x3]  }
0x2e7: {  	s30 =	sand.u32 $0x3F00, s21;
	s23 =	sadd.s32 s22, s29  }
0x2e8: {  	s24 =	sadd.s32 s2, s30;
	s25 =	sand.u32 $0xFFF0000, s23  }
0x2e9: {  	p0 =	seq.s32 s22, $0x18C00;
	s24 =	sadd.s32 s25, s24;
	[tilespmem:$0xF3F0] =	vst v1  }
0x2ea: {  	[hbm4b:s24+s13] =	stream.strided.scatter [tilespmem:s15], [sflag:$0x3], $0x1000, s14, s13, $0x38;
	[tilespmem:$0x10400] =	vst v63  }
0x2eb: {  	s24 =	simm.s32 @!p0 $0x3  }
0x2ec: {  	_ =	swait.ge @!p0 [sflag:s24], $0x1000  }
0x2ed: {  	[sflag:s24] =	ssyncset.done @!p0 $0x0  }
0x2ee: {  	[sflag:s24] =	ssyncadd.s32 @!p0 $0xFFFFF000;
	s24 =	sshra.s32 @!p0 s22, $0x2  }
0x2ef: {  	s26 =	simm.s32 @!p0 $0x6400;
	s25 =	simm.s32 @!p0 $0x80;
	s24 =	sadd.s32 @!p0 $0x100, s24  }
0x2f0: {  	[tilespmem:s26], [sflag:$0x1] =	stream.indirect.gather @!p0 [hbm4b:s4+s25], $0x80, s24, s25, $0xb8;
	[tilespmem:$0x10400] =	vst v63  }
0x2f1: {  	_ =	swait.ge [sflag:s16], $0x4000  }
0x2f2: {  	[sflag:s16] =	ssyncset.done $0x0  }
0x2f3: {  	[sflag:s16] =	ssyncadd.s32 $0xFFFFC000  }
0x2f4: {  	v1 =	vld.idx.msk [tilespmem:v0+s11+$0x0], $0xffff;
	_ =	sdelay $0x4  }
0x2f5: {  	[tilespmem:$0xF400] =	vst v1;
	v1 =	vld [tilespmem:$0x1FFE0];
	_ =	sdelay $0x7  }
0x2f6: {  	v1 =	vld.idx.msk [tilespmem:v1+s11+$0x0], $0xffff;
	_ =	sdelay $0x4  }
0x2f7: {  	[tilespmem:$0xF410] =	vst v1;
	v1 =	vld [tilespmem:$0x1FFF0];
	_ =	sdelay $0x7  }
0x2f8: {  	v1 =	vld.idx.msk [tilespmem:v1+s11+$0x0], $0xffff;
	_ =	sdelay $0x4  }
0x2f9: {  	[tilespmem:$0xF420] =	vst v1  }
0x2fa: {  	v1 =	vld.idx.msk [tilespmem:v4+s11+$0x0], $0xffff;
	_ =	sdelay $0x4  }
0x2fb: {  	[tilespmem:$0xF430] =	vst v1  }
0x2fc: {  	v1 =	vld.idx.msk [tilespmem:v5+s11+$0x0], $0xffff;
	_ =	sdelay $0x4  }
0x2fd: {  	[tilespmem:$0xF440] =	vst v1  }
0x2fe: {  	v1 =	vld.idx.msk [tilespmem:v6+s11+$0x0], $0xffff;
	_ =	sdelay $0x4  }
0x2ff: {  	[tilespmem:$0xF450] =	vst v1  }
0x300: {  	v1 =	vld.idx.msk [tilespmem:v7+s11+$0x0], $0xffff;
	_ =	sdelay $0x4  }
0x301: {  	[tilespmem:$0xF460] =	vst v1  }
0x302: {  	v1 =	vld.idx.msk [tilespmem:v8+s11+$0x0], $0xffff;
	_ =	sdelay $0x4  }
0x303: {  	[tilespmem:$0xF470] =	vst v1  }
0x304: {  	v1 =	vld.idx.msk [tilespmem:v9+s11+$0x0], $0xffff;
	_ =	sdelay $0x4  }
0x305: {  	[tilespmem:$0xF480] =	vst v1  }
0x306: {  	v1 =	vld.idx.msk [tilespmem:v10+s11+$0x0], $0xffff;
	_ =	sdelay $0x4  }
0x307: {  	[tilespmem:$0xF490] =	vst v1  }
0x308: {  	v1 =	vld.idx.msk [tilespmem:v11+s11+$0x0], $0xffff;
	_ =	sdelay $0x4  }
0x309: {  	[tilespmem:$0xF4A0] =	vst v1  }
0x30a: {  	v1 =	vld.idx.msk [tilespmem:v12+s11+$0x0], $0xffff;
	_ =	sdelay $0x4  }
0x30b: {  	[tilespmem:$0xF4B0] =	vst v1  }
0x30c: {  	v1 =	vld.idx.msk [tilespmem:v13+s11+$0x0], $0xffff;
	_ =	sdelay $0x4  }
0x30d: {  	[tilespmem:$0xF4C0] =	vst v1  }
0x30e: {  	v1 =	vld.idx.msk [tilespmem:v14+s11+$0x0], $0xffff;
	_ =	sdelay $0x4  }
0x30f: {  	[tilespmem:$0xF4D0] =	vst v1  }
0x310: {  	v1 =	vld.idx.msk [tilespmem:v15+s11+$0x0], $0xffff;
	_ =	sdelay $0x4  }
0x311: {  	[tilespmem:$0xF4E0] =	vst v1  }
0x312: {  	v1 =	vld.idx.msk [tilespmem:v16+s11+$0x0], $0xffff;
	_ =	sdelay $0x4  }
0x313: {  	[tilespmem:$0xF4F0] =	vst v1  }
0x314: {  	v1 =	vld.idx.msk [tilespmem:v17+s11+$0x0], $0xffff;
	_ =	sdelay $0x4  }
0x315: {  	[tilespmem:$0xF500] =	vst v1  }
0x316: {  	v1 =	vld.idx.msk [tilespmem:v18+s11+$0x0], $0xffff;
	_ =	sdelay $0x4  }
0x317: {  	[tilespmem:$0xF510] =	vst v1  }
0x318: {  	v1 =	vld.idx.msk [tilespmem:v19+s11+$0x0], $0xffff;
	_ =	sdelay $0x4  }
0x319: {  	[tilespmem:$0xF520] =	vst v1  }
0x31a: {  	v1 =	vld.idx.msk [tilespmem:v20+s11+$0x0], $0xffff;
	_ =	sdelay $0x4  }
0x31b: {  	[tilespmem:$0xF530] =	vst v1  }
0x31c: {  	v1 =	vld.idx.msk [tilespmem:v21+s11+$0x0], $0xffff;
	_ =	sdelay $0x4  }
0x31d: {  	[tilespmem:$0xF540] =	vst v1  }
0x31e: {  	v1 =	vld.idx.msk [tilespmem:v22+s11+$0x0], $0xffff;
	_ =	sdelay $0x4  }
0x31f: {  	[tilespmem:$0xF550] =	vst v1  }
0x320: {  	v1 =	vld.idx.msk [tilespmem:v23+s11+$0x0], $0xffff;
	_ =	sdelay $0x4  }
0x321: {  	[tilespmem:$0xF560] =	vst v1  }
0x322: {  	v1 =	vld.idx.msk [tilespmem:v24+s11+$0x0], $0xffff;
	_ =	sdelay $0x4  }
0x323: {  	[tilespmem:$0xF570] =	vst v1  }
0x324: {  	v1 =	vld.idx.msk [tilespmem:v25+s11+$0x0], $0xffff;
	_ =	sdelay $0x4  }
0x325: {  	[tilespmem:$0xF580] =	vst v1  }
0x326: {  	v1 =	vld.idx.msk [tilespmem:v26+s11+$0x0], $0xffff;
	_ =	sdelay $0x4  }
0x327: {  	[tilespmem:$0xF590] =	vst v1  }
0x328: {  	v1 =	vld.idx.msk [tilespmem:v27+s11+$0x0], $0xffff;
	_ =	sdelay $0x4  }
0x329: {  	[tilespmem:$0xF5A0] =	vst v1  }
0x32a: {  	v1 =	vld.idx.msk [tilespmem:v28+s11+$0x0], $0xffff;
	_ =	sdelay $0x4  }
0x32b: {  	[tilespmem:$0xF5B0] =	vst v1  }
0x32c: {  	v1 =	vld.idx.msk [tilespmem:v29+s11+$0x0], $0xffff;
	_ =	sdelay $0x4  }
0x32d: {  	[tilespmem:$0xF5C0] =	vst v1  }
0x32e: {  	v1 =	vld.idx.msk [tilespmem:v30+s11+$0x0], $0xffff;
	_ =	sdelay $0x4  }
0x32f: {  	[tilespmem:$0xF5D0] =	vst v1  }
0x330: {  	v1 =	vld.idx.msk [tilespmem:v31+s11+$0x0], $0xffff;
	_ =	sdelay $0x4  }
0x331: {  	[tilespmem:$0xF5E0] =	vst v1  }
0x332: {  	v1 =	vld.idx.msk [tilespmem:v32+s11+$0x0], $0xffff;
	_ =	sdelay $0x4  }
0x333: {  	[tilespmem:$0xF5F0] =	vst v1  }
0x334: {  	v1 =	vld.idx.msk [tilespmem:v33+s11+$0x0], $0xffff;
	_ =	sdelay $0x4  }
0x335: {  	[tilespmem:$0xF600] =	vst v1  }
0x336: {  	v1 =	vld.idx.msk [tilespmem:v34+s11+$0x0], $0xffff;
	_ =	sdelay $0x4  }
0x337: {  	[tilespmem:$0xF610] =	vst v1  }
0x338: {  	v1 =	vld.idx.msk [tilespmem:v35+s11+$0x0], $0xffff;
	_ =	sdelay $0x4  }
0x339: {  	[tilespmem:$0xF620] =	vst v1  }
0x33a: {  	v1 =	vld.idx.msk [tilespmem:v36+s11+$0x0], $0xffff;
	_ =	sdelay $0x4  }
0x33b: {  	[tilespmem:$0xF630] =	vst v1  }
0x33c: {  	v1 =	vld.idx.msk [tilespmem:v37+s11+$0x0], $0xffff;
	_ =	sdelay $0x4  }
0x33d: {  	[tilespmem:$0xF640] =	vst v1  }
0x33e: {  	v1 =	vld.idx.msk [tilespmem:v38+s11+$0x0], $0xffff;
	_ =	sdelay $0x4  }
0x33f: {  	[tilespmem:$0xF650] =	vst v1  }
0x340: {  	v1 =	vld.idx.msk [tilespmem:v39+s11+$0x0], $0xffff;
	_ =	sdelay $0x4  }
0x341: {  	[tilespmem:$0xF660] =	vst v1  }
0x342: {  	v1 =	vld.idx.msk [tilespmem:v40+s11+$0x0], $0xffff;
	_ =	sdelay $0x4  }
0x343: {  	[tilespmem:$0xF670] =	vst v1  }
0x344: {  	v1 =	vld.idx.msk [tilespmem:v41+s11+$0x0], $0xffff;
	_ =	sdelay $0x4  }
0x345: {  	[tilespmem:$0xF680] =	vst v1  }
0x346: {  	v1 =	vld.idx.msk [tilespmem:v42+s11+$0x0], $0xffff;
	_ =	sdelay $0x4  }
0x347: {  	[tilespmem:$0xF690] =	vst v1  }
0x348: {  	v1 =	vld.idx.msk [tilespmem:v43+s11+$0x0], $0xffff;
	_ =	sdelay $0x4  }
0x349: {  	[tilespmem:$0xF6A0] =	vst v1  }
0x34a: {  	v1 =	vld.idx.msk [tilespmem:v44+s11+$0x0], $0xffff;
	_ =	sdelay $0x4  }
0x34b: {  	[tilespmem:$0xF6B0] =	vst v1  }
0x34c: {  	v1 =	vld.idx.msk [tilespmem:v45+s11+$0x0], $0xffff;
	_ =	sdelay $0x4  }
0x34d: {  	[tilespmem:$0xF6C0] =	vst v1  }
0x34e: {  	v1 =	vld.idx.msk [tilespmem:v46+s11+$0x0], $0xffff;
	_ =	sdelay $0x4  }
0x34f: {  	[tilespmem:$0xF6D0] =	vst v1  }
0x350: {  	v1 =	vld.idx.msk [tilespmem:v47+s11+$0x0], $0xffff;
	_ =	sdelay $0x4  }
0x351: {  	[tilespmem:$0xF6E0] =	vst v1  }
0x352: {  	v1 =	vld.idx.msk [tilespmem:v48+s11+$0x0], $0xffff;
	_ =	sdelay $0x4  }
0x353: {  	[tilespmem:$0xF6F0] =	vst v1  }
0x354: {  	v1 =	vld.idx.msk [tilespmem:v49+s11+$0x0], $0xffff;
	_ =	sdelay $0x4  }
0x355: {  	[tilespmem:$0xF700] =	vst v1  }
0x356: {  	v1 =	vld.idx.msk [tilespmem:v50+s11+$0x0], $0xffff;
	_ =	sdelay $0x4  }
0x357: {  	[tilespmem:$0xF710] =	vst v1  }
0x358: {  	v1 =	vld.idx.msk [tilespmem:v51+s11+$0x0], $0xffff;
	_ =	sdelay $0x4  }
0x359: {  	[tilespmem:$0xF720] =	vst v1  }
0x35a: {  	v1 =	vld.idx.msk [tilespmem:v52+s11+$0x0], $0xffff;
	_ =	sdelay $0x4  }
0x35b: {  	[tilespmem:$0xF730] =	vst v1  }
0x35c: {  	v1 =	vld.idx.msk [tilespmem:v53+s11+$0x0], $0xffff;
	_ =	sdelay $0x4  }
0x35d: {  	[tilespmem:$0xF740] =	vst v1  }
0x35e: {  	v1 =	vld.idx.msk [tilespmem:v54+s11+$0x0], $0xffff;
	_ =	sdelay $0x4  }
0x35f: {  	[tilespmem:$0xF750] =	vst v1  }
0x360: {  	v1 =	vld.idx.msk [tilespmem:v55+s11+$0x0], $0xffff;
	_ =	sdelay $0x4  }
0x361: {  	[tilespmem:$0xF760] =	vst v1  }
0x362: {  	v1 =	vld.idx.msk [tilespmem:v56+s11+$0x0], $0xffff;
	_ =	sdelay $0x4  }
0x363: {  	[tilespmem:$0xF770] =	vst v1  }
0x364: {  	v1 =	vld.idx.msk [tilespmem:v57+s11+$0x0], $0xffff;
	_ =	sdelay $0x4  }
0x365: {  	[tilespmem:$0xF780] =	vst v1  }
0x366: {  	v1 =	vld.idx.msk [tilespmem:v58+s11+$0x0], $0xffff;
	_ =	sdelay $0x4  }
0x367: {  	[tilespmem:$0xF790] =	vst v1  }
0x368: {  	v1 =	vld.idx.msk [tilespmem:v59+s11+$0x0], $0xffff;
	_ =	sdelay $0x4  }
0x369: {  	[tilespmem:$0xF7A0] =	vst v1  }
0x36a: {  	v1 =	vld.idx.msk [tilespmem:v60+s11+$0x0], $0xffff;
	_ =	sdelay $0x4  }
0x36b: {  	[tilespmem:$0xF7B0] =	vst v1  }
0x36c: {  	v1 =	vld.idx.msk [tilespmem:v61+s11+$0x0], $0xffff;
	_ =	sdelay $0x4  }
0x36d: {  	[tilespmem:$0xF7C0] =	vst v1  }
0x36e: {  	v1 =	vld.idx.msk [tilespmem:v62+s11+$0x0], $0xffff;
	_ =	sdelay $0x4  }
0x36f: {  	[tilespmem:$0xF7D0] =	vst v1  }
0x370: {  	v1 =	vld.idx.msk [tilespmem:v63+s11+$0x0], $0xffff;
	_ =	sdelay $0x4  }
0x371: {  	[tilespmem:$0xF7E0] =	vst v1;
	v1 =	vld [tilespmem:$0x1FFD0];
	_ =	sdelay $0x7  }
0x372: {  	v1 =	vld.idx.msk [tilespmem:v1+s11+$0x0], $0xffff;
	_ =	sdelay $0x4  }
0x373: {  	[tilespmem:$0xF7F0] =	vst v1;
	v1 =	vld [tilespmem:$0x1F3E0];
	_ =	sdelay $0x7  }
0x374: {  	v1 =	vld.idx.msk [tilespmem:v1+s11+$0x0], $0xffff;
	_ =	sdelay $0x4  }
0x375: {  	[tilespmem:$0xF800] =	vst v1;
	v1 =	vld [tilespmem:$0x1F3F0];
	_ =	sdelay $0x7  }
0x376: {  	v1 =	vld.idx.msk [tilespmem:v1+s11+$0x0], $0xffff;
	_ =	sdelay $0x4  }
0x377: {  	[tilespmem:$0xF810] =	vst v1;
	v1 =	vld [tilespmem:$0x1F400];
	_ =	sdelay $0x7  }
0x378: {  	v1 =	vld.idx.msk [tilespmem:v1+s11+$0x0], $0xffff;
	_ =	sdelay $0x4  }
0x379: {  	[tilespmem:$0xF820] =	vst v1;
	v1 =	vld [tilespmem:$0x1F410];
	_ =	sdelay $0x7  }
0x37a: {  	v1 =	vld.idx.msk [tilespmem:v1+s11+$0x0], $0xffff;
	_ =	sdelay $0x4  }
0x37b: {  	[tilespmem:$0xF830] =	vst v1;
	v1 =	vld [tilespmem:$0x1F420];
	_ =	sdelay $0x7  }
0x37c: {  	v1 =	vld.idx.msk [tilespmem:v1+s11+$0x0], $0xffff;
	_ =	sdelay $0x4  }
0x37d: {  	[tilespmem:$0xF840] =	vst v1;
	v1 =	vld [tilespmem:$0x1F430];
	_ =	sdelay $0x7  }
0x37e: {  	v1 =	vld.idx.msk [tilespmem:v1+s11+$0x0], $0xffff;
	_ =	sdelay $0x4  }
0x37f: {  	[tilespmem:$0xF850] =	vst v1;
	v1 =	vld [tilespmem:$0x1F440];
	_ =	sdelay $0x7  }
0x380: {  	v1 =	vld.idx.msk [tilespmem:v1+s11+$0x0], $0xffff;
	_ =	sdelay $0x4  }
0x381: {  	[tilespmem:$0xF860] =	vst v1;
	v1 =	vld [tilespmem:$0x1F450];
	_ =	sdelay $0x7  }
0x382: {  	v1 =	vld.idx.msk [tilespmem:v1+s11+$0x0], $0xffff;
	_ =	sdelay $0x4  }
0x383: {  	[tilespmem:$0xF870] =	vst v1;
	v1 =	vld [tilespmem:$0x1F460];
	_ =	sdelay $0x7  }
0x384: {  	v1 =	vld.idx.msk [tilespmem:v1+s11+$0x0], $0xffff;
	_ =	sdelay $0x4  }
0x385: {  	[tilespmem:$0xF880] =	vst v1;
	v1 =	vld [tilespmem:$0x1F470];
	_ =	sdelay $0x7  }
0x386: {  	v1 =	vld.idx.msk [tilespmem:v1+s11+$0x0], $0xffff;
	_ =	sdelay $0x4  }
0x387: {  	[tilespmem:$0xF890] =	vst v1;
	v1 =	vld [tilespmem:$0x1F480];
	_ =	sdelay $0x7  }
0x388: {  	v1 =	vld.idx.msk [tilespmem:v1+s11+$0x0], $0xffff;
	_ =	sdelay $0x4  }
0x389: {  	[tilespmem:$0xF8A0] =	vst v1;
	v1 =	vld [tilespmem:$0x1F490];
	_ =	sdelay $0x7  }
0x38a: {  	v1 =	vld.idx.msk [tilespmem:v1+s11+$0x0], $0xffff;
	_ =	sdelay $0x4  }
0x38b: {  	[tilespmem:$0xF8B0] =	vst v1;
	v1 =	vld [tilespmem:$0x1F4A0];
	_ =	sdelay $0x7  }
0x38c: {  	v1 =	vld.idx.msk [tilespmem:v1+s11+$0x0], $0xffff;
	_ =	sdelay $0x4  }
0x38d: {  	[tilespmem:$0xF8C0] =	vst v1;
	v1 =	vld [tilespmem:$0x1F4B0];
	_ =	sdelay $0x7  }
0x38e: {  	v1 =	vld.idx.msk [tilespmem:v1+s11+$0x0], $0xffff;
	_ =	sdelay $0x4  }
0x38f: {  	[tilespmem:$0xF8D0] =	vst v1;
	v1 =	vld [tilespmem:$0x1F4C0];
	_ =	sdelay $0x7  }
0x390: {  	v1 =	vld.idx.msk [tilespmem:v1+s11+$0x0], $0xffff;
	_ =	sdelay $0x4  }
0x391: {  	[tilespmem:$0xF8E0] =	vst v1;
	v1 =	vld [tilespmem:$0x1F4D0];
	_ =	sdelay $0x7  }
0x392: {  	v1 =	vld.idx.msk [tilespmem:v1+s11+$0x0], $0xffff;
	_ =	sdelay $0x4  }
0x393: {  	[tilespmem:$0xF8F0] =	vst v1;
	v1 =	vld [tilespmem:$0x1F4E0];
	_ =	sdelay $0x7  }
0x394: {  	v1 =	vld.idx.msk [tilespmem:v1+s11+$0x0], $0xffff;
	_ =	sdelay $0x4  }
0x395: {  	[tilespmem:$0xF900] =	vst v1;
	v1 =	vld [tilespmem:$0x1F4F0];
	_ =	sdelay $0x7  }
0x396: {  	v1 =	vld.idx.msk [tilespmem:v1+s11+$0x0], $0xffff;
	_ =	sdelay $0x4  }
0x397: {  	[tilespmem:$0xF910] =	vst v1;
	v1 =	vld [tilespmem:$0x1F500];
	_ =	sdelay $0x7  }
0x398: {  	v1 =	vld.idx.msk [tilespmem:v1+s11+$0x0], $0xffff;
	_ =	sdelay $0x4  }
0x399: {  	[tilespmem:$0xF920] =	vst v1;
	v1 =	vld [tilespmem:$0x1F510];
	_ =	sdelay $0x7  }
0x39a: {  	v1 =	vld.idx.msk [tilespmem:v1+s11+$0x0], $0xffff;
	_ =	sdelay $0x4  }
0x39b: {  	[tilespmem:$0xF930] =	vst v1;
	v1 =	vld [tilespmem:$0x1F520];
	_ =	sdelay $0x7  }
0x39c: {  	v1 =	vld.idx.msk [tilespmem:v1+s11+$0x0], $0xffff;
	_ =	sdelay $0x4  }
0x39d: {  	[tilespmem:$0xF940] =	vst v1;
	v1 =	vld [tilespmem:$0x1F530];
	_ =	sdelay $0x7  }
0x39e: {  	v1 =	vld.idx.msk [tilespmem:v1+s11+$0x0], $0xffff;
	_ =	sdelay $0x4  }
0x39f: {  	[tilespmem:$0xF950] =	vst v1;
	v1 =	vld [tilespmem:$0x1F540];
	_ =	sdelay $0x7  }
0x3a0: {  	v1 =	vld.idx.msk [tilespmem:v1+s11+$0x0], $0xffff;
	_ =	sdelay $0x4  }
0x3a1: {  	[tilespmem:$0xF960] =	vst v1;
	v1 =	vld [tilespmem:$0x1F550];
	_ =	sdelay $0x7  }
0x3a2: {  	v1 =	vld.idx.msk [tilespmem:v1+s11+$0x0], $0xffff;
	_ =	sdelay $0x4  }
0x3a3: {  	[tilespmem:$0xF970] =	vst v1;
	v1 =	vld [tilespmem:$0x1F560];
	_ =	sdelay $0x7  }
0x3a4: {  	v1 =	vld.idx.msk [tilespmem:v1+s11+$0x0], $0xffff;
	_ =	sdelay $0x4  }
0x3a5: {  	[tilespmem:$0xF980] =	vst v1;
	v1 =	vld [tilespmem:$0x1F570];
	_ =	sdelay $0x7  }
0x3a6: {  	v1 =	vld.idx.msk [tilespmem:v1+s11+$0x0], $0xffff;
	_ =	sdelay $0x4  }
0x3a7: {  	[tilespmem:$0xF990] =	vst v1  }
0x3a8: {  	v1 =	vld [tilespmem:$0x1F580];
	_ =	sdelay $0x7  }
0x3a9: {  	v1 =	vld.idx.msk [tilespmem:v1+s11+$0x0], $0xffff;
	_ =	sdelay $0x4  }
0x3aa: {  	[tilespmem:$0xF9A0] =	vst v1;
	v1 =	vld [tilespmem:$0x1F590];
	_ =	sdelay $0x7  }
0x3ab: {  	v1 =	vld.idx.msk [tilespmem:v1+s11+$0x0], $0xffff;
	_ =	sdelay $0x4  }
0x3ac: {  	[tilespmem:$0xF9B0] =	vst v1;
	v1 =	vld [tilespmem:$0x1F5A0];
	_ =	sdelay $0x7  }
0x3ad: {  	v1 =	vld.idx.msk [tilespmem:v1+s11+$0x0], $0xffff;
	_ =	sdelay $0x4  }
0x3ae: {  	[tilespmem:$0xF9C0] =	vst v1;
	v1 =	vld [tilespmem:$0x1F5B0];
	_ =	sdelay $0x7  }
0x3af: {  	v1 =	vld.idx.msk [tilespmem:v1+s11+$0x0], $0xffff;
	_ =	sdelay $0x4  }
0x3b0: {  	[tilespmem:$0xF9D0] =	vst v1;
	v1 =	vld [tilespmem:$0x1F5C0];
	_ =	sdelay $0x7  }
0x3b1: {  	v1 =	vld.idx.msk [tilespmem:v1+s11+$0x0], $0xffff;
	_ =	sdelay $0x4  }
0x3b2: {  	[tilespmem:$0xF9E0] =	vst v1;
	v1 =	vld [tilespmem:$0x1F5D0];
	_ =	sdelay $0x7  }
0x3b3: {  	v1 =	vld.idx.msk [tilespmem:v1+s11+$0x0], $0xffff;
	_ =	sdelay $0x4  }
0x3b4: {  	[tilespmem:$0xF9F0] =	vst v1;
	v1 =	vld [tilespmem:$0x1F5E0];
	_ =	sdelay $0x7  }
0x3b5: {  	v1 =	vld.idx.msk [tilespmem:v1+s11+$0x0], $0xffff;
	_ =	sdelay $0x4  }
0x3b6: {  	[tilespmem:$0xFA00] =	vst v1;
	v1 =	vld [tilespmem:$0x1F5F0];
	_ =	sdelay $0x7  }
0x3b7: {  	v1 =	vld.idx.msk [tilespmem:v1+s11+$0x0], $0xffff;
	_ =	sdelay $0x4  }
0x3b8: {  	[tilespmem:$0xFA10] =	vst v1;
	v1 =	vld [tilespmem:$0x1F600];
	_ =	sdelay $0x7  }
0x3b9: {  	v1 =	vld.idx.msk [tilespmem:v1+s11+$0x0], $0xffff;
	_ =	sdelay $0x4  }
0x3ba: {  	[tilespmem:$0xFA20] =	vst v1;
	v1 =	vld [tilespmem:$0x1F610];
	_ =	sdelay $0x7  }
0x3bb: {  	v1 =	vld.idx.msk [tilespmem:v1+s11+$0x0], $0xffff;
	_ =	sdelay $0x4  }
0x3bc: {  	[tilespmem:$0xFA30] =	vst v1;
	v1 =	vld [tilespmem:$0x1F620];
	_ =	sdelay $0x7  }
0x3bd: {  	v1 =	vld.idx.msk [tilespmem:v1+s11+$0x0], $0xffff;
	_ =	sdelay $0x4  }
0x3be: {  	[tilespmem:$0xFA40] =	vst v1;
	v1 =	vld [tilespmem:$0x1F630];
	_ =	sdelay $0x7  }
0x3bf: {  	v1 =	vld.idx.msk [tilespmem:v1+s11+$0x0], $0xffff;
	_ =	sdelay $0x4  }
0x3c0: {  	[tilespmem:$0xFA50] =	vst v1;
	v1 =	vld [tilespmem:$0x1F640];
	_ =	sdelay $0x7  }
0x3c1: {  	v1 =	vld.idx.msk [tilespmem:v1+s11+$0x0], $0xffff;
	_ =	sdelay $0x4  }
0x3c2: {  	[tilespmem:$0xFA60] =	vst v1;
	v1 =	vld [tilespmem:$0x1F650];
	_ =	sdelay $0x7  }
0x3c3: {  	v1 =	vld.idx.msk [tilespmem:v1+s11+$0x0], $0xffff;
	_ =	sdelay $0x4  }
0x3c4: {  	[tilespmem:$0xFA70] =	vst v1;
	v1 =	vld [tilespmem:$0x1F660];
	_ =	sdelay $0x7  }
0x3c5: {  	v1 =	vld.idx.msk [tilespmem:v1+s11+$0x0], $0xffff;
	_ =	sdelay $0x4  }
0x3c6: {  	[tilespmem:$0xFA80] =	vst v1;
	v1 =	vld [tilespmem:$0x1F670];
	_ =	sdelay $0x7  }
0x3c7: {  	v1 =	vld.idx.msk [tilespmem:v1+s11+$0x0], $0xffff;
	_ =	sdelay $0x4  }
0x3c8: {  	[tilespmem:$0xFA90] =	vst v1;
	v1 =	vld [tilespmem:$0x1F680];
	_ =	sdelay $0x7  }
0x3c9: {  	v1 =	vld.idx.msk [tilespmem:v1+s11+$0x0], $0xffff;
	_ =	sdelay $0x4  }
0x3ca: {  	[tilespmem:$0xFAA0] =	vst v1;
	v1 =	vld [tilespmem:$0x1F690];
	_ =	sdelay $0x7  }
0x3cb: {  	v1 =	vld.idx.msk [tilespmem:v1+s11+$0x0], $0xffff;
	_ =	sdelay $0x4  }
0x3cc: {  	[tilespmem:$0xFAB0] =	vst v1;
	v1 =	vld [tilespmem:$0x1F6A0];
	_ =	sdelay $0x7  }
0x3cd: {  	v1 =	vld.idx.msk [tilespmem:v1+s11+$0x0], $0xffff;
	_ =	sdelay $0x4  }
0x3ce: {  	[tilespmem:$0xFAC0] =	vst v1;
	v1 =	vld [tilespmem:$0x1F6B0];
	_ =	sdelay $0x7  }
0x3cf: {  	v1 =	vld.idx.msk [tilespmem:v1+s11+$0x0], $0xffff;
	_ =	sdelay $0x4  }
0x3d0: {  	[tilespmem:$0xFAD0] =	vst v1;
	v1 =	vld [tilespmem:$0x1F6C0];
	_ =	sdelay $0x7  }
0x3d1: {  	v1 =	vld.idx.msk [tilespmem:v1+s11+$0x0], $0xffff;
	_ =	sdelay $0x4  }
0x3d2: {  	[tilespmem:$0xFAE0] =	vst v1;
	v1 =	vld [tilespmem:$0x1F6D0];
	_ =	sdelay $0x7  }
0x3d3: {  	v1 =	vld.idx.msk [tilespmem:v1+s11+$0x0], $0xffff;
	_ =	sdelay $0x4  }
0x3d4: {  	[tilespmem:$0xFAF0] =	vst v1;
	v1 =	vld [tilespmem:$0x1F6E0];
	_ =	sdelay $0x7  }
0x3d5: {  	v1 =	vld.idx.msk [tilespmem:v1+s11+$0x0], $0xffff;
	_ =	sdelay $0x4  }
0x3d6: {  	[tilespmem:$0xFB00] =	vst v1;
	v1 =	vld [tilespmem:$0x1F6F0];
	_ =	sdelay $0x7  }
0x3d7: {  	v1 =	vld.idx.msk [tilespmem:v1+s11+$0x0], $0xffff;
	_ =	sdelay $0x4  }
0x3d8: {  	[tilespmem:$0xFB10] =	vst v1;
	v1 =	vld [tilespmem:$0x1F700];
	_ =	sdelay $0x7  }
0x3d9: {  	v1 =	vld.idx.msk [tilespmem:v1+s11+$0x0], $0xffff;
	_ =	sdelay $0x4  }
0x3da: {  	[tilespmem:$0xFB20] =	vst v1;
	v1 =	vld [tilespmem:$0x1F710];
	_ =	sdelay $0x7  }
0x3db: {  	v1 =	vld.idx.msk [tilespmem:v1+s11+$0x0], $0xffff;
	_ =	sdelay $0x4  }
0x3dc: {  	[tilespmem:$0xFB30] =	vst v1;
	v1 =	vld [tilespmem:$0x1F720];
	_ =	sdelay $0x7  }
0x3dd: {  	v1 =	vld.idx.msk [tilespmem:v1+s11+$0x0], $0xffff;
	_ =	sdelay $0x4  }
0x3de: {  	[tilespmem:$0xFB40] =	vst v1;
	v1 =	vld [tilespmem:$0x1F730];
	_ =	sdelay $0x7  }
0x3df: {  	v1 =	vld.idx.msk [tilespmem:v1+s11+$0x0], $0xffff;
	_ =	sdelay $0x4  }
0x3e0: {  	[tilespmem:$0xFB50] =	vst v1;
	v1 =	vld [tilespmem:$0x1F740];
	_ =	sdelay $0x7  }
0x3e1: {  	v1 =	vld.idx.msk [tilespmem:v1+s11+$0x0], $0xffff;
	_ =	sdelay $0x4  }
0x3e2: {  	[tilespmem:$0xFB60] =	vst v1;
	v1 =	vld [tilespmem:$0x1F750];
	_ =	sdelay $0x7  }
0x3e3: {  	v1 =	vld.idx.msk [tilespmem:v1+s11+$0x0], $0xffff;
	_ =	sdelay $0x4  }
0x3e4: {  	[tilespmem:$0xFB70] =	vst v1;
	v1 =	vld [tilespmem:$0x1F760];
	_ =	sdelay $0x7  }
0x3e5: {  	v1 =	vld.idx.msk [tilespmem:v1+s11+$0x0], $0xffff;
	_ =	sdelay $0x4  }
0x3e6: {  	[tilespmem:$0xFB80] =	vst v1;
	v1 =	vld [tilespmem:$0x1F770];
	_ =	sdelay $0x7  }
0x3e7: {  	v1 =	vld.idx.msk [tilespmem:v1+s11+$0x0], $0xffff;
	_ =	sdelay $0x4  }
0x3e8: {  	[tilespmem:$0xFB90] =	vst v1;
	v1 =	vld [tilespmem:$0x1F780];
	_ =	sdelay $0x7  }
0x3e9: {  	v1 =	vld.idx.msk [tilespmem:v1+s11+$0x0], $0xffff;
	_ =	sdelay $0x4  }
0x3ea: {  	[tilespmem:$0xFBA0] =	vst v1;
	v1 =	vld [tilespmem:$0x1F790];
	_ =	sdelay $0x7  }
0x3eb: {  	v1 =	vld.idx.msk [tilespmem:v1+s11+$0x0], $0xffff;
	_ =	sdelay $0x4  }
0x3ec: {  	[tilespmem:$0xFBB0] =	vst v1;
	v1 =	vld [tilespmem:$0x1F7A0];
	_ =	sdelay $0x7  }
0x3ed: {  	v1 =	vld.idx.msk [tilespmem:v1+s11+$0x0], $0xffff;
	_ =	sdelay $0x4  }
0x3ee: {  	[tilespmem:$0xFBC0] =	vst v1;
	v1 =	vld [tilespmem:$0x1F7B0];
	_ =	sdelay $0x7  }
0x3ef: {  	v1 =	vld.idx.msk [tilespmem:v1+s11+$0x0], $0xffff;
	_ =	sdelay $0x4  }
0x3f0: {  	[tilespmem:$0xFBD0] =	vst v1;
	v1 =	vld [tilespmem:$0x1F7C0];
	_ =	sdelay $0x7  }
0x3f1: {  	v1 =	vld.idx.msk [tilespmem:v1+s11+$0x0], $0xffff;
	_ =	sdelay $0x4  }
0x3f2: {  	[tilespmem:$0xFBE0] =	vst v1;
	v1 =	vld [tilespmem:$0x1F7D0];
	_ =	sdelay $0x7  }
0x3f3: {  	v1 =	vld.idx.msk [tilespmem:v1+s11+$0x0], $0xffff;
	_ =	sdelay $0x4  }
0x3f4: {  	[tilespmem:$0xFBF0] =	vst v1;
	v1 =	vld [tilespmem:$0x1F7E0];
	_ =	sdelay $0x7  }
0x3f5: {  	v1 =	vld.idx.msk [tilespmem:v1+s11+$0x0], $0xffff;
	_ =	sdelay $0x4  }
0x3f6: {  	[tilespmem:$0xFC00] =	vst v1;
	v1 =	vld [tilespmem:$0x1F7F0];
	_ =	sdelay $0x7  }
0x3f7: {  	v1 =	vld.idx.msk [tilespmem:v1+s11+$0x0], $0xffff;
	_ =	sdelay $0x4  }
0x3f8: {  	[tilespmem:$0xFC10] =	vst v1;
	v1 =	vld [tilespmem:$0x1F800];
	_ =	sdelay $0x7  }
0x3f9: {  	v1 =	vld.idx.msk [tilespmem:v1+s11+$0x0], $0xffff;
	_ =	sdelay $0x4  }
0x3fa: {  	[tilespmem:$0xFC20] =	vst v1;
	v1 =	vld [tilespmem:$0x1F810];
	_ =	sdelay $0x7  }
0x3fb: {  	v1 =	vld.idx.msk [tilespmem:v1+s11+$0x0], $0xffff;
	_ =	sdelay $0x4  }
0x3fc: {  	[tilespmem:$0xFC30] =	vst v1;
	v1 =	vld [tilespmem:$0x1F820];
	_ =	sdelay $0x7  }
0x3fd: {  	v1 =	vld.idx.msk [tilespmem:v1+s11+$0x0], $0xffff;
	_ =	sdelay $0x4  }
0x3fe: {  	[tilespmem:$0xFC40] =	vst v1;
	v1 =	vld [tilespmem:$0x1F830];
	_ =	sdelay $0x7  }
0x3ff: {  	v1 =	vld.idx.msk [tilespmem:v1+s11+$0x0], $0xffff;
	_ =	sdelay $0x4  }
0x400: {  	[tilespmem:$0xFC50] =	vst v1;
	v1 =	vld [tilespmem:$0x1F840];
	_ =	sdelay $0x7  }
0x401: {  	v1 =	vld.idx.msk [tilespmem:v1+s11+$0x0], $0xffff;
	_ =	sdelay $0x4  }
0x402: {  	[tilespmem:$0xFC60] =	vst v1;
	v1 =	vld [tilespmem:$0x1F850];
	_ =	sdelay $0x7  }
0x403: {  	v1 =	vld.idx.msk [tilespmem:v1+s11+$0x0], $0xffff;
	_ =	sdelay $0x4  }
0x404: {  	[tilespmem:$0xFC70] =	vst v1;
	v1 =	vld [tilespmem:$0x1F860];
	_ =	sdelay $0x7  }
0x405: {  	v1 =	vld.idx.msk [tilespmem:v1+s11+$0x0], $0xffff;
	_ =	sdelay $0x4  }
0x406: {  	[tilespmem:$0xFC80] =	vst v1;
	v1 =	vld [tilespmem:$0x1F870];
	_ =	sdelay $0x7  }
0x407: {  	v1 =	vld.idx.msk [tilespmem:v1+s11+$0x0], $0xffff;
	_ =	sdelay $0x4  }
0x408: {  	[tilespmem:$0xFC90] =	vst v1;
	v1 =	vld [tilespmem:$0x1F880];
	_ =	sdelay $0x7  }
0x409: {  	v1 =	vld.idx.msk [tilespmem:v1+s11+$0x0], $0xffff;
	_ =	sdelay $0x4  }
0x40a: {  	[tilespmem:$0xFCA0] =	vst v1;
	v1 =	vld [tilespmem:$0x1F890];
	_ =	sdelay $0x7  }
0x40b: {  	v1 =	vld.idx.msk [tilespmem:v1+s11+$0x0], $0xffff;
	_ =	sdelay $0x4  }
0x40c: {  	[tilespmem:$0xFCB0] =	vst v1;
	v1 =	vld [tilespmem:$0x1F8A0];
	_ =	sdelay $0x7  }
0x40d: {  	v1 =	vld.idx.msk [tilespmem:v1+s11+$0x0], $0xffff;
	_ =	sdelay $0x4  }
0x40e: {  	[tilespmem:$0xFCC0] =	vst v1;
	v1 =	vld [tilespmem:$0x1F8B0];
	_ =	sdelay $0x7  }
0x40f: {  	v1 =	vld.idx.msk [tilespmem:v1+s11+$0x0], $0xffff;
	_ =	sdelay $0x4  }
0x410: {  	[tilespmem:$0xFCD0] =	vst v1;
	v1 =	vld [tilespmem:$0x1F8C0];
	_ =	sdelay $0x7  }
0x411: {  	v1 =	vld.idx.msk [tilespmem:v1+s11+$0x0], $0xffff;
	_ =	sdelay $0x4  }
0x412: {  	[tilespmem:$0xFCE0] =	vst v1;
	v1 =	vld [tilespmem:$0x1F8D0];
	_ =	sdelay $0x7  }
0x413: {  	v1 =	vld.idx.msk [tilespmem:v1+s11+$0x0], $0xffff;
	_ =	sdelay $0x4  }
0x414: {  	[tilespmem:$0xFCF0] =	vst v1;
	v1 =	vld [tilespmem:$0x1F8E0];
	_ =	sdelay $0x7  }
0x415: {  	v1 =	vld.idx.msk [tilespmem:v1+s11+$0x0], $0xffff;
	_ =	sdelay $0x4  }
0x416: {  	[tilespmem:$0xFD00] =	vst v1;
	v1 =	vld [tilespmem:$0x1F8F0];
	_ =	sdelay $0x7  }
0x417: {  	v1 =	vld.idx.msk [tilespmem:v1+s11+$0x0], $0xffff;
	_ =	sdelay $0x4  }
0x418: {  	[tilespmem:$0xFD10] =	vst v1;
	v1 =	vld [tilespmem:$0x1F900];
	_ =	sdelay $0x7  }
0x419: {  	v1 =	vld.idx.msk [tilespmem:v1+s11+$0x0], $0xffff;
	_ =	sdelay $0x4  }
0x41a: {  	[tilespmem:$0xFD20] =	vst v1;
	v1 =	vld [tilespmem:$0x1F910];
	_ =	sdelay $0x7  }
0x41b: {  	v1 =	vld.idx.msk [tilespmem:v1+s11+$0x0], $0xffff;
	_ =	sdelay $0x4  }
0x41c: {  	[tilespmem:$0xFD30] =	vst v1;
	v1 =	vld [tilespmem:$0x1F920];
	_ =	sdelay $0x7  }
0x41d: {  	v1 =	vld.idx.msk [tilespmem:v1+s11+$0x0], $0xffff;
	_ =	sdelay $0x4  }
0x41e: {  	[tilespmem:$0xFD40] =	vst v1;
	v1 =	vld [tilespmem:$0x1F930];
	_ =	sdelay $0x7  }
0x41f: {  	v1 =	vld.idx.msk [tilespmem:v1+s11+$0x0], $0xffff;
	_ =	sdelay $0x4  }
0x420: {  	[tilespmem:$0xFD50] =	vst v1;
	v1 =	vld [tilespmem:$0x1F940];
	_ =	sdelay $0x7  }
0x421: {  	v1 =	vld.idx.msk [tilespmem:v1+s11+$0x0], $0xffff;
	_ =	sdelay $0x4  }
0x422: {  	[tilespmem:$0xFD60] =	vst v1;
	v1 =	vld [tilespmem:$0x1F950];
	_ =	sdelay $0x7  }
0x423: {  	v1 =	vld.idx.msk [tilespmem:v1+s11+$0x0], $0xffff;
	_ =	sdelay $0x4  }
0x424: {  	[tilespmem:$0xFD70] =	vst v1;
	v1 =	vld [tilespmem:$0x1F960];
	_ =	sdelay $0x7  }
0x425: {  	v1 =	vld.idx.msk [tilespmem:v1+s11+$0x0], $0xffff;
	_ =	sdelay $0x4  }
0x426: {  	[tilespmem:$0xFD80] =	vst v1;
	v1 =	vld [tilespmem:$0x1F970];
	_ =	sdelay $0x7  }
0x427: {  	v1 =	vld.idx.msk [tilespmem:v1+s11+$0x0], $0xffff;
	_ =	sdelay $0x4  }
0x428: {  	[tilespmem:$0xFD90] =	vst v1;
	v1 =	vld [tilespmem:$0x1F980];
	_ =	sdelay $0x7  }
0x429: {  	v1 =	vld.idx.msk [tilespmem:v1+s11+$0x0], $0xffff;
	_ =	sdelay $0x4  }
0x42a: {  	[tilespmem:$0xFDA0] =	vst v1;
	v1 =	vld [tilespmem:$0x1F990];
	_ =	sdelay $0x7  }
0x42b: {  	v1 =	vld.idx.msk [tilespmem:v1+s11+$0x0], $0xffff;
	_ =	sdelay $0x4  }
0x42c: {  	[tilespmem:$0xFDB0] =	vst v1;
	v1 =	vld [tilespmem:$0x1F9A0];
	_ =	sdelay $0x7  }
0x42d: {  	v1 =	vld.idx.msk [tilespmem:v1+s11+$0x0], $0xffff;
	_ =	sdelay $0x4  }
0x42e: {  	[tilespmem:$0xFDC0] =	vst v1;
	v1 =	vld [tilespmem:$0x1F9B0];
	_ =	sdelay $0x7  }
0x42f: {  	v1 =	vld.idx.msk [tilespmem:v1+s11+$0x0], $0xffff;
	_ =	sdelay $0x4  }
0x430: {  	[tilespmem:$0xFDD0] =	vst v1;
	v1 =	vld [tilespmem:$0x1F9C0];
	_ =	sdelay $0x7  }
0x431: {  	v1 =	vld.idx.msk [tilespmem:v1+s11+$0x0], $0xffff;
	_ =	sdelay $0x4  }
0x432: {  	[tilespmem:$0xFDE0] =	vst v1;
	v1 =	vld [tilespmem:$0x1F9D0];
	_ =	sdelay $0x7  }
0x433: {  	v1 =	vld.idx.msk [tilespmem:v1+s11+$0x0], $0xffff;
	_ =	sdelay $0x4  }
0x434: {  	[tilespmem:$0xFDF0] =	vst v1;
	v1 =	vld [tilespmem:$0x1F9E0];
	_ =	sdelay $0x7  }
0x435: {  	v1 =	vld.idx.msk [tilespmem:v1+s11+$0x0], $0xffff;
	_ =	sdelay $0x4  }
0x436: {  	[tilespmem:$0xFE00] =	vst v1;
	v1 =	vld [tilespmem:$0x1F9F0];
	_ =	sdelay $0x7  }
0x437: {  	v1 =	vld.idx.msk [tilespmem:v1+s11+$0x0], $0xffff;
	_ =	sdelay $0x4  }
0x438: {  	[tilespmem:$0xFE10] =	vst v1;
	v1 =	vld [tilespmem:$0x1FA00];
	_ =	sdelay $0x7  }
0x439: {  	v1 =	vld.idx.msk [tilespmem:v1+s11+$0x0], $0xffff;
	_ =	sdelay $0x4  }
0x43a: {  	[tilespmem:$0xFE20] =	vst v1;
	v1 =	vld [tilespmem:$0x1FA10];
	_ =	sdelay $0x7  }
0x43b: {  	v1 =	vld.idx.msk [tilespmem:v1+s11+$0x0], $0xffff;
	_ =	sdelay $0x4  }
0x43c: {  	[tilespmem:$0xFE30] =	vst v1;
	v1 =	vld [tilespmem:$0x1FA20];
	_ =	sdelay $0x7  }
0x43d: {  	v1 =	vld.idx.msk [tilespmem:v1+s11+$0x0], $0xffff;
	_ =	sdelay $0x4  }
0x43e: {  	[tilespmem:$0xFE40] =	vst v1;
	v1 =	vld [tilespmem:$0x1FA30];
	_ =	sdelay $0x7  }
0x43f: {  	v1 =	vld.idx.msk [tilespmem:v1+s11+$0x0], $0xffff;
	_ =	sdelay $0x4  }
0x440: {  	[tilespmem:$0xFE50] =	vst v1;
	v1 =	vld [tilespmem:$0x1FA40];
	_ =	sdelay $0x7  }
0x441: {  	v1 =	vld.idx.msk [tilespmem:v1+s11+$0x0], $0xffff;
	_ =	sdelay $0x4  }
0x442: {  	[tilespmem:$0xFE60] =	vst v1;
	v1 =	vld [tilespmem:$0x1FA50];
	_ =	sdelay $0x7  }
0x443: {  	v1 =	vld.idx.msk [tilespmem:v1+s11+$0x0], $0xffff;
	_ =	sdelay $0x4  }
0x444: {  	[tilespmem:$0xFE70] =	vst v1;
	v1 =	vld [tilespmem:$0x1FA60];
	_ =	sdelay $0x7  }
0x445: {  	v1 =	vld.idx.msk [tilespmem:v1+s11+$0x0], $0xffff;
	_ =	sdelay $0x4  }
0x446: {  	[tilespmem:$0xFE80] =	vst v1;
	v1 =	vld [tilespmem:$0x1FA70];
	_ =	sdelay $0x7  }
0x447: {  	v1 =	vld.idx.msk [tilespmem:v1+s11+$0x0], $0xffff;
	_ =	sdelay $0x4  }
0x448: {  	[tilespmem:$0xFE90] =	vst v1;
	v1 =	vld [tilespmem:$0x1FA80];
	_ =	sdelay $0x7  }
0x449: {  	v1 =	vld.idx.msk [tilespmem:v1+s11+$0x0], $0xffff;
	_ =	sdelay $0x4  }
0x44a: {  	[tilespmem:$0xFEA0] =	vst v1;
	v1 =	vld [tilespmem:$0x1FA90];
	_ =	sdelay $0x7  }
0x44b: {  	v1 =	vld.idx.msk [tilespmem:v1+s11+$0x0], $0xffff;
	_ =	sdelay $0x4  }
0x44c: {  	[tilespmem:$0xFEB0] =	vst v1;
	v1 =	vld [tilespmem:$0x1FAA0];
	_ =	sdelay $0x7  }
0x44d: {  	v1 =	vld.idx.msk [tilespmem:v1+s11+$0x0], $0xffff;
	_ =	sdelay $0x4  }
0x44e: {  	[tilespmem:$0xFEC0] =	vst v1;
	v1 =	vld [tilespmem:$0x1FAB0];
	_ =	sdelay $0x7  }
0x44f: {  	v1 =	vld.idx.msk [tilespmem:v1+s11+$0x0], $0xffff;
	_ =	sdelay $0x4  }
0x450: {  	[tilespmem:$0xFED0] =	vst v1;
	v1 =	vld [tilespmem:$0x1FAC0];
	_ =	sdelay $0x7  }
0x451: {  	v1 =	vld.idx.msk [tilespmem:v1+s11+$0x0], $0xffff;
	_ =	sdelay $0x4  }
0x452: {  	[tilespmem:$0xFEE0] =	vst v1;
	v1 =	vld [tilespmem:$0x1FAD0];
	_ =	sdelay $0x7  }
0x453: {  	v1 =	vld.idx.msk [tilespmem:v1+s11+$0x0], $0xffff;
	_ =	sdelay $0x4  }
0x454: {  	[tilespmem:$0xFEF0] =	vst v1;
	v1 =	vld [tilespmem:$0x1FAE0];
	_ =	sdelay $0x7  }
0x455: {  	v1 =	vld.idx.msk [tilespmem:v1+s11+$0x0], $0xffff;
	_ =	sdelay $0x4  }
0x456: {  	[tilespmem:$0xFF00] =	vst v1;
	v1 =	vld [tilespmem:$0x1FAF0];
	_ =	sdelay $0x7  }
0x457: {  	v1 =	vld.idx.msk [tilespmem:v1+s11+$0x0], $0xffff;
	_ =	sdelay $0x4  }
0x458: {  	[tilespmem:$0xFF10] =	vst v1;
	v1 =	vld [tilespmem:$0x1FB00];
	_ =	sdelay $0x7  }
0x459: {  	v1 =	vld.idx.msk [tilespmem:v1+s11+$0x0], $0xffff;
	_ =	sdelay $0x4  }
0x45a: {  	[tilespmem:$0xFF20] =	vst v1;
	v1 =	vld [tilespmem:$0x1FB10];
	_ =	sdelay $0x7  }
0x45b: {  	v1 =	vld.idx.msk [tilespmem:v1+s11+$0x0], $0xffff;
	_ =	sdelay $0x4  }
0x45c: {  	[tilespmem:$0xFF30] =	vst v1;
	v1 =	vld [tilespmem:$0x1FB20];
	_ =	sdelay $0x7  }
0x45d: {  	v1 =	vld.idx.msk [tilespmem:v1+s11+$0x0], $0xffff;
	_ =	sdelay $0x4  }
0x45e: {  	[tilespmem:$0xFF40] =	vst v1;
	v1 =	vld [tilespmem:$0x1FB30];
	_ =	sdelay $0x7  }
0x45f: {  	v1 =	vld.idx.msk [tilespmem:v1+s11+$0x0], $0xffff;
	_ =	sdelay $0x4  }
0x460: {  	[tilespmem:$0xFF50] =	vst v1;
	v1 =	vld [tilespmem:$0x1FB40];
	_ =	sdelay $0x7  }
0x461: {  	v1 =	vld.idx.msk [tilespmem:v1+s11+$0x0], $0xffff;
	_ =	sdelay $0x4  }
0x462: {  	[tilespmem:$0xFF60] =	vst v1;
	v1 =	vld [tilespmem:$0x1FB50];
	_ =	sdelay $0x7  }
0x463: {  	v1 =	vld.idx.msk [tilespmem:v1+s11+$0x0], $0xffff;
	_ =	sdelay $0x4  }
0x464: {  	[tilespmem:$0xFF70] =	vst v1;
	v1 =	vld [tilespmem:$0x1FB60];
	_ =	sdelay $0x7  }
0x465: {  	v1 =	vld.idx.msk [tilespmem:v1+s11+$0x0], $0xffff;
	_ =	sdelay $0x4  }
0x466: {  	[tilespmem:$0xFF80] =	vst v1;
	v1 =	vld [tilespmem:$0x1FB70];
	_ =	sdelay $0x7  }
0x467: {  	v1 =	vld.idx.msk [tilespmem:v1+s11+$0x0], $0xffff;
	_ =	sdelay $0x4  }
0x468: {  	[tilespmem:$0xFF90] =	vst v1;
	v1 =	vld [tilespmem:$0x1FB80];
	_ =	sdelay $0x7  }
0x469: {  	v1 =	vld.idx.msk [tilespmem:v1+s11+$0x0], $0xffff;
	_ =	sdelay $0x4  }
0x46a: {  	[tilespmem:$0xFFA0] =	vst v1;
	v1 =	vld [tilespmem:$0x1FB90];
	_ =	sdelay $0x7  }
0x46b: {  	v1 =	vld.idx.msk [tilespmem:v1+s11+$0x0], $0xffff;
	_ =	sdelay $0x4  }
0x46c: {  	[tilespmem:$0xFFB0] =	vst v1;
	v1 =	vld [tilespmem:$0x1FBA0];
	_ =	sdelay $0x7  }
0x46d: {  	v1 =	vld.idx.msk [tilespmem:v1+s11+$0x0], $0xffff;
	_ =	sdelay $0x4  }
0x46e: {  	[tilespmem:$0xFFC0] =	vst v1;
	v1 =	vld [tilespmem:$0x1FBB0];
	_ =	sdelay $0x7  }
0x46f: {  	v1 =	vld.idx.msk [tilespmem:v1+s11+$0x0], $0xffff;
	_ =	sdelay $0x4  }
0x470: {  	[tilespmem:$0xFFD0] =	vst v1;
	v1 =	vld [tilespmem:$0x1FBC0];
	_ =	sdelay $0x7  }
0x471: {  	v1 =	vld.idx.msk [tilespmem:v1+s11+$0x0], $0xffff;
	_ =	sdelay $0x4  }
0x472: {  	[tilespmem:$0xFFE0] =	vst v1;
	v1 =	vld [tilespmem:$0x1FBD0];
	_ =	sdelay $0x7  }
0x473: {  	v1 =	vld.idx.msk [tilespmem:v1+s11+$0x0], $0xffff;
	_ =	sdelay $0x4  }
0x474: {  	[tilespmem:$0xFFF0] =	vst v1;
	v1 =	vld [tilespmem:$0x1FBE0];
	_ =	sdelay $0x7  }
0x475: {  	v1 =	vld.idx.msk [tilespmem:v1+s11+$0x0], $0xffff;
	_ =	sdelay $0x4  }
0x476: {  	[tilespmem:$0x10000] =	vst v1;
	v1 =	vld [tilespmem:$0x1FBF0];
	_ =	sdelay $0x7  }
0x477: {  	v1 =	vld.idx.msk [tilespmem:v1+s11+$0x0], $0xffff;
	_ =	sdelay $0x4  }
0x478: {  	[tilespmem:$0x10010] =	vst v1;
	v1 =	vld [tilespmem:$0x1FC00];
	_ =	sdelay $0x7  }
0x479: {  	v1 =	vld.idx.msk [tilespmem:v1+s11+$0x0], $0xffff;
	_ =	sdelay $0x4  }
0x47a: {  	[tilespmem:$0x10020] =	vst v1;
	v1 =	vld [tilespmem:$0x1FC10];
	_ =	sdelay $0x7  }
0x47b: {  	v1 =	vld.idx.msk [tilespmem:v1+s11+$0x0], $0xffff;
	_ =	sdelay $0x4  }
0x47c: {  	[tilespmem:$0x10030] =	vst v1;
	v1 =	vld [tilespmem:$0x1FC20];
	_ =	sdelay $0x7  }
0x47d: {  	v1 =	vld.idx.msk [tilespmem:v1+s11+$0x0], $0xffff;
	_ =	sdelay $0x4  }
0x47e: {  	[tilespmem:$0x10040] =	vst v1;
	v1 =	vld [tilespmem:$0x1FC30];
	_ =	sdelay $0x7  }
0x47f: {  	v1 =	vld.idx.msk [tilespmem:v1+s11+$0x0], $0xffff;
	_ =	sdelay $0x4  }
0x480: {  	[tilespmem:$0x10050] =	vst v1;
	v1 =	vld [tilespmem:$0x1FC40];
	_ =	sdelay $0x7  }
0x481: {  	v1 =	vld.idx.msk [tilespmem:v1+s11+$0x0], $0xffff;
	_ =	sdelay $0x4  }
0x482: {  	[tilespmem:$0x10060] =	vst v1;
	v1 =	vld [tilespmem:$0x1FC50];
	_ =	sdelay $0x7  }
0x483: {  	v1 =	vld.idx.msk [tilespmem:v1+s11+$0x0], $0xffff;
	_ =	sdelay $0x4  }
0x484: {  	[tilespmem:$0x10070] =	vst v1;
	v1 =	vld [tilespmem:$0x1FC60];
	_ =	sdelay $0x7  }
0x485: {  	v1 =	vld.idx.msk [tilespmem:v1+s11+$0x0], $0xffff;
	_ =	sdelay $0x4  }
0x486: {  	[tilespmem:$0x10080] =	vst v1;
	v1 =	vld [tilespmem:$0x1FC70];
	_ =	sdelay $0x7  }
0x487: {  	v1 =	vld.idx.msk [tilespmem:v1+s11+$0x0], $0xffff;
	_ =	sdelay $0x4  }
0x488: {  	[tilespmem:$0x10090] =	vst v1;
	v1 =	vld [tilespmem:$0x1FC80];
	_ =	sdelay $0x7  }
0x489: {  	v1 =	vld.idx.msk [tilespmem:v1+s11+$0x0], $0xffff;
	_ =	sdelay $0x4  }
0x48a: {  	[tilespmem:$0x100A0] =	vst v1;
	v1 =	vld [tilespmem:$0x1FC90];
	_ =	sdelay $0x7  }
0x48b: {  	v1 =	vld.idx.msk [tilespmem:v1+s11+$0x0], $0xffff;
	_ =	sdelay $0x4  }
0x48c: {  	[tilespmem:$0x100B0] =	vst v1;
	v1 =	vld [tilespmem:$0x1FCA0];
	_ =	sdelay $0x7  }
0x48d: {  	v1 =	vld.idx.msk [tilespmem:v1+s11+$0x0], $0xffff;
	_ =	sdelay $0x4  }
0x48e: {  	[tilespmem:$0x100C0] =	vst v1;
	v1 =	vld [tilespmem:$0x1FCB0];
	_ =	sdelay $0x7  }
0x48f: {  	v1 =	vld.idx.msk [tilespmem:v1+s11+$0x0], $0xffff;
	_ =	sdelay $0x4  }
0x490: {  	[tilespmem:$0x100D0] =	vst v1;
	v1 =	vld [tilespmem:$0x1FCC0];
	_ =	sdelay $0x7  }
0x491: {  	v1 =	vld.idx.msk [tilespmem:v1+s11+$0x0], $0xffff;
	_ =	sdelay $0x4  }
0x492: {  	[tilespmem:$0x100E0] =	vst v1;
	v1 =	vld [tilespmem:$0x1FCD0];
	_ =	sdelay $0x7  }
0x493: {  	v1 =	vld.idx.msk [tilespmem:v1+s11+$0x0], $0xffff;
	_ =	sdelay $0x4  }
0x494: {  	[tilespmem:$0x100F0] =	vst v1;
	v1 =	vld [tilespmem:$0x1FCE0];
	_ =	sdelay $0x7  }
0x495: {  	v1 =	vld.idx.msk [tilespmem:v1+s11+$0x0], $0xffff;
	_ =	sdelay $0x4  }
0x496: {  	[tilespmem:$0x10100] =	vst v1;
	v1 =	vld [tilespmem:$0x1FCF0];
	_ =	sdelay $0x7  }
0x497: {  	v1 =	vld.idx.msk [tilespmem:v1+s11+$0x0], $0xffff;
	_ =	sdelay $0x4  }
0x498: {  	[tilespmem:$0x10110] =	vst v1;
	v1 =	vld [tilespmem:$0x1FD00];
	_ =	sdelay $0x7  }
0x499: {  	v1 =	vld.idx.msk [tilespmem:v1+s11+$0x0], $0xffff;
	_ =	sdelay $0x4  }
0x49a: {  	[tilespmem:$0x10120] =	vst v1;
	v1 =	vld [tilespmem:$0x1FD10];
	_ =	sdelay $0x7  }
0x49b: {  	v1 =	vld.idx.msk [tilespmem:v1+s11+$0x0], $0xffff;
	_ =	sdelay $0x4  }
0x49c: {  	[tilespmem:$0x10130] =	vst v1;
	v1 =	vld [tilespmem:$0x1FD20];
	_ =	sdelay $0x7  }
0x49d: {  	v1 =	vld.idx.msk [tilespmem:v1+s11+$0x0], $0xffff;
	_ =	sdelay $0x4  }
0x49e: {  	[tilespmem:$0x10140] =	vst v1;
	v1 =	vld [tilespmem:$0x1FD30];
	_ =	sdelay $0x7  }
0x49f: {  	v1 =	vld.idx.msk [tilespmem:v1+s11+$0x0], $0xffff;
	_ =	sdelay $0x4  }
0x4a0: {  	[tilespmem:$0x10150] =	vst v1;
	v1 =	vld [tilespmem:$0x1FD40];
	_ =	sdelay $0x7  }
0x4a1: {  	v1 =	vld.idx.msk [tilespmem:v1+s11+$0x0], $0xffff;
	_ =	sdelay $0x4  }
0x4a2: {  	[tilespmem:$0x10160] =	vst v1;
	v1 =	vld [tilespmem:$0x1FD50];
	_ =	sdelay $0x7  }
0x4a3: {  	v1 =	vld.idx.msk [tilespmem:v1+s11+$0x0], $0xffff;
	_ =	sdelay $0x4  }
0x4a4: {  	[tilespmem:$0x10170] =	vst v1;
	v1 =	vld [tilespmem:$0x1FD60];
	_ =	sdelay $0x7  }
0x4a5: {  	v1 =	vld.idx.msk [tilespmem:v1+s11+$0x0], $0xffff;
	_ =	sdelay $0x4  }
0x4a6: {  	[tilespmem:$0x10180] =	vst v1;
	v1 =	vld [tilespmem:$0x1FD70];
	_ =	sdelay $0x7  }
0x4a7: {  	v1 =	vld.idx.msk [tilespmem:v1+s11+$0x0], $0xffff;
	_ =	sdelay $0x4  }
0x4a8: {  	[tilespmem:$0x10190] =	vst v1;
	v1 =	vld [tilespmem:$0x1FD80];
	_ =	sdelay $0x7  }
0x4a9: {  	v1 =	vld.idx.msk [tilespmem:v1+s11+$0x0], $0xffff;
	_ =	sdelay $0x4  }
0x4aa: {  	[tilespmem:$0x101A0] =	vst v1;
	v1 =	vld [tilespmem:$0x1FD90];
	_ =	sdelay $0x7  }
0x4ab: {  	v1 =	vld.idx.msk [tilespmem:v1+s11+$0x0], $0xffff;
	_ =	sdelay $0x4  }
0x4ac: {  	[tilespmem:$0x101B0] =	vst v1;
	v1 =	vld [tilespmem:$0x1FDA0];
	_ =	sdelay $0x7  }
0x4ad: {  	v1 =	vld.idx.msk [tilespmem:v1+s11+$0x0], $0xffff;
	_ =	sdelay $0x4  }
0x4ae: {  	[tilespmem:$0x101C0] =	vst v1;
	v1 =	vld [tilespmem:$0x1FDB0];
	_ =	sdelay $0x7  }
0x4af: {  	v1 =	vld.idx.msk [tilespmem:v1+s11+$0x0], $0xffff;
	_ =	sdelay $0x4  }
0x4b0: {  	[tilespmem:$0x101D0] =	vst v1;
	v1 =	vld [tilespmem:$0x1FDC0];
	_ =	sdelay $0x7  }
0x4b1: {  	v1 =	vld.idx.msk [tilespmem:v1+s11+$0x0], $0xffff;
	_ =	sdelay $0x4  }
0x4b2: {  	[tilespmem:$0x101E0] =	vst v1;
	v1 =	vld [tilespmem:$0x1FDD0];
	_ =	sdelay $0x7  }
0x4b3: {  	v1 =	vld.idx.msk [tilespmem:v1+s11+$0x0], $0xffff;
	_ =	sdelay $0x4  }
0x4b4: {  	[tilespmem:$0x101F0] =	vst v1;
	v1 =	vld [tilespmem:$0x1FDE0];
	_ =	sdelay $0x7  }
0x4b5: {  	v1 =	vld.idx.msk [tilespmem:v1+s11+$0x0], $0xffff;
	_ =	sdelay $0x4  }
0x4b6: {  	[tilespmem:$0x10200] =	vst v1;
	v1 =	vld [tilespmem:$0x1FDF0];
	_ =	sdelay $0x7  }
0x4b7: {  	v1 =	vld.idx.msk [tilespmem:v1+s11+$0x0], $0xffff;
	_ =	sdelay $0x4  }
0x4b8: {  	[tilespmem:$0x10210] =	vst v1;
	v1 =	vld [tilespmem:$0x1FE00];
	_ =	sdelay $0x7  }
0x4b9: {  	v1 =	vld.idx.msk [tilespmem:v1+s11+$0x0], $0xffff;
	_ =	sdelay $0x4  }
0x4ba: {  	[tilespmem:$0x10220] =	vst v1;
	v1 =	vld [tilespmem:$0x1FE10];
	_ =	sdelay $0x7  }
0x4bb: {  	v1 =	vld.idx.msk [tilespmem:v1+s11+$0x0], $0xffff;
	_ =	sdelay $0x4  }
0x4bc: {  	[tilespmem:$0x10230] =	vst v1;
	v1 =	vld [tilespmem:$0x1FE20];
	_ =	sdelay $0x7  }
0x4bd: {  	v1 =	vld.idx.msk [tilespmem:v1+s11+$0x0], $0xffff;
	_ =	sdelay $0x4  }
0x4be: {  	[tilespmem:$0x10240] =	vst v1;
	v1 =	vld [tilespmem:$0x1FE30];
	_ =	sdelay $0x7  }
0x4bf: {  	v1 =	vld.idx.msk [tilespmem:v1+s11+$0x0], $0xffff;
	_ =	sdelay $0x4  }
0x4c0: {  	[tilespmem:$0x10250] =	vst v1;
	v1 =	vld [tilespmem:$0x1FE40];
	_ =	sdelay $0x7  }
0x4c1: {  	v1 =	vld.idx.msk [tilespmem:v1+s11+$0x0], $0xffff;
	_ =	sdelay $0x4  }
0x4c2: {  	[tilespmem:$0x10260] =	vst v1;
	v1 =	vld [tilespmem:$0x1FE50];
	_ =	sdelay $0x7  }
0x4c3: {  	v1 =	vld.idx.msk [tilespmem:v1+s11+$0x0], $0xffff;
	_ =	sdelay $0x4  }
0x4c4: {  	[tilespmem:$0x10270] =	vst v1;
	v1 =	vld [tilespmem:$0x1FE60];
	_ =	sdelay $0x7  }
0x4c5: {  	v1 =	vld.idx.msk [tilespmem:v1+s11+$0x0], $0xffff;
	_ =	sdelay $0x4  }
0x4c6: {  	[tilespmem:$0x10280] =	vst v1;
	v1 =	vld [tilespmem:$0x1FE70];
	_ =	sdelay $0x7  }
0x4c7: {  	v1 =	vld.idx.msk [tilespmem:v1+s11+$0x0], $0xffff;
	_ =	sdelay $0x4  }
0x4c8: {  	[tilespmem:$0x10290] =	vst v1;
	v1 =	vld [tilespmem:$0x1FE80];
	_ =	sdelay $0x7  }
0x4c9: {  	v1 =	vld.idx.msk [tilespmem:v1+s11+$0x0], $0xffff;
	_ =	sdelay $0x4  }
0x4ca: {  	[tilespmem:$0x102A0] =	vst v1;
	v1 =	vld [tilespmem:$0x1FE90];
	_ =	sdelay $0x7  }
0x4cb: {  	v1 =	vld.idx.msk [tilespmem:v1+s11+$0x0], $0xffff;
	_ =	sdelay $0x4  }
0x4cc: {  	[tilespmem:$0x102B0] =	vst v1;
	v1 =	vld [tilespmem:$0x1FEA0];
	_ =	sdelay $0x7  }
0x4cd: {  	v1 =	vld.idx.msk [tilespmem:v1+s11+$0x0], $0xffff;
	_ =	sdelay $0x4  }
0x4ce: {  	[tilespmem:$0x102C0] =	vst v1;
	v1 =	vld [tilespmem:$0x1FEB0];
	_ =	sdelay $0x7  }
0x4cf: {  	v1 =	vld.idx.msk [tilespmem:v1+s11+$0x0], $0xffff;
	_ =	sdelay $0x4  }
0x4d0: {  	[tilespmem:$0x102D0] =	vst v1;
	v1 =	vld [tilespmem:$0x1FEC0];
	_ =	sdelay $0x7  }
0x4d1: {  	v1 =	vld.idx.msk [tilespmem:v1+s11+$0x0], $0xffff;
	_ =	sdelay $0x4  }
0x4d2: {  	[tilespmem:$0x102E0] =	vst v1;
	v1 =	vld [tilespmem:$0x1FED0];
	_ =	sdelay $0x7  }
0x4d3: {  	v1 =	vld.idx.msk [tilespmem:v1+s11+$0x0], $0xffff;
	_ =	sdelay $0x4  }
0x4d4: {  	[tilespmem:$0x102F0] =	vst v1;
	v1 =	vld [tilespmem:$0x1FEE0];
	_ =	sdelay $0x7  }
0x4d5: {  	v1 =	vld.idx.msk [tilespmem:v1+s11+$0x0], $0xffff;
	_ =	sdelay $0x4  }
0x4d6: {  	[tilespmem:$0x10300] =	vst v1;
	v1 =	vld [tilespmem:$0x1FEF0];
	_ =	sdelay $0x7  }
0x4d7: {  	v1 =	vld.idx.msk [tilespmem:v1+s11+$0x0], $0xffff;
	_ =	sdelay $0x4  }
0x4d8: {  	[tilespmem:$0x10310] =	vst v1;
	v1 =	vld [tilespmem:$0x1FF00];
	_ =	sdelay $0x7  }
0x4d9: {  	v1 =	vld.idx.msk [tilespmem:v1+s11+$0x0], $0xffff;
	_ =	sdelay $0x4  }
0x4da: {  	[tilespmem:$0x10320] =	vst v1;
	v1 =	vld [tilespmem:$0x1FF10];
	_ =	sdelay $0x7  }
0x4db: {  	v1 =	vld.idx.msk [tilespmem:v1+s11+$0x0], $0xffff;
	_ =	sdelay $0x4  }
0x4dc: {  	[tilespmem:$0x10330] =	vst v1;
	v1 =	vld [tilespmem:$0x1FF20];
	_ =	sdelay $0x7  }
0x4dd: {  	v1 =	vld.idx.msk [tilespmem:v1+s11+$0x0], $0xffff;
	_ =	sdelay $0x4  }
0x4de: {  	[tilespmem:$0x10340] =	vst v1;
	v1 =	vld [tilespmem:$0x1FF30];
	_ =	sdelay $0x7  }
0x4df: {  	v1 =	vld.idx.msk [tilespmem:v1+s11+$0x0], $0xffff;
	_ =	sdelay $0x4  }
0x4e0: {  	[tilespmem:$0x10350] =	vst v1;
	v1 =	vld [tilespmem:$0x1FF40];
	_ =	sdelay $0x7  }
0x4e1: {  	v1 =	vld.idx.msk [tilespmem:v1+s11+$0x0], $0xffff;
	_ =	sdelay $0x4  }
0x4e2: {  	[tilespmem:$0x10360] =	vst v1;
	v1 =	vld [tilespmem:$0x1FF50];
	_ =	sdelay $0x7  }
0x4e3: {  	v1 =	vld.idx.msk [tilespmem:v1+s11+$0x0], $0xffff;
	_ =	sdelay $0x4  }
0x4e4: {  	[tilespmem:$0x10370] =	vst v1;
	v1 =	vld [tilespmem:$0x1FF60];
	_ =	sdelay $0x7  }
0x4e5: {  	v1 =	vld.idx.msk [tilespmem:v1+s11+$0x0], $0xffff;
	_ =	sdelay $0x4  }
0x4e6: {  	[tilespmem:$0x10380] =	vst v1;
	v1 =	vld [tilespmem:$0x1FF70];
	_ =	sdelay $0x7  }
0x4e7: {  	v1 =	vld.idx.msk [tilespmem:v1+s11+$0x0], $0xffff;
	_ =	sdelay $0x4  }
0x4e8: {  	[tilespmem:$0x10390] =	vst v1;
	v1 =	vld [tilespmem:$0x1FF80];
	_ =	sdelay $0x7  }
0x4e9: {  	v1 =	vld.idx.msk [tilespmem:v1+s11+$0x0], $0xffff;
	_ =	sdelay $0x4  }
0x4ea: {  	[tilespmem:$0x103A0] =	vst v1;
	v1 =	vld [tilespmem:$0x1FF90];
	_ =	sdelay $0x7  }
0x4eb: {  	v1 =	vld.idx.msk [tilespmem:v1+s11+$0x0], $0xffff;
	_ =	sdelay $0x4  }
0x4ec: {  	[tilespmem:$0x103B0] =	vst v1;
	v1 =	vld [tilespmem:$0x1FFA0];
	_ =	sdelay $0x7  }
0x4ed: {  	v1 =	vld.idx.msk [tilespmem:v1+s11+$0x0], $0xffff;
	_ =	sdelay $0x4  }
0x4ee: {  	[tilespmem:$0x103C0] =	vst v1;
	v1 =	vld [tilespmem:$0x1FFB0];
	_ =	sdelay $0x7  }
0x4ef: {  	v1 =	vld.idx.msk [tilespmem:v1+s11+$0x0], $0xffff;
	_ =	sdelay $0x4  }
0x4f0: {  	[tilespmem:$0x103D0] =	vst v1;
	v1 =	vld [tilespmem:$0x1FFC0];
	_ =	sdelay $0x7  }
0x4f1: {  	v1 =	vld.idx.msk [tilespmem:v1+s11+$0x0], $0xffff;
	_ =	sdelay $0x4  }
0x4f2: {  	[tilespmem:$0x103E0] =	vst v1  }
0x4f3: {  	s22 =	sadd.s32 $0x400, s22;
	v1 =	vld.idx.msk [tilespmem:v2+s11+$0x0], $0xffff  }
0x4f4: {  	p0 =	sne.s32 s22, $0x19000  }
.Ltmp0:
0x4f5: {  	s31 =	sadd.s32 $0x80, s21;
	(pc) =	sbr.rel @p0 .LBB2_2-.Ltmp0, $4  }
0x4f6: {  	s23 =	sadd.s32 $0x200, s23;
	s24 =	sand.u32 $0x3F80, s31  }
0x4f7: {  	s23 =	sand.u32 $0xFFF0000, s23;
	s24 =	sadd.s32 s2, s24  }
0x4f8: {  	s21 =	sadd.s32 $0x100, s21;
	s23 =	sadd.s32 s23, s24;
	v3 =	vld [tilespmem:$0x1FFF0];
	[tilespmem:$0x103F0] =	vst v1  }
0x4f9: {  	v2 =	vld [tilespmem:$0x1FFE0];
	[hbm4b:s23+s13] =	stream.strided.scatter [tilespmem:s17], [sflag:$0x4], $0x1000, s14, s13, $0x38  }
0x4fa: {  	s20 =	sadd.s32 $0x1, s20  }
0x4fb: {  	_ =	swait.ge [sflag:s18], $0x1000;
	p0 =	sne.s32 s20, s6  }
.Ltmp1:
0x4fc: {  	[sflag:s18] =	ssyncset.done $0x0;
	(pc) =	sbr.rel @p0 .LBB2_1-.Ltmp1, $4  }
0x4fd: {  	[sflag:s18] =	ssyncadd.s32 $0xFFFFF000  }
0x4fe: {  	_ =	swait.ge [sflag:s19], $0x1000  }
0x4ff: {  	[sflag:s19] =	ssyncset.done $0x0  }
0x500: {  	[sflag:s19] =	ssyncadd.s32 $0xFFFFF000  }
0x501: {  	_ =	sfence.sel $0x180000  }
0x502: {  	[bflag:$0x0] =	sbarrier.arrive $0xFFFF  }
0x503: {  	p0 =	sne.s32 s0, $0x0;
	_ =	strace $0x90000047  }
0x504: {  	s0 =	sadd.s32 @!p0 $0x100000, s1;
	[bflag:$0x2] =	sbarrier.arrive $0xFFFF  }
0x505: {  	[sflag:s0] =	ssyncadd.tile.s32 @!p0 $0x1;
	_ =	shalt  }
.Lfunc_end2:
_tile_overlayer_lowered:
.L_overlay_start_2:
0x506: {  	(tag) =	ssettag $0x2  }
0x507: {  	s0 =	rddreg [dreg:$0x0];
	s2 =	stileid.u32  }
0x508: {  	s1 =	rddreg [dreg:$0x1];
	p0 =	sne.s32 s2, $0x0  }
0x509: {  	s3 =	rddreg [dreg:$0x2];
	[bflag:$0x3] =	sbarrier.arrive $0xFFFF;
	s2 =	simm.s32 @!p0 $0x1C05  }
0x50a: {  	[timem:s3], [sflag:s2] =	dma.local @!p0 [hbm:s0], s1  }
0x50b: {  	s0 =	simm.s32 @!p0 $0x5  }
0x50c: {  	_ =	swait.ge @!p0 [sflag:s0], s1  }
0x50d: {  	s1 =	ssub.s32 @!p0 $0x0, s1;
	[sflag:s0] =	ssyncset.done @!p0 $0x0  }
0x50e: {  	[sflag:s0] =	ssyncadd.s32 @!p0 s1  }
0x50f: {  	[bflag:$0x3] =	sbarrier.arrive $0xFFFF  }
0x510: {  	_ =	shalt  }

</sc_bundles>
